<compile_context>
chip_gen: v7x
topology: tpu7x:2x2x1
jax: 0.10.2.dev20260603
libtpu: 0.0.44.dev20260713+nightly
codegen_flags: <defaults>
</compile_context>

<pallas_src>
import functools

import jax
import jax.numpy as jnp
from jax import lax
from jax.experimental import pallas as pl
from jax.experimental.pallas import tpu as pltpu
from jax.experimental.pallas import tpu_sc as plsc

NUM_ROWS = 20
EMB_DIM = 16
BATCH = 16384
PEP_LEN = 9

_info = plsc.get_sparse_core_info()
_NC, _NS, _NL = _info.num_cores, _info.num_subcores, _info.num_lanes
_NW = _NC * _NS
_B_PER_W = BATCH // _NW
_GROUPS = _B_PER_W // _NL
_LT = BATCH // 128
_LT_PER_W = _B_PER_W // 128


def _make_lookup():
  mesh = plsc.VectorSubcoreMesh(core_axis_name="c", subcore_axis_name="s")

  @functools.partial(
      pl.kernel,
      mesh=mesh,
      out_type=jax.ShapeDtypeStruct((PEP_LEN, 2, _LT, 8, 128), jnp.float32),
      scratch_types=[
          pltpu.VMEM((EMB_DIM, NUM_ROWS), jnp.float32),
          pltpu.VMEM((PEP_LEN, _B_PER_W), jnp.int32),
          pltpu.VMEM((PEP_LEN, 2, _LT_PER_W, 8, 128), jnp.float32),
          pltpu.SemaphoreType.DMA,
      ],
      compiler_params=pltpu.CompilerParams(
          use_tc_tiling_on_sc=False, needs_layout_passes=False
      ),
  )
  def lookup(table_hbm, idx_hbm, out_hbm, table_v, idx_v, rows_v, sem):
    wid = lax.axis_index("s") * _NC + lax.axis_index("c")
    base = wid * _B_PER_W
    pltpu.sync_copy(table_hbm, table_v)
    pltpu.sync_copy(idx_hbm.at[:, pl.ds(base, _B_PER_W)], idx_v)

    cols = [jnp.full((_NL,), d, jnp.int32) for d in range(EMB_DIM)]

    copies = []
    for p in range(PEP_LEN):

      @plsc.parallel_loop(0, _GROUPS)
      def body(g, p=p):
        ct = g // 8
        l0 = (g % 8) * _NL
        iv = idx_v[p, pl.ds(g * _NL, _NL)]
        for d in range(EMB_DIM):
          rows_v[p, d // 8, ct, d % 8, pl.ds(l0, _NL)] = plsc.load_gather(
              table_v, [cols[d], iv]
          )

      copies.append(
          pltpu.async_copy(
              rows_v.at[p],
              out_hbm.at[p, :, pl.ds(wid * _LT_PER_W, _LT_PER_W)],
              sem,
          )
      )
    for cp in copies:
      cp.wait()

  return lookup


_lookup = _make_lookup()


@jax.jit
def kernel(x, embedding_table):
  xt = x.T.astype(jnp.int32)
  tt = embedding_table.T
  z = _lookup(tt, xt)
  out_t = z.transpose(0, 1, 3, 2, 4).reshape(PEP_LEN, EMB_DIM, BATCH)
  return out_t.transpose(2, 0, 1)

# --- scband reference (transcript-rebuilt; emitter-appended) ---
"""Pipeline reference for scband-peptide-classifier-29850022707213 (READ-ONLY COPY).

The authoritative reference and input builder live on the scoring server;
editing this copy changes nothing except your own understanding.
"""

import jax, jax.numpy as jnp
import numpy as np

NUM_AMINO_ACIDS = 20
EMB_DIM = 16
BATCH = 16384
PEP_LEN = 9


def setup_inputs(seed: int = 0) -> dict:
    key = jax.random.key(seed)
    k_x, k_w = jax.random.split(key)
    x = jax.random.randint(k_x, (BATCH, PEP_LEN), 0, NUM_AMINO_ACIDS, dtype=jnp.int64 if jax.config.jax_enable_x64 else jnp.int32)
    embedding_table = jax.random.normal(k_w, (NUM_AMINO_ACIDS, EMB_DIM), dtype=jnp.float32)
    return {"x": x, "embedding_table": embedding_table}


def reference(x, embedding_table):
    # nn.Embedding forward: gather rows of table by index
    return jnp.take(embedding_table, x, axis=0)

if __name__ == "__main__":
    import jax
    _d = setup_inputs()
    print(jax.jit(kernel)(*tuple(_d.values())))

</pallas_src>

<mosaic_0001>
#map = affine_map<(d0, d1) -> (0, 0)>
#map1 = affine_map<(d0, d1) -> (0, 0, 0, 0, 0)>
module attributes {stable_mosaic.version = 14 : i64} {
  func.func @lookup(%arg0: i32, %arg1: i32, %arg2: memref<16x20xf32, #tpu.memory_space<hbm>>, %arg3: memref<9x16384xi32, #tpu.memory_space<hbm>>, %arg4: memref<9x2x128x8x128xf32, #tpu.memory_space<hbm>>, %arg5: memref<16x20xf32, #tpu.memory_space<vmem>>, %arg6: memref<9x512xi32, #tpu.memory_space<vmem>>, %arg7: memref<9x2x4x8x128xf32, #tpu.memory_space<vmem>>, %arg8: memref<!tpu.dma_semaphore, #tpu.memory_space<semaphore_mem>>) attributes {dimension_semantics = [#tpu.dimension_semantics<core_parallel>, #tpu.dimension_semantics<subcore_parallel>], iteration_bounds = array<i64: 2, 16>, scalar_prefetch = 0 : i64, scratch_operands = 4 : i64, tpu.core_type = #tpu.core_type<sc_vector_subcore>, window_params = [{transform_indices = #map}, {transform_indices = #map}, {transform_indices = #map1}]} {
    %mul3A = arith.constant 2 : i32
    %mul3A_0 = arith.muli %arg1, %mul3A : i32
    %add3A = arith.addi %mul3A_0, %arg0 : i32
    %mul3A_1 = arith.constant 512 : i32
    %mul3A_2 = arith.muli %add3A, %mul3A_1 : i32
    "tpu.region"() ({
      %run_scoped3A = tpu.sem_alloc : memref<!tpu.dma_semaphore, #tpu.memory_space<semaphore_mem>>
      tpu.enqueue_dma source(%arg2 : memref<16x20xf32, #tpu.memory_space<hbm>>) target(%arg5 : memref<16x20xf32, #tpu.memory_space<vmem>>) target_semaphore(%run_scoped3A : memref<!tpu.dma_semaphore, #tpu.memory_space<semaphore_mem>>)
      tpu.wait_dma2 semaphore(%run_scoped3A : memref<!tpu.dma_semaphore, #tpu.memory_space<semaphore_mem>>) src(%arg2 : memref<16x20xf32, #tpu.memory_space<hbm>>) dst(%arg5 : memref<16x20xf32, #tpu.memory_space<vmem>>)
      tpu.yield
    }) : () -> ()
    "tpu.region"() ({
      %run_scoped3A = tpu.sem_alloc : memref<!tpu.dma_semaphore, #tpu.memory_space<semaphore_mem>>
      %dma_start3A_508 = arith.constant 0 : i32
      %dma_start3A_509 = tpu.memref_slice %arg3[%dma_start3A_508, %mul3A_2] : memref<9x16384xi32, #tpu.memory_space<hbm>> -> memref<9x512xi32, #tpu.memory_space<hbm>>
      %dma_start3A_510 = arith.constant 0 : i32
      %dma_start3A_511 = tpu.memref_slice %arg3[%dma_start3A_510, %mul3A_2] : memref<9x16384xi32, #tpu.memory_space<hbm>> -> memref<9x512xi32, #tpu.memory_space<hbm>>
      tpu.enqueue_dma source(%dma_start3A_511 : memref<9x512xi32, #tpu.memory_space<hbm>>) target(%arg6 : memref<9x512xi32, #tpu.memory_space<vmem>>) target_semaphore(%run_scoped3A : memref<!tpu.dma_semaphore, #tpu.memory_space<semaphore_mem>>)
      %dma_wait3A_512 = arith.constant 0 : i32
      %dma_wait3A_513 = tpu.memref_slice %arg3[%dma_wait3A_512, %mul3A_2] : memref<9x16384xi32, #tpu.memory_space<hbm>> -> memref<9x512xi32, #tpu.memory_space<hbm>>
      %dma_wait3A_514 = arith.constant 0 : i32
      %dma_wait3A_515 = tpu.memref_slice %arg3[%dma_wait3A_514, %mul3A_2] : memref<9x16384xi32, #tpu.memory_space<hbm>> -> memref<9x512xi32, #tpu.memory_space<hbm>>
      tpu.wait_dma2 semaphore(%run_scoped3A : memref<!tpu.dma_semaphore, #tpu.memory_space<semaphore_mem>>) src(%dma_wait3A_515 : memref<9x512xi32, #tpu.memory_space<hbm>>) dst(%arg6 : memref<9x512xi32, #tpu.memory_space<vmem>>)
      tpu.yield
    }) : () -> ()
    %broadcast_in_dim3A = arith.constant 0 : i32
    %broadcast_in_dim3A_3 = vector.broadcast %broadcast_in_dim3A : i32 to vector<16xi32>
    %broadcast_in_dim3A_4 = arith.constant 1 : i32
    %broadcast_in_dim3A_5 = vector.broadcast %broadcast_in_dim3A_4 : i32 to vector<16xi32>
    %broadcast_in_dim3A_6 = arith.constant 2 : i32
    %broadcast_in_dim3A_7 = vector.broadcast %broadcast_in_dim3A_6 : i32 to vector<16xi32>
    %broadcast_in_dim3A_8 = arith.constant 3 : i32
    %broadcast_in_dim3A_9 = vector.broadcast %broadcast_in_dim3A_8 : i32 to vector<16xi32>
    %broadcast_in_dim3A_10 = arith.constant 4 : i32
    %broadcast_in_dim3A_11 = vector.broadcast %broadcast_in_dim3A_10 : i32 to vector<16xi32>
    %broadcast_in_dim3A_12 = arith.constant 5 : i32
    %broadcast_in_dim3A_13 = vector.broadcast %broadcast_in_dim3A_12 : i32 to vector<16xi32>
    %broadcast_in_dim3A_14 = arith.constant 6 : i32
    %broadcast_in_dim3A_15 = vector.broadcast %broadcast_in_dim3A_14 : i32 to vector<16xi32>
    %broadcast_in_dim3A_16 = arith.constant 7 : i32
    %broadcast_in_dim3A_17 = vector.broadcast %broadcast_in_dim3A_16 : i32 to vector<16xi32>
    %broadcast_in_dim3A_18 = arith.constant 8 : i32
    %broadcast_in_dim3A_19 = vector.broadcast %broadcast_in_dim3A_18 : i32 to vector<16xi32>
    %broadcast_in_dim3A_20 = arith.constant 9 : i32
    %broadcast_in_dim3A_21 = vector.broadcast %broadcast_in_dim3A_20 : i32 to vector<16xi32>
    %broadcast_in_dim3A_22 = arith.constant 10 : i32
    %broadcast_in_dim3A_23 = vector.broadcast %broadcast_in_dim3A_22 : i32 to vector<16xi32>
    %broadcast_in_dim3A_24 = arith.constant 11 : i32
    %broadcast_in_dim3A_25 = vector.broadcast %broadcast_in_dim3A_24 : i32 to vector<16xi32>
    %broadcast_in_dim3A_26 = arith.constant 12 : i32
    %broadcast_in_dim3A_27 = vector.broadcast %broadcast_in_dim3A_26 : i32 to vector<16xi32>
    %broadcast_in_dim3A_28 = arith.constant 13 : i32
    %broadcast_in_dim3A_29 = vector.broadcast %broadcast_in_dim3A_28 : i32 to vector<16xi32>
    %broadcast_in_dim3A_30 = arith.constant 14 : i32
    %broadcast_in_dim3A_31 = vector.broadcast %broadcast_in_dim3A_30 : i32 to vector<16xi32>
    %broadcast_in_dim3A_32 = arith.constant 15 : i32
    %broadcast_in_dim3A_33 = vector.broadcast %broadcast_in_dim3A_32 : i32 to vector<16xi32>
    %parallel_loop3A = arith.constant 0 : i32
    %parallel_loop3A_34 = arith.constant 32 : i32
    %parallel_loop3A_35 = arith.constant 1 : i32
    scf.for %parallel_loop3A_508 = %parallel_loop3A to %parallel_loop3A_34 step %parallel_loop3A_35  : i32 {
      %parallel_loop3A_509 = arith.constant 8 : i32
      %parallel_loop3A_510 = arith.divsi %parallel_loop3A_508, %parallel_loop3A_509 : i32
      %parallel_loop3A_511 = arith.constant 0 : i32
      %parallel_loop3A_512 = arith.cmpi sgt, %parallel_loop3A_508, %parallel_loop3A_511 : i32
      %parallel_loop3A_513 = arith.extui %parallel_loop3A_512 : i1 to i32
      %parallel_loop3A_514 = arith.constant 0 : i32
      %parallel_loop3A_515 = arith.cmpi slt, %parallel_loop3A_508, %parallel_loop3A_514 : i32
      %parallel_loop3A_516 = arith.extui %parallel_loop3A_515 : i1 to i32
      %parallel_loop3A_517 = arith.subi %parallel_loop3A_513, %parallel_loop3A_516 : i32
      %parallel_loop3A_518 = arith.constant 0 : i32
      %parallel_loop3A_519 = arith.cmpi sgt, %parallel_loop3A_509, %parallel_loop3A_518 : i32
      %parallel_loop3A_520 = arith.extui %parallel_loop3A_519 : i1 to i32
      %parallel_loop3A_521 = arith.constant 0 : i32
      %parallel_loop3A_522 = arith.cmpi slt, %parallel_loop3A_509, %parallel_loop3A_521 : i32
      %parallel_loop3A_523 = arith.extui %parallel_loop3A_522 : i1 to i32
      %parallel_loop3A_524 = arith.subi %parallel_loop3A_520, %parallel_loop3A_523 : i32
      %parallel_loop3A_525 = arith.cmpi ne, %parallel_loop3A_517, %parallel_loop3A_524 : i32
      %parallel_loop3A_526 = arith.remsi %parallel_loop3A_508, %parallel_loop3A_509 : i32
      %parallel_loop3A_527 = arith.constant 0 : i32
      %parallel_loop3A_528 = arith.cmpi ne, %parallel_loop3A_526, %parallel_loop3A_527 : i32
      %parallel_loop3A_529 = arith.andi %parallel_loop3A_525, %parallel_loop3A_528 : i1
      %parallel_loop3A_530 = arith.constant 1 : i32
      %parallel_loop3A_531 = arith.subi %parallel_loop3A_510, %parallel_loop3A_530 : i32
      %parallel_loop3A_532 = arith.select %parallel_loop3A_529, %parallel_loop3A_531, %parallel_loop3A_510 : i32
      %parallel_loop3A_533 = arith.constant 8 : i32
      %parallel_loop3A_534 = arith.constant 0 : i32
      %parallel_loop3A_535 = arith.cmpi eq, %parallel_loop3A_533, %parallel_loop3A_534 : i32
      %parallel_loop3A_536 = arith.constant 1 : i32
      %parallel_loop3A_537 = arith.select %parallel_loop3A_535, %parallel_loop3A_536, %parallel_loop3A_533 : i32
      %parallel_loop3A_538 = arith.remsi %parallel_loop3A_508, %parallel_loop3A_537 : i32
      %parallel_loop3A_539 = arith.constant 0 : i32
      %parallel_loop3A_540 = arith.cmpi ne, %parallel_loop3A_538, %parallel_loop3A_539 : i32
      %parallel_loop3A_541 = arith.constant 0 : i32
      %parallel_loop3A_542 = arith.cmpi slt, %parallel_loop3A_538, %parallel_loop3A_541 : i32
      %parallel_loop3A_543 = arith.constant 0 : i32
      %parallel_loop3A_544 = arith.cmpi slt, %parallel_loop3A_537, %parallel_loop3A_543 : i32
      %parallel_loop3A_545 = arith.xori %parallel_loop3A_542, %parallel_loop3A_544 : i1
      %parallel_loop3A_546 = arith.andi %parallel_loop3A_545, %parallel_loop3A_540 : i1
      %parallel_loop3A_547 = arith.addi %parallel_loop3A_538, %parallel_loop3A_537 : i32
      %parallel_loop3A_548 = arith.select %parallel_loop3A_546, %parallel_loop3A_547, %parallel_loop3A_538 : i32
      %parallel_loop3A_549 = arith.constant 16 : i32
      %parallel_loop3A_550 = arith.muli %parallel_loop3A_548, %parallel_loop3A_549 : i32
      %parallel_loop3A_551 = arith.constant 16 : i32
      %parallel_loop3A_552 = arith.muli %parallel_loop3A_508, %parallel_loop3A_551 : i32
      %parallel_loop3A_553 = arith.constant 0 : i32
      %parallel_loop3A_554 = arith.index_cast %parallel_loop3A_553 : i32 to index
      %parallel_loop3A_555 = arith.index_cast %parallel_loop3A_552 : i32 to index
      %parallel_loop3A_556 = tpu.vector_load %arg6[%parallel_loop3A_554, %parallel_loop3A_555] {strides = array<i32>} : memref<9x512xi32, #tpu.memory_space<vmem>>, vector<16xi32>,
      %parallel_loop3A_557 = tpu.vector_load_idx %arg5[%broadcast_in_dim3A_3, %parallel_loop3A_556] : memref<16x20xf32, #tpu.memory_space<vmem>>[vector<16xi32>, vector<16xi32>], vector<16xf32>,
      %parallel_loop3A_558 = arith.constant 0 : i32
      %parallel_loop3A_559 = arith.constant 0 : i32
      %parallel_loop3A_560 = arith.constant 0 : i32
      %parallel_loop3A_561 = arith.index_cast %parallel_loop3A_558 : i32 to index
      %parallel_loop3A_562 = arith.index_cast %parallel_loop3A_559 : i32 to index
      %parallel_loop3A_563 = arith.index_cast %parallel_loop3A_532 : i32 to index
      %parallel_loop3A_564 = arith.index_cast %parallel_loop3A_560 : i32 to index
      %parallel_loop3A_565 = arith.index_cast %parallel_loop3A_550 : i32 to index
      %parallel_loop3A_566 = tpu.vector_load %arg7[%parallel_loop3A_561, %parallel_loop3A_562, %parallel_loop3A_563, %parallel_loop3A_564, %parallel_loop3A_565] {strides = array<i32>} : memref<9x2x4x8x128xf32, #tpu.memory_space<vmem>>, vector<16xf32>,
      tpu.vector_store %arg7[%parallel_loop3A_561, %parallel_loop3A_562, %parallel_loop3A_563, %parallel_loop3A_564, %parallel_loop3A_565], %parallel_loop3A_557 {strides = array<i32>} : memref<9x2x4x8x128xf32, #tpu.memory_space<vmem>>, vector<16xf32>,
      %parallel_loop3A_567 = tpu.vector_load_idx %arg5[%broadcast_in_dim3A_5, %parallel_loop3A_556] : memref<16x20xf32, #tpu.memory_space<vmem>>[vector<16xi32>, vector<16xi32>], vector<16xf32>,
      %parallel_loop3A_568 = arith.constant 0 : i32
      %parallel_loop3A_569 = arith.constant 0 : i32
      %parallel_loop3A_570 = arith.constant 1 : i32
      %parallel_loop3A_571 = arith.index_cast %parallel_loop3A_568 : i32 to index
      %parallel_loop3A_572 = arith.index_cast %parallel_loop3A_569 : i32 to index
      %parallel_loop3A_573 = arith.index_cast %parallel_loop3A_532 : i32 to index
      %parallel_loop3A_574 = arith.index_cast %parallel_loop3A_570 : i32 to index
      %parallel_loop3A_575 = arith.index_cast %parallel_loop3A_550 : i32 to index
      %parallel_loop3A_576 = tpu.vector_load %arg7[%parallel_loop3A_571, %parallel_loop3A_572, %parallel_loop3A_573, %parallel_loop3A_574, %parallel_loop3A_575] {strides = array<i32>} : memref<9x2x4x8x128xf32, #tpu.memory_space<vmem>>, vector<16xf32>,
      tpu.vector_store %arg7[%parallel_loop3A_571, %parallel_loop3A_572, %parallel_loop3A_573, %parallel_loop3A_574, %parallel_loop3A_575], %parallel_loop3A_567 {strides = array<i32>} : memref<9x2x4x8x128xf32, #tpu.memory_space<vmem>>, vector<16xf32>,
      %parallel_loop3A_577 = tpu.vector_load_idx %arg5[%broadcast_in_dim3A_7, %parallel_loop3A_556] : memref<16x20xf32, #tpu.memory_space<vmem>>[vector<16xi32>, vector<16xi32>], vector<16xf32>,
      %parallel_loop3A_578 = arith.constant 0 : i32
      %parallel_loop3A_579 = arith.constant 0 : i32
      %parallel_loop3A_580 = arith.constant 2 : i32
      %parallel_loop3A_581 = arith.index_cast %parallel_loop3A_578 : i32 to index
      %parallel_loop3A_582 = arith.index_cast %parallel_loop3A_579 : i32 to index
      %parallel_loop3A_583 = arith.index_cast %parallel_loop3A_532 : i32 to index
      %parallel_loop3A_584 = arith.index_cast %parallel_loop3A_580 : i32 to index
      %parallel_loop3A_585 = arith.index_cast %parallel_loop3A_550 : i32 to index
      %parallel_loop3A_586 = tpu.vector_load %arg7[%parallel_loop3A_581, %parallel_loop3A_582, %parallel_loop3A_583, %parallel_loop3A_584, %parallel_loop3A_585] {strides = array<i32>} : memref<9x2x4x8x128xf32, #tpu.memory_space<vmem>>, vector<16xf32>,
      tpu.vector_store %arg7[%parallel_loop3A_581, %parallel_loop3A_582, %parallel_loop3A_583, %parallel_loop3A_584, %parallel_loop3A_585], %parallel_loop3A_577 {strides = array<i32>} : memref<9x2x4x8x128xf32, #tpu.memory_space<vmem>>, vector<16xf32>,
      %parallel_loop3A_587 = tpu.vector_load_idx %arg5[%broadcast_in_dim3A_9, %parallel_loop3A_556] : memref<16x20xf32, #tpu.memory_space<vmem>>[vector<16xi32>, vector<16xi32>], vector<16xf32>,
      %parallel_loop3A_588 = arith.constant 0 : i32
      %parallel_loop3A_589 = arith.constant 0 : i32
      %parallel_loop3A_590 = arith.constant 3 : i32
      %parallel_loop3A_591 = arith.index_cast %parallel_loop3A_588 : i32 to index
      %parallel_loop3A_592 = arith.index_cast %parallel_loop3A_589 : i32 to index
      %parallel_loop3A_593 = arith.index_cast %parallel_loop3A_532 : i32 to index
      %parallel_loop3A_594 = arith.index_cast %parallel_loop3A_590 : i32 to index
      %parallel_loop3A_595 = arith.index_cast %parallel_loop3A_550 : i32 to index
      %parallel_loop3A_596 = tpu.vector_load %arg7[%parallel_loop3A_591, %parallel_loop3A_592, %parallel_loop3A_593, %parallel_loop3A_594, %parallel_loop3A_595] {strides = array<i32>} : memref<9x2x4x8x128xf32, #tpu.memory_space<vmem>>, vector<16xf32>,
      tpu.vector_store %arg7[%parallel_loop3A_591, %parallel_loop3A_592, %parallel_loop3A_593, %parallel_loop3A_594, %parallel_loop3A_595], %parallel_loop3A_587 {strides = array<i32>} : memref<9x2x4x8x128xf32, #tpu.memory_space<vmem>>, vector<16xf32>,
      %parallel_loop3A_597 = tpu.vector_load_idx %arg5[%broadcast_in_dim3A_11, %parallel_loop3A_556] : memref<16x20xf32, #tpu.memory_space<vmem>>[vector<16xi32>, vector<16xi32>], vector<16xf32>,
      %parallel_loop3A_598 = arith.constant 0 : i32
      %parallel_loop3A_599 = arith.constant 0 : i32
      %parallel_loop3A_600 = arith.constant 4 : i32
      %parallel_loop3A_601 = arith.index_cast %parallel_loop3A_598 : i32 to index
      %parallel_loop3A_602 = arith.index_cast %parallel_loop3A_599 : i32 to index
      %parallel_loop3A_603 = arith.index_cast %parallel_loop3A_532 : i32 to index
      %parallel_loop3A_604 = arith.index_cast %parallel_loop3A_600 : i32 to index
      %parallel_loop3A_605 = arith.index_cast %parallel_loop3A_550 : i32 to index
      %parallel_loop3A_606 = tpu.vector_load %arg7[%parallel_loop3A_601, %parallel_loop3A_602, %parallel_loop3A_603, %parallel_loop3A_604, %parallel_loop3A_605] {strides = array<i32>} : memref<9x2x4x8x128xf32, #tpu.memory_space<vmem>>, vector<16xf32>,
      tpu.vector_store %arg7[%parallel_loop3A_601, %parallel_loop3A_602, %parallel_loop3A_603, %parallel_loop3A_604, %parallel_loop3A_605], %parallel_loop3A_597 {strides = array<i32>} : memref<9x2x4x8x128xf32, #tpu.memory_space<vmem>>, vector<16xf32>,
      %parallel_loop3A_607 = tpu.vector_load_idx %arg5[%broadcast_in_dim3A_13, %parallel_loop3A_556] : memref<16x20xf32, #tpu.memory_space<vmem>>[vector<16xi32>, vector<16xi32>], vector<16xf32>,
      %parallel_loop3A_608 = arith.constant 0 : i32
      %parallel_loop3A_609 = arith.constant 0 : i32
      %parallel_loop3A_610 = arith.constant 5 : i32
      %parallel_loop3A_611 = arith.index_cast %parallel_loop3A_608 : i32 to index
      %parallel_loop3A_612 = arith.index_cast %parallel_loop3A_609 : i32 to index
      %parallel_loop3A_613 = arith.index_cast %parallel_loop3A_532 : i32 to index
      %parallel_loop3A_614 = arith.index_cast %parallel_loop3A_610 : i32 to index
      %parallel_loop3A_615 = arith.index_cast %parallel_loop3A_550 : i32 to index
      %parallel_loop3A_616 = tpu.vector_load %arg7[%parallel_loop3A_611, %parallel_loop3A_612, %parallel_loop3A_613, %parallel_loop3A_614, %parallel_loop3A_615] {strides = array<i32>} : memref<9x2x4x8x128xf32, #tpu.memory_space<vmem>>, vector<16xf32>,
      tpu.vector_store %arg7[%parallel_loop3A_611, %parallel_loop3A_612, %parallel_loop3A_613, %parallel_loop3A_614, %parallel_loop3A_615], %parallel_loop3A_607 {strides = array<i32>} : memref<9x2x4x8x128xf32, #tpu.memory_space<vmem>>, vector<16xf32>,
      %parallel_loop3A_617 = tpu.vector_load_idx %arg5[%broadcast_in_dim3A_15, %parallel_loop3A_556] : memref<16x20xf32, #tpu.memory_space<vmem>>[vector<16xi32>, vector<16xi32>], vector<16xf32>,
      %parallel_loop3A_618 = arith.constant 0 : i32
      %parallel_loop3A_619 = arith.constant 0 : i32
      %parallel_loop3A_620 = arith.constant 6 : i32
      %parallel_loop3A_621 = arith.index_cast %parallel_loop3A_618 : i32 to index
      %parallel_loop3A_622 = arith.index_cast %parallel_loop3A_619 : i32 to index
      %parallel_loop3A_623 = arith.index_cast %parallel_loop3A_532 : i32 to index
      %parallel_loop3A_624 = arith.index_cast %parallel_loop3A_620 : i32 to index
      %parallel_loop3A_625 = arith.index_cast %parallel_loop3A_550 : i32 to index
      %parallel_loop3A_626 = tpu.vector_load %arg7[%parallel_loop3A_621, %parallel_loop3A_622, %parallel_loop3A_623, %parallel_loop3A_624, %parallel_loop3A_625] {strides = array<i32>} : memref<9x2x4x8x128xf32, #tpu.memory_space<vmem>>, vector<16xf32>,
      tpu.vector_store %arg7[%parallel_loop3A_621, %parallel_loop3A_622, %parallel_loop3A_623, %parallel_loop3A_624, %parallel_loop3A_625], %parallel_loop3A_617 {strides = array<i32>} : memref<9x2x4x8x128xf32, #tpu.memory_space<vmem>>, vector<16xf32>,
      %parallel_loop3A_627 = tpu.vector_load_idx %arg5[%broadcast_in_dim3A_17, %parallel_loop3A_556] : memref<16x20xf32, #tpu.memory_space<vmem>>[vector<16xi32>, vector<16xi32>], vector<16xf32>,
      %parallel_loop3A_628 = arith.constant 0 : i32
      %parallel_loop3A_629 = arith.constant 0 : i32
      %parallel_loop3A_630 = arith.constant 7 : i32
      %parallel_loop3A_631 = arith.index_cast %parallel_loop3A_628 : i32 to index
      %parallel_loop3A_632 = arith.index_cast %parallel_loop3A_629 : i32 to index
      %parallel_loop3A_633 = arith.index_cast %parallel_loop3A_532 : i32 to index
      %parallel_loop3A_634 = arith.index_cast %parallel_loop3A_630 : i32 to index
      %parallel_loop3A_635 = arith.index_cast %parallel_loop3A_550 : i32 to index
      %parallel_loop3A_636 = tpu.vector_load %arg7[%parallel_loop3A_631, %parallel_loop3A_632, %parallel_loop3A_633, %parallel_loop3A_634, %parallel_loop3A_635] {strides = array<i32>} : memref<9x2x4x8x128xf32, #tpu.memory_space<vmem>>, vector<16xf32>,
      tpu.vector_store %arg7[%parallel_loop3A_631, %parallel_loop3A_632, %parallel_loop3A_633, %parallel_loop3A_634, %parallel_loop3A_635], %parallel_loop3A_627 {strides = array<i32>} : memref<9x2x4x8x128xf32, #tpu.memory_space<vmem>>, vector<16xf32>,
      %parallel_loop3A_637 = tpu.vector_load_idx %arg5[%broadcast_in_dim3A_19, %parallel_loop3A_556] : memref<16x20xf32, #tpu.memory_space<vmem>>[vector<16xi32>, vector<16xi32>], vector<16xf32>,
      %parallel_loop3A_638 = arith.constant 0 : i32
      %parallel_loop3A_639 = arith.constant 1 : i32
      %parallel_loop3A_640 = arith.constant 0 : i32
      %parallel_loop3A_641 = arith.index_cast %parallel_loop3A_638 : i32 to index
      %parallel_loop3A_642 = arith.index_cast %parallel_loop3A_639 : i32 to index
      %parallel_loop3A_643 = arith.index_cast %parallel_loop3A_532 : i32 to index
      %parallel_loop3A_644 = arith.index_cast %parallel_loop3A_640 : i32 to index
      %parallel_loop3A_645 = arith.index_cast %parallel_loop3A_550 : i32 to index
      %parallel_loop3A_646 = tpu.vector_load %arg7[%parallel_loop3A_641, %parallel_loop3A_642, %parallel_loop3A_643, %parallel_loop3A_644, %parallel_loop3A_645] {strides = array<i32>} : memref<9x2x4x8x128xf32, #tpu.memory_space<vmem>>, vector<16xf32>,
      tpu.vector_store %arg7[%parallel_loop3A_641, %parallel_loop3A_642, %parallel_loop3A_643, %parallel_loop3A_644, %parallel_loop3A_645], %parallel_loop3A_637 {strides = array<i32>} : memref<9x2x4x8x128xf32, #tpu.memory_space<vmem>>, vector<16xf32>,
      %parallel_loop3A_647 = tpu.vector_load_idx %arg5[%broadcast_in_dim3A_21, %parallel_loop3A_556] : memref<16x20xf32, #tpu.memory_space<vmem>>[vector<16xi32>, vector<16xi32>], vector<16xf32>,
      %parallel_loop3A_648 = arith.constant 0 : i32
      %parallel_loop3A_649 = arith.constant 1 : i32
      %parallel_loop3A_650 = arith.constant 1 : i32
      %parallel_loop3A_651 = arith.index_cast %parallel_loop3A_648 : i32 to index
      %parallel_loop3A_652 = arith.index_cast %parallel_loop3A_649 : i32 to index
      %parallel_loop3A_653 = arith.index_cast %parallel_loop3A_532 : i32 to index
      %parallel_loop3A_654 = arith.index_cast %parallel_loop3A_650 : i32 to index
      %parallel_loop3A_655 = arith.index_cast %parallel_loop3A_550 : i32 to index
      %parallel_loop3A_656 = tpu.vector_load %arg7[%parallel_loop3A_651, %parallel_loop3A_652, %parallel_loop3A_653, %parallel_loop3A_654, %parallel_loop3A_655] {strides = array<i32>} : memref<9x2x4x8x128xf32, #tpu.memory_space<vmem>>, vector<16xf32>,
      tpu.vector_store %arg7[%parallel_loop3A_651, %parallel_loop3A_652, %parallel_loop3A_653, %parallel_loop3A_654, %parallel_loop3A_655], %parallel_loop3A_647 {strides = array<i32>} : memref<9x2x4x8x128xf32, #tpu.memory_space<vmem>>, vector<16xf32>,
      %parallel_loop3A_657 = tpu.vector_load_idx %arg5[%broadcast_in_dim3A_23, %parallel_loop3A_556] : memref<16x20xf32, #tpu.memory_space<vmem>>[vector<16xi32>, vector<16xi32>], vector<16xf32>,
      %parallel_loop3A_658 = arith.constant 0 : i32
      %parallel_loop3A_659 = arith.constant 1 : i32
      %parallel_loop3A_660 = arith.constant 2 : i32
      %parallel_loop3A_661 = arith.index_cast %parallel_loop3A_658 : i32 to index
      %parallel_loop3A_662 = arith.index_cast %parallel_loop3A_659 : i32 to index
      %parallel_loop3A_663 = arith.index_cast %parallel_loop3A_532 : i32 to index
      %parallel_loop3A_664 = arith.index_cast %parallel_loop3A_660 : i32 to index
      %parallel_loop3A_665 = arith.index_cast %parallel_loop3A_550 : i32 to index
      %parallel_loop3A_666 = tpu.vector_load %arg7[%parallel_loop3A_661, %parallel_loop3A_662, %parallel_loop3A_663, %parallel_loop3A_664, %parallel_loop3A_665] {strides = array<i32>} : memref<9x2x4x8x128xf32, #tpu.memory_space<vmem>>, vector<16xf32>,
      tpu.vector_store %arg7[%parallel_loop3A_661, %parallel_loop3A_662, %parallel_loop3A_663, %parallel_loop3A_664, %parallel_loop3A_665], %parallel_loop3A_657 {strides = array<i32>} : memref<9x2x4x8x128xf32, #tpu.memory_space<vmem>>, vector<16xf32>,
      %parallel_loop3A_667 = tpu.vector_load_idx %arg5[%broadcast_in_dim3A_25, %parallel_loop3A_556] : memref<16x20xf32, #tpu.memory_space<vmem>>[vector<16xi32>, vector<16xi32>], vector<16xf32>,
      %parallel_loop3A_668 = arith.constant 0 : i32
      %parallel_loop3A_669 = arith.constant 1 : i32
      %parallel_loop3A_670 = arith.constant 3 : i32
      %parallel_loop3A_671 = arith.index_cast %parallel_loop3A_668 : i32 to index
      %parallel_loop3A_672 = arith.index_cast %parallel_loop3A_669 : i32 to index
      %parallel_loop3A_673 = arith.index_cast %parallel_loop3A_532 : i32 to index
      %parallel_loop3A_674 = arith.index_cast %parallel_loop3A_670 : i32 to index
      %parallel_loop3A_675 = arith.index_cast %parallel_loop3A_550 : i32 to index
      %parallel_loop3A_676 = tpu.vector_load %arg7[%parallel_loop3A_671, %parallel_loop3A_672, %parallel_loop3A_673, %parallel_loop3A_674, %parallel_loop3A_675] {strides = array<i32>} : memref<9x2x4x8x128xf32, #tpu.memory_space<vmem>>, vector<16xf32>,
      tpu.vector_store %arg7[%parallel_loop3A_671, %parallel_loop3A_672, %parallel_loop3A_673, %parallel_loop3A_674, %parallel_loop3A_675], %parallel_loop3A_667 {strides = array<i32>} : memref<9x2x4x8x128xf32, #tpu.memory_space<vmem>>, vector<16xf32>,
      %parallel_loop3A_677 = tpu.vector_load_idx %arg5[%broadcast_in_dim3A_27, %parallel_loop3A_556] : memref<16x20xf32, #tpu.memory_space<vmem>>[vector<16xi32>, vector<16xi32>], vector<16xf32>,
      %parallel_loop3A_678 = arith.constant 0 : i32
      %parallel_loop3A_679 = arith.constant 1 : i32
      %parallel_loop3A_680 = arith.constant 4 : i32
      %parallel_loop3A_681 = arith.index_cast %parallel_loop3A_678 : i32 to index
      %parallel_loop3A_682 = arith.index_cast %parallel_loop3A_679 : i32 to index
      %parallel_loop3A_683 = arith.index_cast %parallel_loop3A_532 : i32 to index
      %parallel_loop3A_684 = arith.index_cast %parallel_loop3A_680 : i32 to index
      %parallel_loop3A_685 = arith.index_cast %parallel_loop3A_550 : i32 to index
      %parallel_loop3A_686 = tpu.vector_load %arg7[%parallel_loop3A_681, %parallel_loop3A_682, %parallel_loop3A_683, %parallel_loop3A_684, %parallel_loop3A_685] {strides = array<i32>} : memref<9x2x4x8x128xf32, #tpu.memory_space<vmem>>, vector<16xf32>,
      tpu.vector_store %arg7[%parallel_loop3A_681, %parallel_loop3A_682, %parallel_loop3A_683, %parallel_loop3A_684, %parallel_loop3A_685], %parallel_loop3A_677 {strides = array<i32>} : memref<9x2x4x8x128xf32, #tpu.memory_space<vmem>>, vector<16xf32>,
      %parallel_loop3A_687 = tpu.vector_load_idx %arg5[%broadcast_in_dim3A_29, %parallel_loop3A_556] : memref<16x20xf32, #tpu.memory_space<vmem>>[vector<16xi32>, vector<16xi32>], vector<16xf32>,
      %parallel_loop3A_688 = arith.constant 0 : i32
      %parallel_loop3A_689 = arith.constant 1 : i32
      %parallel_loop3A_690 = arith.constant 5 : i32
      %parallel_loop3A_691 = arith.index_cast %parallel_loop3A_688 : i32 to index
      %parallel_loop3A_692 = arith.index_cast %parallel_loop3A_689 : i32 to index
      %parallel_loop3A_693 = arith.index_cast %parallel_loop3A_532 : i32 to index
      %parallel_loop3A_694 = arith.index_cast %parallel_loop3A_690 : i32 to index
      %parallel_loop3A_695 = arith.index_cast %parallel_loop3A_550 : i32 to index
      %parallel_loop3A_696 = tpu.vector_load %arg7[%parallel_loop3A_691, %parallel_loop3A_692, %parallel_loop3A_693, %parallel_loop3A_694, %parallel_loop3A_695] {strides = array<i32>} : memref<9x2x4x8x128xf32, #tpu.memory_space<vmem>>, vector<16xf32>,
      tpu.vector_store %arg7[%parallel_loop3A_691, %parallel_loop3A_692, %parallel_loop3A_693, %parallel_loop3A_694, %parallel_loop3A_695], %parallel_loop3A_687 {strides = array<i32>} : memref<9x2x4x8x128xf32, #tpu.memory_space<vmem>>, vector<16xf32>,
      %parallel_loop3A_697 = tpu.vector_load_idx %arg5[%broadcast_in_dim3A_31, %parallel_loop3A_556] : memref<16x20xf32, #tpu.memory_space<vmem>>[vector<16xi32>, vector<16xi32>], vector<16xf32>,
      %parallel_loop3A_698 = arith.constant 0 : i32
      %parallel_loop3A_699 = arith.constant 1 : i32
      %parallel_loop3A_700 = arith.constant 6 : i32
      %parallel_loop3A_701 = arith.index_cast %parallel_loop3A_698 : i32 to index
      %parallel_loop3A_702 = arith.index_cast %parallel_loop3A_699 : i32 to index
      %parallel_loop3A_703 = arith.index_cast %parallel_loop3A_532 : i32 to index
      %parallel_loop3A_704 = arith.index_cast %parallel_loop3A_700 : i32 to index
      %parallel_loop3A_705 = arith.index_cast %parallel_loop3A_550 : i32 to index
      %parallel_loop3A_706 = tpu.vector_load %arg7[%parallel_loop3A_701, %parallel_loop3A_702, %parallel_loop3A_703, %parallel_loop3A_704, %parallel_loop3A_705] {strides = array<i32>} : memref<9x2x4x8x128xf32, #tpu.memory_space<vmem>>, vector<16xf32>,
      tpu.vector_store %arg7[%parallel_loop3A_701, %parallel_loop3A_702, %parallel_loop3A_703, %parallel_loop3A_704, %parallel_loop3A_705], %parallel_loop3A_697 {strides = array<i32>} : memref<9x2x4x8x128xf32, #tpu.memory_space<vmem>>, vector<16xf32>,
      %parallel_loop3A_707 = tpu.vector_load_idx %arg5[%broadcast_in_dim3A_33, %parallel_loop3A_556] : memref<16x20xf32, #tpu.memory_space<vmem>>[vector<16xi32>, vector<16xi32>], vector<16xf32>,
      %parallel_loop3A_708 = arith.constant 0 : i32
      %parallel_loop3A_709 = arith.constant 1 : i32
      %parallel_loop3A_710 = arith.constant 7 : i32
      %parallel_loop3A_711 = arith.index_cast %parallel_loop3A_708 : i32 to index
      %parallel_loop3A_712 = arith.index_cast %parallel_loop3A_709 : i32 to index
      %parallel_loop3A_713 = arith.index_cast %parallel_loop3A_532 : i32 to index
      %parallel_loop3A_714 = arith.index_cast %parallel_loop3A_710 : i32 to index
      %parallel_loop3A_715 = arith.index_cast %parallel_loop3A_550 : i32 to index
      %parallel_loop3A_716 = tpu.vector_load %arg7[%parallel_loop3A_711, %parallel_loop3A_712, %parallel_loop3A_713, %parallel_loop3A_714, %parallel_loop3A_715] {strides = array<i32>} : memref<9x2x4x8x128xf32, #tpu.memory_space<vmem>>, vector<16xf32>,
      tpu.vector_store %arg7[%parallel_loop3A_711, %parallel_loop3A_712, %parallel_loop3A_713, %parallel_loop3A_714, %parallel_loop3A_715], %parallel_loop3A_707 {strides = array<i32>} : memref<9x2x4x8x128xf32, #tpu.memory_space<vmem>>, vector<16xf32>,
    } {sc.loop_unroll_factor = 1 : i64, sc.parallel_access}
    %mul3A_36 = arith.constant 4 : i32
    %mul3A_37 = arith.muli %add3A, %mul3A_36 : i32
    %dma_start3A = arith.constant 0 : i32
    %dma_start3A_38 = arith.constant 0 : i32
    %dma_start3A_39 = arith.constant 0 : i32
    %dma_start3A_40 = arith.constant 0 : i32
    %dma_start3A_41 = arith.constant 0 : i32
    %dma_start3A_42 = arith.constant 0 : i32
    %dma_start3A_43 = tpu.memref_slice %arg7[%dma_start3A, %dma_start3A_39, %dma_start3A_40, %dma_start3A_41, %dma_start3A_42] : memref<9x2x4x8x128xf32, #tpu.memory_space<vmem>> -> memref<1x2x4x8x128xf32, #tpu.memory_space<vmem>>
    %dma_start3A_44 = tpu.memref_squeeze %dma_start3A_43 : memref<1x2x4x8x128xf32, #tpu.memory_space<vmem>> -> memref<2x4x8x128xf32, #tpu.memory_space<vmem>>
    %dma_start3A_45 = arith.constant 0 : i32
    %dma_start3A_46 = arith.constant 0 : i32
    %dma_start3A_47 = arith.constant 0 : i32
    %dma_start3A_48 = tpu.memref_slice %arg4[%dma_start3A_38, %dma_start3A_45, %mul3A_37, %dma_start3A_46, %dma_start3A_47] : memref<9x2x128x8x128xf32, #tpu.memory_space<hbm>> -> memref<1x2x4x8x128xf32, #tpu.memory_space<hbm>>
    %dma_start3A_49 = tpu.memref_squeeze %dma_start3A_48 : memref<1x2x4x8x128xf32, #tpu.memory_space<hbm>> -> memref<2x4x8x128xf32, #tpu.memory_space<hbm>>
    %dma_start3A_50 = arith.constant 0 : i32
    %dma_start3A_51 = arith.constant 0 : i32
    %dma_start3A_52 = arith.constant 0 : i32
    %dma_start3A_53 = tpu.memref_slice %arg4[%dma_start3A_38, %dma_start3A_50, %mul3A_37, %dma_start3A_51, %dma_start3A_52] : memref<9x2x128x8x128xf32, #tpu.memory_space<hbm>> -> memref<1x2x4x8x128xf32, #tpu.memory_space<hbm>>
    %dma_start3A_54 = tpu.memref_squeeze %dma_start3A_53 : memref<1x2x4x8x128xf32, #tpu.memory_space<hbm>> -> memref<2x4x8x128xf32, #tpu.memory_space<hbm>>
    %dma_start3A_55 = arith.constant 0 : i32
    %dma_start3A_56 = arith.constant 0 : i32
    %dma_start3A_57 = arith.constant 0 : i32
    %dma_start3A_58 = arith.constant 0 : i32
    %dma_start3A_59 = tpu.memref_slice %arg7[%dma_start3A, %dma_start3A_55, %dma_start3A_56, %dma_start3A_57, %dma_start3A_58] : memref<9x2x4x8x128xf32, #tpu.memory_space<vmem>> -> memref<1x2x4x8x128xf32, #tpu.memory_space<vmem>>
    %dma_start3A_60 = tpu.memref_squeeze %dma_start3A_59 : memref<1x2x4x8x128xf32, #tpu.memory_space<vmem>> -> memref<2x4x8x128xf32, #tpu.memory_space<vmem>>
    tpu.enqueue_dma source(%dma_start3A_60 : memref<2x4x8x128xf32, #tpu.memory_space<vmem>>) target(%dma_start3A_54 : memref<2x4x8x128xf32, #tpu.memory_space<hbm>>) target_semaphore(%arg8 : memref<!tpu.dma_semaphore, #tpu.memory_space<semaphore_mem>>)
    %parallel_loop3A_61 = arith.constant 0 : i32
    %parallel_loop3A_62 = arith.constant 32 : i32
    %parallel_loop3A_63 = arith.constant 1 : i32
    scf.for %parallel_loop3A_508 = %parallel_loop3A_61 to %parallel_loop3A_62 step %parallel_loop3A_63  : i32 {
      %parallel_loop3A_509 = arith.constant 8 : i32
      %parallel_loop3A_510 = arith.divsi %parallel_loop3A_508, %parallel_loop3A_509 : i32
      %parallel_loop3A_511 = arith.constant 0 : i32
      %parallel_loop3A_512 = arith.cmpi sgt, %parallel_loop3A_508, %parallel_loop3A_511 : i32
      %parallel_loop3A_513 = arith.extui %parallel_loop3A_512 : i1 to i32
      %parallel_loop3A_514 = arith.constant 0 : i32
      %parallel_loop3A_515 = arith.cmpi slt, %parallel_loop3A_508, %parallel_loop3A_514 : i32
      %parallel_loop3A_516 = arith.extui %parallel_loop3A_515 : i1 to i32
      %parallel_loop3A_517 = arith.subi %parallel_loop3A_513, %parallel_loop3A_516 : i32
      %parallel_loop3A_518 = arith.constant 0 : i32
      %parallel_loop3A_519 = arith.cmpi sgt, %parallel_loop3A_509, %parallel_loop3A_518 : i32
      %parallel_loop3A_520 = arith.extui %parallel_loop3A_519 : i1 to i32
      %parallel_loop3A_521 = arith.constant 0 : i32
      %parallel_loop3A_522 = arith.cmpi slt, %parallel_loop3A_509, %parallel_loop3A_521 : i32
      %parallel_loop3A_523 = arith.extui %parallel_loop3A_522 : i1 to i32
      %parallel_loop3A_524 = arith.subi %parallel_loop3A_520, %parallel_loop3A_523 : i32
      %parallel_loop3A_525 = arith.cmpi ne, %parallel_loop3A_517, %parallel_loop3A_524 : i32
      %parallel_loop3A_526 = arith.remsi %parallel_loop3A_508, %parallel_loop3A_509 : i32
      %parallel_loop3A_527 = arith.constant 0 : i32
      %parallel_loop3A_528 = arith.cmpi ne, %parallel_loop3A_526, %parallel_loop3A_527 : i32
      %parallel_loop3A_529 = arith.andi %parallel_loop3A_525, %parallel_loop3A_528 : i1
      %parallel_loop3A_530 = arith.constant 1 : i32
      %parallel_loop3A_531 = arith.subi %parallel_loop3A_510, %parallel_loop3A_530 : i32
      %parallel_loop3A_532 = arith.select %parallel_loop3A_529, %parallel_loop3A_531, %parallel_loop3A_510 : i32
      %parallel_loop3A_533 = arith.constant 8 : i32
      %parallel_loop3A_534 = arith.constant 0 : i32
      %parallel_loop3A_535 = arith.cmpi eq, %parallel_loop3A_533, %parallel_loop3A_534 : i32
      %parallel_loop3A_536 = arith.constant 1 : i32
      %parallel_loop3A_537 = arith.select %parallel_loop3A_535, %parallel_loop3A_536, %parallel_loop3A_533 : i32
      %parallel_loop3A_538 = arith.remsi %parallel_loop3A_508, %parallel_loop3A_537 : i32
      %parallel_loop3A_539 = arith.constant 0 : i32
      %parallel_loop3A_540 = arith.cmpi ne, %parallel_loop3A_538, %parallel_loop3A_539 : i32
      %parallel_loop3A_541 = arith.constant 0 : i32
      %parallel_loop3A_542 = arith.cmpi slt, %parallel_loop3A_538, %parallel_loop3A_541 : i32
      %parallel_loop3A_543 = arith.constant 0 : i32
      %parallel_loop3A_544 = arith.cmpi slt, %parallel_loop3A_537, %parallel_loop3A_543 : i32
      %parallel_loop3A_545 = arith.xori %parallel_loop3A_542, %parallel_loop3A_544 : i1
      %parallel_loop3A_546 = arith.andi %parallel_loop3A_545, %parallel_loop3A_540 : i1
      %parallel_loop3A_547 = arith.addi %parallel_loop3A_538, %parallel_loop3A_537 : i32
      %parallel_loop3A_548 = arith.select %parallel_loop3A_546, %parallel_loop3A_547, %parallel_loop3A_538 : i32
      %parallel_loop3A_549 = arith.constant 16 : i32
      %parallel_loop3A_550 = arith.muli %parallel_loop3A_548, %parallel_loop3A_549 : i32
      %parallel_loop3A_551 = arith.constant 16 : i32
      %parallel_loop3A_552 = arith.muli %parallel_loop3A_508, %parallel_loop3A_551 : i32
      %parallel_loop3A_553 = arith.constant 1 : i32
      %parallel_loop3A_554 = arith.index_cast %parallel_loop3A_553 : i32 to index
      %parallel_loop3A_555 = arith.index_cast %parallel_loop3A_552 : i32 to index
      %parallel_loop3A_556 = tpu.vector_load %arg6[%parallel_loop3A_554, %parallel_loop3A_555] {strides = array<i32>} : memref<9x512xi32, #tpu.memory_space<vmem>>, vector<16xi32>,
      %parallel_loop3A_557 = tpu.vector_load_idx %arg5[%broadcast_in_dim3A_3, %parallel_loop3A_556] : memref<16x20xf32, #tpu.memory_space<vmem>>[vector<16xi32>, vector<16xi32>], vector<16xf32>,
      %parallel_loop3A_558 = arith.constant 1 : i32
      %parallel_loop3A_559 = arith.constant 0 : i32
      %parallel_loop3A_560 = arith.constant 0 : i32
      %parallel_loop3A_561 = arith.index_cast %parallel_loop3A_558 : i32 to index
      %parallel_loop3A_562 = arith.index_cast %parallel_loop3A_559 : i32 to index
      %parallel_loop3A_563 = arith.index_cast %parallel_loop3A_532 : i32 to index
      %parallel_loop3A_564 = arith.index_cast %parallel_loop3A_560 : i32 to index
      %parallel_loop3A_565 = arith.index_cast %parallel_loop3A_550 : i32 to index
      %parallel_loop3A_566 = tpu.vector_load %arg7[%parallel_loop3A_561, %parallel_loop3A_562, %parallel_loop3A_563, %parallel_loop3A_564, %parallel_loop3A_565] {strides = array<i32>} : memref<9x2x4x8x128xf32, #tpu.memory_space<vmem>>, vector<16xf32>,
      tpu.vector_store %arg7[%parallel_loop3A_561, %parallel_loop3A_562, %parallel_loop3A_563, %parallel_loop3A_564, %parallel_loop3A_565], %parallel_loop3A_557 {strides = array<i32>} : memref<9x2x4x8x128xf32, #tpu.memory_space<vmem>>, vector<16xf32>,
      %parallel_loop3A_567 = tpu.vector_load_idx %arg5[%broadcast_in_dim3A_5, %parallel_loop3A_556] : memref<16x20xf32, #tpu.memory_space<vmem>>[vector<16xi32>, vector<16xi32>], vector<16xf32>,
      %parallel_loop3A_568 = arith.constant 1 : i32
      %parallel_loop3A_569 = arith.constant 0 : i32
      %parallel_loop3A_570 = arith.constant 1 : i32
      %parallel_loop3A_571 = arith.index_cast %parallel_loop3A_568 : i32 to index
      %parallel_loop3A_572 = arith.index_cast %parallel_loop3A_569 : i32 to index
      %parallel_loop3A_573 = arith.index_cast %parallel_loop3A_532 : i32 to index
      %parallel_loop3A_574 = arith.index_cast %parallel_loop3A_570 : i32 to index
      %parallel_loop3A_575 = arith.index_cast %parallel_loop3A_550 : i32 to index
      %parallel_loop3A_576 = tpu.vector_load %arg7[%parallel_loop3A_571, %parallel_loop3A_572, %parallel_loop3A_573, %parallel_loop3A_574, %parallel_loop3A_575] {strides = array<i32>} : memref<9x2x4x8x128xf32, #tpu.memory_space<vmem>>, vector<16xf32>,
      tpu.vector_store %arg7[%parallel_loop3A_571, %parallel_loop3A_572, %parallel_loop3A_573, %parallel_loop3A_574, %parallel_loop3A_575], %parallel_loop3A_567 {strides = array<i32>} : memref<9x2x4x8x128xf32, #tpu.memory_space<vmem>>, vector<16xf32>,
      %parallel_loop3A_577 = tpu.vector_load_idx %arg5[%broadcast_in_dim3A_7, %parallel_loop3A_556] : memref<16x20xf32, #tpu.memory_space<vmem>>[vector<16xi32>, vector<16xi32>], vector<16xf32>,
      %parallel_loop3A_578 = arith.constant 1 : i32
      %parallel_loop3A_579 = arith.constant 0 : i32
      %parallel_loop3A_580 = arith.constant 2 : i32
      %parallel_loop3A_581 = arith.index_cast %parallel_loop3A_578 : i32 to index
      %parallel_loop3A_582 = arith.index_cast %parallel_loop3A_579 : i32 to index
      %parallel_loop3A_583 = arith.index_cast %parallel_loop3A_532 : i32 to index
      %parallel_loop3A_584 = arith.index_cast %parallel_loop3A_580 : i32 to index
      %parallel_loop3A_585 = arith.index_cast %parallel_loop3A_550 : i32 to index
      %parallel_loop3A_586 = tpu.vector_load %arg7[%parallel_loop3A_581, %parallel_loop3A_582, %parallel_loop3A_583, %parallel_loop3A_584, %parallel_loop3A_585] {strides = array<i32>} : memref<9x2x4x8x128xf32, #tpu.memory_space<vmem>>, vector<16xf32>,
      tpu.vector_store %arg7[%parallel_loop3A_581, %parallel_loop3A_582, %parallel_loop3A_583, %parallel_loop3A_584, %parallel_loop3A_585], %parallel_loop3A_577 {strides = array<i32>} : memref<9x2x4x8x128xf32, #tpu.memory_space<vmem>>, vector<16xf32>,
      %parallel_loop3A_587 = tpu.vector_load_idx %arg5[%broadcast_in_dim3A_9, %parallel_loop3A_556] : memref<16x20xf32, #tpu.memory_space<vmem>>[vector<16xi32>, vector<16xi32>], vector<16xf32>,
      %parallel_loop3A_588 = arith.constant 1 : i32
      %parallel_loop3A_589 = arith.constant 0 : i32
      %parallel_loop3A_590 = arith.constant 3 : i32
      %parallel_loop3A_591 = arith.index_cast %parallel_loop3A_588 : i32 to index
      %parallel_loop3A_592 = arith.index_cast %parallel_loop3A_589 : i32 to index
      %parallel_loop3A_593 = arith.index_cast %parallel_loop3A_532 : i32 to index
      %parallel_loop3A_594 = arith.index_cast %parallel_loop3A_590 : i32 to index
      %parallel_loop3A_595 = arith.index_cast %parallel_loop3A_550 : i32 to index
      %parallel_loop3A_596 = tpu.vector_load %arg7[%parallel_loop3A_591, %parallel_loop3A_592, %parallel_loop3A_593, %parallel_loop3A_594, %parallel_loop3A_595] {strides = array<i32>} : memref<9x2x4x8x128xf32, #tpu.memory_space<vmem>>, vector<16xf32>,
      tpu.vector_store %arg7[%parallel_loop3A_591, %parallel_loop3A_592, %parallel_loop3A_593, %parallel_loop3A_594, %parallel_loop3A_595], %parallel_loop3A_587 {strides = array<i32>} : memref<9x2x4x8x128xf32, #tpu.memory_space<vmem>>, vector<16xf32>,
      %parallel_loop3A_597 = tpu.vector_load_idx %arg5[%broadcast_in_dim3A_11, %parallel_loop3A_556] : memref<16x20xf32, #tpu.memory_space<vmem>>[vector<16xi32>, vector<16xi32>], vector<16xf32>,
      %parallel_loop3A_598 = arith.constant 1 : i32
      %parallel_loop3A_599 = arith.constant 0 : i32
      %parallel_loop3A_600 = arith.constant 4 : i32
      %parallel_loop3A_601 = arith.index_cast %parallel_loop3A_598 : i32 to index
      %parallel_loop3A_602 = arith.index_cast %parallel_loop3A_599 : i32 to index
      %parallel_loop3A_603 = arith.index_cast %parallel_loop3A_532 : i32 to index
      %parallel_loop3A_604 = arith.index_cast %parallel_loop3A_600 : i32 to index
      %parallel_loop3A_605 = arith.index_cast %parallel_loop3A_550 : i32 to index
      %parallel_loop3A_606 = tpu.vector_load %arg7[%parallel_loop3A_601, %parallel_loop3A_602, %parallel_loop3A_603, %parallel_loop3A_604, %parallel_loop3A_605] {strides = array<i32>} : memref<9x2x4x8x128xf32, #tpu.memory_space<vmem>>, vector<16xf32>,
      tpu.vector_store %arg7[%parallel_loop3A_601, %parallel_loop3A_602, %parallel_loop3A_603, %parallel_loop3A_604, %parallel_loop3A_605], %parallel_loop3A_597 {strides = array<i32>} : memref<9x2x4x8x128xf32, #tpu.memory_space<vmem>>, vector<16xf32>,
      %parallel_loop3A_607 = tpu.vector_load_idx %arg5[%broadcast_in_dim3A_13, %parallel_loop3A_556] : memref<16x20xf32, #tpu.memory_space<vmem>>[vector<16xi32>, vector<16xi32>], vector<16xf32>,
      %parallel_loop3A_608 = arith.constant 1 : i32
      %parallel_loop3A_609 = arith.constant 0 : i32
      %parallel_loop3A_610 = arith.constant 5 : i32
      %parallel_loop3A_611 = arith.index_cast %parallel_loop3A_608 : i32 to index
      %parallel_loop3A_612 = arith.index_cast %parallel_loop3A_609 : i32 to index
      %parallel_loop3A_613 = arith.index_cast %parallel_loop3A_532 : i32 to index
      %parallel_loop3A_614 = arith.index_cast %parallel_loop3A_610 : i32 to index
      %parallel_loop3A_615 = arith.index_cast %parallel_loop3A_550 : i32 to index
      %parallel_loop3A_616 = tpu.vector_load %arg7[%parallel_loop3A_611, %parallel_loop3A_612, %parallel_loop3A_613, %parallel_loop3A_614, %parallel_loop3A_615] {strides = array<i32>} : memref<9x2x4x8x128xf32, #tpu.memory_space<vmem>>, vector<16xf32>,
      tpu.vector_store %arg7[%parallel_loop3A_611, %parallel_loop3A_612, %parallel_loop3A_613, %parallel_loop3A_614, %parallel_loop3A_615], %parallel_loop3A_607 {strides = array<i32>} : memref<9x2x4x8x128xf32, #tpu.memory_space<vmem>>, vector<16xf32>,
      %parallel_loop3A_617 = tpu.vector_load_idx %arg5[%broadcast_in_dim3A_15, %parallel_loop3A_556] : memref<16x20xf32, #tpu.memory_space<vmem>>[vector<16xi32>, vector<16xi32>], vector<16xf32>,
      %parallel_loop3A_618 = arith.constant 1 : i32
      %parallel_loop3A_619 = arith.constant 0 : i32
      %parallel_loop3A_620 = arith.constant 6 : i32
      %parallel_loop3A_621 = arith.index_cast %parallel_loop3A_618 : i32 to index
      %parallel_loop3A_622 = arith.index_cast %parallel_loop3A_619 : i32 to index
      %parallel_loop3A_623 = arith.index_cast %parallel_loop3A_532 : i32 to index
      %parallel_loop3A_624 = arith.index_cast %parallel_loop3A_620 : i32 to index
      %parallel_loop3A_625 = arith.index_cast %parallel_loop3A_550 : i32 to index
      %parallel_loop3A_626 = tpu.vector_load %arg7[%parallel_loop3A_621, %parallel_loop3A_622, %parallel_loop3A_623, %parallel_loop3A_624, %parallel_loop3A_625] {strides = array<i32>} : memref<9x2x4x8x128xf32, #tpu.memory_space<vmem>>, vector<16xf32>,
      tpu.vector_store %arg7[%parallel_loop3A_621, %parallel_loop3A_622, %parallel_loop3A_623, %parallel_loop3A_624, %parallel_loop3A_625], %parallel_loop3A_617 {strides = array<i32>} : memref<9x2x4x8x128xf32, #tpu.memory_space<vmem>>, vector<16xf32>,
      %parallel_loop3A_627 = tpu.vector_load_idx %arg5[%broadcast_in_dim3A_17, %parallel_loop3A_556] : memref<16x20xf32, #tpu.memory_space<vmem>>[vector<16xi32>, vector<16xi32>], vector<16xf32>,
      %parallel_loop3A_628 = arith.constant 1 : i32
      %parallel_loop3A_629 = arith.constant 0 : i32
      %parallel_loop3A_630 = arith.constant 7 : i32
      %parallel_loop3A_631 = arith.index_cast %parallel_loop3A_628 : i32 to index
      %parallel_loop3A_632 = arith.index_cast %parallel_loop3A_629 : i32 to index
      %parallel_loop3A_633 = arith.index_cast %parallel_loop3A_532 : i32 to index
      %parallel_loop3A_634 = arith.index_cast %parallel_loop3A_630 : i32 to index
      %parallel_loop3A_635 = arith.index_cast %parallel_loop3A_550 : i32 to index
      %parallel_loop3A_636 = tpu.vector_load %arg7[%parallel_loop3A_631, %parallel_loop3A_632, %parallel_loop3A_633, %parallel_loop3A_634, %parallel_loop3A_635] {strides = array<i32>} : memref<9x2x4x8x128xf32, #tpu.memory_space<vmem>>, vector<16xf32>,
      tpu.vector_store %arg7[%parallel_loop3A_631, %parallel_loop3A_632, %parallel_loop3A_633, %parallel_loop3A_634, %parallel_loop3A_635], %parallel_loop3A_627 {strides = array<i32>} : memref<9x2x4x8x128xf32, #tpu.memory_space<vmem>>, vector<16xf32>,
      %parallel_loop3A_637 = tpu.vector_load_idx %arg5[%broadcast_in_dim3A_19, %parallel_loop3A_556] : memref<16x20xf32, #tpu.memory_space<vmem>>[vector<16xi32>, vector<16xi32>], vector<16xf32>,
      %parallel_loop3A_638 = arith.constant 1 : i32
      %parallel_loop3A_639 = arith.constant 1 : i32
      %parallel_loop3A_640 = arith.constant 0 : i32
      %parallel_loop3A_641 = arith.index_cast %parallel_loop3A_638 : i32 to index
      %parallel_loop3A_642 = arith.index_cast %parallel_loop3A_639 : i32 to index
      %parallel_loop3A_643 = arith.index_cast %parallel_loop3A_532 : i32 to index
      %parallel_loop3A_644 = arith.index_cast %parallel_loop3A_640 : i32 to index
      %parallel_loop3A_645 = arith.index_cast %parallel_loop3A_550 : i32 to index
      %parallel_loop3A_646 = tpu.vector_load %arg7[%parallel_loop3A_641, %parallel_loop3A_642, %parallel_loop3A_643, %parallel_loop3A_644, %parallel_loop3A_645] {strides = array<i32>} : memref<9x2x4x8x128xf32, #tpu.memory_space<vmem>>, vector<16xf32>,
      tpu.vector_store %arg7[%parallel_loop3A_641, %parallel_loop3A_642, %parallel_loop3A_643, %parallel_loop3A_644, %parallel_loop3A_645], %parallel_loop3A_637 {strides = array<i32>} : memref<9x2x4x8x128xf32, #tpu.memory_space<vmem>>, vector<16xf32>,
      %parallel_loop3A_647 = tpu.vector_load_idx %arg5[%broadcast_in_dim3A_21, %parallel_loop3A_556] : memref<16x20xf32, #tpu.memory_space<vmem>>[vector<16xi32>, vector<16xi32>], vector<16xf32>,
      %parallel_loop3A_648 = arith.constant 1 : i32
      %parallel_loop3A_649 = arith.constant 1 : i32
      %parallel_loop3A_650 = arith.constant 1 : i32
      %parallel_loop3A_651 = arith.index_cast %parallel_loop3A_648 : i32 to index
      %parallel_loop3A_652 = arith.index_cast %parallel_loop3A_649 : i32 to index
      %parallel_loop3A_653 = arith.index_cast %parallel_loop3A_532 : i32 to index
      %parallel_loop3A_654 = arith.index_cast %parallel_loop3A_650 : i32 to index
      %parallel_loop3A_655 = arith.index_cast %parallel_loop3A_550 : i32 to index
      %parallel_loop3A_656 = tpu.vector_load %arg7[%parallel_loop3A_651, %parallel_loop3A_652, %parallel_loop3A_653, %parallel_loop3A_654, %parallel_loop3A_655] {strides = array<i32>} : memref<9x2x4x8x128xf32, #tpu.memory_space<vmem>>, vector<16xf32>,
      tpu.vector_store %arg7[%parallel_loop3A_651, %parallel_loop3A_652, %parallel_loop3A_653, %parallel_loop3A_654, %parallel_loop3A_655], %parallel_loop3A_647 {strides = array<i32>} : memref<9x2x4x8x128xf32, #tpu.memory_space<vmem>>, vector<16xf32>,
      %parallel_loop3A_657 = tpu.vector_load_idx %arg5[%broadcast_in_dim3A_23, %parallel_loop3A_556] : memref<16x20xf32, #tpu.memory_space<vmem>>[vector<16xi32>, vector<16xi32>], vector<16xf32>,
      %parallel_loop3A_658 = arith.constant 1 : i32
      %parallel_loop3A_659 = arith.constant 1 : i32
      %parallel_loop3A_660 = arith.constant 2 : i32
      %parallel_loop3A_661 = arith.index_cast %parallel_loop3A_658 : i32 to index
      %parallel_loop3A_662 = arith.index_cast %parallel_loop3A_659 : i32 to index
      %parallel_loop3A_663 = arith.index_cast %parallel_loop3A_532 : i32 to index
      %parallel_loop3A_664 = arith.index_cast %parallel_loop3A_660 : i32 to index
      %parallel_loop3A_665 = arith.index_cast %parallel_loop3A_550 : i32 to index
      %parallel_loop3A_666 = tpu.vector_load %arg7[%parallel_loop3A_661, %parallel_loop3A_662, %parallel_loop3A_663, %parallel_loop3A_664, %parallel_loop3A_665] {strides = array<i32>} : memref<9x2x4x8x128xf32, #tpu.memory_space<vmem>>, vector<16xf32>,
      tpu.vector_store %arg7[%parallel_loop3A_661, %parallel_loop3A_662, %parallel_loop3A_663, %parallel_loop3A_664, %parallel_loop3A_665], %parallel_loop3A_657 {strides = array<i32>} : memref<9x2x4x8x128xf32, #tpu.memory_space<vmem>>, vector<16xf32>,
      %parallel_loop3A_667 = tpu.vector_load_idx %arg5[%broadcast_in_dim3A_25, %parallel_loop3A_556] : memref<16x20xf32, #tpu.memory_space<vmem>>[vector<16xi32>, vector<16xi32>], vector<16xf32>,
      %parallel_loop3A_668 = arith.constant 1 : i32
      %parallel_loop3A_669 = arith.constant 1 : i32
      %parallel_loop3A_670 = arith.constant 3 : i32
      %parallel_loop3A_671 = arith.index_cast %parallel_loop3A_668 : i32 to index
      %parallel_loop3A_672 = arith.index_cast %parallel_loop3A_669 : i32 to index
      %parallel_loop3A_673 = arith.index_cast %parallel_loop3A_532 : i32 to index
      %parallel_loop3A_674 = arith.index_cast %parallel_loop3A_670 : i32 to index
      %parallel_loop3A_675 = arith.index_cast %parallel_loop3A_550 : i32 to index
      %parallel_loop3A_676 = tpu.vector_load %arg7[%parallel_loop3A_671, %parallel_loop3A_672, %parallel_loop3A_673, %parallel_loop3A_674, %parallel_loop3A_675] {strides = array<i32>} : memref<9x2x4x8x128xf32, #tpu.memory_space<vmem>>, vector<16xf32>,
      tpu.vector_store %arg7[%parallel_loop3A_671, %parallel_loop3A_672, %parallel_loop3A_673, %parallel_loop3A_674, %parallel_loop3A_675], %parallel_loop3A_667 {strides = array<i32>} : memref<9x2x4x8x128xf32, #tpu.memory_space<vmem>>, vector<16xf32>,
      %parallel_loop3A_677 = tpu.vector_load_idx %arg5[%broadcast_in_dim3A_27, %parallel_loop3A_556] : memref<16x20xf32, #tpu.memory_space<vmem>>[vector<16xi32>, vector<16xi32>], vector<16xf32>,
      %parallel_loop3A_678 = arith.constant 1 : i32
      %parallel_loop3A_679 = arith.constant 1 : i32
      %parallel_loop3A_680 = arith.constant 4 : i32
      %parallel_loop3A_681 = arith.index_cast %parallel_loop3A_678 : i32 to index
      %parallel_loop3A_682 = arith.index_cast %parallel_loop3A_679 : i32 to index
      %parallel_loop3A_683 = arith.index_cast %parallel_loop3A_532 : i32 to index
      %parallel_loop3A_684 = arith.index_cast %parallel_loop3A_680 : i32 to index
      %parallel_loop3A_685 = arith.index_cast %parallel_loop3A_550 : i32 to index
      %parallel_loop3A_686 = tpu.vector_load %arg7[%parallel_loop3A_681, %parallel_loop3A_682, %parallel_loop3A_683, %parallel_loop3A_684, %parallel_loop3A_685] {strides = array<i32>} : memref<9x2x4x8x128xf32, #tpu.memory_space<vmem>>, vector<16xf32>,
      tpu.vector_store %arg7[%parallel_loop3A_681, %parallel_loop3A_682, %parallel_loop3A_683, %parallel_loop3A_684, %parallel_loop3A_685], %parallel_loop3A_677 {strides = array<i32>} : memref<9x2x4x8x128xf32, #tpu.memory_space<vmem>>, vector<16xf32>,
      %parallel_loop3A_687 = tpu.vector_load_idx %arg5[%broadcast_in_dim3A_29, %parallel_loop3A_556] : memref<16x20xf32, #tpu.memory_space<vmem>>[vector<16xi32>, vector<16xi32>], vector<16xf32>,
      %parallel_loop3A_688 = arith.constant 1 : i32
      %parallel_loop3A_689 = arith.constant 1 : i32
      %parallel_loop3A_690 = arith.constant 5 : i32
      %parallel_loop3A_691 = arith.index_cast %parallel_loop3A_688 : i32 to index
      %parallel_loop3A_692 = arith.index_cast %parallel_loop3A_689 : i32 to index
      %parallel_loop3A_693 = arith.index_cast %parallel_loop3A_532 : i32 to index
      %parallel_loop3A_694 = arith.index_cast %parallel_loop3A_690 : i32 to index
      %parallel_loop3A_695 = arith.index_cast %parallel_loop3A_550 : i32 to index
      %parallel_loop3A_696 = tpu.vector_load %arg7[%parallel_loop3A_691, %parallel_loop3A_692, %parallel_loop3A_693, %parallel_loop3A_694, %parallel_loop3A_695] {strides = array<i32>} : memref<9x2x4x8x128xf32, #tpu.memory_space<vmem>>, vector<16xf32>,
      tpu.vector_store %arg7[%parallel_loop3A_691, %parallel_loop3A_692, %parallel_loop3A_693, %parallel_loop3A_694, %parallel_loop3A_695], %parallel_loop3A_687 {strides = array<i32>} : memref<9x2x4x8x128xf32, #tpu.memory_space<vmem>>, vector<16xf32>,
      %parallel_loop3A_697 = tpu.vector_load_idx %arg5[%broadcast_in_dim3A_31, %parallel_loop3A_556] : memref<16x20xf32, #tpu.memory_space<vmem>>[vector<16xi32>, vector<16xi32>], vector<16xf32>,
      %parallel_loop3A_698 = arith.constant 1 : i32
      %parallel_loop3A_699 = arith.constant 1 : i32
      %parallel_loop3A_700 = arith.constant 6 : i32
      %parallel_loop3A_701 = arith.index_cast %parallel_loop3A_698 : i32 to index
      %parallel_loop3A_702 = arith.index_cast %parallel_loop3A_699 : i32 to index
      %parallel_loop3A_703 = arith.index_cast %parallel_loop3A_532 : i32 to index
      %parallel_loop3A_704 = arith.index_cast %parallel_loop3A_700 : i32 to index
      %parallel_loop3A_705 = arith.index_cast %parallel_loop3A_550 : i32 to index
      %parallel_loop3A_706 = tpu.vector_load %arg7[%parallel_loop3A_701, %parallel_loop3A_702, %parallel_loop3A_703, %parallel_loop3A_704, %parallel_loop3A_705] {strides = array<i32>} : memref<9x2x4x8x128xf32, #tpu.memory_space<vmem>>, vector<16xf32>,
      tpu.vector_store %arg7[%parallel_loop3A_701, %parallel_loop3A_702, %parallel_loop3A_703, %parallel_loop3A_704, %parallel_loop3A_705], %parallel_loop3A_697 {strides = array<i32>} : memref<9x2x4x8x128xf32, #tpu.memory_space<vmem>>, vector<16xf32>,
      %parallel_loop3A_707 = tpu.vector_load_idx %arg5[%broadcast_in_dim3A_33, %parallel_loop3A_556] : memref<16x20xf32, #tpu.memory_space<vmem>>[vector<16xi32>, vector<16xi32>], vector<16xf32>,
      %parallel_loop3A_708 = arith.constant 1 : i32
      %parallel_loop3A_709 = arith.constant 1 : i32
      %parallel_loop3A_710 = arith.constant 7 : i32
      %parallel_loop3A_711 = arith.index_cast %parallel_loop3A_708 : i32 to index
      %parallel_loop3A_712 = arith.index_cast %parallel_loop3A_709 : i32 to index
      %parallel_loop3A_713 = arith.index_cast %parallel_loop3A_532 : i32 to index
      %parallel_loop3A_714 = arith.index_cast %parallel_loop3A_710 : i32 to index
      %parallel_loop3A_715 = arith.index_cast %parallel_loop3A_550 : i32 to index
      %parallel_loop3A_716 = tpu.vector_load %arg7[%parallel_loop3A_711, %parallel_loop3A_712, %parallel_loop3A_713, %parallel_loop3A_714, %parallel_loop3A_715] {strides = array<i32>} : memref<9x2x4x8x128xf32, #tpu.memory_space<vmem>>, vector<16xf32>,
      tpu.vector_store %arg7[%parallel_loop3A_711, %parallel_loop3A_712, %parallel_loop3A_713, %parallel_loop3A_714, %parallel_loop3A_715], %parallel_loop3A_707 {strides = array<i32>} : memref<9x2x4x8x128xf32, #tpu.memory_space<vmem>>, vector<16xf32>,
    } {sc.loop_unroll_factor = 1 : i64, sc.parallel_access}
    %mul3A_64 = arith.constant 4 : i32
    %mul3A_65 = arith.muli %add3A, %mul3A_64 : i32
    %dma_start3A_66 = arith.constant 1 : i32
    %dma_start3A_67 = arith.constant 1 : i32
    %dma_start3A_68 = arith.constant 0 : i32
    %dma_start3A_69 = arith.constant 0 : i32
    %dma_start3A_70 = arith.constant 0 : i32
    %dma_start3A_71 = arith.constant 0 : i32
    %dma_start3A_72 = tpu.memref_slice %arg7[%dma_start3A_66, %dma_start3A_68, %dma_start3A_69, %dma_start3A_70, %dma_start3A_71] : memref<9x2x4x8x128xf32, #tpu.memory_space<vmem>> -> memref<1x2x4x8x128xf32, #tpu.memory_space<vmem>>
    %dma_start3A_73 = tpu.memref_squeeze %dma_start3A_72 : memref<1x2x4x8x128xf32, #tpu.memory_space<vmem>> -> memref<2x4x8x128xf32, #tpu.memory_space<vmem>>
    %dma_start3A_74 = arith.constant 0 : i32
    %dma_start3A_75 = arith.constant 0 : i32
    %dma_start3A_76 = arith.constant 0 : i32
    %dma_start3A_77 = tpu.memref_slice %arg4[%dma_start3A_67, %dma_start3A_74, %mul3A_65, %dma_start3A_75, %dma_start3A_76] : memref<9x2x128x8x128xf32, #tpu.memory_space<hbm>> -> memref<1x2x4x8x128xf32, #tpu.memory_space<hbm>>
    %dma_start3A_78 = tpu.memref_squeeze %dma_start3A_77 : memref<1x2x4x8x128xf32, #tpu.memory_space<hbm>> -> memref<2x4x8x128xf32, #tpu.memory_space<hbm>>
    %dma_start3A_79 = arith.constant 0 : i32
    %dma_start3A_80 = arith.constant 0 : i32
    %dma_start3A_81 = arith.constant 0 : i32
    %dma_start3A_82 = tpu.memref_slice %arg4[%dma_start3A_67, %dma_start3A_79, %mul3A_65, %dma_start3A_80, %dma_start3A_81] : memref<9x2x128x8x128xf32, #tpu.memory_space<hbm>> -> memref<1x2x4x8x128xf32, #tpu.memory_space<hbm>>
    %dma_start3A_83 = tpu.memref_squeeze %dma_start3A_82 : memref<1x2x4x8x128xf32, #tpu.memory_space<hbm>> -> memref<2x4x8x128xf32, #tpu.memory_space<hbm>>
    %dma_start3A_84 = arith.constant 0 : i32
    %dma_start3A_85 = arith.constant 0 : i32
    %dma_start3A_86 = arith.constant 0 : i32
    %dma_start3A_87 = arith.constant 0 : i32
    %dma_start3A_88 = tpu.memref_slice %arg7[%dma_start3A_66, %dma_start3A_84, %dma_start3A_85, %dma_start3A_86, %dma_start3A_87] : memref<9x2x4x8x128xf32, #tpu.memory_space<vmem>> -> memref<1x2x4x8x128xf32, #tpu.memory_space<vmem>>
    %dma_start3A_89 = tpu.memref_squeeze %dma_start3A_88 : memref<1x2x4x8x128xf32, #tpu.memory_space<vmem>> -> memref<2x4x8x128xf32, #tpu.memory_space<vmem>>
    tpu.enqueue_dma source(%dma_start3A_89 : memref<2x4x8x128xf32, #tpu.memory_space<vmem>>) target(%dma_start3A_83 : memref<2x4x8x128xf32, #tpu.memory_space<hbm>>) target_semaphore(%arg8 : memref<!tpu.dma_semaphore, #tpu.memory_space<semaphore_mem>>)
    %parallel_loop3A_90 = arith.constant 0 : i32
    %parallel_loop3A_91 = arith.constant 32 : i32
    %parallel_loop3A_92 = arith.constant 1 : i32
    scf.for %parallel_loop3A_508 = %parallel_loop3A_90 to %parallel_loop3A_91 step %parallel_loop3A_92  : i32 {
      %parallel_loop3A_509 = arith.constant 8 : i32
      %parallel_loop3A_510 = arith.divsi %parallel_loop3A_508, %parallel_loop3A_509 : i32
      %parallel_loop3A_511 = arith.constant 0 : i32
      %parallel_loop3A_512 = arith.cmpi sgt, %parallel_loop3A_508, %parallel_loop3A_511 : i32
      %parallel_loop3A_513 = arith.extui %parallel_loop3A_512 : i1 to i32
      %parallel_loop3A_514 = arith.constant 0 : i32
      %parallel_loop3A_515 = arith.cmpi slt, %parallel_loop3A_508, %parallel_loop3A_514 : i32
      %parallel_loop3A_516 = arith.extui %parallel_loop3A_515 : i1 to i32
      %parallel_loop3A_517 = arith.subi %parallel_loop3A_513, %parallel_loop3A_516 : i32
      %parallel_loop3A_518 = arith.constant 0 : i32
      %parallel_loop3A_519 = arith.cmpi sgt, %parallel_loop3A_509, %parallel_loop3A_518 : i32
      %parallel_loop3A_520 = arith.extui %parallel_loop3A_519 : i1 to i32
      %parallel_loop3A_521 = arith.constant 0 : i32
      %parallel_loop3A_522 = arith.cmpi slt, %parallel_loop3A_509, %parallel_loop3A_521 : i32
      %parallel_loop3A_523 = arith.extui %parallel_loop3A_522 : i1 to i32
      %parallel_loop3A_524 = arith.subi %parallel_loop3A_520, %parallel_loop3A_523 : i32
      %parallel_loop3A_525 = arith.cmpi ne, %parallel_loop3A_517, %parallel_loop3A_524 : i32
      %parallel_loop3A_526 = arith.remsi %parallel_loop3A_508, %parallel_loop3A_509 : i32
      %parallel_loop3A_527 = arith.constant 0 : i32
      %parallel_loop3A_528 = arith.cmpi ne, %parallel_loop3A_526, %parallel_loop3A_527 : i32
      %parallel_loop3A_529 = arith.andi %parallel_loop3A_525, %parallel_loop3A_528 : i1
      %parallel_loop3A_530 = arith.constant 1 : i32
      %parallel_loop3A_531 = arith.subi %parallel_loop3A_510, %parallel_loop3A_530 : i32
      %parallel_loop3A_532 = arith.select %parallel_loop3A_529, %parallel_loop3A_531, %parallel_loop3A_510 : i32
      %parallel_loop3A_533 = arith.constant 8 : i32
      %parallel_loop3A_534 = arith.constant 0 : i32
      %parallel_loop3A_535 = arith.cmpi eq, %parallel_loop3A_533, %parallel_loop3A_534 : i32
      %parallel_loop3A_536 = arith.constant 1 : i32
      %parallel_loop3A_537 = arith.select %parallel_loop3A_535, %parallel_loop3A_536, %parallel_loop3A_533 : i32
      %parallel_loop3A_538 = arith.remsi %parallel_loop3A_508, %parallel_loop3A_537 : i32
      %parallel_loop3A_539 = arith.constant 0 : i32
      %parallel_loop3A_540 = arith.cmpi ne, %parallel_loop3A_538, %parallel_loop3A_539 : i32
      %parallel_loop3A_541 = arith.constant 0 : i32
      %parallel_loop3A_542 = arith.cmpi slt, %parallel_loop3A_538, %parallel_loop3A_541 : i32
      %parallel_loop3A_543 = arith.constant 0 : i32
      %parallel_loop3A_544 = arith.cmpi slt, %parallel_loop3A_537, %parallel_loop3A_543 : i32
      %parallel_loop3A_545 = arith.xori %parallel_loop3A_542, %parallel_loop3A_544 : i1
      %parallel_loop3A_546 = arith.andi %parallel_loop3A_545, %parallel_loop3A_540 : i1
      %parallel_loop3A_547 = arith.addi %parallel_loop3A_538, %parallel_loop3A_537 : i32
      %parallel_loop3A_548 = arith.select %parallel_loop3A_546, %parallel_loop3A_547, %parallel_loop3A_538 : i32
      %parallel_loop3A_549 = arith.constant 16 : i32
      %parallel_loop3A_550 = arith.muli %parallel_loop3A_548, %parallel_loop3A_549 : i32
      %parallel_loop3A_551 = arith.constant 16 : i32
      %parallel_loop3A_552 = arith.muli %parallel_loop3A_508, %parallel_loop3A_551 : i32
      %parallel_loop3A_553 = arith.constant 2 : i32
      %parallel_loop3A_554 = arith.index_cast %parallel_loop3A_553 : i32 to index
      %parallel_loop3A_555 = arith.index_cast %parallel_loop3A_552 : i32 to index
      %parallel_loop3A_556 = tpu.vector_load %arg6[%parallel_loop3A_554, %parallel_loop3A_555] {strides = array<i32>} : memref<9x512xi32, #tpu.memory_space<vmem>>, vector<16xi32>,
      %parallel_loop3A_557 = tpu.vector_load_idx %arg5[%broadcast_in_dim3A_3, %parallel_loop3A_556] : memref<16x20xf32, #tpu.memory_space<vmem>>[vector<16xi32>, vector<16xi32>], vector<16xf32>,
      %parallel_loop3A_558 = arith.constant 2 : i32
      %parallel_loop3A_559 = arith.constant 0 : i32
      %parallel_loop3A_560 = arith.constant 0 : i32
      %parallel_loop3A_561 = arith.index_cast %parallel_loop3A_558 : i32 to index
      %parallel_loop3A_562 = arith.index_cast %parallel_loop3A_559 : i32 to index
      %parallel_loop3A_563 = arith.index_cast %parallel_loop3A_532 : i32 to index
      %parallel_loop3A_564 = arith.index_cast %parallel_loop3A_560 : i32 to index
      %parallel_loop3A_565 = arith.index_cast %parallel_loop3A_550 : i32 to index
      %parallel_loop3A_566 = tpu.vector_load %arg7[%parallel_loop3A_561, %parallel_loop3A_562, %parallel_loop3A_563, %parallel_loop3A_564, %parallel_loop3A_565] {strides = array<i32>} : memref<9x2x4x8x128xf32, #tpu.memory_space<vmem>>, vector<16xf32>,
      tpu.vector_store %arg7[%parallel_loop3A_561, %parallel_loop3A_562, %parallel_loop3A_563, %parallel_loop3A_564, %parallel_loop3A_565], %parallel_loop3A_557 {strides = array<i32>} : memref<9x2x4x8x128xf32, #tpu.memory_space<vmem>>, vector<16xf32>,
      %parallel_loop3A_567 = tpu.vector_load_idx %arg5[%broadcast_in_dim3A_5, %parallel_loop3A_556] : memref<16x20xf32, #tpu.memory_space<vmem>>[vector<16xi32>, vector<16xi32>], vector<16xf32>,
      %parallel_loop3A_568 = arith.constant 2 : i32
      %parallel_loop3A_569 = arith.constant 0 : i32
      %parallel_loop3A_570 = arith.constant 1 : i32
      %parallel_loop3A_571 = arith.index_cast %parallel_loop3A_568 : i32 to index
      %parallel_loop3A_572 = arith.index_cast %parallel_loop3A_569 : i32 to index
      %parallel_loop3A_573 = arith.index_cast %parallel_loop3A_532 : i32 to index
      %parallel_loop3A_574 = arith.index_cast %parallel_loop3A_570 : i32 to index
      %parallel_loop3A_575 = arith.index_cast %parallel_loop3A_550 : i32 to index
      %parallel_loop3A_576 = tpu.vector_load %arg7[%parallel_loop3A_571, %parallel_loop3A_572, %parallel_loop3A_573, %parallel_loop3A_574, %parallel_loop3A_575] {strides = array<i32>} : memref<9x2x4x8x128xf32, #tpu.memory_space<vmem>>, vector<16xf32>,
      tpu.vector_store %arg7[%parallel_loop3A_571, %parallel_loop3A_572, %parallel_loop3A_573, %parallel_loop3A_574, %parallel_loop3A_575], %parallel_loop3A_567 {strides = array<i32>} : memref<9x2x4x8x128xf32, #tpu.memory_space<vmem>>, vector<16xf32>,
      %parallel_loop3A_577 = tpu.vector_load_idx %arg5[%broadcast_in_dim3A_7, %parallel_loop3A_556] : memref<16x20xf32, #tpu.memory_space<vmem>>[vector<16xi32>, vector<16xi32>], vector<16xf32>,
      %parallel_loop3A_578 = arith.constant 2 : i32
      %parallel_loop3A_579 = arith.constant 0 : i32
      %parallel_loop3A_580 = arith.constant 2 : i32
      %parallel_loop3A_581 = arith.index_cast %parallel_loop3A_578 : i32 to index
      %parallel_loop3A_582 = arith.index_cast %parallel_loop3A_579 : i32 to index
      %parallel_loop3A_583 = arith.index_cast %parallel_loop3A_532 : i32 to index
      %parallel_loop3A_584 = arith.index_cast %parallel_loop3A_580 : i32 to index
      %parallel_loop3A_585 = arith.index_cast %parallel_loop3A_550 : i32 to index
      %parallel_loop3A_586 = tpu.vector_load %arg7[%parallel_loop3A_581, %parallel_loop3A_582, %parallel_loop3A_583, %parallel_loop3A_584, %parallel_loop3A_585] {strides = array<i32>} : memref<9x2x4x8x128xf32, #tpu.memory_space<vmem>>, vector<16xf32>,
      tpu.vector_store %arg7[%parallel_loop3A_581, %parallel_loop3A_582, %parallel_loop3A_583, %parallel_loop3A_584, %parallel_loop3A_585], %parallel_loop3A_577 {strides = array<i32>} : memref<9x2x4x8x128xf32, #tpu.memory_space<vmem>>, vector<16xf32>,
      %parallel_loop3A_587 = tpu.vector_load_idx %arg5[%broadcast_in_dim3A_9, %parallel_loop3A_556] : memref<16x20xf32, #tpu.memory_space<vmem>>[vector<16xi32>, vector<16xi32>], vector<16xf32>,
      %parallel_loop3A_588 = arith.constant 2 : i32
      %parallel_loop3A_589 = arith.constant 0 : i32
      %parallel_loop3A_590 = arith.constant 3 : i32
      %parallel_loop3A_591 = arith.index_cast %parallel_loop3A_588 : i32 to index
      %parallel_loop3A_592 = arith.index_cast %parallel_loop3A_589 : i32 to index
      %parallel_loop3A_593 = arith.index_cast %parallel_loop3A_532 : i32 to index
      %parallel_loop3A_594 = arith.index_cast %parallel_loop3A_590 : i32 to index
      %parallel_loop3A_595 = arith.index_cast %parallel_loop3A_550 : i32 to index
      %parallel_loop3A_596 = tpu.vector_load %arg7[%parallel_loop3A_591, %parallel_loop3A_592, %parallel_loop3A_593, %parallel_loop3A_594, %parallel_loop3A_595] {strides = array<i32>} : memref<9x2x4x8x128xf32, #tpu.memory_space<vmem>>, vector<16xf32>,
      tpu.vector_store %arg7[%parallel_loop3A_591, %parallel_loop3A_592, %parallel_loop3A_593, %parallel_loop3A_594, %parallel_loop3A_595], %parallel_loop3A_587 {strides = array<i32>} : memref<9x2x4x8x128xf32, #tpu.memory_space<vmem>>, vector<16xf32>,
      %parallel_loop3A_597 = tpu.vector_load_idx %arg5[%broadcast_in_dim3A_11, %parallel_loop3A_556] : memref<16x20xf32, #tpu.memory_space<vmem>>[vector<16xi32>, vector<16xi32>], vector<16xf32>,
      %parallel_loop3A_598 = arith.constant 2 : i32
      %parallel_loop3A_599 = arith.constant 0 : i32
      %parallel_loop3A_600 = arith.constant 4 : i32
      %parallel_loop3A_601 = arith.index_cast %parallel_loop3A_598 : i32 to index
      %parallel_loop3A_602 = arith.index_cast %parallel_loop3A_599 : i32 to index
      %parallel_loop3A_603 = arith.index_cast %parallel_loop3A_532 : i32 to index
      %parallel_loop3A_604 = arith.index_cast %parallel_loop3A_600 : i32 to index
      %parallel_loop3A_605 = arith.index_cast %parallel_loop3A_550 : i32 to index
      %parallel_loop3A_606 = tpu.vector_load %arg7[%parallel_loop3A_601, %parallel_loop3A_602, %parallel_loop3A_603, %parallel_loop3A_604, %parallel_loop3A_605] {strides = array<i32>} : memref<9x2x4x8x128xf32, #tpu.memory_space<vmem>>, vector<16xf32>,
      tpu.vector_store %arg7[%parallel_loop3A_601, %parallel_loop3A_602, %parallel_loop3A_603, %parallel_loop3A_604, %parallel_loop3A_605], %parallel_loop3A_597 {strides = array<i32>} : memref<9x2x4x8x128xf32, #tpu.memory_space<vmem>>, vector<16xf32>,
      %parallel_loop3A_607 = tpu.vector_load_idx %arg5[%broadcast_in_dim3A_13, %parallel_loop3A_556] : memref<16x20xf32, #tpu.memory_space<vmem>>[vector<16xi32>, vector<16xi32>], vector<16xf32>,
      %parallel_loop3A_608 = arith.constant 2 : i32
      %parallel_loop3A_609 = arith.constant 0 : i32
      %parallel_loop3A_610 = arith.constant 5 : i32
      %parallel_loop3A_611 = arith.index_cast %parallel_loop3A_608 : i32 to index
      %parallel_loop3A_612 = arith.index_cast %parallel_loop3A_609 : i32 to index
      %parallel_loop3A_613 = arith.index_cast %parallel_loop3A_532 : i32 to index
      %parallel_loop3A_614 = arith.index_cast %parallel_loop3A_610 : i32 to index
      %parallel_loop3A_615 = arith.index_cast %parallel_loop3A_550 : i32 to index
      %parallel_loop3A_616 = tpu.vector_load %arg7[%parallel_loop3A_611, %parallel_loop3A_612, %parallel_loop3A_613, %parallel_loop3A_614, %parallel_loop3A_615] {strides = array<i32>} : memref<9x2x4x8x128xf32, #tpu.memory_space<vmem>>, vector<16xf32>,
      tpu.vector_store %arg7[%parallel_loop3A_611, %parallel_loop3A_612, %parallel_loop3A_613, %parallel_loop3A_614, %parallel_loop3A_615], %parallel_loop3A_607 {strides = array<i32>} : memref<9x2x4x8x128xf32, #tpu.memory_space<vmem>>, vector<16xf32>,
      %parallel_loop3A_617 = tpu.vector_load_idx %arg5[%broadcast_in_dim3A_15, %parallel_loop3A_556] : memref<16x20xf32, #tpu.memory_space<vmem>>[vector<16xi32>, vector<16xi32>], vector<16xf32>,
      %parallel_loop3A_618 = arith.constant 2 : i32
      %parallel_loop3A_619 = arith.constant 0 : i32
      %parallel_loop3A_620 = arith.constant 6 : i32
      %parallel_loop3A_621 = arith.index_cast %parallel_loop3A_618 : i32 to index
      %parallel_loop3A_622 = arith.index_cast %parallel_loop3A_619 : i32 to index
      %parallel_loop3A_623 = arith.index_cast %parallel_loop3A_532 : i32 to index
      %parallel_loop3A_624 = arith.index_cast %parallel_loop3A_620 : i32 to index
      %parallel_loop3A_625 = arith.index_cast %parallel_loop3A_550 : i32 to index
      %parallel_loop3A_626 = tpu.vector_load %arg7[%parallel_loop3A_621, %parallel_loop3A_622, %parallel_loop3A_623, %parallel_loop3A_624, %parallel_loop3A_625] {strides = array<i32>} : memref<9x2x4x8x128xf32, #tpu.memory_space<vmem>>, vector<16xf32>,
      tpu.vector_store %arg7[%parallel_loop3A_621, %parallel_loop3A_622, %parallel_loop3A_623, %parallel_loop3A_624, %parallel_loop3A_625], %parallel_loop3A_617 {strides = array<i32>} : memref<9x2x4x8x128xf32, #tpu.memory_space<vmem>>, vector<16xf32>,
      %parallel_loop3A_627 = tpu.vector_load_idx %arg5[%broadcast_in_dim3A_17, %parallel_loop3A_556] : memref<16x20xf32, #tpu.memory_space<vmem>>[vector<16xi32>, vector<16xi32>], vector<16xf32>,
      %parallel_loop3A_628 = arith.constant 2 : i32
      %parallel_loop3A_629 = arith.constant 0 : i32
      %parallel_loop3A_630 = arith.constant 7 : i32
      %parallel_loop3A_631 = arith.index_cast %parallel_loop3A_628 : i32 to index
      %parallel_loop3A_632 = arith.index_cast %parallel_loop3A_629 : i32 to index
      %parallel_loop3A_633 = arith.index_cast %parallel_loop3A_532 : i32 to index
      %parallel_loop3A_634 = arith.index_cast %parallel_loop3A_630 : i32 to index
      %parallel_loop3A_635 = arith.index_cast %parallel_loop3A_550 : i32 to index
      %parallel_loop3A_636 = tpu.vector_load %arg7[%parallel_loop3A_631, %parallel_loop3A_632, %parallel_loop3A_633, %parallel_loop3A_634, %parallel_loop3A_635] {strides = array<i32>} : memref<9x2x4x8x128xf32, #tpu.memory_space<vmem>>, vector<16xf32>,
      tpu.vector_store %arg7[%parallel_loop3A_631, %parallel_loop3A_632, %parallel_loop3A_633, %parallel_loop3A_634, %parallel_loop3A_635], %parallel_loop3A_627 {strides = array<i32>} : memref<9x2x4x8x128xf32, #tpu.memory_space<vmem>>, vector<16xf32>,
      %parallel_loop3A_637 = tpu.vector_load_idx %arg5[%broadcast_in_dim3A_19, %parallel_loop3A_556] : memref<16x20xf32, #tpu.memory_space<vmem>>[vector<16xi32>, vector<16xi32>], vector<16xf32>,
      %parallel_loop3A_638 = arith.constant 2 : i32
      %parallel_loop3A_639 = arith.constant 1 : i32
      %parallel_loop3A_640 = arith.constant 0 : i32
      %parallel_loop3A_641 = arith.index_cast %parallel_loop3A_638 : i32 to index
      %parallel_loop3A_642 = arith.index_cast %parallel_loop3A_639 : i32 to index
      %parallel_loop3A_643 = arith.index_cast %parallel_loop3A_532 : i32 to index
      %parallel_loop3A_644 = arith.index_cast %parallel_loop3A_640 : i32 to index
      %parallel_loop3A_645 = arith.index_cast %parallel_loop3A_550 : i32 to index
      %parallel_loop3A_646 = tpu.vector_load %arg7[%parallel_loop3A_641, %parallel_loop3A_642, %parallel_loop3A_643, %parallel_loop3A_644, %parallel_loop3A_645] {strides = array<i32>} : memref<9x2x4x8x128xf32, #tpu.memory_space<vmem>>, vector<16xf32>,
      tpu.vector_store %arg7[%parallel_loop3A_641, %parallel_loop3A_642, %parallel_loop3A_643, %parallel_loop3A_644, %parallel_loop3A_645], %parallel_loop3A_637 {strides = array<i32>} : memref<9x2x4x8x128xf32, #tpu.memory_space<vmem>>, vector<16xf32>,
      %parallel_loop3A_647 = tpu.vector_load_idx %arg5[%broadcast_in_dim3A_21, %parallel_loop3A_556] : memref<16x20xf32, #tpu.memory_space<vmem>>[vector<16xi32>, vector<16xi32>], vector<16xf32>,
      %parallel_loop3A_648 = arith.constant 2 : i32
      %parallel_loop3A_649 = arith.constant 1 : i32
      %parallel_loop3A_650 = arith.constant 1 : i32
      %parallel_loop3A_651 = arith.index_cast %parallel_loop3A_648 : i32 to index
      %parallel_loop3A_652 = arith.index_cast %parallel_loop3A_649 : i32 to index
      %parallel_loop3A_653 = arith.index_cast %parallel_loop3A_532 : i32 to index
      %parallel_loop3A_654 = arith.index_cast %parallel_loop3A_650 : i32 to index
      %parallel_loop3A_655 = arith.index_cast %parallel_loop3A_550 : i32 to index
      %parallel_loop3A_656 = tpu.vector_load %arg7[%parallel_loop3A_651, %parallel_loop3A_652, %parallel_loop3A_653, %parallel_loop3A_654, %parallel_loop3A_655] {strides = array<i32>} : memref<9x2x4x8x128xf32, #tpu.memory_space<vmem>>, vector<16xf32>,
      tpu.vector_store %arg7[%parallel_loop3A_651, %parallel_loop3A_652, %parallel_loop3A_653, %parallel_loop3A_654, %parallel_loop3A_655], %parallel_loop3A_647 {strides = array<i32>} : memref<9x2x4x8x128xf32, #tpu.memory_space<vmem>>, vector<16xf32>,
      %parallel_loop3A_657 = tpu.vector_load_idx %arg5[%broadcast_in_dim3A_23, %parallel_loop3A_556] : memref<16x20xf32, #tpu.memory_space<vmem>>[vector<16xi32>, vector<16xi32>], vector<16xf32>,
      %parallel_loop3A_658 = arith.constant 2 : i32
      %parallel_loop3A_659 = arith.constant 1 : i32
      %parallel_loop3A_660 = arith.constant 2 : i32
      %parallel_loop3A_661 = arith.index_cast %parallel_loop3A_658 : i32 to index
      %parallel_loop3A_662 = arith.index_cast %parallel_loop3A_659 : i32 to index
      %parallel_loop3A_663 = arith.index_cast %parallel_loop3A_532 : i32 to index
      %parallel_loop3A_664 = arith.index_cast %parallel_loop3A_660 : i32 to index
      %parallel_loop3A_665 = arith.index_cast %parallel_loop3A_550 : i32 to index
      %parallel_loop3A_666 = tpu.vector_load %arg7[%parallel_loop3A_661, %parallel_loop3A_662, %parallel_loop3A_663, %parallel_loop3A_664, %parallel_loop3A_665] {strides = array<i32>} : memref<9x2x4x8x128xf32, #tpu.memory_space<vmem>>, vector<16xf32>,
      tpu.vector_store %arg7[%parallel_loop3A_661, %parallel_loop3A_662, %parallel_loop3A_663, %parallel_loop3A_664, %parallel_loop3A_665], %parallel_loop3A_657 {strides = array<i32>} : memref<9x2x4x8x128xf32, #tpu.memory_space<vmem>>, vector<16xf32>,
      %parallel_loop3A_667 = tpu.vector_load_idx %arg5[%broadcast_in_dim3A_25, %parallel_loop3A_556] : memref<16x20xf32, #tpu.memory_space<vmem>>[vector<16xi32>, vector<16xi32>], vector<16xf32>,
      %parallel_loop3A_668 = arith.constant 2 : i32
      %parallel_loop3A_669 = arith.constant 1 : i32
      %parallel_loop3A_670 = arith.constant 3 : i32
      %parallel_loop3A_671 = arith.index_cast %parallel_loop3A_668 : i32 to index
      %parallel_loop3A_672 = arith.index_cast %parallel_loop3A_669 : i32 to index
      %parallel_loop3A_673 = arith.index_cast %parallel_loop3A_532 : i32 to index
      %parallel_loop3A_674 = arith.index_cast %parallel_loop3A_670 : i32 to index
      %parallel_loop3A_675 = arith.index_cast %parallel_loop3A_550 : i32 to index
      %parallel_loop3A_676 = tpu.vector_load %arg7[%parallel_loop3A_671, %parallel_loop3A_672, %parallel_loop3A_673, %parallel_loop3A_674, %parallel_loop3A_675] {strides = array<i32>} : memref<9x2x4x8x128xf32, #tpu.memory_space<vmem>>, vector<16xf32>,
      tpu.vector_store %arg7[%parallel_loop3A_671, %parallel_loop3A_672, %parallel_loop3A_673, %parallel_loop3A_674, %parallel_loop3A_675], %parallel_loop3A_667 {strides = array<i32>} : memref<9x2x4x8x128xf32, #tpu.memory_space<vmem>>, vector<16xf32>,
      %parallel_loop3A_677 = tpu.vector_load_idx %arg5[%broadcast_in_dim3A_27, %parallel_loop3A_556] : memref<16x20xf32, #tpu.memory_space<vmem>>[vector<16xi32>, vector<16xi32>], vector<16xf32>,
      %parallel_loop3A_678 = arith.constant 2 : i32
      %parallel_loop3A_679 = arith.constant 1 : i32
      %parallel_loop3A_680 = arith.constant 4 : i32
      %parallel_loop3A_681 = arith.index_cast %parallel_loop3A_678 : i32 to index
      %parallel_loop3A_682 = arith.index_cast %parallel_loop3A_679 : i32 to index
      %parallel_loop3A_683 = arith.index_cast %parallel_loop3A_532 : i32 to index
      %parallel_loop3A_684 = arith.index_cast %parallel_loop3A_680 : i32 to index
      %parallel_loop3A_685 = arith.index_cast %parallel_loop3A_550 : i32 to index
      %parallel_loop3A_686 = tpu.vector_load %arg7[%parallel_loop3A_681, %parallel_loop3A_682, %parallel_loop3A_683, %parallel_loop3A_684, %parallel_loop3A_685] {strides = array<i32>} : memref<9x2x4x8x128xf32, #tpu.memory_space<vmem>>, vector<16xf32>,
      tpu.vector_store %arg7[%parallel_loop3A_681, %parallel_loop3A_682, %parallel_loop3A_683, %parallel_loop3A_684, %parallel_loop3A_685], %parallel_loop3A_677 {strides = array<i32>} : memref<9x2x4x8x128xf32, #tpu.memory_space<vmem>>, vector<16xf32>,
      %parallel_loop3A_687 = tpu.vector_load_idx %arg5[%broadcast_in_dim3A_29, %parallel_loop3A_556] : memref<16x20xf32, #tpu.memory_space<vmem>>[vector<16xi32>, vector<16xi32>], vector<16xf32>,
      %parallel_loop3A_688 = arith.constant 2 : i32
      %parallel_loop3A_689 = arith.constant 1 : i32
      %parallel_loop3A_690 = arith.constant 5 : i32
      %parallel_loop3A_691 = arith.index_cast %parallel_loop3A_688 : i32 to index
      %parallel_loop3A_692 = arith.index_cast %parallel_loop3A_689 : i32 to index
      %parallel_loop3A_693 = arith.index_cast %parallel_loop3A_532 : i32 to index
      %parallel_loop3A_694 = arith.index_cast %parallel_loop3A_690 : i32 to index
      %parallel_loop3A_695 = arith.index_cast %parallel_loop3A_550 : i32 to index
      %parallel_loop3A_696 = tpu.vector_load %arg7[%parallel_loop3A_691, %parallel_loop3A_692, %parallel_loop3A_693, %parallel_loop3A_694, %parallel_loop3A_695] {strides = array<i32>} : memref<9x2x4x8x128xf32, #tpu.memory_space<vmem>>, vector<16xf32>,
      tpu.vector_store %arg7[%parallel_loop3A_691, %parallel_loop3A_692, %parallel_loop3A_693, %parallel_loop3A_694, %parallel_loop3A_695], %parallel_loop3A_687 {strides = array<i32>} : memref<9x2x4x8x128xf32, #tpu.memory_space<vmem>>, vector<16xf32>,
      %parallel_loop3A_697 = tpu.vector_load_idx %arg5[%broadcast_in_dim3A_31, %parallel_loop3A_556] : memref<16x20xf32, #tpu.memory_space<vmem>>[vector<16xi32>, vector<16xi32>], vector<16xf32>,
      %parallel_loop3A_698 = arith.constant 2 : i32
      %parallel_loop3A_699 = arith.constant 1 : i32
      %parallel_loop3A_700 = arith.constant 6 : i32
      %parallel_loop3A_701 = arith.index_cast %parallel_loop3A_698 : i32 to index
      %parallel_loop3A_702 = arith.index_cast %parallel_loop3A_699 : i32 to index
      %parallel_loop3A_703 = arith.index_cast %parallel_loop3A_532 : i32 to index
      %parallel_loop3A_704 = arith.index_cast %parallel_loop3A_700 : i32 to index
      %parallel_loop3A_705 = arith.index_cast %parallel_loop3A_550 : i32 to index
      %parallel_loop3A_706 = tpu.vector_load %arg7[%parallel_loop3A_701, %parallel_loop3A_702, %parallel_loop3A_703, %parallel_loop3A_704, %parallel_loop3A_705] {strides = array<i32>} : memref<9x2x4x8x128xf32, #tpu.memory_space<vmem>>, vector<16xf32>,
      tpu.vector_store %arg7[%parallel_loop3A_701, %parallel_loop3A_702, %parallel_loop3A_703, %parallel_loop3A_704, %parallel_loop3A_705], %parallel_loop3A_697 {strides = array<i32>} : memref<9x2x4x8x128xf32, #tpu.memory_space<vmem>>, vector<16xf32>,
      %parallel_loop3A_707 = tpu.vector_load_idx %arg5[%broadcast_in_dim3A_33, %parallel_loop3A_556] : memref<16x20xf32, #tpu.memory_space<vmem>>[vector<16xi32>, vector<16xi32>], vector<16xf32>,
      %parallel_loop3A_708 = arith.constant 2 : i32
      %parallel_loop3A_709 = arith.constant 1 : i32
      %parallel_loop3A_710 = arith.constant 7 : i32
      %parallel_loop3A_711 = arith.index_cast %parallel_loop3A_708 : i32 to index
      %parallel_loop3A_712 = arith.index_cast %parallel_loop3A_709 : i32 to index
      %parallel_loop3A_713 = arith.index_cast %parallel_loop3A_532 : i32 to index
      %parallel_loop3A_714 = arith.index_cast %parallel_loop3A_710 : i32 to index
      %parallel_loop3A_715 = arith.index_cast %parallel_loop3A_550 : i32 to index
      %parallel_loop3A_716 = tpu.vector_load %arg7[%parallel_loop3A_711, %parallel_loop3A_712, %parallel_loop3A_713, %parallel_loop3A_714, %parallel_loop3A_715] {strides = array<i32>} : memref<9x2x4x8x128xf32, #tpu.memory_space<vmem>>, vector<16xf32>,
      tpu.vector_store %arg7[%parallel_loop3A_711, %parallel_loop3A_712, %parallel_loop3A_713, %parallel_loop3A_714, %parallel_loop3A_715], %parallel_loop3A_707 {strides = array<i32>} : memref<9x2x4x8x128xf32, #tpu.memory_space<vmem>>, vector<16xf32>,
    } {sc.loop_unroll_factor = 1 : i64, sc.parallel_access}
    %mul3A_93 = arith.constant 4 : i32
    %mul3A_94 = arith.muli %add3A, %mul3A_93 : i32
    %dma_start3A_95 = arith.constant 2 : i32
    %dma_start3A_96 = arith.constant 2 : i32
    %dma_start3A_97 = arith.constant 0 : i32
    %dma_start3A_98 = arith.constant 0 : i32
    %dma_start3A_99 = arith.constant 0 : i32
    %dma_start3A_100 = arith.constant 0 : i32
    %dma_start3A_101 = tpu.memref_slice %arg7[%dma_start3A_95, %dma_start3A_97, %dma_start3A_98, %dma_start3A_99, %dma_start3A_100] : memref<9x2x4x8x128xf32, #tpu.memory_space<vmem>> -> memref<1x2x4x8x128xf32, #tpu.memory_space<vmem>>
    %dma_start3A_102 = tpu.memref_squeeze %dma_start3A_101 : memref<1x2x4x8x128xf32, #tpu.memory_space<vmem>> -> memref<2x4x8x128xf32, #tpu.memory_space<vmem>>
    %dma_start3A_103 = arith.constant 0 : i32
    %dma_start3A_104 = arith.constant 0 : i32
    %dma_start3A_105 = arith.constant 0 : i32
    %dma_start3A_106 = tpu.memref_slice %arg4[%dma_start3A_96, %dma_start3A_103, %mul3A_94, %dma_start3A_104, %dma_start3A_105] : memref<9x2x128x8x128xf32, #tpu.memory_space<hbm>> -> memref<1x2x4x8x128xf32, #tpu.memory_space<hbm>>
    %dma_start3A_107 = tpu.memref_squeeze %dma_start3A_106 : memref<1x2x4x8x128xf32, #tpu.memory_space<hbm>> -> memref<2x4x8x128xf32, #tpu.memory_space<hbm>>
    %dma_start3A_108 = arith.constant 0 : i32
    %dma_start3A_109 = arith.constant 0 : i32
    %dma_start3A_110 = arith.constant 0 : i32
    %dma_start3A_111 = tpu.memref_slice %arg4[%dma_start3A_96, %dma_start3A_108, %mul3A_94, %dma_start3A_109, %dma_start3A_110] : memref<9x2x128x8x128xf32, #tpu.memory_space<hbm>> -> memref<1x2x4x8x128xf32, #tpu.memory_space<hbm>>
    %dma_start3A_112 = tpu.memref_squeeze %dma_start3A_111 : memref<1x2x4x8x128xf32, #tpu.memory_space<hbm>> -> memref<2x4x8x128xf32, #tpu.memory_space<hbm>>
    %dma_start3A_113 = arith.constant 0 : i32
    %dma_start3A_114 = arith.constant 0 : i32
    %dma_start3A_115 = arith.constant 0 : i32
    %dma_start3A_116 = arith.constant 0 : i32
    %dma_start3A_117 = tpu.memref_slice %arg7[%dma_start3A_95, %dma_start3A_113, %dma_start3A_114, %dma_start3A_115, %dma_start3A_116] : memref<9x2x4x8x128xf32, #tpu.memory_space<vmem>> -> memref<1x2x4x8x128xf32, #tpu.memory_space<vmem>>
    %dma_start3A_118 = tpu.memref_squeeze %dma_start3A_117 : memref<1x2x4x8x128xf32, #tpu.memory_space<vmem>> -> memref<2x4x8x128xf32, #tpu.memory_space<vmem>>
    tpu.enqueue_dma source(%dma_start3A_118 : memref<2x4x8x128xf32, #tpu.memory_space<vmem>>) target(%dma_start3A_112 : memref<2x4x8x128xf32, #tpu.memory_space<hbm>>) target_semaphore(%arg8 : memref<!tpu.dma_semaphore, #tpu.memory_space<semaphore_mem>>)
    %parallel_loop3A_119 = arith.constant 0 : i32
    %parallel_loop3A_120 = arith.constant 32 : i32
    %parallel_loop3A_121 = arith.constant 1 : i32
    scf.for %parallel_loop3A_508 = %parallel_loop3A_119 to %parallel_loop3A_120 step %parallel_loop3A_121  : i32 {
      %parallel_loop3A_509 = arith.constant 8 : i32
      %parallel_loop3A_510 = arith.divsi %parallel_loop3A_508, %parallel_loop3A_509 : i32
      %parallel_loop3A_511 = arith.constant 0 : i32
      %parallel_loop3A_512 = arith.cmpi sgt, %parallel_loop3A_508, %parallel_loop3A_511 : i32
      %parallel_loop3A_513 = arith.extui %parallel_loop3A_512 : i1 to i32
      %parallel_loop3A_514 = arith.constant 0 : i32
      %parallel_loop3A_515 = arith.cmpi slt, %parallel_loop3A_508, %parallel_loop3A_514 : i32
      %parallel_loop3A_516 = arith.extui %parallel_loop3A_515 : i1 to i32
      %parallel_loop3A_517 = arith.subi %parallel_loop3A_513, %parallel_loop3A_516 : i32
      %parallel_loop3A_518 = arith.constant 0 : i32
      %parallel_loop3A_519 = arith.cmpi sgt, %parallel_loop3A_509, %parallel_loop3A_518 : i32
      %parallel_loop3A_520 = arith.extui %parallel_loop3A_519 : i1 to i32
      %parallel_loop3A_521 = arith.constant 0 : i32
      %parallel_loop3A_522 = arith.cmpi slt, %parallel_loop3A_509, %parallel_loop3A_521 : i32
      %parallel_loop3A_523 = arith.extui %parallel_loop3A_522 : i1 to i32
      %parallel_loop3A_524 = arith.subi %parallel_loop3A_520, %parallel_loop3A_523 : i32
      %parallel_loop3A_525 = arith.cmpi ne, %parallel_loop3A_517, %parallel_loop3A_524 : i32
      %parallel_loop3A_526 = arith.remsi %parallel_loop3A_508, %parallel_loop3A_509 : i32
      %parallel_loop3A_527 = arith.constant 0 : i32
      %parallel_loop3A_528 = arith.cmpi ne, %parallel_loop3A_526, %parallel_loop3A_527 : i32
      %parallel_loop3A_529 = arith.andi %parallel_loop3A_525, %parallel_loop3A_528 : i1
      %parallel_loop3A_530 = arith.constant 1 : i32
      %parallel_loop3A_531 = arith.subi %parallel_loop3A_510, %parallel_loop3A_530 : i32
      %parallel_loop3A_532 = arith.select %parallel_loop3A_529, %parallel_loop3A_531, %parallel_loop3A_510 : i32
      %parallel_loop3A_533 = arith.constant 8 : i32
      %parallel_loop3A_534 = arith.constant 0 : i32
      %parallel_loop3A_535 = arith.cmpi eq, %parallel_loop3A_533, %parallel_loop3A_534 : i32
      %parallel_loop3A_536 = arith.constant 1 : i32
      %parallel_loop3A_537 = arith.select %parallel_loop3A_535, %parallel_loop3A_536, %parallel_loop3A_533 : i32
      %parallel_loop3A_538 = arith.remsi %parallel_loop3A_508, %parallel_loop3A_537 : i32
      %parallel_loop3A_539 = arith.constant 0 : i32
      %parallel_loop3A_540 = arith.cmpi ne, %parallel_loop3A_538, %parallel_loop3A_539 : i32
      %parallel_loop3A_541 = arith.constant 0 : i32
      %parallel_loop3A_542 = arith.cmpi slt, %parallel_loop3A_538, %parallel_loop3A_541 : i32
      %parallel_loop3A_543 = arith.constant 0 : i32
      %parallel_loop3A_544 = arith.cmpi slt, %parallel_loop3A_537, %parallel_loop3A_543 : i32
      %parallel_loop3A_545 = arith.xori %parallel_loop3A_542, %parallel_loop3A_544 : i1
      %parallel_loop3A_546 = arith.andi %parallel_loop3A_545, %parallel_loop3A_540 : i1
      %parallel_loop3A_547 = arith.addi %parallel_loop3A_538, %parallel_loop3A_537 : i32
      %parallel_loop3A_548 = arith.select %parallel_loop3A_546, %parallel_loop3A_547, %parallel_loop3A_538 : i32
      %parallel_loop3A_549 = arith.constant 16 : i32
      %parallel_loop3A_550 = arith.muli %parallel_loop3A_548, %parallel_loop3A_549 : i32
      %parallel_loop3A_551 = arith.constant 16 : i32
      %parallel_loop3A_552 = arith.muli %parallel_loop3A_508, %parallel_loop3A_551 : i32
      %parallel_loop3A_553 = arith.constant 3 : i32
      %parallel_loop3A_554 = arith.index_cast %parallel_loop3A_553 : i32 to index
      %parallel_loop3A_555 = arith.index_cast %parallel_loop3A_552 : i32 to index
      %parallel_loop3A_556 = tpu.vector_load %arg6[%parallel_loop3A_554, %parallel_loop3A_555] {strides = array<i32>} : memref<9x512xi32, #tpu.memory_space<vmem>>, vector<16xi32>,
      %parallel_loop3A_557 = tpu.vector_load_idx %arg5[%broadcast_in_dim3A_3, %parallel_loop3A_556] : memref<16x20xf32, #tpu.memory_space<vmem>>[vector<16xi32>, vector<16xi32>], vector<16xf32>,
      %parallel_loop3A_558 = arith.constant 3 : i32
      %parallel_loop3A_559 = arith.constant 0 : i32
      %parallel_loop3A_560 = arith.constant 0 : i32
      %parallel_loop3A_561 = arith.index_cast %parallel_loop3A_558 : i32 to index
      %parallel_loop3A_562 = arith.index_cast %parallel_loop3A_559 : i32 to index
      %parallel_loop3A_563 = arith.index_cast %parallel_loop3A_532 : i32 to index
      %parallel_loop3A_564 = arith.index_cast %parallel_loop3A_560 : i32 to index
      %parallel_loop3A_565 = arith.index_cast %parallel_loop3A_550 : i32 to index
      %parallel_loop3A_566 = tpu.vector_load %arg7[%parallel_loop3A_561, %parallel_loop3A_562, %parallel_loop3A_563, %parallel_loop3A_564, %parallel_loop3A_565] {strides = array<i32>} : memref<9x2x4x8x128xf32, #tpu.memory_space<vmem>>, vector<16xf32>,
      tpu.vector_store %arg7[%parallel_loop3A_561, %parallel_loop3A_562, %parallel_loop3A_563, %parallel_loop3A_564, %parallel_loop3A_565], %parallel_loop3A_557 {strides = array<i32>} : memref<9x2x4x8x128xf32, #tpu.memory_space<vmem>>, vector<16xf32>,
      %parallel_loop3A_567 = tpu.vector_load_idx %arg5[%broadcast_in_dim3A_5, %parallel_loop3A_556] : memref<16x20xf32, #tpu.memory_space<vmem>>[vector<16xi32>, vector<16xi32>], vector<16xf32>,
      %parallel_loop3A_568 = arith.constant 3 : i32
      %parallel_loop3A_569 = arith.constant 0 : i32
      %parallel_loop3A_570 = arith.constant 1 : i32
      %parallel_loop3A_571 = arith.index_cast %parallel_loop3A_568 : i32 to index
      %parallel_loop3A_572 = arith.index_cast %parallel_loop3A_569 : i32 to index
      %parallel_loop3A_573 = arith.index_cast %parallel_loop3A_532 : i32 to index
      %parallel_loop3A_574 = arith.index_cast %parallel_loop3A_570 : i32 to index
      %parallel_loop3A_575 = arith.index_cast %parallel_loop3A_550 : i32 to index
      %parallel_loop3A_576 = tpu.vector_load %arg7[%parallel_loop3A_571, %parallel_loop3A_572, %parallel_loop3A_573, %parallel_loop3A_574, %parallel_loop3A_575] {strides = array<i32>} : memref<9x2x4x8x128xf32, #tpu.memory_space<vmem>>, vector<16xf32>,
      tpu.vector_store %arg7[%parallel_loop3A_571, %parallel_loop3A_572, %parallel_loop3A_573, %parallel_loop3A_574, %parallel_loop3A_575], %parallel_loop3A_567 {strides = array<i32>} : memref<9x2x4x8x128xf32, #tpu.memory_space<vmem>>, vector<16xf32>,
      %parallel_loop3A_577 = tpu.vector_load_idx %arg5[%broadcast_in_dim3A_7, %parallel_loop3A_556] : memref<16x20xf32, #tpu.memory_space<vmem>>[vector<16xi32>, vector<16xi32>], vector<16xf32>,
      %parallel_loop3A_578 = arith.constant 3 : i32
      %parallel_loop3A_579 = arith.constant 0 : i32
      %parallel_loop3A_580 = arith.constant 2 : i32
      %parallel_loop3A_581 = arith.index_cast %parallel_loop3A_578 : i32 to index
      %parallel_loop3A_582 = arith.index_cast %parallel_loop3A_579 : i32 to index
      %parallel_loop3A_583 = arith.index_cast %parallel_loop3A_532 : i32 to index
      %parallel_loop3A_584 = arith.index_cast %parallel_loop3A_580 : i32 to index
      %parallel_loop3A_585 = arith.index_cast %parallel_loop3A_550 : i32 to index
      %parallel_loop3A_586 = tpu.vector_load %arg7[%parallel_loop3A_581, %parallel_loop3A_582, %parallel_loop3A_583, %parallel_loop3A_584, %parallel_loop3A_585] {strides = array<i32>} : memref<9x2x4x8x128xf32, #tpu.memory_space<vmem>>, vector<16xf32>,
      tpu.vector_store %arg7[%parallel_loop3A_581, %parallel_loop3A_582, %parallel_loop3A_583, %parallel_loop3A_584, %parallel_loop3A_585], %parallel_loop3A_577 {strides = array<i32>} : memref<9x2x4x8x128xf32, #tpu.memory_space<vmem>>, vector<16xf32>,
      %parallel_loop3A_587 = tpu.vector_load_idx %arg5[%broadcast_in_dim3A_9, %parallel_loop3A_556] : memref<16x20xf32, #tpu.memory_space<vmem>>[vector<16xi32>, vector<16xi32>], vector<16xf32>,
      %parallel_loop3A_588 = arith.constant 3 : i32
      %parallel_loop3A_589 = arith.constant 0 : i32
      %parallel_loop3A_590 = arith.constant 3 : i32
      %parallel_loop3A_591 = arith.index_cast %parallel_loop3A_588 : i32 to index
      %parallel_loop3A_592 = arith.index_cast %parallel_loop3A_589 : i32 to index
      %parallel_loop3A_593 = arith.index_cast %parallel_loop3A_532 : i32 to index
      %parallel_loop3A_594 = arith.index_cast %parallel_loop3A_590 : i32 to index
      %parallel_loop3A_595 = arith.index_cast %parallel_loop3A_550 : i32 to index
      %parallel_loop3A_596 = tpu.vector_load %arg7[%parallel_loop3A_591, %parallel_loop3A_592, %parallel_loop3A_593, %parallel_loop3A_594, %parallel_loop3A_595] {strides = array<i32>} : memref<9x2x4x8x128xf32, #tpu.memory_space<vmem>>, vector<16xf32>,
      tpu.vector_store %arg7[%parallel_loop3A_591, %parallel_loop3A_592, %parallel_loop3A_593, %parallel_loop3A_594, %parallel_loop3A_595], %parallel_loop3A_587 {strides = array<i32>} : memref<9x2x4x8x128xf32, #tpu.memory_space<vmem>>, vector<16xf32>,
      %parallel_loop3A_597 = tpu.vector_load_idx %arg5[%broadcast_in_dim3A_11, %parallel_loop3A_556] : memref<16x20xf32, #tpu.memory_space<vmem>>[vector<16xi32>, vector<16xi32>], vector<16xf32>,
      %parallel_loop3A_598 = arith.constant 3 : i32
      %parallel_loop3A_599 = arith.constant 0 : i32
      %parallel_loop3A_600 = arith.constant 4 : i32
      %parallel_loop3A_601 = arith.index_cast %parallel_loop3A_598 : i32 to index
      %parallel_loop3A_602 = arith.index_cast %parallel_loop3A_599 : i32 to index
      %parallel_loop3A_603 = arith.index_cast %parallel_loop3A_532 : i32 to index
      %parallel_loop3A_604 = arith.index_cast %parallel_loop3A_600 : i32 to index
      %parallel_loop3A_605 = arith.index_cast %parallel_loop3A_550 : i32 to index
      %parallel_loop3A_606 = tpu.vector_load %arg7[%parallel_loop3A_601, %parallel_loop3A_602, %parallel_loop3A_603, %parallel_loop3A_604, %parallel_loop3A_605] {strides = array<i32>} : memref<9x2x4x8x128xf32, #tpu.memory_space<vmem>>, vector<16xf32>,
      tpu.vector_store %arg7[%parallel_loop3A_601, %parallel_loop3A_602, %parallel_loop3A_603, %parallel_loop3A_604, %parallel_loop3A_605], %parallel_loop3A_597 {strides = array<i32>} : memref<9x2x4x8x128xf32, #tpu.memory_space<vmem>>, vector<16xf32>,
      %parallel_loop3A_607 = tpu.vector_load_idx %arg5[%broadcast_in_dim3A_13, %parallel_loop3A_556] : memref<16x20xf32, #tpu.memory_space<vmem>>[vector<16xi32>, vector<16xi32>], vector<16xf32>,
      %parallel_loop3A_608 = arith.constant 3 : i32
      %parallel_loop3A_609 = arith.constant 0 : i32
      %parallel_loop3A_610 = arith.constant 5 : i32
      %parallel_loop3A_611 = arith.index_cast %parallel_loop3A_608 : i32 to index
      %parallel_loop3A_612 = arith.index_cast %parallel_loop3A_609 : i32 to index
      %parallel_loop3A_613 = arith.index_cast %parallel_loop3A_532 : i32 to index
      %parallel_loop3A_614 = arith.index_cast %parallel_loop3A_610 : i32 to index
      %parallel_loop3A_615 = arith.index_cast %parallel_loop3A_550 : i32 to index
      %parallel_loop3A_616 = tpu.vector_load %arg7[%parallel_loop3A_611, %parallel_loop3A_612, %parallel_loop3A_613, %parallel_loop3A_614, %parallel_loop3A_615] {strides = array<i32>} : memref<9x2x4x8x128xf32, #tpu.memory_space<vmem>>, vector<16xf32>,
      tpu.vector_store %arg7[%parallel_loop3A_611, %parallel_loop3A_612, %parallel_loop3A_613, %parallel_loop3A_614, %parallel_loop3A_615], %parallel_loop3A_607 {strides = array<i32>} : memref<9x2x4x8x128xf32, #tpu.memory_space<vmem>>, vector<16xf32>,
      %parallel_loop3A_617 = tpu.vector_load_idx %arg5[%broadcast_in_dim3A_15, %parallel_loop3A_556] : memref<16x20xf32, #tpu.memory_space<vmem>>[vector<16xi32>, vector<16xi32>], vector<16xf32>,
      %parallel_loop3A_618 = arith.constant 3 : i32
      %parallel_loop3A_619 = arith.constant 0 : i32
      %parallel_loop3A_620 = arith.constant 6 : i32
      %parallel_loop3A_621 = arith.index_cast %parallel_loop3A_618 : i32 to index
      %parallel_loop3A_622 = arith.index_cast %parallel_loop3A_619 : i32 to index
      %parallel_loop3A_623 = arith.index_cast %parallel_loop3A_532 : i32 to index
      %parallel_loop3A_624 = arith.index_cast %parallel_loop3A_620 : i32 to index
      %parallel_loop3A_625 = arith.index_cast %parallel_loop3A_550 : i32 to index
      %parallel_loop3A_626 = tpu.vector_load %arg7[%parallel_loop3A_621, %parallel_loop3A_622, %parallel_loop3A_623, %parallel_loop3A_624, %parallel_loop3A_625] {strides = array<i32>} : memref<9x2x4x8x128xf32, #tpu.memory_space<vmem>>, vector<16xf32>,
      tpu.vector_store %arg7[%parallel_loop3A_621, %parallel_loop3A_622, %parallel_loop3A_623, %parallel_loop3A_624, %parallel_loop3A_625], %parallel_loop3A_617 {strides = array<i32>} : memref<9x2x4x8x128xf32, #tpu.memory_space<vmem>>, vector<16xf32>,
      %parallel_loop3A_627 = tpu.vector_load_idx %arg5[%broadcast_in_dim3A_17, %parallel_loop3A_556] : memref<16x20xf32, #tpu.memory_space<vmem>>[vector<16xi32>, vector<16xi32>], vector<16xf32>,
      %parallel_loop3A_628 = arith.constant 3 : i32
      %parallel_loop3A_629 = arith.constant 0 : i32
      %parallel_loop3A_630 = arith.constant 7 : i32
      %parallel_loop3A_631 = arith.index_cast %parallel_loop3A_628 : i32 to index
      %parallel_loop3A_632 = arith.index_cast %parallel_loop3A_629 : i32 to index
      %parallel_loop3A_633 = arith.index_cast %parallel_loop3A_532 : i32 to index
      %parallel_loop3A_634 = arith.index_cast %parallel_loop3A_630 : i32 to index
      %parallel_loop3A_635 = arith.index_cast %parallel_loop3A_550 : i32 to index
      %parallel_loop3A_636 = tpu.vector_load %arg7[%parallel_loop3A_631, %parallel_loop3A_632, %parallel_loop3A_633, %parallel_loop3A_634, %parallel_loop3A_635] {strides = array<i32>} : memref<9x2x4x8x128xf32, #tpu.memory_space<vmem>>, vector<16xf32>,
      tpu.vector_store %arg7[%parallel_loop3A_631, %parallel_loop3A_632, %parallel_loop3A_633, %parallel_loop3A_634, %parallel_loop3A_635], %parallel_loop3A_627 {strides = array<i32>} : memref<9x2x4x8x128xf32, #tpu.memory_space<vmem>>, vector<16xf32>,
      %parallel_loop3A_637 = tpu.vector_load_idx %arg5[%broadcast_in_dim3A_19, %parallel_loop3A_556] : memref<16x20xf32, #tpu.memory_space<vmem>>[vector<16xi32>, vector<16xi32>], vector<16xf32>,
      %parallel_loop3A_638 = arith.constant 3 : i32
      %parallel_loop3A_639 = arith.constant 1 : i32
      %parallel_loop3A_640 = arith.constant 0 : i32
      %parallel_loop3A_641 = arith.index_cast %parallel_loop3A_638 : i32 to index
      %parallel_loop3A_642 = arith.index_cast %parallel_loop3A_639 : i32 to index
      %parallel_loop3A_643 = arith.index_cast %parallel_loop3A_532 : i32 to index
      %parallel_loop3A_644 = arith.index_cast %parallel_loop3A_640 : i32 to index
      %parallel_loop3A_645 = arith.index_cast %parallel_loop3A_550 : i32 to index
      %parallel_loop3A_646 = tpu.vector_load %arg7[%parallel_loop3A_641, %parallel_loop3A_642, %parallel_loop3A_643, %parallel_loop3A_644, %parallel_loop3A_645] {strides = array<i32>} : memref<9x2x4x8x128xf32, #tpu.memory_space<vmem>>, vector<16xf32>,
      tpu.vector_store %arg7[%parallel_loop3A_641, %parallel_loop3A_642, %parallel_loop3A_643, %parallel_loop3A_644, %parallel_loop3A_645], %parallel_loop3A_637 {strides = array<i32>} : memref<9x2x4x8x128xf32, #tpu.memory_space<vmem>>, vector<16xf32>,
      %parallel_loop3A_647 = tpu.vector_load_idx %arg5[%broadcast_in_dim3A_21, %parallel_loop3A_556] : memref<16x20xf32, #tpu.memory_space<vmem>>[vector<16xi32>, vector<16xi32>], vector<16xf32>,
      %parallel_loop3A_648 = arith.constant 3 : i32
      %parallel_loop3A_649 = arith.constant 1 : i32
      %parallel_loop3A_650 = arith.constant 1 : i32
      %parallel_loop3A_651 = arith.index_cast %parallel_loop3A_648 : i32 to index
      %parallel_loop3A_652 = arith.index_cast %parallel_loop3A_649 : i32 to index
      %parallel_loop3A_653 = arith.index_cast %parallel_loop3A_532 : i32 to index
      %parallel_loop3A_654 = arith.index_cast %parallel_loop3A_650 : i32 to index
      %parallel_loop3A_655 = arith.index_cast %parallel_loop3A_550 : i32 to index
      %parallel_loop3A_656 = tpu.vector_load %arg7[%parallel_loop3A_651, %parallel_loop3A_652, %parallel_loop3A_653, %parallel_loop3A_654, %parallel_loop3A_655] {strides = array<i32>} : memref<9x2x4x8x128xf32, #tpu.memory_space<vmem>>, vector<16xf32>,
      tpu.vector_store %arg7[%parallel_loop3A_651, %parallel_loop3A_652, %parallel_loop3A_653, %parallel_loop3A_654, %parallel_loop3A_655], %parallel_loop3A_647 {strides = array<i32>} : memref<9x2x4x8x128xf32, #tpu.memory_space<vmem>>, vector<16xf32>,
      %parallel_loop3A_657 = tpu.vector_load_idx %arg5[%broadcast_in_dim3A_23, %parallel_loop3A_556] : memref<16x20xf32, #tpu.memory_space<vmem>>[vector<16xi32>, vector<16xi32>], vector<16xf32>,
      %parallel_loop3A_658 = arith.constant 3 : i32
      %parallel_loop3A_659 = arith.constant 1 : i32
      %parallel_loop3A_660 = arith.constant 2 : i32
      %parallel_loop3A_661 = arith.index_cast %parallel_loop3A_658 : i32 to index
      %parallel_loop3A_662 = arith.index_cast %parallel_loop3A_659 : i32 to index
      %parallel_loop3A_663 = arith.index_cast %parallel_loop3A_532 : i32 to index
      %parallel_loop3A_664 = arith.index_cast %parallel_loop3A_660 : i32 to index
      %parallel_loop3A_665 = arith.index_cast %parallel_loop3A_550 : i32 to index
      %parallel_loop3A_666 = tpu.vector_load %arg7[%parallel_loop3A_661, %parallel_loop3A_662, %parallel_loop3A_663, %parallel_loop3A_664, %parallel_loop3A_665] {strides = array<i32>} : memref<9x2x4x8x128xf32, #tpu.memory_space<vmem>>, vector<16xf32>,
      tpu.vector_store %arg7[%parallel_loop3A_661, %parallel_loop3A_662, %parallel_loop3A_663, %parallel_loop3A_664, %parallel_loop3A_665], %parallel_loop3A_657 {strides = array<i32>} : memref<9x2x4x8x128xf32, #tpu.memory_space<vmem>>, vector<16xf32>,
      %parallel_loop3A_667 = tpu.vector_load_idx %arg5[%broadcast_in_dim3A_25, %parallel_loop3A_556] : memref<16x20xf32, #tpu.memory_space<vmem>>[vector<16xi32>, vector<16xi32>], vector<16xf32>,
      %parallel_loop3A_668 = arith.constant 3 : i32
      %parallel_loop3A_669 = arith.constant 1 : i32
      %parallel_loop3A_670 = arith.constant 3 : i32
      %parallel_loop3A_671 = arith.index_cast %parallel_loop3A_668 : i32 to index
      %parallel_loop3A_672 = arith.index_cast %parallel_loop3A_669 : i32 to index
      %parallel_loop3A_673 = arith.index_cast %parallel_loop3A_532 : i32 to index
      %parallel_loop3A_674 = arith.index_cast %parallel_loop3A_670 : i32 to index
      %parallel_loop3A_675 = arith.index_cast %parallel_loop3A_550 : i32 to index
      %parallel_loop3A_676 = tpu.vector_load %arg7[%parallel_loop3A_671, %parallel_loop3A_672, %parallel_loop3A_673, %parallel_loop3A_674, %parallel_loop3A_675] {strides = array<i32>} : memref<9x2x4x8x128xf32, #tpu.memory_space<vmem>>, vector<16xf32>,
      tpu.vector_store %arg7[%parallel_loop3A_671, %parallel_loop3A_672, %parallel_loop3A_673, %parallel_loop3A_674, %parallel_loop3A_675], %parallel_loop3A_667 {strides = array<i32>} : memref<9x2x4x8x128xf32, #tpu.memory_space<vmem>>, vector<16xf32>,
      %parallel_loop3A_677 = tpu.vector_load_idx %arg5[%broadcast_in_dim3A_27, %parallel_loop3A_556] : memref<16x20xf32, #tpu.memory_space<vmem>>[vector<16xi32>, vector<16xi32>], vector<16xf32>,
      %parallel_loop3A_678 = arith.constant 3 : i32
      %parallel_loop3A_679 = arith.constant 1 : i32
      %parallel_loop3A_680 = arith.constant 4 : i32
      %parallel_loop3A_681 = arith.index_cast %parallel_loop3A_678 : i32 to index
      %parallel_loop3A_682 = arith.index_cast %parallel_loop3A_679 : i32 to index
      %parallel_loop3A_683 = arith.index_cast %parallel_loop3A_532 : i32 to index
      %parallel_loop3A_684 = arith.index_cast %parallel_loop3A_680 : i32 to index
      %parallel_loop3A_685 = arith.index_cast %parallel_loop3A_550 : i32 to index
      %parallel_loop3A_686 = tpu.vector_load %arg7[%parallel_loop3A_681, %parallel_loop3A_682, %parallel_loop3A_683, %parallel_loop3A_684, %parallel_loop3A_685] {strides = array<i32>} : memref<9x2x4x8x128xf32, #tpu.memory_space<vmem>>, vector<16xf32>,
      tpu.vector_store %arg7[%parallel_loop3A_681, %parallel_loop3A_682, %parallel_loop3A_683, %parallel_loop3A_684, %parallel_loop3A_685], %parallel_loop3A_677 {strides = array<i32>} : memref<9x2x4x8x128xf32, #tpu.memory_space<vmem>>, vector<16xf32>,
      %parallel_loop3A_687 = tpu.vector_load_idx %arg5[%broadcast_in_dim3A_29, %parallel_loop3A_556] : memref<16x20xf32, #tpu.memory_space<vmem>>[vector<16xi32>, vector<16xi32>], vector<16xf32>,
      %parallel_loop3A_688 = arith.constant 3 : i32
      %parallel_loop3A_689 = arith.constant 1 : i32
      %parallel_loop3A_690 = arith.constant 5 : i32
      %parallel_loop3A_691 = arith.index_cast %parallel_loop3A_688 : i32 to index
      %parallel_loop3A_692 = arith.index_cast %parallel_loop3A_689 : i32 to index
      %parallel_loop3A_693 = arith.index_cast %parallel_loop3A_532 : i32 to index
      %parallel_loop3A_694 = arith.index_cast %parallel_loop3A_690 : i32 to index
      %parallel_loop3A_695 = arith.index_cast %parallel_loop3A_550 : i32 to index
      %parallel_loop3A_696 = tpu.vector_load %arg7[%parallel_loop3A_691, %parallel_loop3A_692, %parallel_loop3A_693, %parallel_loop3A_694, %parallel_loop3A_695] {strides = array<i32>} : memref<9x2x4x8x128xf32, #tpu.memory_space<vmem>>, vector<16xf32>,
      tpu.vector_store %arg7[%parallel_loop3A_691, %parallel_loop3A_692, %parallel_loop3A_693, %parallel_loop3A_694, %parallel_loop3A_695], %parallel_loop3A_687 {strides = array<i32>} : memref<9x2x4x8x128xf32, #tpu.memory_space<vmem>>, vector<16xf32>,
      %parallel_loop3A_697 = tpu.vector_load_idx %arg5[%broadcast_in_dim3A_31, %parallel_loop3A_556] : memref<16x20xf32, #tpu.memory_space<vmem>>[vector<16xi32>, vector<16xi32>], vector<16xf32>,
      %parallel_loop3A_698 = arith.constant 3 : i32
      %parallel_loop3A_699 = arith.constant 1 : i32
      %parallel_loop3A_700 = arith.constant 6 : i32
      %parallel_loop3A_701 = arith.index_cast %parallel_loop3A_698 : i32 to index
      %parallel_loop3A_702 = arith.index_cast %parallel_loop3A_699 : i32 to index
      %parallel_loop3A_703 = arith.index_cast %parallel_loop3A_532 : i32 to index
      %parallel_loop3A_704 = arith.index_cast %parallel_loop3A_700 : i32 to index
      %parallel_loop3A_705 = arith.index_cast %parallel_loop3A_550 : i32 to index
      %parallel_loop3A_706 = tpu.vector_load %arg7[%parallel_loop3A_701, %parallel_loop3A_702, %parallel_loop3A_703, %parallel_loop3A_704, %parallel_loop3A_705] {strides = array<i32>} : memref<9x2x4x8x128xf32, #tpu.memory_space<vmem>>, vector<16xf32>,
      tpu.vector_store %arg7[%parallel_loop3A_701, %parallel_loop3A_702, %parallel_loop3A_703, %parallel_loop3A_704, %parallel_loop3A_705], %parallel_loop3A_697 {strides = array<i32>} : memref<9x2x4x8x128xf32, #tpu.memory_space<vmem>>, vector<16xf32>,
      %parallel_loop3A_707 = tpu.vector_load_idx %arg5[%broadcast_in_dim3A_33, %parallel_loop3A_556] : memref<16x20xf32, #tpu.memory_space<vmem>>[vector<16xi32>, vector<16xi32>], vector<16xf32>,
      %parallel_loop3A_708 = arith.constant 3 : i32
      %parallel_loop3A_709 = arith.constant 1 : i32
      %parallel_loop3A_710 = arith.constant 7 : i32
      %parallel_loop3A_711 = arith.index_cast %parallel_loop3A_708 : i32 to index
      %parallel_loop3A_712 = arith.index_cast %parallel_loop3A_709 : i32 to index
      %parallel_loop3A_713 = arith.index_cast %parallel_loop3A_532 : i32 to index
      %parallel_loop3A_714 = arith.index_cast %parallel_loop3A_710 : i32 to index
      %parallel_loop3A_715 = arith.index_cast %parallel_loop3A_550 : i32 to index
      %parallel_loop3A_716 = tpu.vector_load %arg7[%parallel_loop3A_711, %parallel_loop3A_712, %parallel_loop3A_713, %parallel_loop3A_714, %parallel_loop3A_715] {strides = array<i32>} : memref<9x2x4x8x128xf32, #tpu.memory_space<vmem>>, vector<16xf32>,
      tpu.vector_store %arg7[%parallel_loop3A_711, %parallel_loop3A_712, %parallel_loop3A_713, %parallel_loop3A_714, %parallel_loop3A_715], %parallel_loop3A_707 {strides = array<i32>} : memref<9x2x4x8x128xf32, #tpu.memory_space<vmem>>, vector<16xf32>,
    } {sc.loop_unroll_factor = 1 : i64, sc.parallel_access}
    %mul3A_122 = arith.constant 4 : i32
    %mul3A_123 = arith.muli %add3A, %mul3A_122 : i32
    %dma_start3A_124 = arith.constant 3 : i32
    %dma_start3A_125 = arith.constant 3 : i32
    %dma_start3A_126 = arith.constant 0 : i32
    %dma_start3A_127 = arith.constant 0 : i32
    %dma_start3A_128 = arith.constant 0 : i32
    %dma_start3A_129 = arith.constant 0 : i32
    %dma_start3A_130 = tpu.memref_slice %arg7[%dma_start3A_124, %dma_start3A_126, %dma_start3A_127, %dma_start3A_128, %dma_start3A_129] : memref<9x2x4x8x128xf32, #tpu.memory_space<vmem>> -> memref<1x2x4x8x128xf32, #tpu.memory_space<vmem>>
    %dma_start3A_131 = tpu.memref_squeeze %dma_start3A_130 : memref<1x2x4x8x128xf32, #tpu.memory_space<vmem>> -> memref<2x4x8x128xf32, #tpu.memory_space<vmem>>
    %dma_start3A_132 = arith.constant 0 : i32
    %dma_start3A_133 = arith.constant 0 : i32
    %dma_start3A_134 = arith.constant 0 : i32
    %dma_start3A_135 = tpu.memref_slice %arg4[%dma_start3A_125, %dma_start3A_132, %mul3A_123, %dma_start3A_133, %dma_start3A_134] : memref<9x2x128x8x128xf32, #tpu.memory_space<hbm>> -> memref<1x2x4x8x128xf32, #tpu.memory_space<hbm>>
    %dma_start3A_136 = tpu.memref_squeeze %dma_start3A_135 : memref<1x2x4x8x128xf32, #tpu.memory_space<hbm>> -> memref<2x4x8x128xf32, #tpu.memory_space<hbm>>
    %dma_start3A_137 = arith.constant 0 : i32
    %dma_start3A_138 = arith.constant 0 : i32
    %dma_start3A_139 = arith.constant 0 : i32
    %dma_start3A_140 = tpu.memref_slice %arg4[%dma_start3A_125, %dma_start3A_137, %mul3A_123, %dma_start3A_138, %dma_start3A_139] : memref<9x2x128x8x128xf32, #tpu.memory_space<hbm>> -> memref<1x2x4x8x128xf32, #tpu.memory_space<hbm>>
    %dma_start3A_141 = tpu.memref_squeeze %dma_start3A_140 : memref<1x2x4x8x128xf32, #tpu.memory_space<hbm>> -> memref<2x4x8x128xf32, #tpu.memory_space<hbm>>
    %dma_start3A_142 = arith.constant 0 : i32
    %dma_start3A_143 = arith.constant 0 : i32
    %dma_start3A_144 = arith.constant 0 : i32
    %dma_start3A_145 = arith.constant 0 : i32
    %dma_start3A_146 = tpu.memref_slice %arg7[%dma_start3A_124, %dma_start3A_142, %dma_start3A_143, %dma_start3A_144, %dma_start3A_145] : memref<9x2x4x8x128xf32, #tpu.memory_space<vmem>> -> memref<1x2x4x8x128xf32, #tpu.memory_space<vmem>>
    %dma_start3A_147 = tpu.memref_squeeze %dma_start3A_146 : memref<1x2x4x8x128xf32, #tpu.memory_space<vmem>> -> memref<2x4x8x128xf32, #tpu.memory_space<vmem>>
    tpu.enqueue_dma source(%dma_start3A_147 : memref<2x4x8x128xf32, #tpu.memory_space<vmem>>) target(%dma_start3A_141 : memref<2x4x8x128xf32, #tpu.memory_space<hbm>>) target_semaphore(%arg8 : memref<!tpu.dma_semaphore, #tpu.memory_space<semaphore_mem>>)
    %parallel_loop3A_148 = arith.constant 0 : i32
    %parallel_loop3A_149 = arith.constant 32 : i32
    %parallel_loop3A_150 = arith.constant 1 : i32
    scf.for %parallel_loop3A_508 = %parallel_loop3A_148 to %parallel_loop3A_149 step %parallel_loop3A_150  : i32 {
      %parallel_loop3A_509 = arith.constant 8 : i32
      %parallel_loop3A_510 = arith.divsi %parallel_loop3A_508, %parallel_loop3A_509 : i32
      %parallel_loop3A_511 = arith.constant 0 : i32
      %parallel_loop3A_512 = arith.cmpi sgt, %parallel_loop3A_508, %parallel_loop3A_511 : i32
      %parallel_loop3A_513 = arith.extui %parallel_loop3A_512 : i1 to i32
      %parallel_loop3A_514 = arith.constant 0 : i32
      %parallel_loop3A_515 = arith.cmpi slt, %parallel_loop3A_508, %parallel_loop3A_514 : i32
      %parallel_loop3A_516 = arith.extui %parallel_loop3A_515 : i1 to i32
      %parallel_loop3A_517 = arith.subi %parallel_loop3A_513, %parallel_loop3A_516 : i32
      %parallel_loop3A_518 = arith.constant 0 : i32
      %parallel_loop3A_519 = arith.cmpi sgt, %parallel_loop3A_509, %parallel_loop3A_518 : i32
      %parallel_loop3A_520 = arith.extui %parallel_loop3A_519 : i1 to i32
      %parallel_loop3A_521 = arith.constant 0 : i32
      %parallel_loop3A_522 = arith.cmpi slt, %parallel_loop3A_509, %parallel_loop3A_521 : i32
      %parallel_loop3A_523 = arith.extui %parallel_loop3A_522 : i1 to i32
      %parallel_loop3A_524 = arith.subi %parallel_loop3A_520, %parallel_loop3A_523 : i32
      %parallel_loop3A_525 = arith.cmpi ne, %parallel_loop3A_517, %parallel_loop3A_524 : i32
      %parallel_loop3A_526 = arith.remsi %parallel_loop3A_508, %parallel_loop3A_509 : i32
      %parallel_loop3A_527 = arith.constant 0 : i32
      %parallel_loop3A_528 = arith.cmpi ne, %parallel_loop3A_526, %parallel_loop3A_527 : i32
      %parallel_loop3A_529 = arith.andi %parallel_loop3A_525, %parallel_loop3A_528 : i1
      %parallel_loop3A_530 = arith.constant 1 : i32
      %parallel_loop3A_531 = arith.subi %parallel_loop3A_510, %parallel_loop3A_530 : i32
      %parallel_loop3A_532 = arith.select %parallel_loop3A_529, %parallel_loop3A_531, %parallel_loop3A_510 : i32
      %parallel_loop3A_533 = arith.constant 8 : i32
      %parallel_loop3A_534 = arith.constant 0 : i32
      %parallel_loop3A_535 = arith.cmpi eq, %parallel_loop3A_533, %parallel_loop3A_534 : i32
      %parallel_loop3A_536 = arith.constant 1 : i32
      %parallel_loop3A_537 = arith.select %parallel_loop3A_535, %parallel_loop3A_536, %parallel_loop3A_533 : i32
      %parallel_loop3A_538 = arith.remsi %parallel_loop3A_508, %parallel_loop3A_537 : i32
      %parallel_loop3A_539 = arith.constant 0 : i32
      %parallel_loop3A_540 = arith.cmpi ne, %parallel_loop3A_538, %parallel_loop3A_539 : i32
      %parallel_loop3A_541 = arith.constant 0 : i32
      %parallel_loop3A_542 = arith.cmpi slt, %parallel_loop3A_538, %parallel_loop3A_541 : i32
      %parallel_loop3A_543 = arith.constant 0 : i32
      %parallel_loop3A_544 = arith.cmpi slt, %parallel_loop3A_537, %parallel_loop3A_543 : i32
      %parallel_loop3A_545 = arith.xori %parallel_loop3A_542, %parallel_loop3A_544 : i1
      %parallel_loop3A_546 = arith.andi %parallel_loop3A_545, %parallel_loop3A_540 : i1
      %parallel_loop3A_547 = arith.addi %parallel_loop3A_538, %parallel_loop3A_537 : i32
      %parallel_loop3A_548 = arith.select %parallel_loop3A_546, %parallel_loop3A_547, %parallel_loop3A_538 : i32
      %parallel_loop3A_549 = arith.constant 16 : i32
      %parallel_loop3A_550 = arith.muli %parallel_loop3A_548, %parallel_loop3A_549 : i32
      %parallel_loop3A_551 = arith.constant 16 : i32
      %parallel_loop3A_552 = arith.muli %parallel_loop3A_508, %parallel_loop3A_551 : i32
      %parallel_loop3A_553 = arith.constant 4 : i32
      %parallel_loop3A_554 = arith.index_cast %parallel_loop3A_553 : i32 to index
      %parallel_loop3A_555 = arith.index_cast %parallel_loop3A_552 : i32 to index
      %parallel_loop3A_556 = tpu.vector_load %arg6[%parallel_loop3A_554, %parallel_loop3A_555] {strides = array<i32>} : memref<9x512xi32, #tpu.memory_space<vmem>>, vector<16xi32>,
      %parallel_loop3A_557 = tpu.vector_load_idx %arg5[%broadcast_in_dim3A_3, %parallel_loop3A_556] : memref<16x20xf32, #tpu.memory_space<vmem>>[vector<16xi32>, vector<16xi32>], vector<16xf32>,
      %parallel_loop3A_558 = arith.constant 4 : i32
      %parallel_loop3A_559 = arith.constant 0 : i32
      %parallel_loop3A_560 = arith.constant 0 : i32
      %parallel_loop3A_561 = arith.index_cast %parallel_loop3A_558 : i32 to index
      %parallel_loop3A_562 = arith.index_cast %parallel_loop3A_559 : i32 to index
      %parallel_loop3A_563 = arith.index_cast %parallel_loop3A_532 : i32 to index
      %parallel_loop3A_564 = arith.index_cast %parallel_loop3A_560 : i32 to index
      %parallel_loop3A_565 = arith.index_cast %parallel_loop3A_550 : i32 to index
      %parallel_loop3A_566 = tpu.vector_load %arg7[%parallel_loop3A_561, %parallel_loop3A_562, %parallel_loop3A_563, %parallel_loop3A_564, %parallel_loop3A_565] {strides = array<i32>} : memref<9x2x4x8x128xf32, #tpu.memory_space<vmem>>, vector<16xf32>,
      tpu.vector_store %arg7[%parallel_loop3A_561, %parallel_loop3A_562, %parallel_loop3A_563, %parallel_loop3A_564, %parallel_loop3A_565], %parallel_loop3A_557 {strides = array<i32>} : memref<9x2x4x8x128xf32, #tpu.memory_space<vmem>>, vector<16xf32>,
      %parallel_loop3A_567 = tpu.vector_load_idx %arg5[%broadcast_in_dim3A_5, %parallel_loop3A_556] : memref<16x20xf32, #tpu.memory_space<vmem>>[vector<16xi32>, vector<16xi32>], vector<16xf32>,
      %parallel_loop3A_568 = arith.constant 4 : i32
      %parallel_loop3A_569 = arith.constant 0 : i32
      %parallel_loop3A_570 = arith.constant 1 : i32
      %parallel_loop3A_571 = arith.index_cast %parallel_loop3A_568 : i32 to index
      %parallel_loop3A_572 = arith.index_cast %parallel_loop3A_569 : i32 to index
      %parallel_loop3A_573 = arith.index_cast %parallel_loop3A_532 : i32 to index
      %parallel_loop3A_574 = arith.index_cast %parallel_loop3A_570 : i32 to index
      %parallel_loop3A_575 = arith.index_cast %parallel_loop3A_550 : i32 to index
      %parallel_loop3A_576 = tpu.vector_load %arg7[%parallel_loop3A_571, %parallel_loop3A_572, %parallel_loop3A_573, %parallel_loop3A_574, %parallel_loop3A_575] {strides = array<i32>} : memref<9x2x4x8x128xf32, #tpu.memory_space<vmem>>, vector<16xf32>,
      tpu.vector_store %arg7[%parallel_loop3A_571, %parallel_loop3A_572, %parallel_loop3A_573, %parallel_loop3A_574, %parallel_loop3A_575], %parallel_loop3A_567 {strides = array<i32>} : memref<9x2x4x8x128xf32, #tpu.memory_space<vmem>>, vector<16xf32>,
      %parallel_loop3A_577 = tpu.vector_load_idx %arg5[%broadcast_in_dim3A_7, %parallel_loop3A_556] : memref<16x20xf32, #tpu.memory_space<vmem>>[vector<16xi32>, vector<16xi32>], vector<16xf32>,
      %parallel_loop3A_578 = arith.constant 4 : i32
      %parallel_loop3A_579 = arith.constant 0 : i32
      %parallel_loop3A_580 = arith.constant 2 : i32
      %parallel_loop3A_581 = arith.index_cast %parallel_loop3A_578 : i32 to index
      %parallel_loop3A_582 = arith.index_cast %parallel_loop3A_579 : i32 to index
      %parallel_loop3A_583 = arith.index_cast %parallel_loop3A_532 : i32 to index
      %parallel_loop3A_584 = arith.index_cast %parallel_loop3A_580 : i32 to index
      %parallel_loop3A_585 = arith.index_cast %parallel_loop3A_550 : i32 to index
      %parallel_loop3A_586 = tpu.vector_load %arg7[%parallel_loop3A_581, %parallel_loop3A_582, %parallel_loop3A_583, %parallel_loop3A_584, %parallel_loop3A_585] {strides = array<i32>} : memref<9x2x4x8x128xf32, #tpu.memory_space<vmem>>, vector<16xf32>,
      tpu.vector_store %arg7[%parallel_loop3A_581, %parallel_loop3A_582, %parallel_loop3A_583, %parallel_loop3A_584, %parallel_loop3A_585], %parallel_loop3A_577 {strides = array<i32>} : memref<9x2x4x8x128xf32, #tpu.memory_space<vmem>>, vector<16xf32>,
      %parallel_loop3A_587 = tpu.vector_load_idx %arg5[%broadcast_in_dim3A_9, %parallel_loop3A_556] : memref<16x20xf32, #tpu.memory_space<vmem>>[vector<16xi32>, vector<16xi32>], vector<16xf32>,
      %parallel_loop3A_588 = arith.constant 4 : i32
      %parallel_loop3A_589 = arith.constant 0 : i32
      %parallel_loop3A_590 = arith.constant 3 : i32
      %parallel_loop3A_591 = arith.index_cast %parallel_loop3A_588 : i32 to index
      %parallel_loop3A_592 = arith.index_cast %parallel_loop3A_589 : i32 to index
      %parallel_loop3A_593 = arith.index_cast %parallel_loop3A_532 : i32 to index
      %parallel_loop3A_594 = arith.index_cast %parallel_loop3A_590 : i32 to index
      %parallel_loop3A_595 = arith.index_cast %parallel_loop3A_550 : i32 to index
      %parallel_loop3A_596 = tpu.vector_load %arg7[%parallel_loop3A_591, %parallel_loop3A_592, %parallel_loop3A_593, %parallel_loop3A_594, %parallel_loop3A_595] {strides = array<i32>} : memref<9x2x4x8x128xf32, #tpu.memory_space<vmem>>, vector<16xf32>,
      tpu.vector_store %arg7[%parallel_loop3A_591, %parallel_loop3A_592, %parallel_loop3A_593, %parallel_loop3A_594, %parallel_loop3A_595], %parallel_loop3A_587 {strides = array<i32>} : memref<9x2x4x8x128xf32, #tpu.memory_space<vmem>>, vector<16xf32>,
      %parallel_loop3A_597 = tpu.vector_load_idx %arg5[%broadcast_in_dim3A_11, %parallel_loop3A_556] : memref<16x20xf32, #tpu.memory_space<vmem>>[vector<16xi32>, vector<16xi32>], vector<16xf32>,
      %parallel_loop3A_598 = arith.constant 4 : i32
      %parallel_loop3A_599 = arith.constant 0 : i32
      %parallel_loop3A_600 = arith.constant 4 : i32
      %parallel_loop3A_601 = arith.index_cast %parallel_loop3A_598 : i32 to index
      %parallel_loop3A_602 = arith.index_cast %parallel_loop3A_599 : i32 to index
      %parallel_loop3A_603 = arith.index_cast %parallel_loop3A_532 : i32 to index
      %parallel_loop3A_604 = arith.index_cast %parallel_loop3A_600 : i32 to index
      %parallel_loop3A_605 = arith.index_cast %parallel_loop3A_550 : i32 to index
      %parallel_loop3A_606 = tpu.vector_load %arg7[%parallel_loop3A_601, %parallel_loop3A_602, %parallel_loop3A_603, %parallel_loop3A_604, %parallel_loop3A_605] {strides = array<i32>} : memref<9x2x4x8x128xf32, #tpu.memory_space<vmem>>, vector<16xf32>,
      tpu.vector_store %arg7[%parallel_loop3A_601, %parallel_loop3A_602, %parallel_loop3A_603, %parallel_loop3A_604, %parallel_loop3A_605], %parallel_loop3A_597 {strides = array<i32>} : memref<9x2x4x8x128xf32, #tpu.memory_space<vmem>>, vector<16xf32>,
      %parallel_loop3A_607 = tpu.vector_load_idx %arg5[%broadcast_in_dim3A_13, %parallel_loop3A_556] : memref<16x20xf32, #tpu.memory_space<vmem>>[vector<16xi32>, vector<16xi32>], vector<16xf32>,
      %parallel_loop3A_608 = arith.constant 4 : i32
      %parallel_loop3A_609 = arith.constant 0 : i32
      %parallel_loop3A_610 = arith.constant 5 : i32
      %parallel_loop3A_611 = arith.index_cast %parallel_loop3A_608 : i32 to index
      %parallel_loop3A_612 = arith.index_cast %parallel_loop3A_609 : i32 to index
      %parallel_loop3A_613 = arith.index_cast %parallel_loop3A_532 : i32 to index
      %parallel_loop3A_614 = arith.index_cast %parallel_loop3A_610 : i32 to index
      %parallel_loop3A_615 = arith.index_cast %parallel_loop3A_550 : i32 to index
      %parallel_loop3A_616 = tpu.vector_load %arg7[%parallel_loop3A_611, %parallel_loop3A_612, %parallel_loop3A_613, %parallel_loop3A_614, %parallel_loop3A_615] {strides = array<i32>} : memref<9x2x4x8x128xf32, #tpu.memory_space<vmem>>, vector<16xf32>,
      tpu.vector_store %arg7[%parallel_loop3A_611, %parallel_loop3A_612, %parallel_loop3A_613, %parallel_loop3A_614, %parallel_loop3A_615], %parallel_loop3A_607 {strides = array<i32>} : memref<9x2x4x8x128xf32, #tpu.memory_space<vmem>>, vector<16xf32>,
      %parallel_loop3A_617 = tpu.vector_load_idx %arg5[%broadcast_in_dim3A_15, %parallel_loop3A_556] : memref<16x20xf32, #tpu.memory_space<vmem>>[vector<16xi32>, vector<16xi32>], vector<16xf32>,
      %parallel_loop3A_618 = arith.constant 4 : i32
      %parallel_loop3A_619 = arith.constant 0 : i32
      %parallel_loop3A_620 = arith.constant 6 : i32
      %parallel_loop3A_621 = arith.index_cast %parallel_loop3A_618 : i32 to index
      %parallel_loop3A_622 = arith.index_cast %parallel_loop3A_619 : i32 to index
      %parallel_loop3A_623 = arith.index_cast %parallel_loop3A_532 : i32 to index
      %parallel_loop3A_624 = arith.index_cast %parallel_loop3A_620 : i32 to index
      %parallel_loop3A_625 = arith.index_cast %parallel_loop3A_550 : i32 to index
      %parallel_loop3A_626 = tpu.vector_load %arg7[%parallel_loop3A_621, %parallel_loop3A_622, %parallel_loop3A_623, %parallel_loop3A_624, %parallel_loop3A_625] {strides = array<i32>} : memref<9x2x4x8x128xf32, #tpu.memory_space<vmem>>, vector<16xf32>,
      tpu.vector_store %arg7[%parallel_loop3A_621, %parallel_loop3A_622, %parallel_loop3A_623, %parallel_loop3A_624, %parallel_loop3A_625], %parallel_loop3A_617 {strides = array<i32>} : memref<9x2x4x8x128xf32, #tpu.memory_space<vmem>>, vector<16xf32>,
      %parallel_loop3A_627 = tpu.vector_load_idx %arg5[%broadcast_in_dim3A_17, %parallel_loop3A_556] : memref<16x20xf32, #tpu.memory_space<vmem>>[vector<16xi32>, vector<16xi32>], vector<16xf32>,
      %parallel_loop3A_628 = arith.constant 4 : i32
      %parallel_loop3A_629 = arith.constant 0 : i32
      %parallel_loop3A_630 = arith.constant 7 : i32
      %parallel_loop3A_631 = arith.index_cast %parallel_loop3A_628 : i32 to index
      %parallel_loop3A_632 = arith.index_cast %parallel_loop3A_629 : i32 to index
      %parallel_loop3A_633 = arith.index_cast %parallel_loop3A_532 : i32 to index
      %parallel_loop3A_634 = arith.index_cast %parallel_loop3A_630 : i32 to index
      %parallel_loop3A_635 = arith.index_cast %parallel_loop3A_550 : i32 to index
      %parallel_loop3A_636 = tpu.vector_load %arg7[%parallel_loop3A_631, %parallel_loop3A_632, %parallel_loop3A_633, %parallel_loop3A_634, %parallel_loop3A_635] {strides = array<i32>} : memref<9x2x4x8x128xf32, #tpu.memory_space<vmem>>, vector<16xf32>,
      tpu.vector_store %arg7[%parallel_loop3A_631, %parallel_loop3A_632, %parallel_loop3A_633, %parallel_loop3A_634, %parallel_loop3A_635], %parallel_loop3A_627 {strides = array<i32>} : memref<9x2x4x8x128xf32, #tpu.memory_space<vmem>>, vector<16xf32>,
      %parallel_loop3A_637 = tpu.vector_load_idx %arg5[%broadcast_in_dim3A_19, %parallel_loop3A_556] : memref<16x20xf32, #tpu.memory_space<vmem>>[vector<16xi32>, vector<16xi32>], vector<16xf32>,
      %parallel_loop3A_638 = arith.constant 4 : i32
      %parallel_loop3A_639 = arith.constant 1 : i32
      %parallel_loop3A_640 = arith.constant 0 : i32
      %parallel_loop3A_641 = arith.index_cast %parallel_loop3A_638 : i32 to index
      %parallel_loop3A_642 = arith.index_cast %parallel_loop3A_639 : i32 to index
      %parallel_loop3A_643 = arith.index_cast %parallel_loop3A_532 : i32 to index
      %parallel_loop3A_644 = arith.index_cast %parallel_loop3A_640 : i32 to index
      %parallel_loop3A_645 = arith.index_cast %parallel_loop3A_550 : i32 to index
      %parallel_loop3A_646 = tpu.vector_load %arg7[%parallel_loop3A_641, %parallel_loop3A_642, %parallel_loop3A_643, %parallel_loop3A_644, %parallel_loop3A_645] {strides = array<i32>} : memref<9x2x4x8x128xf32, #tpu.memory_space<vmem>>, vector<16xf32>,
      tpu.vector_store %arg7[%parallel_loop3A_641, %parallel_loop3A_642, %parallel_loop3A_643, %parallel_loop3A_644, %parallel_loop3A_645], %parallel_loop3A_637 {strides = array<i32>} : memref<9x2x4x8x128xf32, #tpu.memory_space<vmem>>, vector<16xf32>,
      %parallel_loop3A_647 = tpu.vector_load_idx %arg5[%broadcast_in_dim3A_21, %parallel_loop3A_556] : memref<16x20xf32, #tpu.memory_space<vmem>>[vector<16xi32>, vector<16xi32>], vector<16xf32>,
      %parallel_loop3A_648 = arith.constant 4 : i32
      %parallel_loop3A_649 = arith.constant 1 : i32
      %parallel_loop3A_650 = arith.constant 1 : i32
      %parallel_loop3A_651 = arith.index_cast %parallel_loop3A_648 : i32 to index
      %parallel_loop3A_652 = arith.index_cast %parallel_loop3A_649 : i32 to index
      %parallel_loop3A_653 = arith.index_cast %parallel_loop3A_532 : i32 to index
      %parallel_loop3A_654 = arith.index_cast %parallel_loop3A_650 : i32 to index
      %parallel_loop3A_655 = arith.index_cast %parallel_loop3A_550 : i32 to index
      %parallel_loop3A_656 = tpu.vector_load %arg7[%parallel_loop3A_651, %parallel_loop3A_652, %parallel_loop3A_653, %parallel_loop3A_654, %parallel_loop3A_655] {strides = array<i32>} : memref<9x2x4x8x128xf32, #tpu.memory_space<vmem>>, vector<16xf32>,
      tpu.vector_store %arg7[%parallel_loop3A_651, %parallel_loop3A_652, %parallel_loop3A_653, %parallel_loop3A_654, %parallel_loop3A_655], %parallel_loop3A_647 {strides = array<i32>} : memref<9x2x4x8x128xf32, #tpu.memory_space<vmem>>, vector<16xf32>,
      %parallel_loop3A_657 = tpu.vector_load_idx %arg5[%broadcast_in_dim3A_23, %parallel_loop3A_556] : memref<16x20xf32, #tpu.memory_space<vmem>>[vector<16xi32>, vector<16xi32>], vector<16xf32>,
      %parallel_loop3A_658 = arith.constant 4 : i32
      %parallel_loop3A_659 = arith.constant 1 : i32
      %parallel_loop3A_660 = arith.constant 2 : i32
      %parallel_loop3A_661 = arith.index_cast %parallel_loop3A_658 : i32 to index
      %parallel_loop3A_662 = arith.index_cast %parallel_loop3A_659 : i32 to index
      %parallel_loop3A_663 = arith.index_cast %parallel_loop3A_532 : i32 to index
      %parallel_loop3A_664 = arith.index_cast %parallel_loop3A_660 : i32 to index
      %parallel_loop3A_665 = arith.index_cast %parallel_loop3A_550 : i32 to index
      %parallel_loop3A_666 = tpu.vector_load %arg7[%parallel_loop3A_661, %parallel_loop3A_662, %parallel_loop3A_663, %parallel_loop3A_664, %parallel_loop3A_665] {strides = array<i32>} : memref<9x2x4x8x128xf32, #tpu.memory_space<vmem>>, vector<16xf32>,
      tpu.vector_store %arg7[%parallel_loop3A_661, %parallel_loop3A_662, %parallel_loop3A_663, %parallel_loop3A_664, %parallel_loop3A_665], %parallel_loop3A_657 {strides = array<i32>} : memref<9x2x4x8x128xf32, #tpu.memory_space<vmem>>, vector<16xf32>,
      %parallel_loop3A_667 = tpu.vector_load_idx %arg5[%broadcast_in_dim3A_25, %parallel_loop3A_556] : memref<16x20xf32, #tpu.memory_space<vmem>>[vector<16xi32>, vector<16xi32>], vector<16xf32>,
      %parallel_loop3A_668 = arith.constant 4 : i32
      %parallel_loop3A_669 = arith.constant 1 : i32
      %parallel_loop3A_670 = arith.constant 3 : i32
      %parallel_loop3A_671 = arith.index_cast %parallel_loop3A_668 : i32 to index
      %parallel_loop3A_672 = arith.index_cast %parallel_loop3A_669 : i32 to index
      %parallel_loop3A_673 = arith.index_cast %parallel_loop3A_532 : i32 to index
      %parallel_loop3A_674 = arith.index_cast %parallel_loop3A_670 : i32 to index
      %parallel_loop3A_675 = arith.index_cast %parallel_loop3A_550 : i32 to index
      %parallel_loop3A_676 = tpu.vector_load %arg7[%parallel_loop3A_671, %parallel_loop3A_672, %parallel_loop3A_673, %parallel_loop3A_674, %parallel_loop3A_675] {strides = array<i32>} : memref<9x2x4x8x128xf32, #tpu.memory_space<vmem>>, vector<16xf32>,
      tpu.vector_store %arg7[%parallel_loop3A_671, %parallel_loop3A_672, %parallel_loop3A_673, %parallel_loop3A_674, %parallel_loop3A_675], %parallel_loop3A_667 {strides = array<i32>} : memref<9x2x4x8x128xf32, #tpu.memory_space<vmem>>, vector<16xf32>,
      %parallel_loop3A_677 = tpu.vector_load_idx %arg5[%broadcast_in_dim3A_27, %parallel_loop3A_556] : memref<16x20xf32, #tpu.memory_space<vmem>>[vector<16xi32>, vector<16xi32>], vector<16xf32>,
      %parallel_loop3A_678 = arith.constant 4 : i32
      %parallel_loop3A_679 = arith.constant 1 : i32
      %parallel_loop3A_680 = arith.constant 4 : i32
      %parallel_loop3A_681 = arith.index_cast %parallel_loop3A_678 : i32 to index
      %parallel_loop3A_682 = arith.index_cast %parallel_loop3A_679 : i32 to index
      %parallel_loop3A_683 = arith.index_cast %parallel_loop3A_532 : i32 to index
      %parallel_loop3A_684 = arith.index_cast %parallel_loop3A_680 : i32 to index
      %parallel_loop3A_685 = arith.index_cast %parallel_loop3A_550 : i32 to index
      %parallel_loop3A_686 = tpu.vector_load %arg7[%parallel_loop3A_681, %parallel_loop3A_682, %parallel_loop3A_683, %parallel_loop3A_684, %parallel_loop3A_685] {strides = array<i32>} : memref<9x2x4x8x128xf32, #tpu.memory_space<vmem>>, vector<16xf32>,
      tpu.vector_store %arg7[%parallel_loop3A_681, %parallel_loop3A_682, %parallel_loop3A_683, %parallel_loop3A_684, %parallel_loop3A_685], %parallel_loop3A_677 {strides = array<i32>} : memref<9x2x4x8x128xf32, #tpu.memory_space<vmem>>, vector<16xf32>,
      %parallel_loop3A_687 = tpu.vector_load_idx %arg5[%broadcast_in_dim3A_29, %parallel_loop3A_556] : memref<16x20xf32, #tpu.memory_space<vmem>>[vector<16xi32>, vector<16xi32>], vector<16xf32>,
      %parallel_loop3A_688 = arith.constant 4 : i32
      %parallel_loop3A_689 = arith.constant 1 : i32
      %parallel_loop3A_690 = arith.constant 5 : i32
      %parallel_loop3A_691 = arith.index_cast %parallel_loop3A_688 : i32 to index
      %parallel_loop3A_692 = arith.index_cast %parallel_loop3A_689 : i32 to index
      %parallel_loop3A_693 = arith.index_cast %parallel_loop3A_532 : i32 to index
      %parallel_loop3A_694 = arith.index_cast %parallel_loop3A_690 : i32 to index
      %parallel_loop3A_695 = arith.index_cast %parallel_loop3A_550 : i32 to index
      %parallel_loop3A_696 = tpu.vector_load %arg7[%parallel_loop3A_691, %parallel_loop3A_692, %parallel_loop3A_693, %parallel_loop3A_694, %parallel_loop3A_695] {strides = array<i32>} : memref<9x2x4x8x128xf32, #tpu.memory_space<vmem>>, vector<16xf32>,
      tpu.vector_store %arg7[%parallel_loop3A_691, %parallel_loop3A_692, %parallel_loop3A_693, %parallel_loop3A_694, %parallel_loop3A_695], %parallel_loop3A_687 {strides = array<i32>} : memref<9x2x4x8x128xf32, #tpu.memory_space<vmem>>, vector<16xf32>,
      %parallel_loop3A_697 = tpu.vector_load_idx %arg5[%broadcast_in_dim3A_31, %parallel_loop3A_556] : memref<16x20xf32, #tpu.memory_space<vmem>>[vector<16xi32>, vector<16xi32>], vector<16xf32>,
      %parallel_loop3A_698 = arith.constant 4 : i32
      %parallel_loop3A_699 = arith.constant 1 : i32
      %parallel_loop3A_700 = arith.constant 6 : i32
      %parallel_loop3A_701 = arith.index_cast %parallel_loop3A_698 : i32 to index
      %parallel_loop3A_702 = arith.index_cast %parallel_loop3A_699 : i32 to index
      %parallel_loop3A_703 = arith.index_cast %parallel_loop3A_532 : i32 to index
      %parallel_loop3A_704 = arith.index_cast %parallel_loop3A_700 : i32 to index
      %parallel_loop3A_705 = arith.index_cast %parallel_loop3A_550 : i32 to index
      %parallel_loop3A_706 = tpu.vector_load %arg7[%parallel_loop3A_701, %parallel_loop3A_702, %parallel_loop3A_703, %parallel_loop3A_704, %parallel_loop3A_705] {strides = array<i32>} : memref<9x2x4x8x128xf32, #tpu.memory_space<vmem>>, vector<16xf32>,
      tpu.vector_store %arg7[%parallel_loop3A_701, %parallel_loop3A_702, %parallel_loop3A_703, %parallel_loop3A_704, %parallel_loop3A_705], %parallel_loop3A_697 {strides = array<i32>} : memref<9x2x4x8x128xf32, #tpu.memory_space<vmem>>, vector<16xf32>,
      %parallel_loop3A_707 = tpu.vector_load_idx %arg5[%broadcast_in_dim3A_33, %parallel_loop3A_556] : memref<16x20xf32, #tpu.memory_space<vmem>>[vector<16xi32>, vector<16xi32>], vector<16xf32>,
      %parallel_loop3A_708 = arith.constant 4 : i32
      %parallel_loop3A_709 = arith.constant 1 : i32
      %parallel_loop3A_710 = arith.constant 7 : i32
      %parallel_loop3A_711 = arith.index_cast %parallel_loop3A_708 : i32 to index
      %parallel_loop3A_712 = arith.index_cast %parallel_loop3A_709 : i32 to index
      %parallel_loop3A_713 = arith.index_cast %parallel_loop3A_532 : i32 to index
      %parallel_loop3A_714 = arith.index_cast %parallel_loop3A_710 : i32 to index
      %parallel_loop3A_715 = arith.index_cast %parallel_loop3A_550 : i32 to index
      %parallel_loop3A_716 = tpu.vector_load %arg7[%parallel_loop3A_711, %parallel_loop3A_712, %parallel_loop3A_713, %parallel_loop3A_714, %parallel_loop3A_715] {strides = array<i32>} : memref<9x2x4x8x128xf32, #tpu.memory_space<vmem>>, vector<16xf32>,
      tpu.vector_store %arg7[%parallel_loop3A_711, %parallel_loop3A_712, %parallel_loop3A_713, %parallel_loop3A_714, %parallel_loop3A_715], %parallel_loop3A_707 {strides = array<i32>} : memref<9x2x4x8x128xf32, #tpu.memory_space<vmem>>, vector<16xf32>,
    } {sc.loop_unroll_factor = 1 : i64, sc.parallel_access}
    %mul3A_151 = arith.constant 4 : i32
    %mul3A_152 = arith.muli %add3A, %mul3A_151 : i32
    %dma_start3A_153 = arith.constant 4 : i32
    %dma_start3A_154 = arith.constant 4 : i32
    %dma_start3A_155 = arith.constant 0 : i32
    %dma_start3A_156 = arith.constant 0 : i32
    %dma_start3A_157 = arith.constant 0 : i32
    %dma_start3A_158 = arith.constant 0 : i32
    %dma_start3A_159 = tpu.memref_slice %arg7[%dma_start3A_153, %dma_start3A_155, %dma_start3A_156, %dma_start3A_157, %dma_start3A_158] : memref<9x2x4x8x128xf32, #tpu.memory_space<vmem>> -> memref<1x2x4x8x128xf32, #tpu.memory_space<vmem>>
    %dma_start3A_160 = tpu.memref_squeeze %dma_start3A_159 : memref<1x2x4x8x128xf32, #tpu.memory_space<vmem>> -> memref<2x4x8x128xf32, #tpu.memory_space<vmem>>
    %dma_start3A_161 = arith.constant 0 : i32
    %dma_start3A_162 = arith.constant 0 : i32
    %dma_start3A_163 = arith.constant 0 : i32
    %dma_start3A_164 = tpu.memref_slice %arg4[%dma_start3A_154, %dma_start3A_161, %mul3A_152, %dma_start3A_162, %dma_start3A_163] : memref<9x2x128x8x128xf32, #tpu.memory_space<hbm>> -> memref<1x2x4x8x128xf32, #tpu.memory_space<hbm>>
    %dma_start3A_165 = tpu.memref_squeeze %dma_start3A_164 : memref<1x2x4x8x128xf32, #tpu.memory_space<hbm>> -> memref<2x4x8x128xf32, #tpu.memory_space<hbm>>
    %dma_start3A_166 = arith.constant 0 : i32
    %dma_start3A_167 = arith.constant 0 : i32
    %dma_start3A_168 = arith.constant 0 : i32
    %dma_start3A_169 = tpu.memref_slice %arg4[%dma_start3A_154, %dma_start3A_166, %mul3A_152, %dma_start3A_167, %dma_start3A_168] : memref<9x2x128x8x128xf32, #tpu.memory_space<hbm>> -> memref<1x2x4x8x128xf32, #tpu.memory_space<hbm>>
    %dma_start3A_170 = tpu.memref_squeeze %dma_start3A_169 : memref<1x2x4x8x128xf32, #tpu.memory_space<hbm>> -> memref<2x4x8x128xf32, #tpu.memory_space<hbm>>
    %dma_start3A_171 = arith.constant 0 : i32
    %dma_start3A_172 = arith.constant 0 : i32
    %dma_start3A_173 = arith.constant 0 : i32
    %dma_start3A_174 = arith.constant 0 : i32
    %dma_start3A_175 = tpu.memref_slice %arg7[%dma_start3A_153, %dma_start3A_171, %dma_start3A_172, %dma_start3A_173, %dma_start3A_174] : memref<9x2x4x8x128xf32, #tpu.memory_space<vmem>> -> memref<1x2x4x8x128xf32, #tpu.memory_space<vmem>>
    %dma_start3A_176 = tpu.memref_squeeze %dma_start3A_175 : memref<1x2x4x8x128xf32, #tpu.memory_space<vmem>> -> memref<2x4x8x128xf32, #tpu.memory_space<vmem>>
    tpu.enqueue_dma source(%dma_start3A_176 : memref<2x4x8x128xf32, #tpu.memory_space<vmem>>) target(%dma_start3A_170 : memref<2x4x8x128xf32, #tpu.memory_space<hbm>>) target_semaphore(%arg8 : memref<!tpu.dma_semaphore, #tpu.memory_space<semaphore_mem>>)
    %parallel_loop3A_177 = arith.constant 0 : i32
    %parallel_loop3A_178 = arith.constant 32 : i32
    %parallel_loop3A_179 = arith.constant 1 : i32
    scf.for %parallel_loop3A_508 = %parallel_loop3A_177 to %parallel_loop3A_178 step %parallel_loop3A_179  : i32 {
      %parallel_loop3A_509 = arith.constant 8 : i32
      %parallel_loop3A_510 = arith.divsi %parallel_loop3A_508, %parallel_loop3A_509 : i32
      %parallel_loop3A_511 = arith.constant 0 : i32
      %parallel_loop3A_512 = arith.cmpi sgt, %parallel_loop3A_508, %parallel_loop3A_511 : i32
      %parallel_loop3A_513 = arith.extui %parallel_loop3A_512 : i1 to i32
      %parallel_loop3A_514 = arith.constant 0 : i32
      %parallel_loop3A_515 = arith.cmpi slt, %parallel_loop3A_508, %parallel_loop3A_514 : i32
      %parallel_loop3A_516 = arith.extui %parallel_loop3A_515 : i1 to i32
      %parallel_loop3A_517 = arith.subi %parallel_loop3A_513, %parallel_loop3A_516 : i32
      %parallel_loop3A_518 = arith.constant 0 : i32
      %parallel_loop3A_519 = arith.cmpi sgt, %parallel_loop3A_509, %parallel_loop3A_518 : i32
      %parallel_loop3A_520 = arith.extui %parallel_loop3A_519 : i1 to i32
      %parallel_loop3A_521 = arith.constant 0 : i32
      %parallel_loop3A_522 = arith.cmpi slt, %parallel_loop3A_509, %parallel_loop3A_521 : i32
      %parallel_loop3A_523 = arith.extui %parallel_loop3A_522 : i1 to i32
      %parallel_loop3A_524 = arith.subi %parallel_loop3A_520, %parallel_loop3A_523 : i32
      %parallel_loop3A_525 = arith.cmpi ne, %parallel_loop3A_517, %parallel_loop3A_524 : i32
      %parallel_loop3A_526 = arith.remsi %parallel_loop3A_508, %parallel_loop3A_509 : i32
      %parallel_loop3A_527 = arith.constant 0 : i32
      %parallel_loop3A_528 = arith.cmpi ne, %parallel_loop3A_526, %parallel_loop3A_527 : i32
      %parallel_loop3A_529 = arith.andi %parallel_loop3A_525, %parallel_loop3A_528 : i1
      %parallel_loop3A_530 = arith.constant 1 : i32
      %parallel_loop3A_531 = arith.subi %parallel_loop3A_510, %parallel_loop3A_530 : i32
      %parallel_loop3A_532 = arith.select %parallel_loop3A_529, %parallel_loop3A_531, %parallel_loop3A_510 : i32
      %parallel_loop3A_533 = arith.constant 8 : i32
      %parallel_loop3A_534 = arith.constant 0 : i32
      %parallel_loop3A_535 = arith.cmpi eq, %parallel_loop3A_533, %parallel_loop3A_534 : i32
      %parallel_loop3A_536 = arith.constant 1 : i32
      %parallel_loop3A_537 = arith.select %parallel_loop3A_535, %parallel_loop3A_536, %parallel_loop3A_533 : i32
      %parallel_loop3A_538 = arith.remsi %parallel_loop3A_508, %parallel_loop3A_537 : i32
      %parallel_loop3A_539 = arith.constant 0 : i32
      %parallel_loop3A_540 = arith.cmpi ne, %parallel_loop3A_538, %parallel_loop3A_539 : i32
      %parallel_loop3A_541 = arith.constant 0 : i32
      %parallel_loop3A_542 = arith.cmpi slt, %parallel_loop3A_538, %parallel_loop3A_541 : i32
      %parallel_loop3A_543 = arith.constant 0 : i32
      %parallel_loop3A_544 = arith.cmpi slt, %parallel_loop3A_537, %parallel_loop3A_543 : i32
      %parallel_loop3A_545 = arith.xori %parallel_loop3A_542, %parallel_loop3A_544 : i1
      %parallel_loop3A_546 = arith.andi %parallel_loop3A_545, %parallel_loop3A_540 : i1
      %parallel_loop3A_547 = arith.addi %parallel_loop3A_538, %parallel_loop3A_537 : i32
      %parallel_loop3A_548 = arith.select %parallel_loop3A_546, %parallel_loop3A_547, %parallel_loop3A_538 : i32
      %parallel_loop3A_549 = arith.constant 16 : i32
      %parallel_loop3A_550 = arith.muli %parallel_loop3A_548, %parallel_loop3A_549 : i32
      %parallel_loop3A_551 = arith.constant 16 : i32
      %parallel_loop3A_552 = arith.muli %parallel_loop3A_508, %parallel_loop3A_551 : i32
      %parallel_loop3A_553 = arith.constant 5 : i32
      %parallel_loop3A_554 = arith.index_cast %parallel_loop3A_553 : i32 to index
      %parallel_loop3A_555 = arith.index_cast %parallel_loop3A_552 : i32 to index
      %parallel_loop3A_556 = tpu.vector_load %arg6[%parallel_loop3A_554, %parallel_loop3A_555] {strides = array<i32>} : memref<9x512xi32, #tpu.memory_space<vmem>>, vector<16xi32>,
      %parallel_loop3A_557 = tpu.vector_load_idx %arg5[%broadcast_in_dim3A_3, %parallel_loop3A_556] : memref<16x20xf32, #tpu.memory_space<vmem>>[vector<16xi32>, vector<16xi32>], vector<16xf32>,
      %parallel_loop3A_558 = arith.constant 5 : i32
      %parallel_loop3A_559 = arith.constant 0 : i32
      %parallel_loop3A_560 = arith.constant 0 : i32
      %parallel_loop3A_561 = arith.index_cast %parallel_loop3A_558 : i32 to index
      %parallel_loop3A_562 = arith.index_cast %parallel_loop3A_559 : i32 to index
      %parallel_loop3A_563 = arith.index_cast %parallel_loop3A_532 : i32 to index
      %parallel_loop3A_564 = arith.index_cast %parallel_loop3A_560 : i32 to index
      %parallel_loop3A_565 = arith.index_cast %parallel_loop3A_550 : i32 to index
      %parallel_loop3A_566 = tpu.vector_load %arg7[%parallel_loop3A_561, %parallel_loop3A_562, %parallel_loop3A_563, %parallel_loop3A_564, %parallel_loop3A_565] {strides = array<i32>} : memref<9x2x4x8x128xf32, #tpu.memory_space<vmem>>, vector<16xf32>,
      tpu.vector_store %arg7[%parallel_loop3A_561, %parallel_loop3A_562, %parallel_loop3A_563, %parallel_loop3A_564, %parallel_loop3A_565], %parallel_loop3A_557 {strides = array<i32>} : memref<9x2x4x8x128xf32, #tpu.memory_space<vmem>>, vector<16xf32>,
      %parallel_loop3A_567 = tpu.vector_load_idx %arg5[%broadcast_in_dim3A_5, %parallel_loop3A_556] : memref<16x20xf32, #tpu.memory_space<vmem>>[vector<16xi32>, vector<16xi32>], vector<16xf32>,
      %parallel_loop3A_568 = arith.constant 5 : i32
      %parallel_loop3A_569 = arith.constant 0 : i32
      %parallel_loop3A_570 = arith.constant 1 : i32
      %parallel_loop3A_571 = arith.index_cast %parallel_loop3A_568 : i32 to index
      %parallel_loop3A_572 = arith.index_cast %parallel_loop3A_569 : i32 to index
      %parallel_loop3A_573 = arith.index_cast %parallel_loop3A_532 : i32 to index
      %parallel_loop3A_574 = arith.index_cast %parallel_loop3A_570 : i32 to index
      %parallel_loop3A_575 = arith.index_cast %parallel_loop3A_550 : i32 to index
      %parallel_loop3A_576 = tpu.vector_load %arg7[%parallel_loop3A_571, %parallel_loop3A_572, %parallel_loop3A_573, %parallel_loop3A_574, %parallel_loop3A_575] {strides = array<i32>} : memref<9x2x4x8x128xf32, #tpu.memory_space<vmem>>, vector<16xf32>,
      tpu.vector_store %arg7[%parallel_loop3A_571, %parallel_loop3A_572, %parallel_loop3A_573, %parallel_loop3A_574, %parallel_loop3A_575], %parallel_loop3A_567 {strides = array<i32>} : memref<9x2x4x8x128xf32, #tpu.memory_space<vmem>>, vector<16xf32>,
      %parallel_loop3A_577 = tpu.vector_load_idx %arg5[%broadcast_in_dim3A_7, %parallel_loop3A_556] : memref<16x20xf32, #tpu.memory_space<vmem>>[vector<16xi32>, vector<16xi32>], vector<16xf32>,
      %parallel_loop3A_578 = arith.constant 5 : i32
      %parallel_loop3A_579 = arith.constant 0 : i32
      %parallel_loop3A_580 = arith.constant 2 : i32
      %parallel_loop3A_581 = arith.index_cast %parallel_loop3A_578 : i32 to index
      %parallel_loop3A_582 = arith.index_cast %parallel_loop3A_579 : i32 to index
      %parallel_loop3A_583 = arith.index_cast %parallel_loop3A_532 : i32 to index
      %parallel_loop3A_584 = arith.index_cast %parallel_loop3A_580 : i32 to index
      %parallel_loop3A_585 = arith.index_cast %parallel_loop3A_550 : i32 to index
      %parallel_loop3A_586 = tpu.vector_load %arg7[%parallel_loop3A_581, %parallel_loop3A_582, %parallel_loop3A_583, %parallel_loop3A_584, %parallel_loop3A_585] {strides = array<i32>} : memref<9x2x4x8x128xf32, #tpu.memory_space<vmem>>, vector<16xf32>,
      tpu.vector_store %arg7[%parallel_loop3A_581, %parallel_loop3A_582, %parallel_loop3A_583, %parallel_loop3A_584, %parallel_loop3A_585], %parallel_loop3A_577 {strides = array<i32>} : memref<9x2x4x8x128xf32, #tpu.memory_space<vmem>>, vector<16xf32>,
      %parallel_loop3A_587 = tpu.vector_load_idx %arg5[%broadcast_in_dim3A_9, %parallel_loop3A_556] : memref<16x20xf32, #tpu.memory_space<vmem>>[vector<16xi32>, vector<16xi32>], vector<16xf32>,
      %parallel_loop3A_588 = arith.constant 5 : i32
      %parallel_loop3A_589 = arith.constant 0 : i32
      %parallel_loop3A_590 = arith.constant 3 : i32
      %parallel_loop3A_591 = arith.index_cast %parallel_loop3A_588 : i32 to index
      %parallel_loop3A_592 = arith.index_cast %parallel_loop3A_589 : i32 to index
      %parallel_loop3A_593 = arith.index_cast %parallel_loop3A_532 : i32 to index
      %parallel_loop3A_594 = arith.index_cast %parallel_loop3A_590 : i32 to index
      %parallel_loop3A_595 = arith.index_cast %parallel_loop3A_550 : i32 to index
      %parallel_loop3A_596 = tpu.vector_load %arg7[%parallel_loop3A_591, %parallel_loop3A_592, %parallel_loop3A_593, %parallel_loop3A_594, %parallel_loop3A_595] {strides = array<i32>} : memref<9x2x4x8x128xf32, #tpu.memory_space<vmem>>, vector<16xf32>,
      tpu.vector_store %arg7[%parallel_loop3A_591, %parallel_loop3A_592, %parallel_loop3A_593, %parallel_loop3A_594, %parallel_loop3A_595], %parallel_loop3A_587 {strides = array<i32>} : memref<9x2x4x8x128xf32, #tpu.memory_space<vmem>>, vector<16xf32>,
      %parallel_loop3A_597 = tpu.vector_load_idx %arg5[%broadcast_in_dim3A_11, %parallel_loop3A_556] : memref<16x20xf32, #tpu.memory_space<vmem>>[vector<16xi32>, vector<16xi32>], vector<16xf32>,
      %parallel_loop3A_598 = arith.constant 5 : i32
      %parallel_loop3A_599 = arith.constant 0 : i32
      %parallel_loop3A_600 = arith.constant 4 : i32
      %parallel_loop3A_601 = arith.index_cast %parallel_loop3A_598 : i32 to index
      %parallel_loop3A_602 = arith.index_cast %parallel_loop3A_599 : i32 to index
      %parallel_loop3A_603 = arith.index_cast %parallel_loop3A_532 : i32 to index
      %parallel_loop3A_604 = arith.index_cast %parallel_loop3A_600 : i32 to index
      %parallel_loop3A_605 = arith.index_cast %parallel_loop3A_550 : i32 to index
      %parallel_loop3A_606 = tpu.vector_load %arg7[%parallel_loop3A_601, %parallel_loop3A_602, %parallel_loop3A_603, %parallel_loop3A_604, %parallel_loop3A_605] {strides = array<i32>} : memref<9x2x4x8x128xf32, #tpu.memory_space<vmem>>, vector<16xf32>,
      tpu.vector_store %arg7[%parallel_loop3A_601, %parallel_loop3A_602, %parallel_loop3A_603, %parallel_loop3A_604, %parallel_loop3A_605], %parallel_loop3A_597 {strides = array<i32>} : memref<9x2x4x8x128xf32, #tpu.memory_space<vmem>>, vector<16xf32>,
      %parallel_loop3A_607 = tpu.vector_load_idx %arg5[%broadcast_in_dim3A_13, %parallel_loop3A_556] : memref<16x20xf32, #tpu.memory_space<vmem>>[vector<16xi32>, vector<16xi32>], vector<16xf32>,
      %parallel_loop3A_608 = arith.constant 5 : i32
      %parallel_loop3A_609 = arith.constant 0 : i32
      %parallel_loop3A_610 = arith.constant 5 : i32
      %parallel_loop3A_611 = arith.index_cast %parallel_loop3A_608 : i32 to index
      %parallel_loop3A_612 = arith.index_cast %parallel_loop3A_609 : i32 to index
      %parallel_loop3A_613 = arith.index_cast %parallel_loop3A_532 : i32 to index
      %parallel_loop3A_614 = arith.index_cast %parallel_loop3A_610 : i32 to index
      %parallel_loop3A_615 = arith.index_cast %parallel_loop3A_550 : i32 to index
      %parallel_loop3A_616 = tpu.vector_load %arg7[%parallel_loop3A_611, %parallel_loop3A_612, %parallel_loop3A_613, %parallel_loop3A_614, %parallel_loop3A_615] {strides = array<i32>} : memref<9x2x4x8x128xf32, #tpu.memory_space<vmem>>, vector<16xf32>,
      tpu.vector_store %arg7[%parallel_loop3A_611, %parallel_loop3A_612, %parallel_loop3A_613, %parallel_loop3A_614, %parallel_loop3A_615], %parallel_loop3A_607 {strides = array<i32>} : memref<9x2x4x8x128xf32, #tpu.memory_space<vmem>>, vector<16xf32>,
      %parallel_loop3A_617 = tpu.vector_load_idx %arg5[%broadcast_in_dim3A_15, %parallel_loop3A_556] : memref<16x20xf32, #tpu.memory_space<vmem>>[vector<16xi32>, vector<16xi32>], vector<16xf32>,
      %parallel_loop3A_618 = arith.constant 5 : i32
      %parallel_loop3A_619 = arith.constant 0 : i32
      %parallel_loop3A_620 = arith.constant 6 : i32
      %parallel_loop3A_621 = arith.index_cast %parallel_loop3A_618 : i32 to index
      %parallel_loop3A_622 = arith.index_cast %parallel_loop3A_619 : i32 to index
      %parallel_loop3A_623 = arith.index_cast %parallel_loop3A_532 : i32 to index
      %parallel_loop3A_624 = arith.index_cast %parallel_loop3A_620 : i32 to index
      %parallel_loop3A_625 = arith.index_cast %parallel_loop3A_550 : i32 to index
      %parallel_loop3A_626 = tpu.vector_load %arg7[%parallel_loop3A_621, %parallel_loop3A_622, %parallel_loop3A_623, %parallel_loop3A_624, %parallel_loop3A_625] {strides = array<i32>} : memref<9x2x4x8x128xf32, #tpu.memory_space<vmem>>, vector<16xf32>,
      tpu.vector_store %arg7[%parallel_loop3A_621, %parallel_loop3A_622, %parallel_loop3A_623, %parallel_loop3A_624, %parallel_loop3A_625], %parallel_loop3A_617 {strides = array<i32>} : memref<9x2x4x8x128xf32, #tpu.memory_space<vmem>>, vector<16xf32>,
      %parallel_loop3A_627 = tpu.vector_load_idx %arg5[%broadcast_in_dim3A_17, %parallel_loop3A_556] : memref<16x20xf32, #tpu.memory_space<vmem>>[vector<16xi32>, vector<16xi32>], vector<16xf32>,
      %parallel_loop3A_628 = arith.constant 5 : i32
      %parallel_loop3A_629 = arith.constant 0 : i32
      %parallel_loop3A_630 = arith.constant 7 : i32
      %parallel_loop3A_631 = arith.index_cast %parallel_loop3A_628 : i32 to index
      %parallel_loop3A_632 = arith.index_cast %parallel_loop3A_629 : i32 to index
      %parallel_loop3A_633 = arith.index_cast %parallel_loop3A_532 : i32 to index
      %parallel_loop3A_634 = arith.index_cast %parallel_loop3A_630 : i32 to index
      %parallel_loop3A_635 = arith.index_cast %parallel_loop3A_550 : i32 to index
      %parallel_loop3A_636 = tpu.vector_load %arg7[%parallel_loop3A_631, %parallel_loop3A_632, %parallel_loop3A_633, %parallel_loop3A_634, %parallel_loop3A_635] {strides = array<i32>} : memref<9x2x4x8x128xf32, #tpu.memory_space<vmem>>, vector<16xf32>,
      tpu.vector_store %arg7[%parallel_loop3A_631, %parallel_loop3A_632, %parallel_loop3A_633, %parallel_loop3A_634, %parallel_loop3A_635], %parallel_loop3A_627 {strides = array<i32>} : memref<9x2x4x8x128xf32, #tpu.memory_space<vmem>>, vector<16xf32>,
      %parallel_loop3A_637 = tpu.vector_load_idx %arg5[%broadcast_in_dim3A_19, %parallel_loop3A_556] : memref<16x20xf32, #tpu.memory_space<vmem>>[vector<16xi32>, vector<16xi32>], vector<16xf32>,
      %parallel_loop3A_638 = arith.constant 5 : i32
      %parallel_loop3A_639 = arith.constant 1 : i32
      %parallel_loop3A_640 = arith.constant 0 : i32
      %parallel_loop3A_641 = arith.index_cast %parallel_loop3A_638 : i32 to index
      %parallel_loop3A_642 = arith.index_cast %parallel_loop3A_639 : i32 to index
      %parallel_loop3A_643 = arith.index_cast %parallel_loop3A_532 : i32 to index
      %parallel_loop3A_644 = arith.index_cast %parallel_loop3A_640 : i32 to index
      %parallel_loop3A_645 = arith.index_cast %parallel_loop3A_550 : i32 to index
      %parallel_loop3A_646 = tpu.vector_load %arg7[%parallel_loop3A_641, %parallel_loop3A_642, %parallel_loop3A_643, %parallel_loop3A_644, %parallel_loop3A_645] {strides = array<i32>} : memref<9x2x4x8x128xf32, #tpu.memory_space<vmem>>, vector<16xf32>,
      tpu.vector_store %arg7[%parallel_loop3A_641, %parallel_loop3A_642, %parallel_loop3A_643, %parallel_loop3A_644, %parallel_loop3A_645], %parallel_loop3A_637 {strides = array<i32>} : memref<9x2x4x8x128xf32, #tpu.memory_space<vmem>>, vector<16xf32>,
      %parallel_loop3A_647 = tpu.vector_load_idx %arg5[%broadcast_in_dim3A_21, %parallel_loop3A_556] : memref<16x20xf32, #tpu.memory_space<vmem>>[vector<16xi32>, vector<16xi32>], vector<16xf32>,
      %parallel_loop3A_648 = arith.constant 5 : i32
      %parallel_loop3A_649 = arith.constant 1 : i32
      %parallel_loop3A_650 = arith.constant 1 : i32
      %parallel_loop3A_651 = arith.index_cast %parallel_loop3A_648 : i32 to index
      %parallel_loop3A_652 = arith.index_cast %parallel_loop3A_649 : i32 to index
      %parallel_loop3A_653 = arith.index_cast %parallel_loop3A_532 : i32 to index
      %parallel_loop3A_654 = arith.index_cast %parallel_loop3A_650 : i32 to index
      %parallel_loop3A_655 = arith.index_cast %parallel_loop3A_550 : i32 to index
      %parallel_loop3A_656 = tpu.vector_load %arg7[%parallel_loop3A_651, %parallel_loop3A_652, %parallel_loop3A_653, %parallel_loop3A_654, %parallel_loop3A_655] {strides = array<i32>} : memref<9x2x4x8x128xf32, #tpu.memory_space<vmem>>, vector<16xf32>,
      tpu.vector_store %arg7[%parallel_loop3A_651, %parallel_loop3A_652, %parallel_loop3A_653, %parallel_loop3A_654, %parallel_loop3A_655], %parallel_loop3A_647 {strides = array<i32>} : memref<9x2x4x8x128xf32, #tpu.memory_space<vmem>>, vector<16xf32>,
      %parallel_loop3A_657 = tpu.vector_load_idx %arg5[%broadcast_in_dim3A_23, %parallel_loop3A_556] : memref<16x20xf32, #tpu.memory_space<vmem>>[vector<16xi32>, vector<16xi32>], vector<16xf32>,
      %parallel_loop3A_658 = arith.constant 5 : i32
      %parallel_loop3A_659 = arith.constant 1 : i32
      %parallel_loop3A_660 = arith.constant 2 : i32
      %parallel_loop3A_661 = arith.index_cast %parallel_loop3A_658 : i32 to index
      %parallel_loop3A_662 = arith.index_cast %parallel_loop3A_659 : i32 to index
      %parallel_loop3A_663 = arith.index_cast %parallel_loop3A_532 : i32 to index
      %parallel_loop3A_664 = arith.index_cast %parallel_loop3A_660 : i32 to index
      %parallel_loop3A_665 = arith.index_cast %parallel_loop3A_550 : i32 to index
      %parallel_loop3A_666 = tpu.vector_load %arg7[%parallel_loop3A_661, %parallel_loop3A_662, %parallel_loop3A_663, %parallel_loop3A_664, %parallel_loop3A_665] {strides = array<i32>} : memref<9x2x4x8x128xf32, #tpu.memory_space<vmem>>, vector<16xf32>,
      tpu.vector_store %arg7[%parallel_loop3A_661, %parallel_loop3A_662, %parallel_loop3A_663, %parallel_loop3A_664, %parallel_loop3A_665], %parallel_loop3A_657 {strides = array<i32>} : memref<9x2x4x8x128xf32, #tpu.memory_space<vmem>>, vector<16xf32>,
      %parallel_loop3A_667 = tpu.vector_load_idx %arg5[%broadcast_in_dim3A_25, %parallel_loop3A_556] : memref<16x20xf32, #tpu.memory_space<vmem>>[vector<16xi32>, vector<16xi32>], vector<16xf32>,
      %parallel_loop3A_668 = arith.constant 5 : i32
      %parallel_loop3A_669 = arith.constant 1 : i32
      %parallel_loop3A_670 = arith.constant 3 : i32
      %parallel_loop3A_671 = arith.index_cast %parallel_loop3A_668 : i32 to index
      %parallel_loop3A_672 = arith.index_cast %parallel_loop3A_669 : i32 to index
      %parallel_loop3A_673 = arith.index_cast %parallel_loop3A_532 : i32 to index
      %parallel_loop3A_674 = arith.index_cast %parallel_loop3A_670 : i32 to index
      %parallel_loop3A_675 = arith.index_cast %parallel_loop3A_550 : i32 to index
      %parallel_loop3A_676 = tpu.vector_load %arg7[%parallel_loop3A_671, %parallel_loop3A_672, %parallel_loop3A_673, %parallel_loop3A_674, %parallel_loop3A_675] {strides = array<i32>} : memref<9x2x4x8x128xf32, #tpu.memory_space<vmem>>, vector<16xf32>,
      tpu.vector_store %arg7[%parallel_loop3A_671, %parallel_loop3A_672, %parallel_loop3A_673, %parallel_loop3A_674, %parallel_loop3A_675], %parallel_loop3A_667 {strides = array<i32>} : memref<9x2x4x8x128xf32, #tpu.memory_space<vmem>>, vector<16xf32>,
      %parallel_loop3A_677 = tpu.vector_load_idx %arg5[%broadcast_in_dim3A_27, %parallel_loop3A_556] : memref<16x20xf32, #tpu.memory_space<vmem>>[vector<16xi32>, vector<16xi32>], vector<16xf32>,
      %parallel_loop3A_678 = arith.constant 5 : i32
      %parallel_loop3A_679 = arith.constant 1 : i32
      %parallel_loop3A_680 = arith.constant 4 : i32
      %parallel_loop3A_681 = arith.index_cast %parallel_loop3A_678 : i32 to index
      %parallel_loop3A_682 = arith.index_cast %parallel_loop3A_679 : i32 to index
      %parallel_loop3A_683 = arith.index_cast %parallel_loop3A_532 : i32 to index
      %parallel_loop3A_684 = arith.index_cast %parallel_loop3A_680 : i32 to index
      %parallel_loop3A_685 = arith.index_cast %parallel_loop3A_550 : i32 to index
      %parallel_loop3A_686 = tpu.vector_load %arg7[%parallel_loop3A_681, %parallel_loop3A_682, %parallel_loop3A_683, %parallel_loop3A_684, %parallel_loop3A_685] {strides = array<i32>} : memref<9x2x4x8x128xf32, #tpu.memory_space<vmem>>, vector<16xf32>,
      tpu.vector_store %arg7[%parallel_loop3A_681, %parallel_loop3A_682, %parallel_loop3A_683, %parallel_loop3A_684, %parallel_loop3A_685], %parallel_loop3A_677 {strides = array<i32>} : memref<9x2x4x8x128xf32, #tpu.memory_space<vmem>>, vector<16xf32>,
      %parallel_loop3A_687 = tpu.vector_load_idx %arg5[%broadcast_in_dim3A_29, %parallel_loop3A_556] : memref<16x20xf32, #tpu.memory_space<vmem>>[vector<16xi32>, vector<16xi32>], vector<16xf32>,
      %parallel_loop3A_688 = arith.constant 5 : i32
      %parallel_loop3A_689 = arith.constant 1 : i32
      %parallel_loop3A_690 = arith.constant 5 : i32
      %parallel_loop3A_691 = arith.index_cast %parallel_loop3A_688 : i32 to index
      %parallel_loop3A_692 = arith.index_cast %parallel_loop3A_689 : i32 to index
      %parallel_loop3A_693 = arith.index_cast %parallel_loop3A_532 : i32 to index
      %parallel_loop3A_694 = arith.index_cast %parallel_loop3A_690 : i32 to index
      %parallel_loop3A_695 = arith.index_cast %parallel_loop3A_550 : i32 to index
      %parallel_loop3A_696 = tpu.vector_load %arg7[%parallel_loop3A_691, %parallel_loop3A_692, %parallel_loop3A_693, %parallel_loop3A_694, %parallel_loop3A_695] {strides = array<i32>} : memref<9x2x4x8x128xf32, #tpu.memory_space<vmem>>, vector<16xf32>,
      tpu.vector_store %arg7[%parallel_loop3A_691, %parallel_loop3A_692, %parallel_loop3A_693, %parallel_loop3A_694, %parallel_loop3A_695], %parallel_loop3A_687 {strides = array<i32>} : memref<9x2x4x8x128xf32, #tpu.memory_space<vmem>>, vector<16xf32>,
      %parallel_loop3A_697 = tpu.vector_load_idx %arg5[%broadcast_in_dim3A_31, %parallel_loop3A_556] : memref<16x20xf32, #tpu.memory_space<vmem>>[vector<16xi32>, vector<16xi32>], vector<16xf32>,
      %parallel_loop3A_698 = arith.constant 5 : i32
      %parallel_loop3A_699 = arith.constant 1 : i32
      %parallel_loop3A_700 = arith.constant 6 : i32
      %parallel_loop3A_701 = arith.index_cast %parallel_loop3A_698 : i32 to index
      %parallel_loop3A_702 = arith.index_cast %parallel_loop3A_699 : i32 to index
      %parallel_loop3A_703 = arith.index_cast %parallel_loop3A_532 : i32 to index
      %parallel_loop3A_704 = arith.index_cast %parallel_loop3A_700 : i32 to index
      %parallel_loop3A_705 = arith.index_cast %parallel_loop3A_550 : i32 to index
      %parallel_loop3A_706 = tpu.vector_load %arg7[%parallel_loop3A_701, %parallel_loop3A_702, %parallel_loop3A_703, %parallel_loop3A_704, %parallel_loop3A_705] {strides = array<i32>} : memref<9x2x4x8x128xf32, #tpu.memory_space<vmem>>, vector<16xf32>,
      tpu.vector_store %arg7[%parallel_loop3A_701, %parallel_loop3A_702, %parallel_loop3A_703, %parallel_loop3A_704, %parallel_loop3A_705], %parallel_loop3A_697 {strides = array<i32>} : memref<9x2x4x8x128xf32, #tpu.memory_space<vmem>>, vector<16xf32>,
      %parallel_loop3A_707 = tpu.vector_load_idx %arg5[%broadcast_in_dim3A_33, %parallel_loop3A_556] : memref<16x20xf32, #tpu.memory_space<vmem>>[vector<16xi32>, vector<16xi32>], vector<16xf32>,
      %parallel_loop3A_708 = arith.constant 5 : i32
      %parallel_loop3A_709 = arith.constant 1 : i32
      %parallel_loop3A_710 = arith.constant 7 : i32
      %parallel_loop3A_711 = arith.index_cast %parallel_loop3A_708 : i32 to index
      %parallel_loop3A_712 = arith.index_cast %parallel_loop3A_709 : i32 to index
      %parallel_loop3A_713 = arith.index_cast %parallel_loop3A_532 : i32 to index
      %parallel_loop3A_714 = arith.index_cast %parallel_loop3A_710 : i32 to index
      %parallel_loop3A_715 = arith.index_cast %parallel_loop3A_550 : i32 to index
      %parallel_loop3A_716 = tpu.vector_load %arg7[%parallel_loop3A_711, %parallel_loop3A_712, %parallel_loop3A_713, %parallel_loop3A_714, %parallel_loop3A_715] {strides = array<i32>} : memref<9x2x4x8x128xf32, #tpu.memory_space<vmem>>, vector<16xf32>,
      tpu.vector_store %arg7[%parallel_loop3A_711, %parallel_loop3A_712, %parallel_loop3A_713, %parallel_loop3A_714, %parallel_loop3A_715], %parallel_loop3A_707 {strides = array<i32>} : memref<9x2x4x8x128xf32, #tpu.memory_space<vmem>>, vector<16xf32>,
    } {sc.loop_unroll_factor = 1 : i64, sc.parallel_access}
    %mul3A_180 = arith.constant 4 : i32
    %mul3A_181 = arith.muli %add3A, %mul3A_180 : i32
    %dma_start3A_182 = arith.constant 5 : i32
    %dma_start3A_183 = arith.constant 5 : i32
    %dma_start3A_184 = arith.constant 0 : i32
    %dma_start3A_185 = arith.constant 0 : i32
    %dma_start3A_186 = arith.constant 0 : i32
    %dma_start3A_187 = arith.constant 0 : i32
    %dma_start3A_188 = tpu.memref_slice %arg7[%dma_start3A_182, %dma_start3A_184, %dma_start3A_185, %dma_start3A_186, %dma_start3A_187] : memref<9x2x4x8x128xf32, #tpu.memory_space<vmem>> -> memref<1x2x4x8x128xf32, #tpu.memory_space<vmem>>
    %dma_start3A_189 = tpu.memref_squeeze %dma_start3A_188 : memref<1x2x4x8x128xf32, #tpu.memory_space<vmem>> -> memref<2x4x8x128xf32, #tpu.memory_space<vmem>>
    %dma_start3A_190 = arith.constant 0 : i32
    %dma_start3A_191 = arith.constant 0 : i32
    %dma_start3A_192 = arith.constant 0 : i32
    %dma_start3A_193 = tpu.memref_slice %arg4[%dma_start3A_183, %dma_start3A_190, %mul3A_181, %dma_start3A_191, %dma_start3A_192] : memref<9x2x128x8x128xf32, #tpu.memory_space<hbm>> -> memref<1x2x4x8x128xf32, #tpu.memory_space<hbm>>
    %dma_start3A_194 = tpu.memref_squeeze %dma_start3A_193 : memref<1x2x4x8x128xf32, #tpu.memory_space<hbm>> -> memref<2x4x8x128xf32, #tpu.memory_space<hbm>>
    %dma_start3A_195 = arith.constant 0 : i32
    %dma_start3A_196 = arith.constant 0 : i32
    %dma_start3A_197 = arith.constant 0 : i32
    %dma_start3A_198 = tpu.memref_slice %arg4[%dma_start3A_183, %dma_start3A_195, %mul3A_181, %dma_start3A_196, %dma_start3A_197] : memref<9x2x128x8x128xf32, #tpu.memory_space<hbm>> -> memref<1x2x4x8x128xf32, #tpu.memory_space<hbm>>
    %dma_start3A_199 = tpu.memref_squeeze %dma_start3A_198 : memref<1x2x4x8x128xf32, #tpu.memory_space<hbm>> -> memref<2x4x8x128xf32, #tpu.memory_space<hbm>>
    %dma_start3A_200 = arith.constant 0 : i32
    %dma_start3A_201 = arith.constant 0 : i32
    %dma_start3A_202 = arith.constant 0 : i32
    %dma_start3A_203 = arith.constant 0 : i32
    %dma_start3A_204 = tpu.memref_slice %arg7[%dma_start3A_182, %dma_start3A_200, %dma_start3A_201, %dma_start3A_202, %dma_start3A_203] : memref<9x2x4x8x128xf32, #tpu.memory_space<vmem>> -> memref<1x2x4x8x128xf32, #tpu.memory_space<vmem>>
    %dma_start3A_205 = tpu.memref_squeeze %dma_start3A_204 : memref<1x2x4x8x128xf32, #tpu.memory_space<vmem>> -> memref<2x4x8x128xf32, #tpu.memory_space<vmem>>
    tpu.enqueue_dma source(%dma_start3A_205 : memref<2x4x8x128xf32, #tpu.memory_space<vmem>>) target(%dma_start3A_199 : memref<2x4x8x128xf32, #tpu.memory_space<hbm>>) target_semaphore(%arg8 : memref<!tpu.dma_semaphore, #tpu.memory_space<semaphore_mem>>)
    %parallel_loop3A_206 = arith.constant 0 : i32
    %parallel_loop3A_207 = arith.constant 32 : i32
    %parallel_loop3A_208 = arith.constant 1 : i32
    scf.for %parallel_loop3A_508 = %parallel_loop3A_206 to %parallel_loop3A_207 step %parallel_loop3A_208  : i32 {
      %parallel_loop3A_509 = arith.constant 8 : i32
      %parallel_loop3A_510 = arith.divsi %parallel_loop3A_508, %parallel_loop3A_509 : i32
      %parallel_loop3A_511 = arith.constant 0 : i32
      %parallel_loop3A_512 = arith.cmpi sgt, %parallel_loop3A_508, %parallel_loop3A_511 : i32
      %parallel_loop3A_513 = arith.extui %parallel_loop3A_512 : i1 to i32
      %parallel_loop3A_514 = arith.constant 0 : i32
      %parallel_loop3A_515 = arith.cmpi slt, %parallel_loop3A_508, %parallel_loop3A_514 : i32
      %parallel_loop3A_516 = arith.extui %parallel_loop3A_515 : i1 to i32
      %parallel_loop3A_517 = arith.subi %parallel_loop3A_513, %parallel_loop3A_516 : i32
      %parallel_loop3A_518 = arith.constant 0 : i32
      %parallel_loop3A_519 = arith.cmpi sgt, %parallel_loop3A_509, %parallel_loop3A_518 : i32
      %parallel_loop3A_520 = arith.extui %parallel_loop3A_519 : i1 to i32
      %parallel_loop3A_521 = arith.constant 0 : i32
      %parallel_loop3A_522 = arith.cmpi slt, %parallel_loop3A_509, %parallel_loop3A_521 : i32
      %parallel_loop3A_523 = arith.extui %parallel_loop3A_522 : i1 to i32
      %parallel_loop3A_524 = arith.subi %parallel_loop3A_520, %parallel_loop3A_523 : i32
      %parallel_loop3A_525 = arith.cmpi ne, %parallel_loop3A_517, %parallel_loop3A_524 : i32
      %parallel_loop3A_526 = arith.remsi %parallel_loop3A_508, %parallel_loop3A_509 : i32
      %parallel_loop3A_527 = arith.constant 0 : i32
      %parallel_loop3A_528 = arith.cmpi ne, %parallel_loop3A_526, %parallel_loop3A_527 : i32
      %parallel_loop3A_529 = arith.andi %parallel_loop3A_525, %parallel_loop3A_528 : i1
      %parallel_loop3A_530 = arith.constant 1 : i32
      %parallel_loop3A_531 = arith.subi %parallel_loop3A_510, %parallel_loop3A_530 : i32
      %parallel_loop3A_532 = arith.select %parallel_loop3A_529, %parallel_loop3A_531, %parallel_loop3A_510 : i32
      %parallel_loop3A_533 = arith.constant 8 : i32
      %parallel_loop3A_534 = arith.constant 0 : i32
      %parallel_loop3A_535 = arith.cmpi eq, %parallel_loop3A_533, %parallel_loop3A_534 : i32
      %parallel_loop3A_536 = arith.constant 1 : i32
      %parallel_loop3A_537 = arith.select %parallel_loop3A_535, %parallel_loop3A_536, %parallel_loop3A_533 : i32
      %parallel_loop3A_538 = arith.remsi %parallel_loop3A_508, %parallel_loop3A_537 : i32
      %parallel_loop3A_539 = arith.constant 0 : i32
      %parallel_loop3A_540 = arith.cmpi ne, %parallel_loop3A_538, %parallel_loop3A_539 : i32
      %parallel_loop3A_541 = arith.constant 0 : i32
      %parallel_loop3A_542 = arith.cmpi slt, %parallel_loop3A_538, %parallel_loop3A_541 : i32
      %parallel_loop3A_543 = arith.constant 0 : i32
      %parallel_loop3A_544 = arith.cmpi slt, %parallel_loop3A_537, %parallel_loop3A_543 : i32
      %parallel_loop3A_545 = arith.xori %parallel_loop3A_542, %parallel_loop3A_544 : i1
      %parallel_loop3A_546 = arith.andi %parallel_loop3A_545, %parallel_loop3A_540 : i1
      %parallel_loop3A_547 = arith.addi %parallel_loop3A_538, %parallel_loop3A_537 : i32
      %parallel_loop3A_548 = arith.select %parallel_loop3A_546, %parallel_loop3A_547, %parallel_loop3A_538 : i32
      %parallel_loop3A_549 = arith.constant 16 : i32
      %parallel_loop3A_550 = arith.muli %parallel_loop3A_548, %parallel_loop3A_549 : i32
      %parallel_loop3A_551 = arith.constant 16 : i32
      %parallel_loop3A_552 = arith.muli %parallel_loop3A_508, %parallel_loop3A_551 : i32
      %parallel_loop3A_553 = arith.constant 6 : i32
      %parallel_loop3A_554 = arith.index_cast %parallel_loop3A_553 : i32 to index
      %parallel_loop3A_555 = arith.index_cast %parallel_loop3A_552 : i32 to index
      %parallel_loop3A_556 = tpu.vector_load %arg6[%parallel_loop3A_554, %parallel_loop3A_555] {strides = array<i32>} : memref<9x512xi32, #tpu.memory_space<vmem>>, vector<16xi32>,
      %parallel_loop3A_557 = tpu.vector_load_idx %arg5[%broadcast_in_dim3A_3, %parallel_loop3A_556] : memref<16x20xf32, #tpu.memory_space<vmem>>[vector<16xi32>, vector<16xi32>], vector<16xf32>,
      %parallel_loop3A_558 = arith.constant 6 : i32
      %parallel_loop3A_559 = arith.constant 0 : i32
      %parallel_loop3A_560 = arith.constant 0 : i32
      %parallel_loop3A_561 = arith.index_cast %parallel_loop3A_558 : i32 to index
      %parallel_loop3A_562 = arith.index_cast %parallel_loop3A_559 : i32 to index
      %parallel_loop3A_563 = arith.index_cast %parallel_loop3A_532 : i32 to index
      %parallel_loop3A_564 = arith.index_cast %parallel_loop3A_560 : i32 to index
      %parallel_loop3A_565 = arith.index_cast %parallel_loop3A_550 : i32 to index
      %parallel_loop3A_566 = tpu.vector_load %arg7[%parallel_loop3A_561, %parallel_loop3A_562, %parallel_loop3A_563, %parallel_loop3A_564, %parallel_loop3A_565] {strides = array<i32>} : memref<9x2x4x8x128xf32, #tpu.memory_space<vmem>>, vector<16xf32>,
      tpu.vector_store %arg7[%parallel_loop3A_561, %parallel_loop3A_562, %parallel_loop3A_563, %parallel_loop3A_564, %parallel_loop3A_565], %parallel_loop3A_557 {strides = array<i32>} : memref<9x2x4x8x128xf32, #tpu.memory_space<vmem>>, vector<16xf32>,
      %parallel_loop3A_567 = tpu.vector_load_idx %arg5[%broadcast_in_dim3A_5, %parallel_loop3A_556] : memref<16x20xf32, #tpu.memory_space<vmem>>[vector<16xi32>, vector<16xi32>], vector<16xf32>,
      %parallel_loop3A_568 = arith.constant 6 : i32
      %parallel_loop3A_569 = arith.constant 0 : i32
      %parallel_loop3A_570 = arith.constant 1 : i32
      %parallel_loop3A_571 = arith.index_cast %parallel_loop3A_568 : i32 to index
      %parallel_loop3A_572 = arith.index_cast %parallel_loop3A_569 : i32 to index
      %parallel_loop3A_573 = arith.index_cast %parallel_loop3A_532 : i32 to index
      %parallel_loop3A_574 = arith.index_cast %parallel_loop3A_570 : i32 to index
      %parallel_loop3A_575 = arith.index_cast %parallel_loop3A_550 : i32 to index
      %parallel_loop3A_576 = tpu.vector_load %arg7[%parallel_loop3A_571, %parallel_loop3A_572, %parallel_loop3A_573, %parallel_loop3A_574, %parallel_loop3A_575] {strides = array<i32>} : memref<9x2x4x8x128xf32, #tpu.memory_space<vmem>>, vector<16xf32>,
      tpu.vector_store %arg7[%parallel_loop3A_571, %parallel_loop3A_572, %parallel_loop3A_573, %parallel_loop3A_574, %parallel_loop3A_575], %parallel_loop3A_567 {strides = array<i32>} : memref<9x2x4x8x128xf32, #tpu.memory_space<vmem>>, vector<16xf32>,
      %parallel_loop3A_577 = tpu.vector_load_idx %arg5[%broadcast_in_dim3A_7, %parallel_loop3A_556] : memref<16x20xf32, #tpu.memory_space<vmem>>[vector<16xi32>, vector<16xi32>], vector<16xf32>,
      %parallel_loop3A_578 = arith.constant 6 : i32
      %parallel_loop3A_579 = arith.constant 0 : i32
      %parallel_loop3A_580 = arith.constant 2 : i32
      %parallel_loop3A_581 = arith.index_cast %parallel_loop3A_578 : i32 to index
      %parallel_loop3A_582 = arith.index_cast %parallel_loop3A_579 : i32 to index
      %parallel_loop3A_583 = arith.index_cast %parallel_loop3A_532 : i32 to index
      %parallel_loop3A_584 = arith.index_cast %parallel_loop3A_580 : i32 to index
      %parallel_loop3A_585 = arith.index_cast %parallel_loop3A_550 : i32 to index
      %parallel_loop3A_586 = tpu.vector_load %arg7[%parallel_loop3A_581, %parallel_loop3A_582, %parallel_loop3A_583, %parallel_loop3A_584, %parallel_loop3A_585] {strides = array<i32>} : memref<9x2x4x8x128xf32, #tpu.memory_space<vmem>>, vector<16xf32>,
      tpu.vector_store %arg7[%parallel_loop3A_581, %parallel_loop3A_582, %parallel_loop3A_583, %parallel_loop3A_584, %parallel_loop3A_585], %parallel_loop3A_577 {strides = array<i32>} : memref<9x2x4x8x128xf32, #tpu.memory_space<vmem>>, vector<16xf32>,
      %parallel_loop3A_587 = tpu.vector_load_idx %arg5[%broadcast_in_dim3A_9, %parallel_loop3A_556] : memref<16x20xf32, #tpu.memory_space<vmem>>[vector<16xi32>, vector<16xi32>], vector<16xf32>,
      %parallel_loop3A_588 = arith.constant 6 : i32
      %parallel_loop3A_589 = arith.constant 0 : i32
      %parallel_loop3A_590 = arith.constant 3 : i32
      %parallel_loop3A_591 = arith.index_cast %parallel_loop3A_588 : i32 to index
      %parallel_loop3A_592 = arith.index_cast %parallel_loop3A_589 : i32 to index
      %parallel_loop3A_593 = arith.index_cast %parallel_loop3A_532 : i32 to index
      %parallel_loop3A_594 = arith.index_cast %parallel_loop3A_590 : i32 to index
      %parallel_loop3A_595 = arith.index_cast %parallel_loop3A_550 : i32 to index
      %parallel_loop3A_596 = tpu.vector_load %arg7[%parallel_loop3A_591, %parallel_loop3A_592, %parallel_loop3A_593, %parallel_loop3A_594, %parallel_loop3A_595] {strides = array<i32>} : memref<9x2x4x8x128xf32, #tpu.memory_space<vmem>>, vector<16xf32>,
      tpu.vector_store %arg7[%parallel_loop3A_591, %parallel_loop3A_592, %parallel_loop3A_593, %parallel_loop3A_594, %parallel_loop3A_595], %parallel_loop3A_587 {strides = array<i32>} : memref<9x2x4x8x128xf32, #tpu.memory_space<vmem>>, vector<16xf32>,
      %parallel_loop3A_597 = tpu.vector_load_idx %arg5[%broadcast_in_dim3A_11, %parallel_loop3A_556] : memref<16x20xf32, #tpu.memory_space<vmem>>[vector<16xi32>, vector<16xi32>], vector<16xf32>,
      %parallel_loop3A_598 = arith.constant 6 : i32
      %parallel_loop3A_599 = arith.constant 0 : i32
      %parallel_loop3A_600 = arith.constant 4 : i32
      %parallel_loop3A_601 = arith.index_cast %parallel_loop3A_598 : i32 to index
      %parallel_loop3A_602 = arith.index_cast %parallel_loop3A_599 : i32 to index
      %parallel_loop3A_603 = arith.index_cast %parallel_loop3A_532 : i32 to index
      %parallel_loop3A_604 = arith.index_cast %parallel_loop3A_600 : i32 to index
      %parallel_loop3A_605 = arith.index_cast %parallel_loop3A_550 : i32 to index
      %parallel_loop3A_606 = tpu.vector_load %arg7[%parallel_loop3A_601, %parallel_loop3A_602, %parallel_loop3A_603, %parallel_loop3A_604, %parallel_loop3A_605] {strides = array<i32>} : memref<9x2x4x8x128xf32, #tpu.memory_space<vmem>>, vector<16xf32>,
      tpu.vector_store %arg7[%parallel_loop3A_601, %parallel_loop3A_602, %parallel_loop3A_603, %parallel_loop3A_604, %parallel_loop3A_605], %parallel_loop3A_597 {strides = array<i32>} : memref<9x2x4x8x128xf32, #tpu.memory_space<vmem>>, vector<16xf32>,
      %parallel_loop3A_607 = tpu.vector_load_idx %arg5[%broadcast_in_dim3A_13, %parallel_loop3A_556] : memref<16x20xf32, #tpu.memory_space<vmem>>[vector<16xi32>, vector<16xi32>], vector<16xf32>,
      %parallel_loop3A_608 = arith.constant 6 : i32
      %parallel_loop3A_609 = arith.constant 0 : i32
      %parallel_loop3A_610 = arith.constant 5 : i32
      %parallel_loop3A_611 = arith.index_cast %parallel_loop3A_608 : i32 to index
      %parallel_loop3A_612 = arith.index_cast %parallel_loop3A_609 : i32 to index
      %parallel_loop3A_613 = arith.index_cast %parallel_loop3A_532 : i32 to index
      %parallel_loop3A_614 = arith.index_cast %parallel_loop3A_610 : i32 to index
      %parallel_loop3A_615 = arith.index_cast %parallel_loop3A_550 : i32 to index
      %parallel_loop3A_616 = tpu.vector_load %arg7[%parallel_loop3A_611, %parallel_loop3A_612, %parallel_loop3A_613, %parallel_loop3A_614, %parallel_loop3A_615] {strides = array<i32>} : memref<9x2x4x8x128xf32, #tpu.memory_space<vmem>>, vector<16xf32>,
      tpu.vector_store %arg7[%parallel_loop3A_611, %parallel_loop3A_612, %parallel_loop3A_613, %parallel_loop3A_614, %parallel_loop3A_615], %parallel_loop3A_607 {strides = array<i32>} : memref<9x2x4x8x128xf32, #tpu.memory_space<vmem>>, vector<16xf32>,
      %parallel_loop3A_617 = tpu.vector_load_idx %arg5[%broadcast_in_dim3A_15, %parallel_loop3A_556] : memref<16x20xf32, #tpu.memory_space<vmem>>[vector<16xi32>, vector<16xi32>], vector<16xf32>,
      %parallel_loop3A_618 = arith.constant 6 : i32
      %parallel_loop3A_619 = arith.constant 0 : i32
      %parallel_loop3A_620 = arith.constant 6 : i32
      %parallel_loop3A_621 = arith.index_cast %parallel_loop3A_618 : i32 to index
      %parallel_loop3A_622 = arith.index_cast %parallel_loop3A_619 : i32 to index
      %parallel_loop3A_623 = arith.index_cast %parallel_loop3A_532 : i32 to index
      %parallel_loop3A_624 = arith.index_cast %parallel_loop3A_620 : i32 to index
      %parallel_loop3A_625 = arith.index_cast %parallel_loop3A_550 : i32 to index
      %parallel_loop3A_626 = tpu.vector_load %arg7[%parallel_loop3A_621, %parallel_loop3A_622, %parallel_loop3A_623, %parallel_loop3A_624, %parallel_loop3A_625] {strides = array<i32>} : memref<9x2x4x8x128xf32, #tpu.memory_space<vmem>>, vector<16xf32>,
      tpu.vector_store %arg7[%parallel_loop3A_621, %parallel_loop3A_622, %parallel_loop3A_623, %parallel_loop3A_624, %parallel_loop3A_625], %parallel_loop3A_617 {strides = array<i32>} : memref<9x2x4x8x128xf32, #tpu.memory_space<vmem>>, vector<16xf32>,
      %parallel_loop3A_627 = tpu.vector_load_idx %arg5[%broadcast_in_dim3A_17, %parallel_loop3A_556] : memref<16x20xf32, #tpu.memory_space<vmem>>[vector<16xi32>, vector<16xi32>], vector<16xf32>,
      %parallel_loop3A_628 = arith.constant 6 : i32
      %parallel_loop3A_629 = arith.constant 0 : i32
      %parallel_loop3A_630 = arith.constant 7 : i32
      %parallel_loop3A_631 = arith.index_cast %parallel_loop3A_628 : i32 to index
      %parallel_loop3A_632 = arith.index_cast %parallel_loop3A_629 : i32 to index
      %parallel_loop3A_633 = arith.index_cast %parallel_loop3A_532 : i32 to index
      %parallel_loop3A_634 = arith.index_cast %parallel_loop3A_630 : i32 to index
      %parallel_loop3A_635 = arith.index_cast %parallel_loop3A_550 : i32 to index
      %parallel_loop3A_636 = tpu.vector_load %arg7[%parallel_loop3A_631, %parallel_loop3A_632, %parallel_loop3A_633, %parallel_loop3A_634, %parallel_loop3A_635] {strides = array<i32>} : memref<9x2x4x8x128xf32, #tpu.memory_space<vmem>>, vector<16xf32>,
      tpu.vector_store %arg7[%parallel_loop3A_631, %parallel_loop3A_632, %parallel_loop3A_633, %parallel_loop3A_634, %parallel_loop3A_635], %parallel_loop3A_627 {strides = array<i32>} : memref<9x2x4x8x128xf32, #tpu.memory_space<vmem>>, vector<16xf32>,
      %parallel_loop3A_637 = tpu.vector_load_idx %arg5[%broadcast_in_dim3A_19, %parallel_loop3A_556] : memref<16x20xf32, #tpu.memory_space<vmem>>[vector<16xi32>, vector<16xi32>], vector<16xf32>,
      %parallel_loop3A_638 = arith.constant 6 : i32
      %parallel_loop3A_639 = arith.constant 1 : i32
      %parallel_loop3A_640 = arith.constant 0 : i32
      %parallel_loop3A_641 = arith.index_cast %parallel_loop3A_638 : i32 to index
      %parallel_loop3A_642 = arith.index_cast %parallel_loop3A_639 : i32 to index
      %parallel_loop3A_643 = arith.index_cast %parallel_loop3A_532 : i32 to index
      %parallel_loop3A_644 = arith.index_cast %parallel_loop3A_640 : i32 to index
      %parallel_loop3A_645 = arith.index_cast %parallel_loop3A_550 : i32 to index
      %parallel_loop3A_646 = tpu.vector_load %arg7[%parallel_loop3A_641, %parallel_loop3A_642, %parallel_loop3A_643, %parallel_loop3A_644, %parallel_loop3A_645] {strides = array<i32>} : memref<9x2x4x8x128xf32, #tpu.memory_space<vmem>>, vector<16xf32>,
      tpu.vector_store %arg7[%parallel_loop3A_641, %parallel_loop3A_642, %parallel_loop3A_643, %parallel_loop3A_644, %parallel_loop3A_645], %parallel_loop3A_637 {strides = array<i32>} : memref<9x2x4x8x128xf32, #tpu.memory_space<vmem>>, vector<16xf32>,
      %parallel_loop3A_647 = tpu.vector_load_idx %arg5[%broadcast_in_dim3A_21, %parallel_loop3A_556] : memref<16x20xf32, #tpu.memory_space<vmem>>[vector<16xi32>, vector<16xi32>], vector<16xf32>,
      %parallel_loop3A_648 = arith.constant 6 : i32
      %parallel_loop3A_649 = arith.constant 1 : i32
      %parallel_loop3A_650 = arith.constant 1 : i32
      %parallel_loop3A_651 = arith.index_cast %parallel_loop3A_648 : i32 to index
      %parallel_loop3A_652 = arith.index_cast %parallel_loop3A_649 : i32 to index
      %parallel_loop3A_653 = arith.index_cast %parallel_loop3A_532 : i32 to index
      %parallel_loop3A_654 = arith.index_cast %parallel_loop3A_650 : i32 to index
      %parallel_loop3A_655 = arith.index_cast %parallel_loop3A_550 : i32 to index
      %parallel_loop3A_656 = tpu.vector_load %arg7[%parallel_loop3A_651, %parallel_loop3A_652, %parallel_loop3A_653, %parallel_loop3A_654, %parallel_loop3A_655] {strides = array<i32>} : memref<9x2x4x8x128xf32, #tpu.memory_space<vmem>>, vector<16xf32>,
      tpu.vector_store %arg7[%parallel_loop3A_651, %parallel_loop3A_652, %parallel_loop3A_653, %parallel_loop3A_654, %parallel_loop3A_655], %parallel_loop3A_647 {strides = array<i32>} : memref<9x2x4x8x128xf32, #tpu.memory_space<vmem>>, vector<16xf32>,
      %parallel_loop3A_657 = tpu.vector_load_idx %arg5[%broadcast_in_dim3A_23, %parallel_loop3A_556] : memref<16x20xf32, #tpu.memory_space<vmem>>[vector<16xi32>, vector<16xi32>], vector<16xf32>,
      %parallel_loop3A_658 = arith.constant 6 : i32
      %parallel_loop3A_659 = arith.constant 1 : i32
      %parallel_loop3A_660 = arith.constant 2 : i32
      %parallel_loop3A_661 = arith.index_cast %parallel_loop3A_658 : i32 to index
      %parallel_loop3A_662 = arith.index_cast %parallel_loop3A_659 : i32 to index
      %parallel_loop3A_663 = arith.index_cast %parallel_loop3A_532 : i32 to index
      %parallel_loop3A_664 = arith.index_cast %parallel_loop3A_660 : i32 to index
      %parallel_loop3A_665 = arith.index_cast %parallel_loop3A_550 : i32 to index
      %parallel_loop3A_666 = tpu.vector_load %arg7[%parallel_loop3A_661, %parallel_loop3A_662, %parallel_loop3A_663, %parallel_loop3A_664, %parallel_loop3A_665] {strides = array<i32>} : memref<9x2x4x8x128xf32, #tpu.memory_space<vmem>>, vector<16xf32>,
      tpu.vector_store %arg7[%parallel_loop3A_661, %parallel_loop3A_662, %parallel_loop3A_663, %parallel_loop3A_664, %parallel_loop3A_665], %parallel_loop3A_657 {strides = array<i32>} : memref<9x2x4x8x128xf32, #tpu.memory_space<vmem>>, vector<16xf32>,
      %parallel_loop3A_667 = tpu.vector_load_idx %arg5[%broadcast_in_dim3A_25, %parallel_loop3A_556] : memref<16x20xf32, #tpu.memory_space<vmem>>[vector<16xi32>, vector<16xi32>], vector<16xf32>,
      %parallel_loop3A_668 = arith.constant 6 : i32
      %parallel_loop3A_669 = arith.constant 1 : i32
      %parallel_loop3A_670 = arith.constant 3 : i32
      %parallel_loop3A_671 = arith.index_cast %parallel_loop3A_668 : i32 to index
      %parallel_loop3A_672 = arith.index_cast %parallel_loop3A_669 : i32 to index
      %parallel_loop3A_673 = arith.index_cast %parallel_loop3A_532 : i32 to index
      %parallel_loop3A_674 = arith.index_cast %parallel_loop3A_670 : i32 to index
      %parallel_loop3A_675 = arith.index_cast %parallel_loop3A_550 : i32 to index
      %parallel_loop3A_676 = tpu.vector_load %arg7[%parallel_loop3A_671, %parallel_loop3A_672, %parallel_loop3A_673, %parallel_loop3A_674, %parallel_loop3A_675] {strides = array<i32>} : memref<9x2x4x8x128xf32, #tpu.memory_space<vmem>>, vector<16xf32>,
      tpu.vector_store %arg7[%parallel_loop3A_671, %parallel_loop3A_672, %parallel_loop3A_673, %parallel_loop3A_674, %parallel_loop3A_675], %parallel_loop3A_667 {strides = array<i32>} : memref<9x2x4x8x128xf32, #tpu.memory_space<vmem>>, vector<16xf32>,
      %parallel_loop3A_677 = tpu.vector_load_idx %arg5[%broadcast_in_dim3A_27, %parallel_loop3A_556] : memref<16x20xf32, #tpu.memory_space<vmem>>[vector<16xi32>, vector<16xi32>], vector<16xf32>,
      %parallel_loop3A_678 = arith.constant 6 : i32
      %parallel_loop3A_679 = arith.constant 1 : i32
      %parallel_loop3A_680 = arith.constant 4 : i32
      %parallel_loop3A_681 = arith.index_cast %parallel_loop3A_678 : i32 to index
      %parallel_loop3A_682 = arith.index_cast %parallel_loop3A_679 : i32 to index
      %parallel_loop3A_683 = arith.index_cast %parallel_loop3A_532 : i32 to index
      %parallel_loop3A_684 = arith.index_cast %parallel_loop3A_680 : i32 to index
      %parallel_loop3A_685 = arith.index_cast %parallel_loop3A_550 : i32 to index
      %parallel_loop3A_686 = tpu.vector_load %arg7[%parallel_loop3A_681, %parallel_loop3A_682, %parallel_loop3A_683, %parallel_loop3A_684, %parallel_loop3A_685] {strides = array<i32>} : memref<9x2x4x8x128xf32, #tpu.memory_space<vmem>>, vector<16xf32>,
      tpu.vector_store %arg7[%parallel_loop3A_681, %parallel_loop3A_682, %parallel_loop3A_683, %parallel_loop3A_684, %parallel_loop3A_685], %parallel_loop3A_677 {strides = array<i32>} : memref<9x2x4x8x128xf32, #tpu.memory_space<vmem>>, vector<16xf32>,
      %parallel_loop3A_687 = tpu.vector_load_idx %arg5[%broadcast_in_dim3A_29, %parallel_loop3A_556] : memref<16x20xf32, #tpu.memory_space<vmem>>[vector<16xi32>, vector<16xi32>], vector<16xf32>,
      %parallel_loop3A_688 = arith.constant 6 : i32
      %parallel_loop3A_689 = arith.constant 1 : i32
      %parallel_loop3A_690 = arith.constant 5 : i32
      %parallel_loop3A_691 = arith.index_cast %parallel_loop3A_688 : i32 to index
      %parallel_loop3A_692 = arith.index_cast %parallel_loop3A_689 : i32 to index
      %parallel_loop3A_693 = arith.index_cast %parallel_loop3A_532 : i32 to index
      %parallel_loop3A_694 = arith.index_cast %parallel_loop3A_690 : i32 to index
      %parallel_loop3A_695 = arith.index_cast %parallel_loop3A_550 : i32 to index
      %parallel_loop3A_696 = tpu.vector_load %arg7[%parallel_loop3A_691, %parallel_loop3A_692, %parallel_loop3A_693, %parallel_loop3A_694, %parallel_loop3A_695] {strides = array<i32>} : memref<9x2x4x8x128xf32, #tpu.memory_space<vmem>>, vector<16xf32>,
      tpu.vector_store %arg7[%parallel_loop3A_691, %parallel_loop3A_692, %parallel_loop3A_693, %parallel_loop3A_694, %parallel_loop3A_695], %parallel_loop3A_687 {strides = array<i32>} : memref<9x2x4x8x128xf32, #tpu.memory_space<vmem>>, vector<16xf32>,
      %parallel_loop3A_697 = tpu.vector_load_idx %arg5[%broadcast_in_dim3A_31, %parallel_loop3A_556] : memref<16x20xf32, #tpu.memory_space<vmem>>[vector<16xi32>, vector<16xi32>], vector<16xf32>,
      %parallel_loop3A_698 = arith.constant 6 : i32
      %parallel_loop3A_699 = arith.constant 1 : i32
      %parallel_loop3A_700 = arith.constant 6 : i32
      %parallel_loop3A_701 = arith.index_cast %parallel_loop3A_698 : i32 to index
      %parallel_loop3A_702 = arith.index_cast %parallel_loop3A_699 : i32 to index
      %parallel_loop3A_703 = arith.index_cast %parallel_loop3A_532 : i32 to index
      %parallel_loop3A_704 = arith.index_cast %parallel_loop3A_700 : i32 to index
      %parallel_loop3A_705 = arith.index_cast %parallel_loop3A_550 : i32 to index
      %parallel_loop3A_706 = tpu.vector_load %arg7[%parallel_loop3A_701, %parallel_loop3A_702, %parallel_loop3A_703, %parallel_loop3A_704, %parallel_loop3A_705] {strides = array<i32>} : memref<9x2x4x8x128xf32, #tpu.memory_space<vmem>>, vector<16xf32>,
      tpu.vector_store %arg7[%parallel_loop3A_701, %parallel_loop3A_702, %parallel_loop3A_703, %parallel_loop3A_704, %parallel_loop3A_705], %parallel_loop3A_697 {strides = array<i32>} : memref<9x2x4x8x128xf32, #tpu.memory_space<vmem>>, vector<16xf32>,
      %parallel_loop3A_707 = tpu.vector_load_idx %arg5[%broadcast_in_dim3A_33, %parallel_loop3A_556] : memref<16x20xf32, #tpu.memory_space<vmem>>[vector<16xi32>, vector<16xi32>], vector<16xf32>,
      %parallel_loop3A_708 = arith.constant 6 : i32
      %parallel_loop3A_709 = arith.constant 1 : i32
      %parallel_loop3A_710 = arith.constant 7 : i32
      %parallel_loop3A_711 = arith.index_cast %parallel_loop3A_708 : i32 to index
      %parallel_loop3A_712 = arith.index_cast %parallel_loop3A_709 : i32 to index
      %parallel_loop3A_713 = arith.index_cast %parallel_loop3A_532 : i32 to index
      %parallel_loop3A_714 = arith.index_cast %parallel_loop3A_710 : i32 to index
      %parallel_loop3A_715 = arith.index_cast %parallel_loop3A_550 : i32 to index
      %parallel_loop3A_716 = tpu.vector_load %arg7[%parallel_loop3A_711, %parallel_loop3A_712, %parallel_loop3A_713, %parallel_loop3A_714, %parallel_loop3A_715] {strides = array<i32>} : memref<9x2x4x8x128xf32, #tpu.memory_space<vmem>>, vector<16xf32>,
      tpu.vector_store %arg7[%parallel_loop3A_711, %parallel_loop3A_712, %parallel_loop3A_713, %parallel_loop3A_714, %parallel_loop3A_715], %parallel_loop3A_707 {strides = array<i32>} : memref<9x2x4x8x128xf32, #tpu.memory_space<vmem>>, vector<16xf32>,
    } {sc.loop_unroll_factor = 1 : i64, sc.parallel_access}
    %mul3A_209 = arith.constant 4 : i32
    %mul3A_210 = arith.muli %add3A, %mul3A_209 : i32
    %dma_start3A_211 = arith.constant 6 : i32
    %dma_start3A_212 = arith.constant 6 : i32
    %dma_start3A_213 = arith.constant 0 : i32
    %dma_start3A_214 = arith.constant 0 : i32
    %dma_start3A_215 = arith.constant 0 : i32
    %dma_start3A_216 = arith.constant 0 : i32
    %dma_start3A_217 = tpu.memref_slice %arg7[%dma_start3A_211, %dma_start3A_213, %dma_start3A_214, %dma_start3A_215, %dma_start3A_216] : memref<9x2x4x8x128xf32, #tpu.memory_space<vmem>> -> memref<1x2x4x8x128xf32, #tpu.memory_space<vmem>>
    %dma_start3A_218 = tpu.memref_squeeze %dma_start3A_217 : memref<1x2x4x8x128xf32, #tpu.memory_space<vmem>> -> memref<2x4x8x128xf32, #tpu.memory_space<vmem>>
    %dma_start3A_219 = arith.constant 0 : i32
    %dma_start3A_220 = arith.constant 0 : i32
    %dma_start3A_221 = arith.constant 0 : i32
    %dma_start3A_222 = tpu.memref_slice %arg4[%dma_start3A_212, %dma_start3A_219, %mul3A_210, %dma_start3A_220, %dma_start3A_221] : memref<9x2x128x8x128xf32, #tpu.memory_space<hbm>> -> memref<1x2x4x8x128xf32, #tpu.memory_space<hbm>>
    %dma_start3A_223 = tpu.memref_squeeze %dma_start3A_222 : memref<1x2x4x8x128xf32, #tpu.memory_space<hbm>> -> memref<2x4x8x128xf32, #tpu.memory_space<hbm>>
    %dma_start3A_224 = arith.constant 0 : i32
    %dma_start3A_225 = arith.constant 0 : i32
    %dma_start3A_226 = arith.constant 0 : i32
    %dma_start3A_227 = tpu.memref_slice %arg4[%dma_start3A_212, %dma_start3A_224, %mul3A_210, %dma_start3A_225, %dma_start3A_226] : memref<9x2x128x8x128xf32, #tpu.memory_space<hbm>> -> memref<1x2x4x8x128xf32, #tpu.memory_space<hbm>>
    %dma_start3A_228 = tpu.memref_squeeze %dma_start3A_227 : memref<1x2x4x8x128xf32, #tpu.memory_space<hbm>> -> memref<2x4x8x128xf32, #tpu.memory_space<hbm>>
    %dma_start3A_229 = arith.constant 0 : i32
    %dma_start3A_230 = arith.constant 0 : i32
    %dma_start3A_231 = arith.constant 0 : i32
    %dma_start3A_232 = arith.constant 0 : i32
    %dma_start3A_233 = tpu.memref_slice %arg7[%dma_start3A_211, %dma_start3A_229, %dma_start3A_230, %dma_start3A_231, %dma_start3A_232] : memref<9x2x4x8x128xf32, #tpu.memory_space<vmem>> -> memref<1x2x4x8x128xf32, #tpu.memory_space<vmem>>
    %dma_start3A_234 = tpu.memref_squeeze %dma_start3A_233 : memref<1x2x4x8x128xf32, #tpu.memory_space<vmem>> -> memref<2x4x8x128xf32, #tpu.memory_space<vmem>>
    tpu.enqueue_dma source(%dma_start3A_234 : memref<2x4x8x128xf32, #tpu.memory_space<vmem>>) target(%dma_start3A_228 : memref<2x4x8x128xf32, #tpu.memory_space<hbm>>) target_semaphore(%arg8 : memref<!tpu.dma_semaphore, #tpu.memory_space<semaphore_mem>>)
    %parallel_loop3A_235 = arith.constant 0 : i32
    %parallel_loop3A_236 = arith.constant 32 : i32
    %parallel_loop3A_237 = arith.constant 1 : i32
    scf.for %parallel_loop3A_508 = %parallel_loop3A_235 to %parallel_loop3A_236 step %parallel_loop3A_237  : i32 {
      %parallel_loop3A_509 = arith.constant 8 : i32
      %parallel_loop3A_510 = arith.divsi %parallel_loop3A_508, %parallel_loop3A_509 : i32
      %parallel_loop3A_511 = arith.constant 0 : i32
      %parallel_loop3A_512 = arith.cmpi sgt, %parallel_loop3A_508, %parallel_loop3A_511 : i32
      %parallel_loop3A_513 = arith.extui %parallel_loop3A_512 : i1 to i32
      %parallel_loop3A_514 = arith.constant 0 : i32
      %parallel_loop3A_515 = arith.cmpi slt, %parallel_loop3A_508, %parallel_loop3A_514 : i32
      %parallel_loop3A_516 = arith.extui %parallel_loop3A_515 : i1 to i32
      %parallel_loop3A_517 = arith.subi %parallel_loop3A_513, %parallel_loop3A_516 : i32
      %parallel_loop3A_518 = arith.constant 0 : i32
      %parallel_loop3A_519 = arith.cmpi sgt, %parallel_loop3A_509, %parallel_loop3A_518 : i32
      %parallel_loop3A_520 = arith.extui %parallel_loop3A_519 : i1 to i32
      %parallel_loop3A_521 = arith.constant 0 : i32
      %parallel_loop3A_522 = arith.cmpi slt, %parallel_loop3A_509, %parallel_loop3A_521 : i32
      %parallel_loop3A_523 = arith.extui %parallel_loop3A_522 : i1 to i32
      %parallel_loop3A_524 = arith.subi %parallel_loop3A_520, %parallel_loop3A_523 : i32
      %parallel_loop3A_525 = arith.cmpi ne, %parallel_loop3A_517, %parallel_loop3A_524 : i32
      %parallel_loop3A_526 = arith.remsi %parallel_loop3A_508, %parallel_loop3A_509 : i32
      %parallel_loop3A_527 = arith.constant 0 : i32
      %parallel_loop3A_528 = arith.cmpi ne, %parallel_loop3A_526, %parallel_loop3A_527 : i32
      %parallel_loop3A_529 = arith.andi %parallel_loop3A_525, %parallel_loop3A_528 : i1
      %parallel_loop3A_530 = arith.constant 1 : i32
      %parallel_loop3A_531 = arith.subi %parallel_loop3A_510, %parallel_loop3A_530 : i32
      %parallel_loop3A_532 = arith.select %parallel_loop3A_529, %parallel_loop3A_531, %parallel_loop3A_510 : i32
      %parallel_loop3A_533 = arith.constant 8 : i32
      %parallel_loop3A_534 = arith.constant 0 : i32
      %parallel_loop3A_535 = arith.cmpi eq, %parallel_loop3A_533, %parallel_loop3A_534 : i32
      %parallel_loop3A_536 = arith.constant 1 : i32
      %parallel_loop3A_537 = arith.select %parallel_loop3A_535, %parallel_loop3A_536, %parallel_loop3A_533 : i32
      %parallel_loop3A_538 = arith.remsi %parallel_loop3A_508, %parallel_loop3A_537 : i32
      %parallel_loop3A_539 = arith.constant 0 : i32
      %parallel_loop3A_540 = arith.cmpi ne, %parallel_loop3A_538, %parallel_loop3A_539 : i32
      %parallel_loop3A_541 = arith.constant 0 : i32
      %parallel_loop3A_542 = arith.cmpi slt, %parallel_loop3A_538, %parallel_loop3A_541 : i32
      %parallel_loop3A_543 = arith.constant 0 : i32
      %parallel_loop3A_544 = arith.cmpi slt, %parallel_loop3A_537, %parallel_loop3A_543 : i32
      %parallel_loop3A_545 = arith.xori %parallel_loop3A_542, %parallel_loop3A_544 : i1
      %parallel_loop3A_546 = arith.andi %parallel_loop3A_545, %parallel_loop3A_540 : i1
      %parallel_loop3A_547 = arith.addi %parallel_loop3A_538, %parallel_loop3A_537 : i32
      %parallel_loop3A_548 = arith.select %parallel_loop3A_546, %parallel_loop3A_547, %parallel_loop3A_538 : i32
      %parallel_loop3A_549 = arith.constant 16 : i32
      %parallel_loop3A_550 = arith.muli %parallel_loop3A_548, %parallel_loop3A_549 : i32
      %parallel_loop3A_551 = arith.constant 16 : i32
      %parallel_loop3A_552 = arith.muli %parallel_loop3A_508, %parallel_loop3A_551 : i32
      %parallel_loop3A_553 = arith.constant 7 : i32
      %parallel_loop3A_554 = arith.index_cast %parallel_loop3A_553 : i32 to index
      %parallel_loop3A_555 = arith.index_cast %parallel_loop3A_552 : i32 to index
      %parallel_loop3A_556 = tpu.vector_load %arg6[%parallel_loop3A_554, %parallel_loop3A_555] {strides = array<i32>} : memref<9x512xi32, #tpu.memory_space<vmem>>, vector<16xi32>,
      %parallel_loop3A_557 = tpu.vector_load_idx %arg5[%broadcast_in_dim3A_3, %parallel_loop3A_556] : memref<16x20xf32, #tpu.memory_space<vmem>>[vector<16xi32>, vector<16xi32>], vector<16xf32>,
      %parallel_loop3A_558 = arith.constant 7 : i32
      %parallel_loop3A_559 = arith.constant 0 : i32
      %parallel_loop3A_560 = arith.constant 0 : i32
      %parallel_loop3A_561 = arith.index_cast %parallel_loop3A_558 : i32 to index
      %parallel_loop3A_562 = arith.index_cast %parallel_loop3A_559 : i32 to index
      %parallel_loop3A_563 = arith.index_cast %parallel_loop3A_532 : i32 to index
      %parallel_loop3A_564 = arith.index_cast %parallel_loop3A_560 : i32 to index
      %parallel_loop3A_565 = arith.index_cast %parallel_loop3A_550 : i32 to index
      %parallel_loop3A_566 = tpu.vector_load %arg7[%parallel_loop3A_561, %parallel_loop3A_562, %parallel_loop3A_563, %parallel_loop3A_564, %parallel_loop3A_565] {strides = array<i32>} : memref<9x2x4x8x128xf32, #tpu.memory_space<vmem>>, vector<16xf32>,
      tpu.vector_store %arg7[%parallel_loop3A_561, %parallel_loop3A_562, %parallel_loop3A_563, %parallel_loop3A_564, %parallel_loop3A_565], %parallel_loop3A_557 {strides = array<i32>} : memref<9x2x4x8x128xf32, #tpu.memory_space<vmem>>, vector<16xf32>,
      %parallel_loop3A_567 = tpu.vector_load_idx %arg5[%broadcast_in_dim3A_5, %parallel_loop3A_556] : memref<16x20xf32, #tpu.memory_space<vmem>>[vector<16xi32>, vector<16xi32>], vector<16xf32>,
      %parallel_loop3A_568 = arith.constant 7 : i32
      %parallel_loop3A_569 = arith.constant 0 : i32
      %parallel_loop3A_570 = arith.constant 1 : i32
      %parallel_loop3A_571 = arith.index_cast %parallel_loop3A_568 : i32 to index
      %parallel_loop3A_572 = arith.index_cast %parallel_loop3A_569 : i32 to index
      %parallel_loop3A_573 = arith.index_cast %parallel_loop3A_532 : i32 to index
      %parallel_loop3A_574 = arith.index_cast %parallel_loop3A_570 : i32 to index
      %parallel_loop3A_575 = arith.index_cast %parallel_loop3A_550 : i32 to index
      %parallel_loop3A_576 = tpu.vector_load %arg7[%parallel_loop3A_571, %parallel_loop3A_572, %parallel_loop3A_573, %parallel_loop3A_574, %parallel_loop3A_575] {strides = array<i32>} : memref<9x2x4x8x128xf32, #tpu.memory_space<vmem>>, vector<16xf32>,
      tpu.vector_store %arg7[%parallel_loop3A_571, %parallel_loop3A_572, %parallel_loop3A_573, %parallel_loop3A_574, %parallel_loop3A_575], %parallel_loop3A_567 {strides = array<i32>} : memref<9x2x4x8x128xf32, #tpu.memory_space<vmem>>, vector<16xf32>,
      %parallel_loop3A_577 = tpu.vector_load_idx %arg5[%broadcast_in_dim3A_7, %parallel_loop3A_556] : memref<16x20xf32, #tpu.memory_space<vmem>>[vector<16xi32>, vector<16xi32>], vector<16xf32>,
      %parallel_loop3A_578 = arith.constant 7 : i32
      %parallel_loop3A_579 = arith.constant 0 : i32
      %parallel_loop3A_580 = arith.constant 2 : i32
      %parallel_loop3A_581 = arith.index_cast %parallel_loop3A_578 : i32 to index
      %parallel_loop3A_582 = arith.index_cast %parallel_loop3A_579 : i32 to index
      %parallel_loop3A_583 = arith.index_cast %parallel_loop3A_532 : i32 to index
      %parallel_loop3A_584 = arith.index_cast %parallel_loop3A_580 : i32 to index
      %parallel_loop3A_585 = arith.index_cast %parallel_loop3A_550 : i32 to index
      %parallel_loop3A_586 = tpu.vector_load %arg7[%parallel_loop3A_581, %parallel_loop3A_582, %parallel_loop3A_583, %parallel_loop3A_584, %parallel_loop3A_585] {strides = array<i32>} : memref<9x2x4x8x128xf32, #tpu.memory_space<vmem>>, vector<16xf32>,
      tpu.vector_store %arg7[%parallel_loop3A_581, %parallel_loop3A_582, %parallel_loop3A_583, %parallel_loop3A_584, %parallel_loop3A_585], %parallel_loop3A_577 {strides = array<i32>} : memref<9x2x4x8x128xf32, #tpu.memory_space<vmem>>, vector<16xf32>,
      %parallel_loop3A_587 = tpu.vector_load_idx %arg5[%broadcast_in_dim3A_9, %parallel_loop3A_556] : memref<16x20xf32, #tpu.memory_space<vmem>>[vector<16xi32>, vector<16xi32>], vector<16xf32>,
      %parallel_loop3A_588 = arith.constant 7 : i32
      %parallel_loop3A_589 = arith.constant 0 : i32
      %parallel_loop3A_590 = arith.constant 3 : i32
      %parallel_loop3A_591 = arith.index_cast %parallel_loop3A_588 : i32 to index
      %parallel_loop3A_592 = arith.index_cast %parallel_loop3A_589 : i32 to index
      %parallel_loop3A_593 = arith.index_cast %parallel_loop3A_532 : i32 to index
      %parallel_loop3A_594 = arith.index_cast %parallel_loop3A_590 : i32 to index
      %parallel_loop3A_595 = arith.index_cast %parallel_loop3A_550 : i32 to index
      %parallel_loop3A_596 = tpu.vector_load %arg7[%parallel_loop3A_591, %parallel_loop3A_592, %parallel_loop3A_593, %parallel_loop3A_594, %parallel_loop3A_595] {strides = array<i32>} : memref<9x2x4x8x128xf32, #tpu.memory_space<vmem>>, vector<16xf32>,
      tpu.vector_store %arg7[%parallel_loop3A_591, %parallel_loop3A_592, %parallel_loop3A_593, %parallel_loop3A_594, %parallel_loop3A_595], %parallel_loop3A_587 {strides = array<i32>} : memref<9x2x4x8x128xf32, #tpu.memory_space<vmem>>, vector<16xf32>,
      %parallel_loop3A_597 = tpu.vector_load_idx %arg5[%broadcast_in_dim3A_11, %parallel_loop3A_556] : memref<16x20xf32, #tpu.memory_space<vmem>>[vector<16xi32>, vector<16xi32>], vector<16xf32>,
      %parallel_loop3A_598 = arith.constant 7 : i32
      %parallel_loop3A_599 = arith.constant 0 : i32
      %parallel_loop3A_600 = arith.constant 4 : i32
      %parallel_loop3A_601 = arith.index_cast %parallel_loop3A_598 : i32 to index
      %parallel_loop3A_602 = arith.index_cast %parallel_loop3A_599 : i32 to index
      %parallel_loop3A_603 = arith.index_cast %parallel_loop3A_532 : i32 to index
      %parallel_loop3A_604 = arith.index_cast %parallel_loop3A_600 : i32 to index
      %parallel_loop3A_605 = arith.index_cast %parallel_loop3A_550 : i32 to index
      %parallel_loop3A_606 = tpu.vector_load %arg7[%parallel_loop3A_601, %parallel_loop3A_602, %parallel_loop3A_603, %parallel_loop3A_604, %parallel_loop3A_605] {strides = array<i32>} : memref<9x2x4x8x128xf32, #tpu.memory_space<vmem>>, vector<16xf32>,
      tpu.vector_store %arg7[%parallel_loop3A_601, %parallel_loop3A_602, %parallel_loop3A_603, %parallel_loop3A_604, %parallel_loop3A_605], %parallel_loop3A_597 {strides = array<i32>} : memref<9x2x4x8x128xf32, #tpu.memory_space<vmem>>, vector<16xf32>,
      %parallel_loop3A_607 = tpu.vector_load_idx %arg5[%broadcast_in_dim3A_13, %parallel_loop3A_556] : memref<16x20xf32, #tpu.memory_space<vmem>>[vector<16xi32>, vector<16xi32>], vector<16xf32>,
      %parallel_loop3A_608 = arith.constant 7 : i32
      %parallel_loop3A_609 = arith.constant 0 : i32
      %parallel_loop3A_610 = arith.constant 5 : i32
      %parallel_loop3A_611 = arith.index_cast %parallel_loop3A_608 : i32 to index
      %parallel_loop3A_612 = arith.index_cast %parallel_loop3A_609 : i32 to index
      %parallel_loop3A_613 = arith.index_cast %parallel_loop3A_532 : i32 to index
      %parallel_loop3A_614 = arith.index_cast %parallel_loop3A_610 : i32 to index
      %parallel_loop3A_615 = arith.index_cast %parallel_loop3A_550 : i32 to index
      %parallel_loop3A_616 = tpu.vector_load %arg7[%parallel_loop3A_611, %parallel_loop3A_612, %parallel_loop3A_613, %parallel_loop3A_614, %parallel_loop3A_615] {strides = array<i32>} : memref<9x2x4x8x128xf32, #tpu.memory_space<vmem>>, vector<16xf32>,
      tpu.vector_store %arg7[%parallel_loop3A_611, %parallel_loop3A_612, %parallel_loop3A_613, %parallel_loop3A_614, %parallel_loop3A_615], %parallel_loop3A_607 {strides = array<i32>} : memref<9x2x4x8x128xf32, #tpu.memory_space<vmem>>, vector<16xf32>,
      %parallel_loop3A_617 = tpu.vector_load_idx %arg5[%broadcast_in_dim3A_15, %parallel_loop3A_556] : memref<16x20xf32, #tpu.memory_space<vmem>>[vector<16xi32>, vector<16xi32>], vector<16xf32>,
      %parallel_loop3A_618 = arith.constant 7 : i32
      %parallel_loop3A_619 = arith.constant 0 : i32
      %parallel_loop3A_620 = arith.constant 6 : i32
      %parallel_loop3A_621 = arith.index_cast %parallel_loop3A_618 : i32 to index
      %parallel_loop3A_622 = arith.index_cast %parallel_loop3A_619 : i32 to index
      %parallel_loop3A_623 = arith.index_cast %parallel_loop3A_532 : i32 to index
      %parallel_loop3A_624 = arith.index_cast %parallel_loop3A_620 : i32 to index
      %parallel_loop3A_625 = arith.index_cast %parallel_loop3A_550 : i32 to index
      %parallel_loop3A_626 = tpu.vector_load %arg7[%parallel_loop3A_621, %parallel_loop3A_622, %parallel_loop3A_623, %parallel_loop3A_624, %parallel_loop3A_625] {strides = array<i32>} : memref<9x2x4x8x128xf32, #tpu.memory_space<vmem>>, vector<16xf32>,
      tpu.vector_store %arg7[%parallel_loop3A_621, %parallel_loop3A_622, %parallel_loop3A_623, %parallel_loop3A_624, %parallel_loop3A_625], %parallel_loop3A_617 {strides = array<i32>} : memref<9x2x4x8x128xf32, #tpu.memory_space<vmem>>, vector<16xf32>,
      %parallel_loop3A_627 = tpu.vector_load_idx %arg5[%broadcast_in_dim3A_17, %parallel_loop3A_556] : memref<16x20xf32, #tpu.memory_space<vmem>>[vector<16xi32>, vector<16xi32>], vector<16xf32>,
      %parallel_loop3A_628 = arith.constant 7 : i32
      %parallel_loop3A_629 = arith.constant 0 : i32
      %parallel_loop3A_630 = arith.constant 7 : i32
      %parallel_loop3A_631 = arith.index_cast %parallel_loop3A_628 : i32 to index
      %parallel_loop3A_632 = arith.index_cast %parallel_loop3A_629 : i32 to index
      %parallel_loop3A_633 = arith.index_cast %parallel_loop3A_532 : i32 to index
      %parallel_loop3A_634 = arith.index_cast %parallel_loop3A_630 : i32 to index
      %parallel_loop3A_635 = arith.index_cast %parallel_loop3A_550 : i32 to index
      %parallel_loop3A_636 = tpu.vector_load %arg7[%parallel_loop3A_631, %parallel_loop3A_632, %parallel_loop3A_633, %parallel_loop3A_634, %parallel_loop3A_635] {strides = array<i32>} : memref<9x2x4x8x128xf32, #tpu.memory_space<vmem>>, vector<16xf32>,
      tpu.vector_store %arg7[%parallel_loop3A_631, %parallel_loop3A_632, %parallel_loop3A_633, %parallel_loop3A_634, %parallel_loop3A_635], %parallel_loop3A_627 {strides = array<i32>} : memref<9x2x4x8x128xf32, #tpu.memory_space<vmem>>, vector<16xf32>,
      %parallel_loop3A_637 = tpu.vector_load_idx %arg5[%broadcast_in_dim3A_19, %parallel_loop3A_556] : memref<16x20xf32, #tpu.memory_space<vmem>>[vector<16xi32>, vector<16xi32>], vector<16xf32>,
      %parallel_loop3A_638 = arith.constant 7 : i32
      %parallel_loop3A_639 = arith.constant 1 : i32
      %parallel_loop3A_640 = arith.constant 0 : i32
      %parallel_loop3A_641 = arith.index_cast %parallel_loop3A_638 : i32 to index
      %parallel_loop3A_642 = arith.index_cast %parallel_loop3A_639 : i32 to index
      %parallel_loop3A_643 = arith.index_cast %parallel_loop3A_532 : i32 to index
      %parallel_loop3A_644 = arith.index_cast %parallel_loop3A_640 : i32 to index
      %parallel_loop3A_645 = arith.index_cast %parallel_loop3A_550 : i32 to index
      %parallel_loop3A_646 = tpu.vector_load %arg7[%parallel_loop3A_641, %parallel_loop3A_642, %parallel_loop3A_643, %parallel_loop3A_644, %parallel_loop3A_645] {strides = array<i32>} : memref<9x2x4x8x128xf32, #tpu.memory_space<vmem>>, vector<16xf32>,
      tpu.vector_store %arg7[%parallel_loop3A_641, %parallel_loop3A_642, %parallel_loop3A_643, %parallel_loop3A_644, %parallel_loop3A_645], %parallel_loop3A_637 {strides = array<i32>} : memref<9x2x4x8x128xf32, #tpu.memory_space<vmem>>, vector<16xf32>,
      %parallel_loop3A_647 = tpu.vector_load_idx %arg5[%broadcast_in_dim3A_21, %parallel_loop3A_556] : memref<16x20xf32, #tpu.memory_space<vmem>>[vector<16xi32>, vector<16xi32>], vector<16xf32>,
      %parallel_loop3A_648 = arith.constant 7 : i32
      %parallel_loop3A_649 = arith.constant 1 : i32
      %parallel_loop3A_650 = arith.constant 1 : i32
      %parallel_loop3A_651 = arith.index_cast %parallel_loop3A_648 : i32 to index
      %parallel_loop3A_652 = arith.index_cast %parallel_loop3A_649 : i32 to index
      %parallel_loop3A_653 = arith.index_cast %parallel_loop3A_532 : i32 to index
      %parallel_loop3A_654 = arith.index_cast %parallel_loop3A_650 : i32 to index
      %parallel_loop3A_655 = arith.index_cast %parallel_loop3A_550 : i32 to index
      %parallel_loop3A_656 = tpu.vector_load %arg7[%parallel_loop3A_651, %parallel_loop3A_652, %parallel_loop3A_653, %parallel_loop3A_654, %parallel_loop3A_655] {strides = array<i32>} : memref<9x2x4x8x128xf32, #tpu.memory_space<vmem>>, vector<16xf32>,
      tpu.vector_store %arg7[%parallel_loop3A_651, %parallel_loop3A_652, %parallel_loop3A_653, %parallel_loop3A_654, %parallel_loop3A_655], %parallel_loop3A_647 {strides = array<i32>} : memref<9x2x4x8x128xf32, #tpu.memory_space<vmem>>, vector<16xf32>,
      %parallel_loop3A_657 = tpu.vector_load_idx %arg5[%broadcast_in_dim3A_23, %parallel_loop3A_556] : memref<16x20xf32, #tpu.memory_space<vmem>>[vector<16xi32>, vector<16xi32>], vector<16xf32>,
      %parallel_loop3A_658 = arith.constant 7 : i32
      %parallel_loop3A_659 = arith.constant 1 : i32
      %parallel_loop3A_660 = arith.constant 2 : i32
      %parallel_loop3A_661 = arith.index_cast %parallel_loop3A_658 : i32 to index
      %parallel_loop3A_662 = arith.index_cast %parallel_loop3A_659 : i32 to index
      %parallel_loop3A_663 = arith.index_cast %parallel_loop3A_532 : i32 to index
      %parallel_loop3A_664 = arith.index_cast %parallel_loop3A_660 : i32 to index
      %parallel_loop3A_665 = arith.index_cast %parallel_loop3A_550 : i32 to index
      %parallel_loop3A_666 = tpu.vector_load %arg7[%parallel_loop3A_661, %parallel_loop3A_662, %parallel_loop3A_663, %parallel_loop3A_664, %parallel_loop3A_665] {strides = array<i32>} : memref<9x2x4x8x128xf32, #tpu.memory_space<vmem>>, vector<16xf32>,
      tpu.vector_store %arg7[%parallel_loop3A_661, %parallel_loop3A_662, %parallel_loop3A_663, %parallel_loop3A_664, %parallel_loop3A_665], %parallel_loop3A_657 {strides = array<i32>} : memref<9x2x4x8x128xf32, #tpu.memory_space<vmem>>, vector<16xf32>,
      %parallel_loop3A_667 = tpu.vector_load_idx %arg5[%broadcast_in_dim3A_25, %parallel_loop3A_556] : memref<16x20xf32, #tpu.memory_space<vmem>>[vector<16xi32>, vector<16xi32>], vector<16xf32>,
      %parallel_loop3A_668 = arith.constant 7 : i32
      %parallel_loop3A_669 = arith.constant 1 : i32
      %parallel_loop3A_670 = arith.constant 3 : i32
      %parallel_loop3A_671 = arith.index_cast %parallel_loop3A_668 : i32 to index
      %parallel_loop3A_672 = arith.index_cast %parallel_loop3A_669 : i32 to index
      %parallel_loop3A_673 = arith.index_cast %parallel_loop3A_532 : i32 to index
      %parallel_loop3A_674 = arith.index_cast %parallel_loop3A_670 : i32 to index
      %parallel_loop3A_675 = arith.index_cast %parallel_loop3A_550 : i32 to index
      %parallel_loop3A_676 = tpu.vector_load %arg7[%parallel_loop3A_671, %parallel_loop3A_672, %parallel_loop3A_673, %parallel_loop3A_674, %parallel_loop3A_675] {strides = array<i32>} : memref<9x2x4x8x128xf32, #tpu.memory_space<vmem>>, vector<16xf32>,
      tpu.vector_store %arg7[%parallel_loop3A_671, %parallel_loop3A_672, %parallel_loop3A_673, %parallel_loop3A_674, %parallel_loop3A_675], %parallel_loop3A_667 {strides = array<i32>} : memref<9x2x4x8x128xf32, #tpu.memory_space<vmem>>, vector<16xf32>,
      %parallel_loop3A_677 = tpu.vector_load_idx %arg5[%broadcast_in_dim3A_27, %parallel_loop3A_556] : memref<16x20xf32, #tpu.memory_space<vmem>>[vector<16xi32>, vector<16xi32>], vector<16xf32>,
      %parallel_loop3A_678 = arith.constant 7 : i32
      %parallel_loop3A_679 = arith.constant 1 : i32
      %parallel_loop3A_680 = arith.constant 4 : i32
      %parallel_loop3A_681 = arith.index_cast %parallel_loop3A_678 : i32 to index
      %parallel_loop3A_682 = arith.index_cast %parallel_loop3A_679 : i32 to index
      %parallel_loop3A_683 = arith.index_cast %parallel_loop3A_532 : i32 to index
      %parallel_loop3A_684 = arith.index_cast %parallel_loop3A_680 : i32 to index
      %parallel_loop3A_685 = arith.index_cast %parallel_loop3A_550 : i32 to index
      %parallel_loop3A_686 = tpu.vector_load %arg7[%parallel_loop3A_681, %parallel_loop3A_682, %parallel_loop3A_683, %parallel_loop3A_684, %parallel_loop3A_685] {strides = array<i32>} : memref<9x2x4x8x128xf32, #tpu.memory_space<vmem>>, vector<16xf32>,
      tpu.vector_store %arg7[%parallel_loop3A_681, %parallel_loop3A_682, %parallel_loop3A_683, %parallel_loop3A_684, %parallel_loop3A_685], %parallel_loop3A_677 {strides = array<i32>} : memref<9x2x4x8x128xf32, #tpu.memory_space<vmem>>, vector<16xf32>,
      %parallel_loop3A_687 = tpu.vector_load_idx %arg5[%broadcast_in_dim3A_29, %parallel_loop3A_556] : memref<16x20xf32, #tpu.memory_space<vmem>>[vector<16xi32>, vector<16xi32>], vector<16xf32>,
      %parallel_loop3A_688 = arith.constant 7 : i32
      %parallel_loop3A_689 = arith.constant 1 : i32
      %parallel_loop3A_690 = arith.constant 5 : i32
      %parallel_loop3A_691 = arith.index_cast %parallel_loop3A_688 : i32 to index
      %parallel_loop3A_692 = arith.index_cast %parallel_loop3A_689 : i32 to index
      %parallel_loop3A_693 = arith.index_cast %parallel_loop3A_532 : i32 to index
      %parallel_loop3A_694 = arith.index_cast %parallel_loop3A_690 : i32 to index
      %parallel_loop3A_695 = arith.index_cast %parallel_loop3A_550 : i32 to index
      %parallel_loop3A_696 = tpu.vector_load %arg7[%parallel_loop3A_691, %parallel_loop3A_692, %parallel_loop3A_693, %parallel_loop3A_694, %parallel_loop3A_695] {strides = array<i32>} : memref<9x2x4x8x128xf32, #tpu.memory_space<vmem>>, vector<16xf32>,
      tpu.vector_store %arg7[%parallel_loop3A_691, %parallel_loop3A_692, %parallel_loop3A_693, %parallel_loop3A_694, %parallel_loop3A_695], %parallel_loop3A_687 {strides = array<i32>} : memref<9x2x4x8x128xf32, #tpu.memory_space<vmem>>, vector<16xf32>,
      %parallel_loop3A_697 = tpu.vector_load_idx %arg5[%broadcast_in_dim3A_31, %parallel_loop3A_556] : memref<16x20xf32, #tpu.memory_space<vmem>>[vector<16xi32>, vector<16xi32>], vector<16xf32>,
      %parallel_loop3A_698 = arith.constant 7 : i32
      %parallel_loop3A_699 = arith.constant 1 : i32
      %parallel_loop3A_700 = arith.constant 6 : i32
      %parallel_loop3A_701 = arith.index_cast %parallel_loop3A_698 : i32 to index
      %parallel_loop3A_702 = arith.index_cast %parallel_loop3A_699 : i32 to index
      %parallel_loop3A_703 = arith.index_cast %parallel_loop3A_532 : i32 to index
      %parallel_loop3A_704 = arith.index_cast %parallel_loop3A_700 : i32 to index
      %parallel_loop3A_705 = arith.index_cast %parallel_loop3A_550 : i32 to index
      %parallel_loop3A_706 = tpu.vector_load %arg7[%parallel_loop3A_701, %parallel_loop3A_702, %parallel_loop3A_703, %parallel_loop3A_704, %parallel_loop3A_705] {strides = array<i32>} : memref<9x2x4x8x128xf32, #tpu.memory_space<vmem>>, vector<16xf32>,
      tpu.vector_store %arg7[%parallel_loop3A_701, %parallel_loop3A_702, %parallel_loop3A_703, %parallel_loop3A_704, %parallel_loop3A_705], %parallel_loop3A_697 {strides = array<i32>} : memref<9x2x4x8x128xf32, #tpu.memory_space<vmem>>, vector<16xf32>,
      %parallel_loop3A_707 = tpu.vector_load_idx %arg5[%broadcast_in_dim3A_33, %parallel_loop3A_556] : memref<16x20xf32, #tpu.memory_space<vmem>>[vector<16xi32>, vector<16xi32>], vector<16xf32>,
      %parallel_loop3A_708 = arith.constant 7 : i32
      %parallel_loop3A_709 = arith.constant 1 : i32
      %parallel_loop3A_710 = arith.constant 7 : i32
      %parallel_loop3A_711 = arith.index_cast %parallel_loop3A_708 : i32 to index
      %parallel_loop3A_712 = arith.index_cast %parallel_loop3A_709 : i32 to index
      %parallel_loop3A_713 = arith.index_cast %parallel_loop3A_532 : i32 to index
      %parallel_loop3A_714 = arith.index_cast %parallel_loop3A_710 : i32 to index
      %parallel_loop3A_715 = arith.index_cast %parallel_loop3A_550 : i32 to index
      %parallel_loop3A_716 = tpu.vector_load %arg7[%parallel_loop3A_711, %parallel_loop3A_712, %parallel_loop3A_713, %parallel_loop3A_714, %parallel_loop3A_715] {strides = array<i32>} : memref<9x2x4x8x128xf32, #tpu.memory_space<vmem>>, vector<16xf32>,
      tpu.vector_store %arg7[%parallel_loop3A_711, %parallel_loop3A_712, %parallel_loop3A_713, %parallel_loop3A_714, %parallel_loop3A_715], %parallel_loop3A_707 {strides = array<i32>} : memref<9x2x4x8x128xf32, #tpu.memory_space<vmem>>, vector<16xf32>,
    } {sc.loop_unroll_factor = 1 : i64, sc.parallel_access}
    %mul3A_238 = arith.constant 4 : i32
    %mul3A_239 = arith.muli %add3A, %mul3A_238 : i32
    %dma_start3A_240 = arith.constant 7 : i32
    %dma_start3A_241 = arith.constant 7 : i32
    %dma_start3A_242 = arith.constant 0 : i32
    %dma_start3A_243 = arith.constant 0 : i32
    %dma_start3A_244 = arith.constant 0 : i32
    %dma_start3A_245 = arith.constant 0 : i32
    %dma_start3A_246 = tpu.memref_slice %arg7[%dma_start3A_240, %dma_start3A_242, %dma_start3A_243, %dma_start3A_244, %dma_start3A_245] : memref<9x2x4x8x128xf32, #tpu.memory_space<vmem>> -> memref<1x2x4x8x128xf32, #tpu.memory_space<vmem>>
    %dma_start3A_247 = tpu.memref_squeeze %dma_start3A_246 : memref<1x2x4x8x128xf32, #tpu.memory_space<vmem>> -> memref<2x4x8x128xf32, #tpu.memory_space<vmem>>
    %dma_start3A_248 = arith.constant 0 : i32
    %dma_start3A_249 = arith.constant 0 : i32
    %dma_start3A_250 = arith.constant 0 : i32
    %dma_start3A_251 = tpu.memref_slice %arg4[%dma_start3A_241, %dma_start3A_248, %mul3A_239, %dma_start3A_249, %dma_start3A_250] : memref<9x2x128x8x128xf32, #tpu.memory_space<hbm>> -> memref<1x2x4x8x128xf32, #tpu.memory_space<hbm>>
    %dma_start3A_252 = tpu.memref_squeeze %dma_start3A_251 : memref<1x2x4x8x128xf32, #tpu.memory_space<hbm>> -> memref<2x4x8x128xf32, #tpu.memory_space<hbm>>
    %dma_start3A_253 = arith.constant 0 : i32
    %dma_start3A_254 = arith.constant 0 : i32
    %dma_start3A_255 = arith.constant 0 : i32
    %dma_start3A_256 = tpu.memref_slice %arg4[%dma_start3A_241, %dma_start3A_253, %mul3A_239, %dma_start3A_254, %dma_start3A_255] : memref<9x2x128x8x128xf32, #tpu.memory_space<hbm>> -> memref<1x2x4x8x128xf32, #tpu.memory_space<hbm>>
    %dma_start3A_257 = tpu.memref_squeeze %dma_start3A_256 : memref<1x2x4x8x128xf32, #tpu.memory_space<hbm>> -> memref<2x4x8x128xf32, #tpu.memory_space<hbm>>
    %dma_start3A_258 = arith.constant 0 : i32
    %dma_start3A_259 = arith.constant 0 : i32
    %dma_start3A_260 = arith.constant 0 : i32
    %dma_start3A_261 = arith.constant 0 : i32
    %dma_start3A_262 = tpu.memref_slice %arg7[%dma_start3A_240, %dma_start3A_258, %dma_start3A_259, %dma_start3A_260, %dma_start3A_261] : memref<9x2x4x8x128xf32, #tpu.memory_space<vmem>> -> memref<1x2x4x8x128xf32, #tpu.memory_space<vmem>>
    %dma_start3A_263 = tpu.memref_squeeze %dma_start3A_262 : memref<1x2x4x8x128xf32, #tpu.memory_space<vmem>> -> memref<2x4x8x128xf32, #tpu.memory_space<vmem>>
    tpu.enqueue_dma source(%dma_start3A_263 : memref<2x4x8x128xf32, #tpu.memory_space<vmem>>) target(%dma_start3A_257 : memref<2x4x8x128xf32, #tpu.memory_space<hbm>>) target_semaphore(%arg8 : memref<!tpu.dma_semaphore, #tpu.memory_space<semaphore_mem>>)
    %parallel_loop3A_264 = arith.constant 0 : i32
    %parallel_loop3A_265 = arith.constant 32 : i32
    %parallel_loop3A_266 = arith.constant 1 : i32
    scf.for %parallel_loop3A_508 = %parallel_loop3A_264 to %parallel_loop3A_265 step %parallel_loop3A_266  : i32 {
      %parallel_loop3A_509 = arith.constant 8 : i32
      %parallel_loop3A_510 = arith.divsi %parallel_loop3A_508, %parallel_loop3A_509 : i32
      %parallel_loop3A_511 = arith.constant 0 : i32
      %parallel_loop3A_512 = arith.cmpi sgt, %parallel_loop3A_508, %parallel_loop3A_511 : i32
      %parallel_loop3A_513 = arith.extui %parallel_loop3A_512 : i1 to i32
      %parallel_loop3A_514 = arith.constant 0 : i32
      %parallel_loop3A_515 = arith.cmpi slt, %parallel_loop3A_508, %parallel_loop3A_514 : i32
      %parallel_loop3A_516 = arith.extui %parallel_loop3A_515 : i1 to i32
      %parallel_loop3A_517 = arith.subi %parallel_loop3A_513, %parallel_loop3A_516 : i32
      %parallel_loop3A_518 = arith.constant 0 : i32
      %parallel_loop3A_519 = arith.cmpi sgt, %parallel_loop3A_509, %parallel_loop3A_518 : i32
      %parallel_loop3A_520 = arith.extui %parallel_loop3A_519 : i1 to i32
      %parallel_loop3A_521 = arith.constant 0 : i32
      %parallel_loop3A_522 = arith.cmpi slt, %parallel_loop3A_509, %parallel_loop3A_521 : i32
      %parallel_loop3A_523 = arith.extui %parallel_loop3A_522 : i1 to i32
      %parallel_loop3A_524 = arith.subi %parallel_loop3A_520, %parallel_loop3A_523 : i32
      %parallel_loop3A_525 = arith.cmpi ne, %parallel_loop3A_517, %parallel_loop3A_524 : i32
      %parallel_loop3A_526 = arith.remsi %parallel_loop3A_508, %parallel_loop3A_509 : i32
      %parallel_loop3A_527 = arith.constant 0 : i32
      %parallel_loop3A_528 = arith.cmpi ne, %parallel_loop3A_526, %parallel_loop3A_527 : i32
      %parallel_loop3A_529 = arith.andi %parallel_loop3A_525, %parallel_loop3A_528 : i1
      %parallel_loop3A_530 = arith.constant 1 : i32
      %parallel_loop3A_531 = arith.subi %parallel_loop3A_510, %parallel_loop3A_530 : i32
      %parallel_loop3A_532 = arith.select %parallel_loop3A_529, %parallel_loop3A_531, %parallel_loop3A_510 : i32
      %parallel_loop3A_533 = arith.constant 8 : i32
      %parallel_loop3A_534 = arith.constant 0 : i32
      %parallel_loop3A_535 = arith.cmpi eq, %parallel_loop3A_533, %parallel_loop3A_534 : i32
      %parallel_loop3A_536 = arith.constant 1 : i32
      %parallel_loop3A_537 = arith.select %parallel_loop3A_535, %parallel_loop3A_536, %parallel_loop3A_533 : i32
      %parallel_loop3A_538 = arith.remsi %parallel_loop3A_508, %parallel_loop3A_537 : i32
      %parallel_loop3A_539 = arith.constant 0 : i32
      %parallel_loop3A_540 = arith.cmpi ne, %parallel_loop3A_538, %parallel_loop3A_539 : i32
      %parallel_loop3A_541 = arith.constant 0 : i32
      %parallel_loop3A_542 = arith.cmpi slt, %parallel_loop3A_538, %parallel_loop3A_541 : i32
      %parallel_loop3A_543 = arith.constant 0 : i32
      %parallel_loop3A_544 = arith.cmpi slt, %parallel_loop3A_537, %parallel_loop3A_543 : i32
      %parallel_loop3A_545 = arith.xori %parallel_loop3A_542, %parallel_loop3A_544 : i1
      %parallel_loop3A_546 = arith.andi %parallel_loop3A_545, %parallel_loop3A_540 : i1
      %parallel_loop3A_547 = arith.addi %parallel_loop3A_538, %parallel_loop3A_537 : i32
      %parallel_loop3A_548 = arith.select %parallel_loop3A_546, %parallel_loop3A_547, %parallel_loop3A_538 : i32
      %parallel_loop3A_549 = arith.constant 16 : i32
      %parallel_loop3A_550 = arith.muli %parallel_loop3A_548, %parallel_loop3A_549 : i32
      %parallel_loop3A_551 = arith.constant 16 : i32
      %parallel_loop3A_552 = arith.muli %parallel_loop3A_508, %parallel_loop3A_551 : i32
      %parallel_loop3A_553 = arith.constant 8 : i32
      %parallel_loop3A_554 = arith.index_cast %parallel_loop3A_553 : i32 to index
      %parallel_loop3A_555 = arith.index_cast %parallel_loop3A_552 : i32 to index
      %parallel_loop3A_556 = tpu.vector_load %arg6[%parallel_loop3A_554, %parallel_loop3A_555] {strides = array<i32>} : memref<9x512xi32, #tpu.memory_space<vmem>>, vector<16xi32>,
      %parallel_loop3A_557 = tpu.vector_load_idx %arg5[%broadcast_in_dim3A_3, %parallel_loop3A_556] : memref<16x20xf32, #tpu.memory_space<vmem>>[vector<16xi32>, vector<16xi32>], vector<16xf32>,
      %parallel_loop3A_558 = arith.constant 8 : i32
      %parallel_loop3A_559 = arith.constant 0 : i32
      %parallel_loop3A_560 = arith.constant 0 : i32
      %parallel_loop3A_561 = arith.index_cast %parallel_loop3A_558 : i32 to index
      %parallel_loop3A_562 = arith.index_cast %parallel_loop3A_559 : i32 to index
      %parallel_loop3A_563 = arith.index_cast %parallel_loop3A_532 : i32 to index
      %parallel_loop3A_564 = arith.index_cast %parallel_loop3A_560 : i32 to index
      %parallel_loop3A_565 = arith.index_cast %parallel_loop3A_550 : i32 to index
      %parallel_loop3A_566 = tpu.vector_load %arg7[%parallel_loop3A_561, %parallel_loop3A_562, %parallel_loop3A_563, %parallel_loop3A_564, %parallel_loop3A_565] {strides = array<i32>} : memref<9x2x4x8x128xf32, #tpu.memory_space<vmem>>, vector<16xf32>,
      tpu.vector_store %arg7[%parallel_loop3A_561, %parallel_loop3A_562, %parallel_loop3A_563, %parallel_loop3A_564, %parallel_loop3A_565], %parallel_loop3A_557 {strides = array<i32>} : memref<9x2x4x8x128xf32, #tpu.memory_space<vmem>>, vector<16xf32>,
      %parallel_loop3A_567 = tpu.vector_load_idx %arg5[%broadcast_in_dim3A_5, %parallel_loop3A_556] : memref<16x20xf32, #tpu.memory_space<vmem>>[vector<16xi32>, vector<16xi32>], vector<16xf32>,
      %parallel_loop3A_568 = arith.constant 8 : i32
      %parallel_loop3A_569 = arith.constant 0 : i32
      %parallel_loop3A_570 = arith.constant 1 : i32
      %parallel_loop3A_571 = arith.index_cast %parallel_loop3A_568 : i32 to index
      %parallel_loop3A_572 = arith.index_cast %parallel_loop3A_569 : i32 to index
      %parallel_loop3A_573 = arith.index_cast %parallel_loop3A_532 : i32 to index
      %parallel_loop3A_574 = arith.index_cast %parallel_loop3A_570 : i32 to index
      %parallel_loop3A_575 = arith.index_cast %parallel_loop3A_550 : i32 to index
      %parallel_loop3A_576 = tpu.vector_load %arg7[%parallel_loop3A_571, %parallel_loop3A_572, %parallel_loop3A_573, %parallel_loop3A_574, %parallel_loop3A_575] {strides = array<i32>} : memref<9x2x4x8x128xf32, #tpu.memory_space<vmem>>, vector<16xf32>,
      tpu.vector_store %arg7[%parallel_loop3A_571, %parallel_loop3A_572, %parallel_loop3A_573, %parallel_loop3A_574, %parallel_loop3A_575], %parallel_loop3A_567 {strides = array<i32>} : memref<9x2x4x8x128xf32, #tpu.memory_space<vmem>>, vector<16xf32>,
      %parallel_loop3A_577 = tpu.vector_load_idx %arg5[%broadcast_in_dim3A_7, %parallel_loop3A_556] : memref<16x20xf32, #tpu.memory_space<vmem>>[vector<16xi32>, vector<16xi32>], vector<16xf32>,
      %parallel_loop3A_578 = arith.constant 8 : i32
      %parallel_loop3A_579 = arith.constant 0 : i32
      %parallel_loop3A_580 = arith.constant 2 : i32
      %parallel_loop3A_581 = arith.index_cast %parallel_loop3A_578 : i32 to index
      %parallel_loop3A_582 = arith.index_cast %parallel_loop3A_579 : i32 to index
      %parallel_loop3A_583 = arith.index_cast %parallel_loop3A_532 : i32 to index
      %parallel_loop3A_584 = arith.index_cast %parallel_loop3A_580 : i32 to index
      %parallel_loop3A_585 = arith.index_cast %parallel_loop3A_550 : i32 to index
      %parallel_loop3A_586 = tpu.vector_load %arg7[%parallel_loop3A_581, %parallel_loop3A_582, %parallel_loop3A_583, %parallel_loop3A_584, %parallel_loop3A_585] {strides = array<i32>} : memref<9x2x4x8x128xf32, #tpu.memory_space<vmem>>, vector<16xf32>,
      tpu.vector_store %arg7[%parallel_loop3A_581, %parallel_loop3A_582, %parallel_loop3A_583, %parallel_loop3A_584, %parallel_loop3A_585], %parallel_loop3A_577 {strides = array<i32>} : memref<9x2x4x8x128xf32, #tpu.memory_space<vmem>>, vector<16xf32>,
      %parallel_loop3A_587 = tpu.vector_load_idx %arg5[%broadcast_in_dim3A_9, %parallel_loop3A_556] : memref<16x20xf32, #tpu.memory_space<vmem>>[vector<16xi32>, vector<16xi32>], vector<16xf32>,
      %parallel_loop3A_588 = arith.constant 8 : i32
      %parallel_loop3A_589 = arith.constant 0 : i32
      %parallel_loop3A_590 = arith.constant 3 : i32
      %parallel_loop3A_591 = arith.index_cast %parallel_loop3A_588 : i32 to index
      %parallel_loop3A_592 = arith.index_cast %parallel_loop3A_589 : i32 to index
      %parallel_loop3A_593 = arith.index_cast %parallel_loop3A_532 : i32 to index
      %parallel_loop3A_594 = arith.index_cast %parallel_loop3A_590 : i32 to index
      %parallel_loop3A_595 = arith.index_cast %parallel_loop3A_550 : i32 to index
      %parallel_loop3A_596 = tpu.vector_load %arg7[%parallel_loop3A_591, %parallel_loop3A_592, %parallel_loop3A_593, %parallel_loop3A_594, %parallel_loop3A_595] {strides = array<i32>} : memref<9x2x4x8x128xf32, #tpu.memory_space<vmem>>, vector<16xf32>,
      tpu.vector_store %arg7[%parallel_loop3A_591, %parallel_loop3A_592, %parallel_loop3A_593, %parallel_loop3A_594, %parallel_loop3A_595], %parallel_loop3A_587 {strides = array<i32>} : memref<9x2x4x8x128xf32, #tpu.memory_space<vmem>>, vector<16xf32>,
      %parallel_loop3A_597 = tpu.vector_load_idx %arg5[%broadcast_in_dim3A_11, %parallel_loop3A_556] : memref<16x20xf32, #tpu.memory_space<vmem>>[vector<16xi32>, vector<16xi32>], vector<16xf32>,
      %parallel_loop3A_598 = arith.constant 8 : i32
      %parallel_loop3A_599 = arith.constant 0 : i32
      %parallel_loop3A_600 = arith.constant 4 : i32
      %parallel_loop3A_601 = arith.index_cast %parallel_loop3A_598 : i32 to index
      %parallel_loop3A_602 = arith.index_cast %parallel_loop3A_599 : i32 to index
      %parallel_loop3A_603 = arith.index_cast %parallel_loop3A_532 : i32 to index
      %parallel_loop3A_604 = arith.index_cast %parallel_loop3A_600 : i32 to index
      %parallel_loop3A_605 = arith.index_cast %parallel_loop3A_550 : i32 to index
      %parallel_loop3A_606 = tpu.vector_load %arg7[%parallel_loop3A_601, %parallel_loop3A_602, %parallel_loop3A_603, %parallel_loop3A_604, %parallel_loop3A_605] {strides = array<i32>} : memref<9x2x4x8x128xf32, #tpu.memory_space<vmem>>, vector<16xf32>,
      tpu.vector_store %arg7[%parallel_loop3A_601, %parallel_loop3A_602, %parallel_loop3A_603, %parallel_loop3A_604, %parallel_loop3A_605], %parallel_loop3A_597 {strides = array<i32>} : memref<9x2x4x8x128xf32, #tpu.memory_space<vmem>>, vector<16xf32>,
      %parallel_loop3A_607 = tpu.vector_load_idx %arg5[%broadcast_in_dim3A_13, %parallel_loop3A_556] : memref<16x20xf32, #tpu.memory_space<vmem>>[vector<16xi32>, vector<16xi32>], vector<16xf32>,
      %parallel_loop3A_608 = arith.constant 8 : i32
      %parallel_loop3A_609 = arith.constant 0 : i32
      %parallel_loop3A_610 = arith.constant 5 : i32
      %parallel_loop3A_611 = arith.index_cast %parallel_loop3A_608 : i32 to index
      %parallel_loop3A_612 = arith.index_cast %parallel_loop3A_609 : i32 to index
      %parallel_loop3A_613 = arith.index_cast %parallel_loop3A_532 : i32 to index
      %parallel_loop3A_614 = arith.index_cast %parallel_loop3A_610 : i32 to index
      %parallel_loop3A_615 = arith.index_cast %parallel_loop3A_550 : i32 to index
      %parallel_loop3A_616 = tpu.vector_load %arg7[%parallel_loop3A_611, %parallel_loop3A_612, %parallel_loop3A_613, %parallel_loop3A_614, %parallel_loop3A_615] {strides = array<i32>} : memref<9x2x4x8x128xf32, #tpu.memory_space<vmem>>, vector<16xf32>,
      tpu.vector_store %arg7[%parallel_loop3A_611, %parallel_loop3A_612, %parallel_loop3A_613, %parallel_loop3A_614, %parallel_loop3A_615], %parallel_loop3A_607 {strides = array<i32>} : memref<9x2x4x8x128xf32, #tpu.memory_space<vmem>>, vector<16xf32>,
      %parallel_loop3A_617 = tpu.vector_load_idx %arg5[%broadcast_in_dim3A_15, %parallel_loop3A_556] : memref<16x20xf32, #tpu.memory_space<vmem>>[vector<16xi32>, vector<16xi32>], vector<16xf32>,
      %parallel_loop3A_618 = arith.constant 8 : i32
      %parallel_loop3A_619 = arith.constant 0 : i32
      %parallel_loop3A_620 = arith.constant 6 : i32
      %parallel_loop3A_621 = arith.index_cast %parallel_loop3A_618 : i32 to index
      %parallel_loop3A_622 = arith.index_cast %parallel_loop3A_619 : i32 to index
      %parallel_loop3A_623 = arith.index_cast %parallel_loop3A_532 : i32 to index
      %parallel_loop3A_624 = arith.index_cast %parallel_loop3A_620 : i32 to index
      %parallel_loop3A_625 = arith.index_cast %parallel_loop3A_550 : i32 to index
      %parallel_loop3A_626 = tpu.vector_load %arg7[%parallel_loop3A_621, %parallel_loop3A_622, %parallel_loop3A_623, %parallel_loop3A_624, %parallel_loop3A_625] {strides = array<i32>} : memref<9x2x4x8x128xf32, #tpu.memory_space<vmem>>, vector<16xf32>,
      tpu.vector_store %arg7[%parallel_loop3A_621, %parallel_loop3A_622, %parallel_loop3A_623, %parallel_loop3A_624, %parallel_loop3A_625], %parallel_loop3A_617 {strides = array<i32>} : memref<9x2x4x8x128xf32, #tpu.memory_space<vmem>>, vector<16xf32>,
      %parallel_loop3A_627 = tpu.vector_load_idx %arg5[%broadcast_in_dim3A_17, %parallel_loop3A_556] : memref<16x20xf32, #tpu.memory_space<vmem>>[vector<16xi32>, vector<16xi32>], vector<16xf32>,
      %parallel_loop3A_628 = arith.constant 8 : i32
      %parallel_loop3A_629 = arith.constant 0 : i32
      %parallel_loop3A_630 = arith.constant 7 : i32
      %parallel_loop3A_631 = arith.index_cast %parallel_loop3A_628 : i32 to index
      %parallel_loop3A_632 = arith.index_cast %parallel_loop3A_629 : i32 to index
      %parallel_loop3A_633 = arith.index_cast %parallel_loop3A_532 : i32 to index
      %parallel_loop3A_634 = arith.index_cast %parallel_loop3A_630 : i32 to index
      %parallel_loop3A_635 = arith.index_cast %parallel_loop3A_550 : i32 to index
      %parallel_loop3A_636 = tpu.vector_load %arg7[%parallel_loop3A_631, %parallel_loop3A_632, %parallel_loop3A_633, %parallel_loop3A_634, %parallel_loop3A_635] {strides = array<i32>} : memref<9x2x4x8x128xf32, #tpu.memory_space<vmem>>, vector<16xf32>,
      tpu.vector_store %arg7[%parallel_loop3A_631, %parallel_loop3A_632, %parallel_loop3A_633, %parallel_loop3A_634, %parallel_loop3A_635], %parallel_loop3A_627 {strides = array<i32>} : memref<9x2x4x8x128xf32, #tpu.memory_space<vmem>>, vector<16xf32>,
      %parallel_loop3A_637 = tpu.vector_load_idx %arg5[%broadcast_in_dim3A_19, %parallel_loop3A_556] : memref<16x20xf32, #tpu.memory_space<vmem>>[vector<16xi32>, vector<16xi32>], vector<16xf32>,
      %parallel_loop3A_638 = arith.constant 8 : i32
      %parallel_loop3A_639 = arith.constant 1 : i32
      %parallel_loop3A_640 = arith.constant 0 : i32
      %parallel_loop3A_641 = arith.index_cast %parallel_loop3A_638 : i32 to index
      %parallel_loop3A_642 = arith.index_cast %parallel_loop3A_639 : i32 to index
      %parallel_loop3A_643 = arith.index_cast %parallel_loop3A_532 : i32 to index
      %parallel_loop3A_644 = arith.index_cast %parallel_loop3A_640 : i32 to index
      %parallel_loop3A_645 = arith.index_cast %parallel_loop3A_550 : i32 to index
      %parallel_loop3A_646 = tpu.vector_load %arg7[%parallel_loop3A_641, %parallel_loop3A_642, %parallel_loop3A_643, %parallel_loop3A_644, %parallel_loop3A_645] {strides = array<i32>} : memref<9x2x4x8x128xf32, #tpu.memory_space<vmem>>, vector<16xf32>,
      tpu.vector_store %arg7[%parallel_loop3A_641, %parallel_loop3A_642, %parallel_loop3A_643, %parallel_loop3A_644, %parallel_loop3A_645], %parallel_loop3A_637 {strides = array<i32>} : memref<9x2x4x8x128xf32, #tpu.memory_space<vmem>>, vector<16xf32>,
      %parallel_loop3A_647 = tpu.vector_load_idx %arg5[%broadcast_in_dim3A_21, %parallel_loop3A_556] : memref<16x20xf32, #tpu.memory_space<vmem>>[vector<16xi32>, vector<16xi32>], vector<16xf32>,
      %parallel_loop3A_648 = arith.constant 8 : i32
      %parallel_loop3A_649 = arith.constant 1 : i32
      %parallel_loop3A_650 = arith.constant 1 : i32
      %parallel_loop3A_651 = arith.index_cast %parallel_loop3A_648 : i32 to index
      %parallel_loop3A_652 = arith.index_cast %parallel_loop3A_649 : i32 to index
      %parallel_loop3A_653 = arith.index_cast %parallel_loop3A_532 : i32 to index
      %parallel_loop3A_654 = arith.index_cast %parallel_loop3A_650 : i32 to index
      %parallel_loop3A_655 = arith.index_cast %parallel_loop3A_550 : i32 to index
      %parallel_loop3A_656 = tpu.vector_load %arg7[%parallel_loop3A_651, %parallel_loop3A_652, %parallel_loop3A_653, %parallel_loop3A_654, %parallel_loop3A_655] {strides = array<i32>} : memref<9x2x4x8x128xf32, #tpu.memory_space<vmem>>, vector<16xf32>,
      tpu.vector_store %arg7[%parallel_loop3A_651, %parallel_loop3A_652, %parallel_loop3A_653, %parallel_loop3A_654, %parallel_loop3A_655], %parallel_loop3A_647 {strides = array<i32>} : memref<9x2x4x8x128xf32, #tpu.memory_space<vmem>>, vector<16xf32>,
      %parallel_loop3A_657 = tpu.vector_load_idx %arg5[%broadcast_in_dim3A_23, %parallel_loop3A_556] : memref<16x20xf32, #tpu.memory_space<vmem>>[vector<16xi32>, vector<16xi32>], vector<16xf32>,
      %parallel_loop3A_658 = arith.constant 8 : i32
      %parallel_loop3A_659 = arith.constant 1 : i32
      %parallel_loop3A_660 = arith.constant 2 : i32
      %parallel_loop3A_661 = arith.index_cast %parallel_loop3A_658 : i32 to index
      %parallel_loop3A_662 = arith.index_cast %parallel_loop3A_659 : i32 to index
      %parallel_loop3A_663 = arith.index_cast %parallel_loop3A_532 : i32 to index
      %parallel_loop3A_664 = arith.index_cast %parallel_loop3A_660 : i32 to index
      %parallel_loop3A_665 = arith.index_cast %parallel_loop3A_550 : i32 to index
      %parallel_loop3A_666 = tpu.vector_load %arg7[%parallel_loop3A_661, %parallel_loop3A_662, %parallel_loop3A_663, %parallel_loop3A_664, %parallel_loop3A_665] {strides = array<i32>} : memref<9x2x4x8x128xf32, #tpu.memory_space<vmem>>, vector<16xf32>,
      tpu.vector_store %arg7[%parallel_loop3A_661, %parallel_loop3A_662, %parallel_loop3A_663, %parallel_loop3A_664, %parallel_loop3A_665], %parallel_loop3A_657 {strides = array<i32>} : memref<9x2x4x8x128xf32, #tpu.memory_space<vmem>>, vector<16xf32>,
      %parallel_loop3A_667 = tpu.vector_load_idx %arg5[%broadcast_in_dim3A_25, %parallel_loop3A_556] : memref<16x20xf32, #tpu.memory_space<vmem>>[vector<16xi32>, vector<16xi32>], vector<16xf32>,
      %parallel_loop3A_668 = arith.constant 8 : i32
      %parallel_loop3A_669 = arith.constant 1 : i32
      %parallel_loop3A_670 = arith.constant 3 : i32
      %parallel_loop3A_671 = arith.index_cast %parallel_loop3A_668 : i32 to index
      %parallel_loop3A_672 = arith.index_cast %parallel_loop3A_669 : i32 to index
      %parallel_loop3A_673 = arith.index_cast %parallel_loop3A_532 : i32 to index
      %parallel_loop3A_674 = arith.index_cast %parallel_loop3A_670 : i32 to index
      %parallel_loop3A_675 = arith.index_cast %parallel_loop3A_550 : i32 to index
      %parallel_loop3A_676 = tpu.vector_load %arg7[%parallel_loop3A_671, %parallel_loop3A_672, %parallel_loop3A_673, %parallel_loop3A_674, %parallel_loop3A_675] {strides = array<i32>} : memref<9x2x4x8x128xf32, #tpu.memory_space<vmem>>, vector<16xf32>,
      tpu.vector_store %arg7[%parallel_loop3A_671, %parallel_loop3A_672, %parallel_loop3A_673, %parallel_loop3A_674, %parallel_loop3A_675], %parallel_loop3A_667 {strides = array<i32>} : memref<9x2x4x8x128xf32, #tpu.memory_space<vmem>>, vector<16xf32>,
      %parallel_loop3A_677 = tpu.vector_load_idx %arg5[%broadcast_in_dim3A_27, %parallel_loop3A_556] : memref<16x20xf32, #tpu.memory_space<vmem>>[vector<16xi32>, vector<16xi32>], vector<16xf32>,
      %parallel_loop3A_678 = arith.constant 8 : i32
      %parallel_loop3A_679 = arith.constant 1 : i32
      %parallel_loop3A_680 = arith.constant 4 : i32
      %parallel_loop3A_681 = arith.index_cast %parallel_loop3A_678 : i32 to index
      %parallel_loop3A_682 = arith.index_cast %parallel_loop3A_679 : i32 to index
      %parallel_loop3A_683 = arith.index_cast %parallel_loop3A_532 : i32 to index
      %parallel_loop3A_684 = arith.index_cast %parallel_loop3A_680 : i32 to index
      %parallel_loop3A_685 = arith.index_cast %parallel_loop3A_550 : i32 to index
      %parallel_loop3A_686 = tpu.vector_load %arg7[%parallel_loop3A_681, %parallel_loop3A_682, %parallel_loop3A_683, %parallel_loop3A_684, %parallel_loop3A_685] {strides = array<i32>} : memref<9x2x4x8x128xf32, #tpu.memory_space<vmem>>, vector<16xf32>,
      tpu.vector_store %arg7[%parallel_loop3A_681, %parallel_loop3A_682, %parallel_loop3A_683, %parallel_loop3A_684, %parallel_loop3A_685], %parallel_loop3A_677 {strides = array<i32>} : memref<9x2x4x8x128xf32, #tpu.memory_space<vmem>>, vector<16xf32>,
      %parallel_loop3A_687 = tpu.vector_load_idx %arg5[%broadcast_in_dim3A_29, %parallel_loop3A_556] : memref<16x20xf32, #tpu.memory_space<vmem>>[vector<16xi32>, vector<16xi32>], vector<16xf32>,
      %parallel_loop3A_688 = arith.constant 8 : i32
      %parallel_loop3A_689 = arith.constant 1 : i32
      %parallel_loop3A_690 = arith.constant 5 : i32
      %parallel_loop3A_691 = arith.index_cast %parallel_loop3A_688 : i32 to index
      %parallel_loop3A_692 = arith.index_cast %parallel_loop3A_689 : i32 to index
      %parallel_loop3A_693 = arith.index_cast %parallel_loop3A_532 : i32 to index
      %parallel_loop3A_694 = arith.index_cast %parallel_loop3A_690 : i32 to index
      %parallel_loop3A_695 = arith.index_cast %parallel_loop3A_550 : i32 to index
      %parallel_loop3A_696 = tpu.vector_load %arg7[%parallel_loop3A_691, %parallel_loop3A_692, %parallel_loop3A_693, %parallel_loop3A_694, %parallel_loop3A_695] {strides = array<i32>} : memref<9x2x4x8x128xf32, #tpu.memory_space<vmem>>, vector<16xf32>,
      tpu.vector_store %arg7[%parallel_loop3A_691, %parallel_loop3A_692, %parallel_loop3A_693, %parallel_loop3A_694, %parallel_loop3A_695], %parallel_loop3A_687 {strides = array<i32>} : memref<9x2x4x8x128xf32, #tpu.memory_space<vmem>>, vector<16xf32>,
      %parallel_loop3A_697 = tpu.vector_load_idx %arg5[%broadcast_in_dim3A_31, %parallel_loop3A_556] : memref<16x20xf32, #tpu.memory_space<vmem>>[vector<16xi32>, vector<16xi32>], vector<16xf32>,
      %parallel_loop3A_698 = arith.constant 8 : i32
      %parallel_loop3A_699 = arith.constant 1 : i32
      %parallel_loop3A_700 = arith.constant 6 : i32
      %parallel_loop3A_701 = arith.index_cast %parallel_loop3A_698 : i32 to index
      %parallel_loop3A_702 = arith.index_cast %parallel_loop3A_699 : i32 to index
      %parallel_loop3A_703 = arith.index_cast %parallel_loop3A_532 : i32 to index
      %parallel_loop3A_704 = arith.index_cast %parallel_loop3A_700 : i32 to index
      %parallel_loop3A_705 = arith.index_cast %parallel_loop3A_550 : i32 to index
      %parallel_loop3A_706 = tpu.vector_load %arg7[%parallel_loop3A_701, %parallel_loop3A_702, %parallel_loop3A_703, %parallel_loop3A_704, %parallel_loop3A_705] {strides = array<i32>} : memref<9x2x4x8x128xf32, #tpu.memory_space<vmem>>, vector<16xf32>,
      tpu.vector_store %arg7[%parallel_loop3A_701, %parallel_loop3A_702, %parallel_loop3A_703, %parallel_loop3A_704, %parallel_loop3A_705], %parallel_loop3A_697 {strides = array<i32>} : memref<9x2x4x8x128xf32, #tpu.memory_space<vmem>>, vector<16xf32>,
      %parallel_loop3A_707 = tpu.vector_load_idx %arg5[%broadcast_in_dim3A_33, %parallel_loop3A_556] : memref<16x20xf32, #tpu.memory_space<vmem>>[vector<16xi32>, vector<16xi32>], vector<16xf32>,
      %parallel_loop3A_708 = arith.constant 8 : i32
      %parallel_loop3A_709 = arith.constant 1 : i32
      %parallel_loop3A_710 = arith.constant 7 : i32
      %parallel_loop3A_711 = arith.index_cast %parallel_loop3A_708 : i32 to index
      %parallel_loop3A_712 = arith.index_cast %parallel_loop3A_709 : i32 to index
      %parallel_loop3A_713 = arith.index_cast %parallel_loop3A_532 : i32 to index
      %parallel_loop3A_714 = arith.index_cast %parallel_loop3A_710 : i32 to index
      %parallel_loop3A_715 = arith.index_cast %parallel_loop3A_550 : i32 to index
      %parallel_loop3A_716 = tpu.vector_load %arg7[%parallel_loop3A_711, %parallel_loop3A_712, %parallel_loop3A_713, %parallel_loop3A_714, %parallel_loop3A_715] {strides = array<i32>} : memref<9x2x4x8x128xf32, #tpu.memory_space<vmem>>, vector<16xf32>,
      tpu.vector_store %arg7[%parallel_loop3A_711, %parallel_loop3A_712, %parallel_loop3A_713, %parallel_loop3A_714, %parallel_loop3A_715], %parallel_loop3A_707 {strides = array<i32>} : memref<9x2x4x8x128xf32, #tpu.memory_space<vmem>>, vector<16xf32>,
    } {sc.loop_unroll_factor = 1 : i64, sc.parallel_access}
    %mul3A_267 = arith.constant 4 : i32
    %mul3A_268 = arith.muli %add3A, %mul3A_267 : i32
    %dma_start3A_269 = arith.constant 8 : i32
    %dma_start3A_270 = arith.constant 8 : i32
    %dma_start3A_271 = arith.constant 0 : i32
    %dma_start3A_272 = arith.constant 0 : i32
    %dma_start3A_273 = arith.constant 0 : i32
    %dma_start3A_274 = arith.constant 0 : i32
    %dma_start3A_275 = tpu.memref_slice %arg7[%dma_start3A_269, %dma_start3A_271, %dma_start3A_272, %dma_start3A_273, %dma_start3A_274] : memref<9x2x4x8x128xf32, #tpu.memory_space<vmem>> -> memref<1x2x4x8x128xf32, #tpu.memory_space<vmem>>
    %dma_start3A_276 = tpu.memref_squeeze %dma_start3A_275 : memref<1x2x4x8x128xf32, #tpu.memory_space<vmem>> -> memref<2x4x8x128xf32, #tpu.memory_space<vmem>>
    %dma_start3A_277 = arith.constant 0 : i32
    %dma_start3A_278 = arith.constant 0 : i32
    %dma_start3A_279 = arith.constant 0 : i32
    %dma_start3A_280 = tpu.memref_slice %arg4[%dma_start3A_270, %dma_start3A_277, %mul3A_268, %dma_start3A_278, %dma_start3A_279] : memref<9x2x128x8x128xf32, #tpu.memory_space<hbm>> -> memref<1x2x4x8x128xf32, #tpu.memory_space<hbm>>
    %dma_start3A_281 = tpu.memref_squeeze %dma_start3A_280 : memref<1x2x4x8x128xf32, #tpu.memory_space<hbm>> -> memref<2x4x8x128xf32, #tpu.memory_space<hbm>>
    %dma_start3A_282 = arith.constant 0 : i32
    %dma_start3A_283 = arith.constant 0 : i32
    %dma_start3A_284 = arith.constant 0 : i32
    %dma_start3A_285 = tpu.memref_slice %arg4[%dma_start3A_270, %dma_start3A_282, %mul3A_268, %dma_start3A_283, %dma_start3A_284] : memref<9x2x128x8x128xf32, #tpu.memory_space<hbm>> -> memref<1x2x4x8x128xf32, #tpu.memory_space<hbm>>
    %dma_start3A_286 = tpu.memref_squeeze %dma_start3A_285 : memref<1x2x4x8x128xf32, #tpu.memory_space<hbm>> -> memref<2x4x8x128xf32, #tpu.memory_space<hbm>>
    %dma_start3A_287 = arith.constant 0 : i32
    %dma_start3A_288 = arith.constant 0 : i32
    %dma_start3A_289 = arith.constant 0 : i32
    %dma_start3A_290 = arith.constant 0 : i32
    %dma_start3A_291 = tpu.memref_slice %arg7[%dma_start3A_269, %dma_start3A_287, %dma_start3A_288, %dma_start3A_289, %dma_start3A_290] : memref<9x2x4x8x128xf32, #tpu.memory_space<vmem>> -> memref<1x2x4x8x128xf32, #tpu.memory_space<vmem>>
    %dma_start3A_292 = tpu.memref_squeeze %dma_start3A_291 : memref<1x2x4x8x128xf32, #tpu.memory_space<vmem>> -> memref<2x4x8x128xf32, #tpu.memory_space<vmem>>
    tpu.enqueue_dma source(%dma_start3A_292 : memref<2x4x8x128xf32, #tpu.memory_space<vmem>>) target(%dma_start3A_286 : memref<2x4x8x128xf32, #tpu.memory_space<hbm>>) target_semaphore(%arg8 : memref<!tpu.dma_semaphore, #tpu.memory_space<semaphore_mem>>)
    %dma_wait3A = arith.constant 0 : i32
    %dma_wait3A_293 = arith.constant 0 : i32
    %dma_wait3A_294 = arith.constant 0 : i32
    %dma_wait3A_295 = arith.constant 0 : i32
    %dma_wait3A_296 = arith.constant 0 : i32
    %dma_wait3A_297 = arith.constant 0 : i32
    %dma_wait3A_298 = tpu.memref_slice %arg7[%dma_wait3A, %dma_wait3A_294, %dma_wait3A_295, %dma_wait3A_296, %dma_wait3A_297] : memref<9x2x4x8x128xf32, #tpu.memory_space<vmem>> -> memref<1x2x4x8x128xf32, #tpu.memory_space<vmem>>
    %dma_wait3A_299 = tpu.memref_squeeze %dma_wait3A_298 : memref<1x2x4x8x128xf32, #tpu.memory_space<vmem>> -> memref<2x4x8x128xf32, #tpu.memory_space<vmem>>
    %dma_wait3A_300 = arith.constant 0 : i32
    %dma_wait3A_301 = arith.constant 0 : i32
    %dma_wait3A_302 = arith.constant 0 : i32
    %dma_wait3A_303 = tpu.memref_slice %arg4[%dma_wait3A_293, %dma_wait3A_300, %mul3A_37, %dma_wait3A_301, %dma_wait3A_302] : memref<9x2x128x8x128xf32, #tpu.memory_space<hbm>> -> memref<1x2x4x8x128xf32, #tpu.memory_space<hbm>>
    %dma_wait3A_304 = tpu.memref_squeeze %dma_wait3A_303 : memref<1x2x4x8x128xf32, #tpu.memory_space<hbm>> -> memref<2x4x8x128xf32, #tpu.memory_space<hbm>>
    %dma_wait3A_305 = arith.constant 0 : i32
    %dma_wait3A_306 = arith.constant 0 : i32
    %dma_wait3A_307 = arith.constant 0 : i32
    %dma_wait3A_308 = tpu.memref_slice %arg4[%dma_wait3A_293, %dma_wait3A_305, %mul3A_37, %dma_wait3A_306, %dma_wait3A_307] : memref<9x2x128x8x128xf32, #tpu.memory_space<hbm>> -> memref<1x2x4x8x128xf32, #tpu.memory_space<hbm>>
    %dma_wait3A_309 = tpu.memref_squeeze %dma_wait3A_308 : memref<1x2x4x8x128xf32, #tpu.memory_space<hbm>> -> memref<2x4x8x128xf32, #tpu.memory_space<hbm>>
    %dma_wait3A_310 = arith.constant 0 : i32
    %dma_wait3A_311 = arith.constant 0 : i32
    %dma_wait3A_312 = arith.constant 0 : i32
    %dma_wait3A_313 = arith.constant 0 : i32
    %dma_wait3A_314 = tpu.memref_slice %arg7[%dma_wait3A, %dma_wait3A_310, %dma_wait3A_311, %dma_wait3A_312, %dma_wait3A_313] : memref<9x2x4x8x128xf32, #tpu.memory_space<vmem>> -> memref<1x2x4x8x128xf32, #tpu.memory_space<vmem>>
    %dma_wait3A_315 = tpu.memref_squeeze %dma_wait3A_314 : memref<1x2x4x8x128xf32, #tpu.memory_space<vmem>> -> memref<2x4x8x128xf32, #tpu.memory_space<vmem>>
    tpu.wait_dma2 semaphore(%arg8 : memref<!tpu.dma_semaphore, #tpu.memory_space<semaphore_mem>>) src(%dma_wait3A_315 : memref<2x4x8x128xf32, #tpu.memory_space<vmem>>) dst(%dma_wait3A_309 : memref<2x4x8x128xf32, #tpu.memory_space<hbm>>)
    %dma_wait3A_316 = arith.constant 1 : i32
    %dma_wait3A_317 = arith.constant 1 : i32
    %dma_wait3A_318 = arith.constant 0 : i32
    %dma_wait3A_319 = arith.constant 0 : i32
    %dma_wait3A_320 = arith.constant 0 : i32
    %dma_wait3A_321 = arith.constant 0 : i32
    %dma_wait3A_322 = tpu.memref_slice %arg7[%dma_wait3A_316, %dma_wait3A_318, %dma_wait3A_319, %dma_wait3A_320, %dma_wait3A_321] : memref<9x2x4x8x128xf32, #tpu.memory_space<vmem>> -> memref<1x2x4x8x128xf32, #tpu.memory_space<vmem>>
    %dma_wait3A_323 = tpu.memref_squeeze %dma_wait3A_322 : memref<1x2x4x8x128xf32, #tpu.memory_space<vmem>> -> memref<2x4x8x128xf32, #tpu.memory_space<vmem>>
    %dma_wait3A_324 = arith.constant 0 : i32
    %dma_wait3A_325 = arith.constant 0 : i32
    %dma_wait3A_326 = arith.constant 0 : i32
    %dma_wait3A_327 = tpu.memref_slice %arg4[%dma_wait3A_317, %dma_wait3A_324, %mul3A_65, %dma_wait3A_325, %dma_wait3A_326] : memref<9x2x128x8x128xf32, #tpu.memory_space<hbm>> -> memref<1x2x4x8x128xf32, #tpu.memory_space<hbm>>
    %dma_wait3A_328 = tpu.memref_squeeze %dma_wait3A_327 : memref<1x2x4x8x128xf32, #tpu.memory_space<hbm>> -> memref<2x4x8x128xf32, #tpu.memory_space<hbm>>
    %dma_wait3A_329 = arith.constant 0 : i32
    %dma_wait3A_330 = arith.constant 0 : i32
    %dma_wait3A_331 = arith.constant 0 : i32
    %dma_wait3A_332 = tpu.memref_slice %arg4[%dma_wait3A_317, %dma_wait3A_329, %mul3A_65, %dma_wait3A_330, %dma_wait3A_331] : memref<9x2x128x8x128xf32, #tpu.memory_space<hbm>> -> memref<1x2x4x8x128xf32, #tpu.memory_space<hbm>>
    %dma_wait3A_333 = tpu.memref_squeeze %dma_wait3A_332 : memref<1x2x4x8x128xf32, #tpu.memory_space<hbm>> -> memref<2x4x8x128xf32, #tpu.memory_space<hbm>>
    %dma_wait3A_334 = arith.constant 0 : i32
    %dma_wait3A_335 = arith.constant 0 : i32
    %dma_wait3A_336 = arith.constant 0 : i32
    %dma_wait3A_337 = arith.constant 0 : i32
    %dma_wait3A_338 = tpu.memref_slice %arg7[%dma_wait3A_316, %dma_wait3A_334, %dma_wait3A_335, %dma_wait3A_336, %dma_wait3A_337] : memref<9x2x4x8x128xf32, #tpu.memory_space<vmem>> -> memref<1x2x4x8x128xf32, #tpu.memory_space<vmem>>
    %dma_wait3A_339 = tpu.memref_squeeze %dma_wait3A_338 : memref<1x2x4x8x128xf32, #tpu.memory_space<vmem>> -> memref<2x4x8x128xf32, #tpu.memory_space<vmem>>
    tpu.wait_dma2 semaphore(%arg8 : memref<!tpu.dma_semaphore, #tpu.memory_space<semaphore_mem>>) src(%dma_wait3A_339 : memref<2x4x8x128xf32, #tpu.memory_space<vmem>>) dst(%dma_wait3A_333 : memref<2x4x8x128xf32, #tpu.memory_space<hbm>>)
    %dma_wait3A_340 = arith.constant 2 : i32
    %dma_wait3A_341 = arith.constant 2 : i32
    %dma_wait3A_342 = arith.constant 0 : i32
    %dma_wait3A_343 = arith.constant 0 : i32
    %dma_wait3A_344 = arith.constant 0 : i32
    %dma_wait3A_345 = arith.constant 0 : i32
    %dma_wait3A_346 = tpu.memref_slice %arg7[%dma_wait3A_340, %dma_wait3A_342, %dma_wait3A_343, %dma_wait3A_344, %dma_wait3A_345] : memref<9x2x4x8x128xf32, #tpu.memory_space<vmem>> -> memref<1x2x4x8x128xf32, #tpu.memory_space<vmem>>
    %dma_wait3A_347 = tpu.memref_squeeze %dma_wait3A_346 : memref<1x2x4x8x128xf32, #tpu.memory_space<vmem>> -> memref<2x4x8x128xf32, #tpu.memory_space<vmem>>
    %dma_wait3A_348 = arith.constant 0 : i32
    %dma_wait3A_349 = arith.constant 0 : i32
    %dma_wait3A_350 = arith.constant 0 : i32
    %dma_wait3A_351 = tpu.memref_slice %arg4[%dma_wait3A_341, %dma_wait3A_348, %mul3A_94, %dma_wait3A_349, %dma_wait3A_350] : memref<9x2x128x8x128xf32, #tpu.memory_space<hbm>> -> memref<1x2x4x8x128xf32, #tpu.memory_space<hbm>>
    %dma_wait3A_352 = tpu.memref_squeeze %dma_wait3A_351 : memref<1x2x4x8x128xf32, #tpu.memory_space<hbm>> -> memref<2x4x8x128xf32, #tpu.memory_space<hbm>>
    %dma_wait3A_353 = arith.constant 0 : i32
    %dma_wait3A_354 = arith.constant 0 : i32
    %dma_wait3A_355 = arith.constant 0 : i32
    %dma_wait3A_356 = tpu.memref_slice %arg4[%dma_wait3A_341, %dma_wait3A_353, %mul3A_94, %dma_wait3A_354, %dma_wait3A_355] : memref<9x2x128x8x128xf32, #tpu.memory_space<hbm>> -> memref<1x2x4x8x128xf32, #tpu.memory_space<hbm>>
    %dma_wait3A_357 = tpu.memref_squeeze %dma_wait3A_356 : memref<1x2x4x8x128xf32, #tpu.memory_space<hbm>> -> memref<2x4x8x128xf32, #tpu.memory_space<hbm>>
    %dma_wait3A_358 = arith.constant 0 : i32
    %dma_wait3A_359 = arith.constant 0 : i32
    %dma_wait3A_360 = arith.constant 0 : i32
    %dma_wait3A_361 = arith.constant 0 : i32
    %dma_wait3A_362 = tpu.memref_slice %arg7[%dma_wait3A_340, %dma_wait3A_358, %dma_wait3A_359, %dma_wait3A_360, %dma_wait3A_361] : memref<9x2x4x8x128xf32, #tpu.memory_space<vmem>> -> memref<1x2x4x8x128xf32, #tpu.memory_space<vmem>>
    %dma_wait3A_363 = tpu.memref_squeeze %dma_wait3A_362 : memref<1x2x4x8x128xf32, #tpu.memory_space<vmem>> -> memref<2x4x8x128xf32, #tpu.memory_space<vmem>>
    tpu.wait_dma2 semaphore(%arg8 : memref<!tpu.dma_semaphore, #tpu.memory_space<semaphore_mem>>) src(%dma_wait3A_363 : memref<2x4x8x128xf32, #tpu.memory_space<vmem>>) dst(%dma_wait3A_357 : memref<2x4x8x128xf32, #tpu.memory_space<hbm>>)
    %dma_wait3A_364 = arith.constant 3 : i32
    %dma_wait3A_365 = arith.constant 3 : i32
    %dma_wait3A_366 = arith.constant 0 : i32
    %dma_wait3A_367 = arith.constant 0 : i32
    %dma_wait3A_368 = arith.constant 0 : i32
    %dma_wait3A_369 = arith.constant 0 : i32
    %dma_wait3A_370 = tpu.memref_slice %arg7[%dma_wait3A_364, %dma_wait3A_366, %dma_wait3A_367, %dma_wait3A_368, %dma_wait3A_369] : memref<9x2x4x8x128xf32, #tpu.memory_space<vmem>> -> memref<1x2x4x8x128xf32, #tpu.memory_space<vmem>>
    %dma_wait3A_371 = tpu.memref_squeeze %dma_wait3A_370 : memref<1x2x4x8x128xf32, #tpu.memory_space<vmem>> -> memref<2x4x8x128xf32, #tpu.memory_space<vmem>>
    %dma_wait3A_372 = arith.constant 0 : i32
    %dma_wait3A_373 = arith.constant 0 : i32
    %dma_wait3A_374 = arith.constant 0 : i32
    %dma_wait3A_375 = tpu.memref_slice %arg4[%dma_wait3A_365, %dma_wait3A_372, %mul3A_123, %dma_wait3A_373, %dma_wait3A_374] : memref<9x2x128x8x128xf32, #tpu.memory_space<hbm>> -> memref<1x2x4x8x128xf32, #tpu.memory_space<hbm>>
    %dma_wait3A_376 = tpu.memref_squeeze %dma_wait3A_375 : memref<1x2x4x8x128xf32, #tpu.memory_space<hbm>> -> memref<2x4x8x128xf32, #tpu.memory_space<hbm>>
    %dma_wait3A_377 = arith.constant 0 : i32
    %dma_wait3A_378 = arith.constant 0 : i32
    %dma_wait3A_379 = arith.constant 0 : i32
    %dma_wait3A_380 = tpu.memref_slice %arg4[%dma_wait3A_365, %dma_wait3A_377, %mul3A_123, %dma_wait3A_378, %dma_wait3A_379] : memref<9x2x128x8x128xf32, #tpu.memory_space<hbm>> -> memref<1x2x4x8x128xf32, #tpu.memory_space<hbm>>
    %dma_wait3A_381 = tpu.memref_squeeze %dma_wait3A_380 : memref<1x2x4x8x128xf32, #tpu.memory_space<hbm>> -> memref<2x4x8x128xf32, #tpu.memory_space<hbm>>
    %dma_wait3A_382 = arith.constant 0 : i32
    %dma_wait3A_383 = arith.constant 0 : i32
    %dma_wait3A_384 = arith.constant 0 : i32
    %dma_wait3A_385 = arith.constant 0 : i32
    %dma_wait3A_386 = tpu.memref_slice %arg7[%dma_wait3A_364, %dma_wait3A_382, %dma_wait3A_383, %dma_wait3A_384, %dma_wait3A_385] : memref<9x2x4x8x128xf32, #tpu.memory_space<vmem>> -> memref<1x2x4x8x128xf32, #tpu.memory_space<vmem>>
    %dma_wait3A_387 = tpu.memref_squeeze %dma_wait3A_386 : memref<1x2x4x8x128xf32, #tpu.memory_space<vmem>> -> memref<2x4x8x128xf32, #tpu.memory_space<vmem>>
    tpu.wait_dma2 semaphore(%arg8 : memref<!tpu.dma_semaphore, #tpu.memory_space<semaphore_mem>>) src(%dma_wait3A_387 : memref<2x4x8x128xf32, #tpu.memory_space<vmem>>) dst(%dma_wait3A_381 : memref<2x4x8x128xf32, #tpu.memory_space<hbm>>)
    %dma_wait3A_388 = arith.constant 4 : i32
    %dma_wait3A_389 = arith.constant 4 : i32
    %dma_wait3A_390 = arith.constant 0 : i32
    %dma_wait3A_391 = arith.constant 0 : i32
    %dma_wait3A_392 = arith.constant 0 : i32
    %dma_wait3A_393 = arith.constant 0 : i32
    %dma_wait3A_394 = tpu.memref_slice %arg7[%dma_wait3A_388, %dma_wait3A_390, %dma_wait3A_391, %dma_wait3A_392, %dma_wait3A_393] : memref<9x2x4x8x128xf32, #tpu.memory_space<vmem>> -> memref<1x2x4x8x128xf32, #tpu.memory_space<vmem>>
    %dma_wait3A_395 = tpu.memref_squeeze %dma_wait3A_394 : memref<1x2x4x8x128xf32, #tpu.memory_space<vmem>> -> memref<2x4x8x128xf32, #tpu.memory_space<vmem>>
    %dma_wait3A_396 = arith.constant 0 : i32
    %dma_wait3A_397 = arith.constant 0 : i32
    %dma_wait3A_398 = arith.constant 0 : i32
    %dma_wait3A_399 = tpu.memref_slice %arg4[%dma_wait3A_389, %dma_wait3A_396, %mul3A_152, %dma_wait3A_397, %dma_wait3A_398] : memref<9x2x128x8x128xf32, #tpu.memory_space<hbm>> -> memref<1x2x4x8x128xf32, #tpu.memory_space<hbm>>
    %dma_wait3A_400 = tpu.memref_squeeze %dma_wait3A_399 : memref<1x2x4x8x128xf32, #tpu.memory_space<hbm>> -> memref<2x4x8x128xf32, #tpu.memory_space<hbm>>
    %dma_wait3A_401 = arith.constant 0 : i32
    %dma_wait3A_402 = arith.constant 0 : i32
    %dma_wait3A_403 = arith.constant 0 : i32
    %dma_wait3A_404 = tpu.memref_slice %arg4[%dma_wait3A_389, %dma_wait3A_401, %mul3A_152, %dma_wait3A_402, %dma_wait3A_403] : memref<9x2x128x8x128xf32, #tpu.memory_space<hbm>> -> memref<1x2x4x8x128xf32, #tpu.memory_space<hbm>>
    %dma_wait3A_405 = tpu.memref_squeeze %dma_wait3A_404 : memref<1x2x4x8x128xf32, #tpu.memory_space<hbm>> -> memref<2x4x8x128xf32, #tpu.memory_space<hbm>>
    %dma_wait3A_406 = arith.constant 0 : i32
    %dma_wait3A_407 = arith.constant 0 : i32
    %dma_wait3A_408 = arith.constant 0 : i32
    %dma_wait3A_409 = arith.constant 0 : i32
    %dma_wait3A_410 = tpu.memref_slice %arg7[%dma_wait3A_388, %dma_wait3A_406, %dma_wait3A_407, %dma_wait3A_408, %dma_wait3A_409] : memref<9x2x4x8x128xf32, #tpu.memory_space<vmem>> -> memref<1x2x4x8x128xf32, #tpu.memory_space<vmem>>
    %dma_wait3A_411 = tpu.memref_squeeze %dma_wait3A_410 : memref<1x2x4x8x128xf32, #tpu.memory_space<vmem>> -> memref<2x4x8x128xf32, #tpu.memory_space<vmem>>
    tpu.wait_dma2 semaphore(%arg8 : memref<!tpu.dma_semaphore, #tpu.memory_space<semaphore_mem>>) src(%dma_wait3A_411 : memref<2x4x8x128xf32, #tpu.memory_space<vmem>>) dst(%dma_wait3A_405 : memref<2x4x8x128xf32, #tpu.memory_space<hbm>>)
    %dma_wait3A_412 = arith.constant 5 : i32
    %dma_wait3A_413 = arith.constant 5 : i32
    %dma_wait3A_414 = arith.constant 0 : i32
    %dma_wait3A_415 = arith.constant 0 : i32
    %dma_wait3A_416 = arith.constant 0 : i32
    %dma_wait3A_417 = arith.constant 0 : i32
    %dma_wait3A_418 = tpu.memref_slice %arg7[%dma_wait3A_412, %dma_wait3A_414, %dma_wait3A_415, %dma_wait3A_416, %dma_wait3A_417] : memref<9x2x4x8x128xf32, #tpu.memory_space<vmem>> -> memref<1x2x4x8x128xf32, #tpu.memory_space<vmem>>
    %dma_wait3A_419 = tpu.memref_squeeze %dma_wait3A_418 : memref<1x2x4x8x128xf32, #tpu.memory_space<vmem>> -> memref<2x4x8x128xf32, #tpu.memory_space<vmem>>
    %dma_wait3A_420 = arith.constant 0 : i32
    %dma_wait3A_421 = arith.constant 0 : i32
    %dma_wait3A_422 = arith.constant 0 : i32
    %dma_wait3A_423 = tpu.memref_slice %arg4[%dma_wait3A_413, %dma_wait3A_420, %mul3A_181, %dma_wait3A_421, %dma_wait3A_422] : memref<9x2x128x8x128xf32, #tpu.memory_space<hbm>> -> memref<1x2x4x8x128xf32, #tpu.memory_space<hbm>>
    %dma_wait3A_424 = tpu.memref_squeeze %dma_wait3A_423 : memref<1x2x4x8x128xf32, #tpu.memory_space<hbm>> -> memref<2x4x8x128xf32, #tpu.memory_space<hbm>>
    %dma_wait3A_425 = arith.constant 0 : i32
    %dma_wait3A_426 = arith.constant 0 : i32
    %dma_wait3A_427 = arith.constant 0 : i32
    %dma_wait3A_428 = tpu.memref_slice %arg4[%dma_wait3A_413, %dma_wait3A_425, %mul3A_181, %dma_wait3A_426, %dma_wait3A_427] : memref<9x2x128x8x128xf32, #tpu.memory_space<hbm>> -> memref<1x2x4x8x128xf32, #tpu.memory_space<hbm>>
    %dma_wait3A_429 = tpu.memref_squeeze %dma_wait3A_428 : memref<1x2x4x8x128xf32, #tpu.memory_space<hbm>> -> memref<2x4x8x128xf32, #tpu.memory_space<hbm>>
    %dma_wait3A_430 = arith.constant 0 : i32
    %dma_wait3A_431 = arith.constant 0 : i32
    %dma_wait3A_432 = arith.constant 0 : i32
    %dma_wait3A_433 = arith.constant 0 : i32
    %dma_wait3A_434 = tpu.memref_slice %arg7[%dma_wait3A_412, %dma_wait3A_430, %dma_wait3A_431, %dma_wait3A_432, %dma_wait3A_433] : memref<9x2x4x8x128xf32, #tpu.memory_space<vmem>> -> memref<1x2x4x8x128xf32, #tpu.memory_space<vmem>>
    %dma_wait3A_435 = tpu.memref_squeeze %dma_wait3A_434 : memref<1x2x4x8x128xf32, #tpu.memory_space<vmem>> -> memref<2x4x8x128xf32, #tpu.memory_space<vmem>>
    tpu.wait_dma2 semaphore(%arg8 : memref<!tpu.dma_semaphore, #tpu.memory_space<semaphore_mem>>) src(%dma_wait3A_435 : memref<2x4x8x128xf32, #tpu.memory_space<vmem>>) dst(%dma_wait3A_429 : memref<2x4x8x128xf32, #tpu.memory_space<hbm>>)
    %dma_wait3A_436 = arith.constant 6 : i32
    %dma_wait3A_437 = arith.constant 6 : i32
    %dma_wait3A_438 = arith.constant 0 : i32
    %dma_wait3A_439 = arith.constant 0 : i32
    %dma_wait3A_440 = arith.constant 0 : i32
    %dma_wait3A_441 = arith.constant 0 : i32
    %dma_wait3A_442 = tpu.memref_slice %arg7[%dma_wait3A_436, %dma_wait3A_438, %dma_wait3A_439, %dma_wait3A_440, %dma_wait3A_441] : memref<9x2x4x8x128xf32, #tpu.memory_space<vmem>> -> memref<1x2x4x8x128xf32, #tpu.memory_space<vmem>>
    %dma_wait3A_443 = tpu.memref_squeeze %dma_wait3A_442 : memref<1x2x4x8x128xf32, #tpu.memory_space<vmem>> -> memref<2x4x8x128xf32, #tpu.memory_space<vmem>>
    %dma_wait3A_444 = arith.constant 0 : i32
    %dma_wait3A_445 = arith.constant 0 : i32
    %dma_wait3A_446 = arith.constant 0 : i32
    %dma_wait3A_447 = tpu.memref_slice %arg4[%dma_wait3A_437, %dma_wait3A_444, %mul3A_210, %dma_wait3A_445, %dma_wait3A_446] : memref<9x2x128x8x128xf32, #tpu.memory_space<hbm>> -> memref<1x2x4x8x128xf32, #tpu.memory_space<hbm>>
    %dma_wait3A_448 = tpu.memref_squeeze %dma_wait3A_447 : memref<1x2x4x8x128xf32, #tpu.memory_space<hbm>> -> memref<2x4x8x128xf32, #tpu.memory_space<hbm>>
    %dma_wait3A_449 = arith.constant 0 : i32
    %dma_wait3A_450 = arith.constant 0 : i32
    %dma_wait3A_451 = arith.constant 0 : i32
    %dma_wait3A_452 = tpu.memref_slice %arg4[%dma_wait3A_437, %dma_wait3A_449, %mul3A_210, %dma_wait3A_450, %dma_wait3A_451] : memref<9x2x128x8x128xf32, #tpu.memory_space<hbm>> -> memref<1x2x4x8x128xf32, #tpu.memory_space<hbm>>
    %dma_wait3A_453 = tpu.memref_squeeze %dma_wait3A_452 : memref<1x2x4x8x128xf32, #tpu.memory_space<hbm>> -> memref<2x4x8x128xf32, #tpu.memory_space<hbm>>
    %dma_wait3A_454 = arith.constant 0 : i32
    %dma_wait3A_455 = arith.constant 0 : i32
    %dma_wait3A_456 = arith.constant 0 : i32
    %dma_wait3A_457 = arith.constant 0 : i32
    %dma_wait3A_458 = tpu.memref_slice %arg7[%dma_wait3A_436, %dma_wait3A_454, %dma_wait3A_455, %dma_wait3A_456, %dma_wait3A_457] : memref<9x2x4x8x128xf32, #tpu.memory_space<vmem>> -> memref<1x2x4x8x128xf32, #tpu.memory_space<vmem>>
    %dma_wait3A_459 = tpu.memref_squeeze %dma_wait3A_458 : memref<1x2x4x8x128xf32, #tpu.memory_space<vmem>> -> memref<2x4x8x128xf32, #tpu.memory_space<vmem>>
    tpu.wait_dma2 semaphore(%arg8 : memref<!tpu.dma_semaphore, #tpu.memory_space<semaphore_mem>>) src(%dma_wait3A_459 : memref<2x4x8x128xf32, #tpu.memory_space<vmem>>) dst(%dma_wait3A_453 : memref<2x4x8x128xf32, #tpu.memory_space<hbm>>)
    %dma_wait3A_460 = arith.constant 7 : i32
    %dma_wait3A_461 = arith.constant 7 : i32
    %dma_wait3A_462 = arith.constant 0 : i32
    %dma_wait3A_463 = arith.constant 0 : i32
    %dma_wait3A_464 = arith.constant 0 : i32
    %dma_wait3A_465 = arith.constant 0 : i32
    %dma_wait3A_466 = tpu.memref_slice %arg7[%dma_wait3A_460, %dma_wait3A_462, %dma_wait3A_463, %dma_wait3A_464, %dma_wait3A_465] : memref<9x2x4x8x128xf32, #tpu.memory_space<vmem>> -> memref<1x2x4x8x128xf32, #tpu.memory_space<vmem>>
    %dma_wait3A_467 = tpu.memref_squeeze %dma_wait3A_466 : memref<1x2x4x8x128xf32, #tpu.memory_space<vmem>> -> memref<2x4x8x128xf32, #tpu.memory_space<vmem>>
    %dma_wait3A_468 = arith.constant 0 : i32
    %dma_wait3A_469 = arith.constant 0 : i32
    %dma_wait3A_470 = arith.constant 0 : i32
    %dma_wait3A_471 = tpu.memref_slice %arg4[%dma_wait3A_461, %dma_wait3A_468, %mul3A_239, %dma_wait3A_469, %dma_wait3A_470] : memref<9x2x128x8x128xf32, #tpu.memory_space<hbm>> -> memref<1x2x4x8x128xf32, #tpu.memory_space<hbm>>
    %dma_wait3A_472 = tpu.memref_squeeze %dma_wait3A_471 : memref<1x2x4x8x128xf32, #tpu.memory_space<hbm>> -> memref<2x4x8x128xf32, #tpu.memory_space<hbm>>
    %dma_wait3A_473 = arith.constant 0 : i32
    %dma_wait3A_474 = arith.constant 0 : i32
    %dma_wait3A_475 = arith.constant 0 : i32
    %dma_wait3A_476 = tpu.memref_slice %arg4[%dma_wait3A_461, %dma_wait3A_473, %mul3A_239, %dma_wait3A_474, %dma_wait3A_475] : memref<9x2x128x8x128xf32, #tpu.memory_space<hbm>> -> memref<1x2x4x8x128xf32, #tpu.memory_space<hbm>>
    %dma_wait3A_477 = tpu.memref_squeeze %dma_wait3A_476 : memref<1x2x4x8x128xf32, #tpu.memory_space<hbm>> -> memref<2x4x8x128xf32, #tpu.memory_space<hbm>>
    %dma_wait3A_478 = arith.constant 0 : i32
    %dma_wait3A_479 = arith.constant 0 : i32
    %dma_wait3A_480 = arith.constant 0 : i32
    %dma_wait3A_481 = arith.constant 0 : i32
    %dma_wait3A_482 = tpu.memref_slice %arg7[%dma_wait3A_460, %dma_wait3A_478, %dma_wait3A_479, %dma_wait3A_480, %dma_wait3A_481] : memref<9x2x4x8x128xf32, #tpu.memory_space<vmem>> -> memref<1x2x4x8x128xf32, #tpu.memory_space<vmem>>
    %dma_wait3A_483 = tpu.memref_squeeze %dma_wait3A_482 : memref<1x2x4x8x128xf32, #tpu.memory_space<vmem>> -> memref<2x4x8x128xf32, #tpu.memory_space<vmem>>
    tpu.wait_dma2 semaphore(%arg8 : memref<!tpu.dma_semaphore, #tpu.memory_space<semaphore_mem>>) src(%dma_wait3A_483 : memref<2x4x8x128xf32, #tpu.memory_space<vmem>>) dst(%dma_wait3A_477 : memref<2x4x8x128xf32, #tpu.memory_space<hbm>>)
    %dma_wait3A_484 = arith.constant 8 : i32
    %dma_wait3A_485 = arith.constant 8 : i32
    %dma_wait3A_486 = arith.constant 0 : i32
    %dma_wait3A_487 = arith.constant 0 : i32
    %dma_wait3A_488 = arith.constant 0 : i32
    %dma_wait3A_489 = arith.constant 0 : i32
    %dma_wait3A_490 = tpu.memref_slice %arg7[%dma_wait3A_484, %dma_wait3A_486, %dma_wait3A_487, %dma_wait3A_488, %dma_wait3A_489] : memref<9x2x4x8x128xf32, #tpu.memory_space<vmem>> -> memref<1x2x4x8x128xf32, #tpu.memory_space<vmem>>
    %dma_wait3A_491 = tpu.memref_squeeze %dma_wait3A_490 : memref<1x2x4x8x128xf32, #tpu.memory_space<vmem>> -> memref<2x4x8x128xf32, #tpu.memory_space<vmem>>
    %dma_wait3A_492 = arith.constant 0 : i32
    %dma_wait3A_493 = arith.constant 0 : i32
    %dma_wait3A_494 = arith.constant 0 : i32
    %dma_wait3A_495 = tpu.memref_slice %arg4[%dma_wait3A_485, %dma_wait3A_492, %mul3A_268, %dma_wait3A_493, %dma_wait3A_494] : memref<9x2x128x8x128xf32, #tpu.memory_space<hbm>> -> memref<1x2x4x8x128xf32, #tpu.memory_space<hbm>>
    %dma_wait3A_496 = tpu.memref_squeeze %dma_wait3A_495 : memref<1x2x4x8x128xf32, #tpu.memory_space<hbm>> -> memref<2x4x8x128xf32, #tpu.memory_space<hbm>>
    %dma_wait3A_497 = arith.constant 0 : i32
    %dma_wait3A_498 = arith.constant 0 : i32
    %dma_wait3A_499 = arith.constant 0 : i32
    %dma_wait3A_500 = tpu.memref_slice %arg4[%dma_wait3A_485, %dma_wait3A_497, %mul3A_268, %dma_wait3A_498, %dma_wait3A_499] : memref<9x2x128x8x128xf32, #tpu.memory_space<hbm>> -> memref<1x2x4x8x128xf32, #tpu.memory_space<hbm>>
    %dma_wait3A_501 = tpu.memref_squeeze %dma_wait3A_500 : memref<1x2x4x8x128xf32, #tpu.memory_space<hbm>> -> memref<2x4x8x128xf32, #tpu.memory_space<hbm>>
    %dma_wait3A_502 = arith.constant 0 : i32
    %dma_wait3A_503 = arith.constant 0 : i32
    %dma_wait3A_504 = arith.constant 0 : i32
    %dma_wait3A_505 = arith.constant 0 : i32
    %dma_wait3A_506 = tpu.memref_slice %arg7[%dma_wait3A_484, %dma_wait3A_502, %dma_wait3A_503, %dma_wait3A_504, %dma_wait3A_505] : memref<9x2x4x8x128xf32, #tpu.memory_space<vmem>> -> memref<1x2x4x8x128xf32, #tpu.memory_space<vmem>>
    %dma_wait3A_507 = tpu.memref_squeeze %dma_wait3A_506 : memref<1x2x4x8x128xf32, #tpu.memory_space<vmem>> -> memref<2x4x8x128xf32, #tpu.memory_space<vmem>>
    tpu.wait_dma2 semaphore(%arg8 : memref<!tpu.dma_semaphore, #tpu.memory_space<semaphore_mem>>) src(%dma_wait3A_507 : memref<2x4x8x128xf32, #tpu.memory_space<vmem>>) dst(%dma_wait3A_501 : memref<2x4x8x128xf32, #tpu.memory_space<hbm>>)
    return
  }
}

</mosaic_0001>

<sc_bundles>
// kernel: kernel.3.cloned.1.call-start
scs
__scs_entry_jumppad:
0x0: {  	(pc) =	sbr.rel $0x88, $3  }
0x1: {  	(tag) =	ssettag $0x0;
	lr =	simm.s32 $0x1  }
0x2: {  	[smem:$0x3F9F] =	sst lr;
	_ =	strace $0xD0000000  }
0x3: {  	_ = 	snop  }
0x4: {  	_ = 	snop  }
0x5: {  	_ = 	snop  }
0x6: {  	_ = 	snop  }
0x7: {  	_ = 	snop  }
__scs_overlays_trampoline_lowered:
0x8: {  	[smem:$0x3FAE] =	sst s0  }
0x9: {  	[smem:$0x3FAF] =	sst s1  }
0xa: {  	[smem:$0x3FB0] =	sst s2  }
0xb: {  	[smem:$0x3FB1] =	sst s3  }
0xc: {  	[smem:$0x3FB2] =	sst s4  }
0xd: {  	[smem:$0x3FB3] =	sst s5  }
0xe: {  	[smem:$0x3FB4] =	sst s6  }
0xf: {  	[smem:$0x3FB5] =	sst s7  }
0x10: {  	[smem:$0x3FB6] =	sst s8  }
0x11: {  	[smem:$0x3FB7] =	sst s9;
	s0 =	simm.s32 @!p0 $0x0  }
0x12: {  	s1 =	sld [smem:$0x3F9D];
	s0 =	simm.s32 @p0 $0x1  }
0x13: {  	[smem:$0x3FB8] =	sst s0;
	s0 =	simm.s32 @!p1 $0x0  }
0x14: {  	s2 =	sld [smem:$0x3F9C];
	s0 =	simm.s32 @p1 $0x1  }
0x15: {  	[smem:$0x3FB9] =	sst s0;
	s0 =	simm.s32 @!p2 $0x0  }
0x16: {  	s3 =	sld [smem:$0x3FDB];
	s0 =	simm.s32 @p2 $0x1  }
0x17: {  	s4 =	simm.s32 $0x1BF5;
	[smem:$0x3FBB] =	sst s0  }
0x18: {  	s0 =	sld [smem:$0x3F9E];
	_ =	swait.ge [sflag:s4], $0x0  }
0x19: {  	s7 =	sld [smem:$0x3F9F]  }
0x1a: {  	s8 =	sadd.s32 $0xFFFFE003, lr  }
0x1b: {  	s9 =	sadd.s32 $0xFFFFFEF7, lr;
	s5 =	simm.s32 $0xFFFFFFFF;
	p2 =	slt.u32 s8, $0xFFFFF086  }
0x1c: {  	p1 =	slt.u32 s9, $0xF7A;
	s5 =	simm.s32 @!p2 $0x0  }
0x1d: {  	s5 =	simm.s32 @p1 $0x1;
	p0 =	seq.s32 s7, s2  }
0x1e: {  	s7 =	smul.u32 @!p0 $0xF7A, s2;
	p2 =	seq.s32 @!p0 s5, $0x0  }
0x1f: {  	s9 =	smul.u32 $0xF7A, s1;
	s8 =	simm.s32 @!p0 $0x1BF5;
	p2 =	por !p2, p0  }
0x20: {  	[sflag:s8] =	ssyncset.s32 @!p0 $0xFFFFF086;
	s6 =	sadd.s32 @!p0 s3, s7;
	s7 =	simm.s32 @!p0 $0x108  }
0x21: {  	s3 =	sadd.s32 s3, s9;
	s6 =	sadd.s32 @!p0 $0x88, s6;
	s7 =	simm.s32 @p2 $0x1082  }
0x22: {  	[simem:s7], [sflag:s8] =	dma.local @!p0 [hbm:s6], $0xF7A  }
0x23: {  	s9 =	sor.u32 $0xD0000000, s2;
	s6 =	simm.s32 $0x108;
	_ =	swait.ge @!p0 [sflag:s8], $0x0  }
0x24: {  	s3 =	sadd.s32 $0x88, s3;
	s6 =	simm.s32 @!p1 $0x1082;
	[sflag:s4] =	ssyncset.s32 $0xFFFFF086  }
0x25: {  	[simem:s6], [sflag:s4] =	dma.local [hbm:s3], $0xF7A  }
0x26: {  	[smem:$0x3F9F] =	sst s1;
	(tag) =	ssettag s2;
	_ =	strace s9  }
0x27: {  	s1 =	sld [smem:$0x3FAF]  }
0x28: {  	s2 =	sld [smem:$0x3FB0]  }
0x29: {  	s4 =	sld [smem:$0x3FB2]  }
0x2a: {  	p0 =	seq.s32 s5, $0x0;
	s5 =	sld [smem:$0x3FB3]  }
0x2b: {  	s6 =	sld [smem:$0x3FB4]  }
0x2c: {  	s7 =	sld [smem:$0x3FB5]  }
0x2d: {  	s3 =	simm.s32 $0x108;
	s8 =	sld [smem:$0x3FB6]  }
0x2e: {  	s3 =	simm.s32 @!p0 $0x1082;
	s9 =	sld [smem:$0x3FB7]  }
0x2f: {  	lr =	sadd.s32 s0, s3;
	s0 =	sld [smem:$0x3FAE]  }
0x30: {  	s3 =	sld [smem:$0x3FB1]  }
0x31: {  	[smem:$0x3FBA] =	sst s10  }
0x32: {  	s10 =	sld [smem:$0x3FB8];
	_ =	sdelay $0x3  }
0x33: {  	p0 =	seq.s32 s10, $0x1;
	s10 =	sld [smem:$0x3FBA];
	_ =	sdelay $0x3  }
0x34: {  	[smem:$0x3FBA] =	sst s10  }
0x35: {  	s10 =	sld [smem:$0x3FB9];
	_ =	sdelay $0x3  }
0x36: {  	p1 =	seq.s32 s10, $0x1;
	s10 =	sld [smem:$0x3FBA];
	_ =	sdelay $0x3  }
0x37: {  	[smem:$0x3FBA] =	sst s10  }
0x38: {  	s10 =	sld [smem:$0x3FBB]  }
0x39: {  	_ = 	snop;
	(pc) =	sbr.ind lr, $3  }
0x3a: {  	_ = 	snop  }
0x3b: {  	_ = 	snop  }
0x3c: {  	p2 =	seq.s32 s10, $0x1;
	s10 =	sld [smem:$0x3FBA]  }
0x3d: {  	_ =	shalt  }
0x3e: {  	_ =	shalt  }
0x3f: {  	_ =	shalt  }
0x40: {  	_ =	shalt  }
0x41: {  	_ =	shalt  }
0x42: {  	_ =	shalt  }
0x43: {  	_ =	shalt  }
0x44: {  	_ =	shalt  }
0x45: {  	_ =	shalt  }
0x46: {  	_ =	shalt  }
0x47: {  	_ =	shalt  }
0x48: {  	_ =	shalt  }
0x49: {  	_ =	shalt  }
0x4a: {  	_ =	shalt  }
0x4b: {  	_ =	shalt  }
0x4c: {  	_ =	shalt  }
0x4d: {  	_ =	shalt  }
0x4e: {  	_ =	shalt  }
0x4f: {  	_ =	shalt  }
0x50: {  	_ =	shalt  }
0x51: {  	_ =	shalt  }
0x52: {  	_ =	shalt  }
0x53: {  	_ =	shalt  }
0x54: {  	_ =	shalt  }
0x55: {  	_ =	shalt  }
0x56: {  	_ =	shalt  }
0x57: {  	_ =	shalt  }
0x58: {  	_ =	shalt  }
0x59: {  	_ =	shalt  }
0x5a: {  	_ =	shalt  }
0x5b: {  	_ =	shalt  }
0x5c: {  	_ =	shalt  }
0x5d: {  	_ =	shalt  }
0x5e: {  	_ =	shalt  }
0x5f: {  	_ =	shalt  }
0x60: {  	_ =	shalt  }
0x61: {  	_ =	shalt  }
0x62: {  	_ =	shalt  }
0x63: {  	_ =	shalt  }
0x64: {  	_ =	shalt  }
0x65: {  	_ =	shalt  }
0x66: {  	_ =	shalt  }
0x67: {  	_ =	shalt  }
0x68: {  	_ =	shalt  }
0x69: {  	_ =	shalt  }
0x6a: {  	_ =	shalt  }
0x6b: {  	_ =	shalt  }
0x6c: {  	_ =	shalt  }
0x6d: {  	_ =	shalt  }
0x6e: {  	_ =	shalt  }
0x6f: {  	_ =	shalt  }
0x70: {  	_ =	shalt  }
0x71: {  	_ =	shalt  }
0x72: {  	_ =	shalt  }
0x73: {  	_ =	shalt  }
0x74: {  	_ =	shalt  }
0x75: {  	_ =	shalt  }
0x76: {  	_ =	shalt  }
0x77: {  	_ =	shalt  }
0x78: {  	_ =	shalt  }
0x79: {  	_ =	shalt  }
0x7a: {  	_ =	shalt  }
0x7b: {  	_ =	shalt  }
0x7c: {  	_ =	shalt  }
0x7d: {  	_ =	shalt  }
0x7e: {  	_ =	shalt  }
0x7f: {  	_ =	shalt  }
0x80: {  	_ =	shalt  }
0x81: {  	_ =	shalt  }
0x82: {  	_ =	shalt  }
0x83: {  	_ =	shalt  }
0x84: {  	_ =	shalt  }
0x85: {  	_ =	shalt  }
0x86: {  	_ =	shalt  }
0x87: {  	_ =	shalt  }
.Lfunc_end0:
.L_simem_size_0:
called_computation_lowered:
.L_overlay_start_0:
0x88: {  	s2 =	sld [smem:$0x3FD9]  }
0x89: {  	s3 =	sld [smem:$0x3FFE];
	_ =	sdelay $0x1  }
0x8a: {  	s1 =	srdreg.scid  }
0x8b: {  	s0 =	sand.u32 $0x1, s1  }
0x8c: {  	s17 =	sshll.u32 s0, $0xA;
	s2 =	sadd.s32 s3, s2  }
0x8d: {  	s2 =	sadd.s32 s2, s17  }
0x8e: {  	[smem:$0x3FC6] =	sst s2  }
0x8f: {  	_ = 	snop  }
0x90: {  	s2 =	sld [smem:$0x3FD0];
	(tm) =	ssettm $0x1  }
0x91: {  	s18 =	sld [smem:$0x3FFB];
	_ =	sdelay $0x3  }
0x92: {  	_ =	strace s18  }
0x93: {  	s3 =	sld [smem:$0x3FFC];
	_ =	sdelay $0x3  }
0x94: {  	_ =	strace s3  }
0x95: {  	s3 =	sld [smem:$0x3FFD];
	_ =	sdelay $0x3  }
0x96: {  	_ =	strace s3  }
0x97: {  	_ =	strace $0x8FFFFFFF  }
0x98: {  	s19 =	sld [smem:$0x3FDB];
	_ =	sdelay $0x1  }
0x99: {  	s4 =	simm.s32 $_scs_section_size  }
0x9a: {  	s5 =	simm.s32 $_size__tile_overlayer_lowered;
	s6 =	simm.s32 $_tile_overlayer_lowered  }
0x9b: {  	s22 =	simm.s32 $0x1BFF;
	s21 =	sshll.u32 s6, $0x1;
	s3 =	sadd.s32 s4, s19  }
0x9c: {  	s7 =	simm.s32 $0x0;
	s20 =	sshll.u32 s5, $0x1;
	s5 =	sadd.s32 s21, s3  }
0x9d: {  	[timem:s7], [sflag:s22] =	dma.local [hbm:s5], s20  }
0x9e: {  	_ =	swait.ge [sflag:s22], s20  }
0x9f: {  	s4 =	ssub.s32 $0x0, s20;
	[sflag:s22] =	ssyncset.done $0x0  }
0xa0: {  	[sflag:s22] =	ssyncadd.s32 s4;
	_ =	sdelay $0x1  }
0xa1: {  	s23 =	simm.s32 $0x1B8B  }
0xa2: {  	_ =	swait.ge [sflag:s23], $0x1  }
0xa3: {  	[sflag:s23] =	ssyncset.done $0x0  }
0xa4: {  	s25 =	simm.s32 $0x1B8E;
	s24 =	sld [smem:$0x3FFE];
	[sflag:s23] =	ssyncadd.s32 $0xFFFFFFFF  }
0xa5: {  	s26 =	simm.s32 $execute0_lowered;
	[smem:$0x3FD2] =	sst s25  }
0xa6: {  	s5 =	sshll.u32 s26, $0x1;
	_ =	strace $0x80000046;
	[dreg:$0x1] =	wrdreg $0xFFFFFFFF  }
0xa7: {  	s28 =	simm.s32 $_size_execute0_lowered;
	s3 =	sadd.s32 s3, s5;
	[dreg:$0x0] =	wrdreg $0x0  }
0xa8: {  	s5 =	sshll.u32 s28, $0x1;
	[dreg:$0x2] =	wrdreg s3  }
0xa9: {  	[dreg:$0x3] =	wrdreg s5  }
0xaa: {  	[dreg:$0x4] =	wrdreg $0xC0  }
0xab: {  	_ =	task [dreg:s7], $0x5FFFF  }
0xac: {  	[dreg:$0x1] =	wrdreg $0xFFFFFFFF  }
0xad: {  	[dreg:$0x0] =	wrdreg $0x60  }
0xae: {  	[dreg:$0x2] =	wrdreg s24  }
0xaf: {  	[dreg:$0x3] =	wrdreg s2  }
0xb0: {  	[dreg:$0x4] =	wrdreg $0x9  }
0xb1: {  	_ =	task.clear_ibuf [dreg:s7], $0x5FFFF;
	_ =	strace $0x90000046  }
0xb2: {  	s29 =	simm.s32 $0x9;
	_ =	strace $0x80000048  }
0xb3: {  	_ =	swait.ge [sflag:s29], $0x1  }
0xb4: {  	[sflag:s29] =	ssyncadd.s32 $0xFFFFFFFF  }
0xb5: {  	_ =	strace $0x90000048  }
0xb6: {  	_ =	sfence  }
0xb7: {  	s30 =	sld [smem:$0x0];
	_ =	sdelay $0x2  }
0xb8: {  	s31 =	sshll.u32 s1, $0xD;
	s1 =	sshrl.u32 s1, $0x2  }
0xb9: {  	s3 =	sand.u32 $0x4000, s31;
	s1 =	sadd.s32 s1, s30  }
0xba: {  	s0 =	sor.u32 s3, s0;
	s1 =	sshll.u32 s1, $0x11  }
0xbb: {  	s0 =	sor.u32 s1, s0  }
0xbc: {  	s0 =	sadd.s32 $0x8F2B, s0  }
0xbd: {  	[sflag:s0] =	ssyncadd.remote.s32 $0x1  }
0xbe: {  	_ =	sfence.sel $0xFFFF  }
0xbf: {  	[dreg:$0x0] =	wrdreg $0xFFFFFFFF;
	(pc) =	sbr.abs _section_cstart, $3  }
0xc0: {  	[dreg:$0x1] =	wrdreg $0xFFFFFFFF  }
0xc1: {  	_ =	task.clear_ibuf [dreg:s7], $0x2FFFF;
	_ =	strace $0x9FFFFFFF  }
0xc2: {  	(tm) =	ssettm $0x7FFFFFFF  }
0xc3: {  	_ =	shalt  }
tec
execute0_lowered:
.L_overlay_start_1:
0x0: {  	(tag) =	ssettag $0x1  }
0x1: {  	s0 =	rddreg [dreg:$0x0]  }
0x2: {  	s1 =	rddreg [dreg:$0x1];
	s2 =	simm.s32 $0x0;
	s3 =	srdreg.scid  }
0x3: {  	s5 =	stileid.u32;
	s15 =	simm.s32 $0x2;
	s18 =	simm.s32 $0x1000  }
0x4: {  	s19 =	simm.s32 $0x20000;
	s29 =	simm.s32 $0x11380;
	s30 =	simm.s32 $0x1  }
0x5: {  	s31 =	simm.s32 $0x0;
	s4 =	sand.u32 $0x1, s3;
	s5 =	sshll.u32 s5, $0x1  }
0x6: {  	[smem:$0x7FF] =	sst s2;
	s3 =	sadd.s32 $0x400, s0;
	s5 =	sor.u32 s4, s5  }
0x7: {  	_ =	strace $0x80000047;
	s7 =	ssub.s32 $0x2, s4;
	s6 =	sshll.u32 s5, $0x6  }
0x8: {  	s25 =	sshll.u32 s5, $0x9;
	s26 =	sshrl.u32 s7, $0x1;
	s0 =	sadd.s32 s6, s0  }
0x9: {  	s4 =	sadd.s32 s1, s25;
	s28 =	ssub.s32 s7, s26;
	s5 =	sadd.s32 $0x600, s0  }
0xa: {  	s6 =	sadd.s32 $0x8000, s4;
	s7 =	sadd.s32 $0x10000, s4;
	s8 =	sadd.s32 $0x18000, s4  }
0xb: {  	s9 =	sadd.s32 $0x20000, s4;
	s10 =	sadd.s32 $0x28000, s4;
	s11 =	sadd.s32 $0x30000, s4  }
0xc: {  	s12 =	sadd.s32 $0x38000, s4;
	s13 =	sadd.s32 $0x40000, s4;
	s14 =	smax.u32 s28, $0x1  }
.LBB2_1:
0xd: {  	[tilespmem:s2], [sflag:$0x2] =	stream.linear.gather [hbm4b:s3+s2], $0x180, $0x38;
	[tilespmem:$0x13380] =	vst v63  }
0xe: {  	_ =	swait.ge [sflag:s15], $0x180  }
0xf: {  	s0 =	simm.s32 $0x180;
	[sflag:s15] =	ssyncset.done $0x0  }
0x10: {  	s1 =	simm.s32 $0x200;
	s16 =	simm.s32 $0x4000;
	[sflag:s15] =	ssyncadd.s32 $0xFFFFFE80  }
0x11: {  	[tilespmem:s0], [sflag:$0x2] =	stream.strided.gather [hbm4b:s5+s1], $0x1200, s16, s1, $0x38;
	[tilespmem:$0x13380] =	vst v63  }
0x12: {  	_ =	swait.ge [sflag:s15], $0x1200  }
0x13: {  	[sflag:s15] =	ssyncset.done $0x0  }
0x14: {  	[sflag:s15] =	ssyncadd.s32 $0xFFFFEE00  }
0x15: {  	v3 =	vld [tilespmem:s0+$0x0];
	_ =	sdelay $0x7  }
0x16: {  	v0 =	vld.idx.msk [tilespmem:v3+s2+$0x0], $0xffff  }
0x17: {  	v1 =	vadd.s32 $0x18, v3;
	_ =	sdelay $0x1  }
0x18: {  	s22 =	sand.u32 $0x70, s2;
	s23 =	sand.u32 $0xC00, s2  }
0x19: {  	s16 =	sor.u32 s22, s23  }
0x1a: {  	[tilespmem:s16+$0x1380] =	vst v0  }
0x1b: {  	s24 =	simm.s32 $0x190;
	v1 =	vld.idx.msk [tilespmem:v1+s2+$0x0], $0xffff  }
0x1c: {  	v2 =	vadd.s32 $0x30, v3;
	v0 =	vld [tilespmem:s24+$0x0];
	_ =	sdelay $0x3  }
0x1d: {  	[tilespmem:s16+$0x1400] =	vst v1  }
0x1e: {  	v1 =	vld.idx.msk [tilespmem:v2+s2+$0x0], $0xffff  }
0x1f: {  	v2 =	vadd.s32 $0x48, v3;
	_ =	sdelay $0x1  }
0x20: {  	v4 =	vld.idx.msk [tilespmem:v0+s2+$0x0], $0xffff  }
0x21: {  	v5 =	vadd.s32 $0x18, v0  }
0x22: {  	s25 =	simm.s32 $0x80;
	s26 =	simm.s32 $0x10;
	[tilespmem:s16+$0x1480] =	vst v1  }
0x23: {  	s1 =	sand.u32 $0x70, s26;
	s0 =	sand.u32 $0xC00, s25;
	v2 =	vld.idx.msk [tilespmem:v2+s2+$0x0], $0xffff  }
0x24: {  	s17 =	simm.s32 $0x1A0;
	s0 =	sor.u32 s1, s0;
	v6 =	vadd.s32 $0x60, v3  }
0x25: {  	v1 =	vld [tilespmem:s17+$0x0];
	[tilespmem:s0+$0x1380] =	vst v4  }
0x26: {  	v4 =	vld.idx.msk [tilespmem:v5+s2+$0x0], $0xffff  }
0x27: {  	v5 =	vadd.s32 $0x30, v0  }
0x28: {  	[tilespmem:s16+$0x1500] =	vst v2  }
0x29: {  	v2 =	vld.idx.msk [tilespmem:v6+s2+$0x0], $0xffff  }
0x2a: {  	v6 =	vadd.s32 $0x78, v3  }
0x2b: {  	[tilespmem:s0+$0x1400] =	vst v4  }
0x2c: {  	v4 =	vld.idx.msk [tilespmem:v5+s2+$0x0], $0xffff  }
0x2d: {  	v5 =	vadd.s32 $0x48, v0  }
0x2e: {  	v7 =	vld.idx.msk [tilespmem:v1+s2+$0x0], $0xffff;
	[tilespmem:s16+$0x1580] =	vst v2  }
0x2f: {  	v8 =	vadd.s32 $0x18, v1;
	v6 =	vld.idx.msk [tilespmem:v6+s2+$0x0], $0xffff  }
0x30: {  	s28 =	simm.s32 $0x100;
	s20 =	simm.s32 $0x20;
	v9 =	vadd.s32 $0x90, v3  }
0x31: {  	s1 =	sand.u32 $0xC00, s28;
	s17 =	sand.u32 $0x70, s20;
	[tilespmem:s0+$0x1480] =	vst v4  }
0x32: {  	s20 =	simm.s32 $0x1B0;
	s1 =	sor.u32 s17, s1;
	v4 =	vld.idx.msk [tilespmem:v5+s2+$0x0], $0xffff  }
0x33: {  	v2 =	vld [tilespmem:s20+$0x0];
	[tilespmem:s1+$0x1380] =	vst v7;
	v5 =	vadd.s32 $0x60, v0  }
0x34: {  	v7 =	vld.idx.msk [tilespmem:v8+s2+$0x0], $0xffff;
	[tilespmem:s16+$0x1600] =	vst v6  }
0x35: {  	v8 =	vadd.s32 $0x30, v1;
	v6 =	vld.idx.msk [tilespmem:v9+s2+$0x0], $0xffff  }
0x36: {  	v9 =	vadd.s32 $0xA8, v3  }
0x37: {  	[tilespmem:s0+$0x1500] =	vst v4  }
0x38: {  	v4 =	vld.idx.msk [tilespmem:v5+s2+$0x0], $0xffff  }
0x39: {  	[tilespmem:s1+$0x1400] =	vst v7;
	v5 =	vadd.s32 $0x78, v0  }
0x3a: {  	v7 =	vld.idx.msk [tilespmem:v8+s2+$0x0], $0xffff;
	[tilespmem:s16+$0x1680] =	vst v6  }
0x3b: {  	v8 =	vadd.s32 $0x48, v1;
	v6 =	vld.idx.msk [tilespmem:v9+s2+$0x0], $0xffff  }
0x3c: {  	v9 =	vadd.s32 $0xC0, v3  }
0x3d: {  	v10 =	vld.idx.msk [tilespmem:v2+s2+$0x0], $0xffff;
	[tilespmem:s0+$0x1580] =	vst v4  }
0x3e: {  	v11 =	vadd.s32 $0x18, v2;
	v5 =	vld.idx.msk [tilespmem:v5+s2+$0x0], $0xffff  }
0x3f: {  	s21 =	simm.s32 $0x180;
	s22 =	simm.s32 $0x30;
	[tilespmem:s1+$0x1480] =	vst v7;
	v7 =	vadd.s32 $0x90, v0  }
0x40: {  	s17 =	sand.u32 $0xC00, s21;
	s20 =	sand.u32 $0x70, s22;
	v8 =	vld.idx.msk [tilespmem:v8+s2+$0x0], $0xffff;
	[tilespmem:s16+$0x1700] =	vst v6  }
0x41: {  	s21 =	simm.s32 $0x1C0;
	s17 =	sor.u32 s20, s17;
	v6 =	vld.idx.msk [tilespmem:v9+s2+$0x0], $0xffff;
	v9 =	vadd.s32 $0x60, v1  }
0x42: {  	v4 =	vld [tilespmem:s21+$0x0];
	[tilespmem:s17+$0x1380] =	vst v10;
	v10 =	vadd.s32 $0xD8, v3  }
0x43: {  	v11 =	vld.idx.msk [tilespmem:v11+s2+$0x0], $0xffff;
	[tilespmem:s0+$0x1600] =	vst v5  }
0x44: {  	v5 =	vld.idx.msk [tilespmem:v7+s2+$0x0], $0xffff;
	v7 =	vadd.s32 $0x30, v2  }
0x45: {  	[tilespmem:s1+$0x1500] =	vst v8;
	v8 =	vadd.s32 $0xA8, v0  }
0x46: {  	v9 =	vld.idx.msk [tilespmem:v9+s2+$0x0], $0xffff;
	[tilespmem:s16+$0x2380] =	vst v6  }
0x47: {  	v6 =	vld.idx.msk [tilespmem:v10+s2+$0x0], $0xffff;
	v10 =	vadd.s32 $0x78, v1  }
0x48: {  	[tilespmem:s17+$0x1400] =	vst v11;
	v11 =	vadd.s32 $0xF0, v3  }
0x49: {  	v7 =	vld.idx.msk [tilespmem:v7+s2+$0x0], $0xffff;
	[tilespmem:s0+$0x1680] =	vst v5  }
0x4a: {  	v12 =	vadd.s32 $0x48, v2;
	v8 =	vld.idx.msk [tilespmem:v8+s2+$0x0], $0xffff  }
0x4b: {  	v13 =	vld.idx.msk [tilespmem:v4+s2+$0x0], $0xffff;
	[tilespmem:s1+$0x1580] =	vst v9;
	v9 =	vadd.s32 $0xC0, v0  }
0x4c: {  	v10 =	vld.idx.msk [tilespmem:v10+s2+$0x0], $0xffff;
	[tilespmem:s16+$0x2400] =	vst v6;
	v6 =	vadd.s32 $0x18, v4  }
0x4d: {  	s23 =	simm.s32 $0x200;
	s24 =	simm.s32 $0x1D0;
	s22 =	simm.s32 $0x40;
	v11 =	vld.idx.msk [tilespmem:v11+s2+$0x0], $0xffff  }
0x4e: {  	v14 =	vadd.s32 $0x90, v1;
	s25 =	sand.u32 $0x70, s22;
	s20 =	sand.u32 $0xC00, s23;
	v5 =	vld [tilespmem:s24+$0x0];
	[tilespmem:s17+$0x1480] =	vst v7  }
0x4f: {  	s20 =	sor.u32 s25, s20;
	v7 =	vadd.s32 $0x108, v3;
	v12 =	vld.idx.msk [tilespmem:v12+s2+$0x0], $0xffff;
	[tilespmem:s0+$0x1700] =	vst v8  }
0x50: {  	[tilespmem:s20+$0x1380] =	vst v13;
	v8 =	vld.idx.msk [tilespmem:v9+s2+$0x0], $0xffff;
	v9 =	vadd.s32 $0x60, v2  }
0x51: {  	v13 =	vld.idx.msk [tilespmem:v6+s2+$0x0], $0xffff;
	[tilespmem:s1+$0x1600] =	vst v10;
	v10 =	vadd.s32 $0xD8, v0  }
0x52: {  	[tilespmem:s16+$0x2480] =	vst v11;
	v11 =	vadd.s32 $0x30, v4  }
0x53: {  	v14 =	vld.idx.msk [tilespmem:v14+s2+$0x0], $0xffff  }
0x54: {  	v15 =	vadd.s32 $0xA8, v1;
	[tilespmem:s17+$0x1500] =	vst v12;
	v7 =	vld.idx.msk [tilespmem:v7+s2+$0x0], $0xffff  }
0x55: {  	v12 =	vadd.s32 $0x120, v3;
	v9 =	vld.idx.msk [tilespmem:v9+s2+$0x0], $0xffff;
	[tilespmem:s0+$0x2380] =	vst v8  }
0x56: {  	v8 =	vld.idx.msk [tilespmem:v10+s2+$0x0], $0xffff;
	[tilespmem:s20+$0x1400] =	vst v13;
	v10 =	vadd.s32 $0x78, v2  }
0x57: {  	v11 =	vld.idx.msk [tilespmem:v11+s2+$0x0], $0xffff  }
0x58: {  	v17 =	vld.idx.msk [tilespmem:v5+s2+$0x0], $0xffff;
	v13 =	vadd.s32 $0xF0, v0;
	[tilespmem:s1+$0x1680] =	vst v14  }
0x59: {  	v15 =	vld.idx.msk [tilespmem:v15+s2+$0x0], $0xffff;
	[tilespmem:s16+$0x2500] =	vst v7;
	v7 =	vadd.s32 $0x48, v4  }
0x5a: {  	v16 =	vadd.s32 $0xC0, v1;
	v12 =	vld.idx.msk [tilespmem:v12+s2+$0x0], $0xffff;
	[tilespmem:s17+$0x1580] =	vst v9  }
0x5b: {  	s26 =	simm.s32 $0x1E0;
	v9 =	vadd.s32 $0x138, v3;
	v18 =	vld.idx.msk [tilespmem:v10+s2+$0x0], $0xffff;
	[tilespmem:s0+$0x2400] =	vst v8  }
0x5c: {  	v6 =	vld [tilespmem:s26+$0x0];
	[tilespmem:s20+$0x1480] =	vst v11;
	v11 =	vadd.s32 $0x90, v2  }
0x5d: {  	v19 =	vadd.s32 $0x18, v5;
	v13 =	vld.idx.msk [tilespmem:v13+s2+$0x0], $0xffff  }
0x5e: {  	s28 =	simm.s32 $0x280;
	v20 =	vadd.s32 $0x108, v0;
	s22 =	simm.s32 $0x50;
	v14 =	vld.idx.msk [tilespmem:v7+s2+$0x0], $0xffff;
	[tilespmem:s1+$0x1700] =	vst v15  }
0x5f: {  	s23 =	sand.u32 $0x70, s22;
	s21 =	sand.u32 $0xC00, s28;
	v10 =	vld.idx.msk [tilespmem:v16+s2+$0x0], $0xffff;
	[tilespmem:s16+$0x2580] =	vst v12  }
0x60: {  	s21 =	sor.u32 s23, s21;
	v15 =	vadd.s32 $0x60, v4;
	v8 =	vld.idx.msk [tilespmem:v9+s2+$0x0], $0xffff;
	[tilespmem:s17+$0x1600] =	vst v18  }
0x61: {  	[tilespmem:s21+$0x1380] =	vst v17;
	v12 =	vld.idx.msk [tilespmem:v11+s2+$0x0], $0xffff;
	v11 =	vadd.s32 $0xD8, v1  }
0x62: {  	v7 =	vadd.s32 $0x150, v3;
	v16 =	vld.idx.msk [tilespmem:v19+s2+$0x0], $0xffff;
	[tilespmem:s0+$0x2480] =	vst v13  }
0x63: {  	s25 =	simm.s32 $0x380;
	s23 =	simm.s32 $0x300;
	s24 =	simm.s32 $0x1F0;
	v17 =	vadd.s32 $0x30, v5;
	v13 =	vmov v6;
	v9 =	vld.idx.msk [tilespmem:v20+s2+$0x0], $0xffff  }
.LBB2_2:
0x64: {  	v18 =	vld [tilespmem:s24+$0x0];
	p0 =	sne.s32 s25, $0xF80;
	[tilespmem:s20+$0x1500] =	vst v14;
	v14 =	vadd.s32 $0xA8, v2;
	s26 =	smov.u32 s0;
	s0 =	smov.u32 s1  }
0x65: {  	s1 =	smov.u32 s17;
	s17 =	smov.u32 s20;
	s20 =	smov.u32 s21;
	v15 =	vld.idx.msk [tilespmem:v15+s2+$0x0], $0xffff;
	[tilespmem:s0+$0x2380] =	vst v10;
	v10 =	vadd.s32 $0x120, v0  }
0x66: {  	v11 =	vld.idx.msk [tilespmem:v11+s2+$0x0], $0xffff;
	[tilespmem:s16+$0x2600] =	vst v8  }
0x67: {  	v8 =	vadd.s32 $0x78, v4;
	[tilespmem:s20+$0x1400] =	vst v16;
	v7 =	vld.idx.msk [tilespmem:v7+s2+$0x0], $0xffff  }
0x68: {  	v16 =	vld.idx.msk [tilespmem:v17+s2+$0x0], $0xffff;
	[tilespmem:s1+$0x1680] =	vst v12;
	v12 =	vadd.s32 $0xF0, v1  }
0x69: {  	v17 =	vld.idx.msk [tilespmem:v14+s2+$0x0], $0xffff;
	[tilespmem:s26+$0x2500] =	vst v9;
	v9 =	vadd.s32 $0x168, v3;
	v3 =	vmovc v0;
	v0 =	vmovc v1;
	v1 =	vmov v2;
	v2 =	vmov v4  }
0x6a: {  	v14 =	vadd.s32 $0x48, v5;
	v4 =	vmovc v5;
	v5 =	vmov v6;
	v6 =	vmov v18;
	v19 =	vld.idx.msk [tilespmem:v10+s2+$0x0], $0xffff  }
0x6b: {  	v10 =	vadd.s32 $0xC0, v1;
	v20 =	vld.idx.msk [tilespmem:v13+s2+$0x0], $0xffff;
	[tilespmem:s17+$0x1580] =	vst v15;
	v13 =	vmov v18  }
0x6c: {  	v18 =	vld.idx.msk [tilespmem:v8+s2+$0x0], $0xffff;
	[tilespmem:s0+$0x2400] =	vst v11;
	v8 =	vadd.s32 $0x138, v3  }
0x6d: {  	v11 =	vadd.s32 $0x18, v5;
	v21 =	vld.idx.msk [tilespmem:v12+s2+$0x0], $0xffff;
	[tilespmem:s16+$0x2680] =	vst v7  }
0x6e: {  	s22 =	sadd.s32 $0x10, s22;
	v7 =	vadd.s32 $0x90, v2;
	[tilespmem:s20+$0x1480] =	vst v16;
	v22 =	vld.idx.msk [tilespmem:v9+s2+$0x0], $0xffff  }
0x6f: {  	s28 =	sand.u32 $0xC00, s23;
	s23 =	smov.u32 s25;
	s21 =	sand.u32 $0x70, s22;
	v9 =	vadd.s32 $0x108, v0;
	v14 =	vld.idx.msk [tilespmem:v14+s2+$0x0], $0xffff;
	[tilespmem:s1+$0x1700] =	vst v17  }
.Ltmp0:
0x70: {  	s21 =	sor.u32 s21, s28;
	v10 =	vld.idx.msk [tilespmem:v10+s2+$0x0], $0xffff;
	[tilespmem:s26+$0x2580] =	vst v19;
	(pc) =	sbr.rel @p0 .LBB2_2-.Ltmp0, $4  }
0x71: {  	v15 =	vadd.s32 $0x60, v4;
	[tilespmem:s21+$0x1380] =	vst v20;
	v8 =	vld.idx.msk [tilespmem:v8+s2+$0x0], $0xffff  }
0x72: {  	v16 =	vld.idx.msk [tilespmem:v11+s2+$0x0], $0xffff;
	[tilespmem:s17+$0x1600] =	vst v18;
	v11 =	vadd.s32 $0xD8, v1  }
0x73: {  	v12 =	vld.idx.msk [tilespmem:v7+s2+$0x0], $0xffff;
	[tilespmem:s0+$0x2480] =	vst v21;
	v7 =	vadd.s32 $0x150, v3  }
0x74: {  	s24 =	sadd.s32 $0x10, s24;
	s25 =	sadd.s32 $0x80, s25;
	v17 =	vadd.s32 $0x30, v5;
	v9 =	vld.idx.msk [tilespmem:v9+s2+$0x0], $0xffff;
	[tilespmem:s16+$0x2700] =	vst v22;
	s16 =	smov.u32 s26  }
0x75: {  	_ =	sdelay $0x3  }
0x76: {  	v13 =	vld.idx.msk [tilespmem:v13+s2+$0x0], $0xffff  }
0x77: {  	v18 =	vadd.s32 $0x18, v6  }
0x78: {  	s22 =	sadd.s32 $0x10, s22  }
0x79: {  	s23 =	sand.u32 $0xC00, s23;
	s22 =	sand.u32 $0x70, s22  }
0x7a: {  	s22 =	sor.u32 s22, s23  }
0x7b: {  	[tilespmem:s22+$0x1380] =	vst v13  }
0x7c: {  	v13 =	vld.idx.msk [tilespmem:v18+s2+$0x0], $0xffff  }
0x7d: {  	v18 =	vadd.s32 $0x30, v6;
	_ =	sdelay $0x2  }
0x7e: {  	[tilespmem:s21+$0x1400] =	vst v16  }
0x7f: {  	v16 =	vld.idx.msk [tilespmem:v17+s2+$0x0], $0xffff;
	[tilespmem:s22+$0x1400] =	vst v13  }
0x80: {  	v13 =	vadd.s32 $0x48, v5;
	v17 =	vld.idx.msk [tilespmem:v18+s2+$0x0], $0xffff  }
0x81: {  	v18 =	vadd.s32 $0x48, v6;
	_ =	sdelay $0x2  }
0x82: {  	[tilespmem:s21+$0x1480] =	vst v16  }
0x83: {  	v13 =	vld.idx.msk [tilespmem:v13+s2+$0x0], $0xffff;
	[tilespmem:s22+$0x1480] =	vst v17  }
0x84: {  	v16 =	vadd.s32 $0x60, v5;
	v17 =	vld.idx.msk [tilespmem:v18+s2+$0x0], $0xffff  }
0x85: {  	v18 =	vadd.s32 $0x60, v6;
	_ =	sdelay $0x1  }
0x86: {  	[tilespmem:s20+$0x1500] =	vst v14  }
0x87: {  	v14 =	vld.idx.msk [tilespmem:v15+s2+$0x0], $0xffff;
	[tilespmem:s21+$0x1500] =	vst v13  }
0x88: {  	v13 =	vadd.s32 $0x78, v4;
	v15 =	vld.idx.msk [tilespmem:v16+s2+$0x0], $0xffff;
	[tilespmem:s22+$0x1500] =	vst v17  }
0x89: {  	v16 =	vadd.s32 $0x78, v5;
	v17 =	vld.idx.msk [tilespmem:v18+s2+$0x0], $0xffff  }
0x8a: {  	v18 =	vadd.s32 $0x78, v6;
	_ =	sdelay $0x1  }
0x8b: {  	[tilespmem:s20+$0x1580] =	vst v14  }
0x8c: {  	v13 =	vld.idx.msk [tilespmem:v13+s2+$0x0], $0xffff;
	[tilespmem:s21+$0x1580] =	vst v15  }
0x8d: {  	v14 =	vadd.s32 $0x90, v4;
	v15 =	vld.idx.msk [tilespmem:v16+s2+$0x0], $0xffff;
	[tilespmem:s22+$0x1580] =	vst v17  }
0x8e: {  	v16 =	vadd.s32 $0x90, v5;
	v17 =	vld.idx.msk [tilespmem:v18+s2+$0x0], $0xffff  }
0x8f: {  	v18 =	vadd.s32 $0x90, v6;
	_ =	sdelay $0x1  }
0x90: {  	[tilespmem:s20+$0x1600] =	vst v13  }
0x91: {  	v13 =	vadd.s32 $0xA8, v2;
	v14 =	vld.idx.msk [tilespmem:v14+s2+$0x0], $0xffff;
	[tilespmem:s21+$0x1600] =	vst v15  }
0x92: {  	v15 =	vadd.s32 $0xA8, v4;
	v16 =	vld.idx.msk [tilespmem:v16+s2+$0x0], $0xffff;
	[tilespmem:s22+$0x1600] =	vst v17  }
0x93: {  	v17 =	vadd.s32 $0xA8, v5;
	v18 =	vld.idx.msk [tilespmem:v18+s2+$0x0], $0xffff  }
0x94: {  	v19 =	vadd.s32 $0xA8, v6  }
0x95: {  	[tilespmem:s17+$0x1680] =	vst v12  }
0x96: {  	v12 =	vld.idx.msk [tilespmem:v13+s2+$0x0], $0xffff;
	[tilespmem:s20+$0x1680] =	vst v14  }
0x97: {  	v13 =	vadd.s32 $0xC0, v2;
	v14 =	vld.idx.msk [tilespmem:v15+s2+$0x0], $0xffff;
	[tilespmem:s21+$0x1680] =	vst v16  }
0x98: {  	v15 =	vadd.s32 $0xC0, v4;
	v16 =	vld.idx.msk [tilespmem:v17+s2+$0x0], $0xffff;
	[tilespmem:s22+$0x1680] =	vst v18  }
0x99: {  	v17 =	vadd.s32 $0xC0, v5;
	v18 =	vld.idx.msk [tilespmem:v19+s2+$0x0], $0xffff  }
0x9a: {  	v19 =	vadd.s32 $0xC0, v6  }
0x9b: {  	[tilespmem:s17+$0x1700] =	vst v12  }
0x9c: {  	v12 =	vld.idx.msk [tilespmem:v13+s2+$0x0], $0xffff;
	[tilespmem:s20+$0x1700] =	vst v14  }
0x9d: {  	v13 =	vadd.s32 $0xD8, v2;
	v14 =	vld.idx.msk [tilespmem:v15+s2+$0x0], $0xffff;
	[tilespmem:s21+$0x1700] =	vst v16  }
0x9e: {  	v15 =	vadd.s32 $0xD8, v4;
	v16 =	vld.idx.msk [tilespmem:v17+s2+$0x0], $0xffff;
	[tilespmem:s22+$0x1700] =	vst v18  }
0x9f: {  	[tilespmem:s1+$0x2380] =	vst v10;
	v10 =	vadd.s32 $0xD8, v5;
	v17 =	vld.idx.msk [tilespmem:v19+s2+$0x0], $0xffff  }
0xa0: {  	[tilespmem:s16+$0x2600] =	vst v8;
	v8 =	vadd.s32 $0xD8, v6  }
0xa1: {  	v11 =	vld.idx.msk [tilespmem:v11+s2+$0x0], $0xffff;
	[tilespmem:s17+$0x2380] =	vst v12  }
0xa2: {  	v12 =	vadd.s32 $0xF0, v1;
	v13 =	vld.idx.msk [tilespmem:v13+s2+$0x0], $0xffff;
	[tilespmem:s20+$0x2380] =	vst v14  }
0xa3: {  	v14 =	vadd.s32 $0xF0, v2;
	v15 =	vld.idx.msk [tilespmem:v15+s2+$0x0], $0xffff;
	[tilespmem:s21+$0x2380] =	vst v16  }
0xa4: {  	v16 =	vadd.s32 $0xF0, v4;
	v10 =	vld.idx.msk [tilespmem:v10+s2+$0x0], $0xffff;
	[tilespmem:s22+$0x2380] =	vst v17  }
0xa5: {  	[tilespmem:s0+$0x2500] =	vst v9;
	v9 =	vadd.s32 $0xF0, v5;
	v8 =	vld.idx.msk [tilespmem:v8+s2+$0x0], $0xffff  }
0xa6: {  	v7 =	vld.idx.msk [tilespmem:v7+s2+$0x0], $0xffff;
	[tilespmem:s1+$0x2400] =	vst v11;
	v11 =	vadd.s32 $0xF0, v6  }
0xa7: {  	v12 =	vld.idx.msk [tilespmem:v12+s2+$0x0], $0xffff;
	v17 =	vadd.s32 $0x120, v0;
	[tilespmem:s17+$0x2400] =	vst v13  }
0xa8: {  	v13 =	vadd.s32 $0x108, v1;
	v14 =	vld.idx.msk [tilespmem:v14+s2+$0x0], $0xffff;
	[tilespmem:s20+$0x2400] =	vst v15  }
0xa9: {  	v15 =	vadd.s32 $0x108, v2;
	v16 =	vld.idx.msk [tilespmem:v16+s2+$0x0], $0xffff;
	[tilespmem:s21+$0x2400] =	vst v10  }
0xaa: {  	v10 =	vadd.s32 $0x108, v4;
	v9 =	vld.idx.msk [tilespmem:v9+s2+$0x0], $0xffff;
	[tilespmem:s22+$0x2400] =	vst v8  }
0xab: {  	[tilespmem:s16+$0x2680] =	vst v7;
	v7 =	vadd.s32 $0x108, v5;
	v8 =	vld.idx.msk [tilespmem:v11+s2+$0x0], $0xffff  }
0xac: {  	[tilespmem:s1+$0x2480] =	vst v12;
	v12 =	vadd.s32 $0x108, v6;
	v11 =	vld.idx.msk [tilespmem:v17+s2+$0x0], $0xffff  }
0xad: {  	v3 =	vadd.s32 $0x168, v3;
	v13 =	vld.idx.msk [tilespmem:v13+s2+$0x0], $0xffff;
	[tilespmem:s17+$0x2480] =	vst v14  }
0xae: {  	v14 =	vadd.s32 $0x120, v1;
	v15 =	vld.idx.msk [tilespmem:v15+s2+$0x0], $0xffff;
	[tilespmem:s20+$0x2480] =	vst v16  }
0xaf: {  	v16 =	vadd.s32 $0x120, v2;
	v10 =	vld.idx.msk [tilespmem:v10+s2+$0x0], $0xffff;
	[tilespmem:s21+$0x2480] =	vst v9  }
0xb0: {  	v9 =	vadd.s32 $0x120, v4;
	v7 =	vld.idx.msk [tilespmem:v7+s2+$0x0], $0xffff;
	[tilespmem:s22+$0x2480] =	vst v8  }
0xb1: {  	[tilespmem:s0+$0x2580] =	vst v11;
	v8 =	vadd.s32 $0x120, v5;
	v11 =	vld.idx.msk [tilespmem:v12+s2+$0x0], $0xffff  }
0xb2: {  	v3 =	vld.idx.msk [tilespmem:v3+s2+$0x0], $0xffff;
	[tilespmem:s1+$0x2500] =	vst v13;
	v12 =	vadd.s32 $0x120, v6  }
0xb3: {  	v13 =	vadd.s32 $0x138, v0;
	v14 =	vld.idx.msk [tilespmem:v14+s2+$0x0], $0xffff;
	[tilespmem:s17+$0x2500] =	vst v15  }
0xb4: {  	v15 =	vadd.s32 $0x138, v1;
	v16 =	vld.idx.msk [tilespmem:v16+s2+$0x0], $0xffff;
	[tilespmem:s20+$0x2500] =	vst v10  }
0xb5: {  	v10 =	vadd.s32 $0x138, v2;
	v9 =	vld.idx.msk [tilespmem:v9+s2+$0x0], $0xffff;
	[tilespmem:s21+$0x2500] =	vst v7  }
0xb6: {  	v7 =	vadd.s32 $0x138, v4;
	v8 =	vld.idx.msk [tilespmem:v8+s2+$0x0], $0xffff;
	[tilespmem:s22+$0x2500] =	vst v11  }
0xb7: {  	[tilespmem:s16+$0x2700] =	vst v3;
	v3 =	vadd.s32 $0x138, v5;
	v11 =	vld.idx.msk [tilespmem:v12+s2+$0x0], $0xffff  }
0xb8: {  	[tilespmem:s1+$0x2580] =	vst v14;
	v12 =	vld.idx.msk [tilespmem:v13+s2+$0x0], $0xffff;
	v13 =	vadd.s32 $0x138, v6  }
0xb9: {  	v14 =	vadd.s32 $0x150, v0;
	v15 =	vld.idx.msk [tilespmem:v15+s2+$0x0], $0xffff;
	[tilespmem:s17+$0x2580] =	vst v16  }
0xba: {  	v16 =	vadd.s32 $0x150, v1;
	v10 =	vld.idx.msk [tilespmem:v10+s2+$0x0], $0xffff;
	[tilespmem:s20+$0x2580] =	vst v9  }
0xbb: {  	v9 =	vadd.s32 $0x150, v2;
	v7 =	vld.idx.msk [tilespmem:v7+s2+$0x0], $0xffff;
	[tilespmem:s21+$0x2580] =	vst v8  }
0xbc: {  	v8 =	vadd.s32 $0x150, v4;
	v3 =	vld.idx.msk [tilespmem:v3+s2+$0x0], $0xffff;
	[tilespmem:s22+$0x2580] =	vst v11  }
0xbd: {  	[tilespmem:s0+$0x2600] =	vst v12;
	v11 =	vadd.s32 $0x150, v5;
	v12 =	vld.idx.msk [tilespmem:v13+s2+$0x0], $0xffff  }
0xbe: {  	[tilespmem:s1+$0x2600] =	vst v15;
	v13 =	vld.idx.msk [tilespmem:v14+s2+$0x0], $0xffff;
	v14 =	vadd.s32 $0x150, v6  }
0xbf: {  	v0 =	vadd.s32 $0x168, v0;
	v15 =	vld.idx.msk [tilespmem:v16+s2+$0x0], $0xffff;
	[tilespmem:s17+$0x2600] =	vst v10  }
0xc0: {  	v1 =	vadd.s32 $0x168, v1;
	v9 =	vld.idx.msk [tilespmem:v9+s2+$0x0], $0xffff;
	[tilespmem:s20+$0x2600] =	vst v7  }
0xc1: {  	v2 =	vadd.s32 $0x168, v2;
	v7 =	vld.idx.msk [tilespmem:v8+s2+$0x0], $0xffff;
	[tilespmem:s21+$0x2600] =	vst v3  }
0xc2: {  	v3 =	vadd.s32 $0x168, v4;
	v4 =	vld.idx.msk [tilespmem:v11+s2+$0x0], $0xffff;
	[tilespmem:s22+$0x2600] =	vst v12  }
0xc3: {  	v5 =	vadd.s32 $0x168, v5;
	[tilespmem:s0+$0x2680] =	vst v13;
	v8 =	vld.idx.msk [tilespmem:v14+s2+$0x0], $0xffff  }
0xc4: {  	v6 =	vadd.s32 $0x168, v6;
	[tilespmem:s1+$0x2680] =	vst v15;
	v0 =	vld.idx.msk [tilespmem:v0+s2+$0x0], $0xffff  }
0xc5: {  	v1 =	vld.idx.msk [tilespmem:v1+s2+$0x0], $0xffff;
	[tilespmem:s17+$0x2680] =	vst v9  }
0xc6: {  	v2 =	vld.idx.msk [tilespmem:v2+s2+$0x0], $0xffff;
	[tilespmem:s20+$0x2680] =	vst v7  }
0xc7: {  	v3 =	vld.idx.msk [tilespmem:v3+s2+$0x0], $0xffff;
	[tilespmem:s21+$0x2680] =	vst v4  }
0xc8: {  	v4 =	vld.idx.msk [tilespmem:v5+s2+$0x0], $0xffff;
	[tilespmem:s22+$0x2680] =	vst v8  }
0xc9: {  	[tilespmem:s0+$0x2700] =	vst v0;
	v0 =	vld.idx.msk [tilespmem:v6+s2+$0x0], $0xffff  }
0xca: {  	[tilespmem:s1+$0x2700] =	vst v1  }
0xcb: {  	[tilespmem:s17+$0x2700] =	vst v2  }
0xcc: {  	[tilespmem:s20+$0x2700] =	vst v3  }
0xcd: {  	[tilespmem:s21+$0x2700] =	vst v4  }
0xce: {  	s23 =	simm.s32 $0x380;
	[tilespmem:s22+$0x2700] =	vst v0;
	s22 =	simm.s32 $0x1380  }
0xcf: {  	[hbm4b:s4+s18] =	stream.strided.scatter [tilespmem:s22], [sflag:$0x1], $0x2000, s19, s18, $0x38;
	[tilespmem:$0x13380] =	vst v63  }
0xd0: {  	v3 =	vld [tilespmem:s23+$0x0];
	_ =	sdelay $0x7  }
0xd1: {  	v0 =	vld.idx.msk [tilespmem:v3+s2+$0x0], $0xffff  }
0xd2: {  	v1 =	vadd.s32 $0x18, v3  }
0xd3: {  	s24 =	simm.s32 $0x0  }
0xd4: {  	s25 =	sand.u32 $0x70, s24;
	s0 =	sand.u32 $0xC00, s24  }
0xd5: {  	s16 =	sor.u32 s25, s0  }
0xd6: {  	[tilespmem:s16+$0x3380] =	vst v0  }
0xd7: {  	s26 =	simm.s32 $0x390;
	v1 =	vld.idx.msk [tilespmem:v1+s2+$0x0], $0xffff  }
0xd8: {  	v2 =	vadd.s32 $0x30, v3;
	v0 =	vld [tilespmem:s26+$0x0];
	_ =	sdelay $0x3  }
0xd9: {  	[tilespmem:s16+$0x3400] =	vst v1  }
0xda: {  	v1 =	vld.idx.msk [tilespmem:v2+s2+$0x0], $0xffff  }
0xdb: {  	v2 =	vadd.s32 $0x48, v3;
	_ =	sdelay $0x1  }
0xdc: {  	v4 =	vld.idx.msk [tilespmem:v0+s2+$0x0], $0xffff  }
0xdd: {  	v5 =	vadd.s32 $0x18, v0  }
0xde: {  	s28 =	simm.s32 $0x80;
	s17 =	simm.s32 $0x10;
	[tilespmem:s16+$0x3480] =	vst v1  }
0xdf: {  	s1 =	sand.u32 $0x70, s17;
	s0 =	sand.u32 $0xC00, s28;
	v2 =	vld.idx.msk [tilespmem:v2+s2+$0x0], $0xffff  }
0xe0: {  	s20 =	simm.s32 $0x3A0;
	s0 =	sor.u32 s1, s0;
	v6 =	vadd.s32 $0x60, v3  }
0xe1: {  	v1 =	vld [tilespmem:s20+$0x0];
	[tilespmem:s0+$0x3380] =	vst v4  }
0xe2: {  	v4 =	vld.idx.msk [tilespmem:v5+s2+$0x0], $0xffff  }
0xe3: {  	v5 =	vadd.s32 $0x30, v0  }
0xe4: {  	[tilespmem:s16+$0x3500] =	vst v2  }
0xe5: {  	v2 =	vld.idx.msk [tilespmem:v6+s2+$0x0], $0xffff  }
0xe6: {  	v6 =	vadd.s32 $0x78, v3  }
0xe7: {  	[tilespmem:s0+$0x3400] =	vst v4  }
0xe8: {  	v4 =	vld.idx.msk [tilespmem:v5+s2+$0x0], $0xffff  }
0xe9: {  	v5 =	vadd.s32 $0x48, v0  }
0xea: {  	v7 =	vld.idx.msk [tilespmem:v1+s2+$0x0], $0xffff;
	[tilespmem:s16+$0x3580] =	vst v2  }
0xeb: {  	v8 =	vadd.s32 $0x18, v1;
	v6 =	vld.idx.msk [tilespmem:v6+s2+$0x0], $0xffff  }
0xec: {  	s21 =	simm.s32 $0x100;
	s22 =	simm.s32 $0x20;
	v9 =	vadd.s32 $0x90, v3  }
0xed: {  	s1 =	sand.u32 $0xC00, s21;
	s17 =	sand.u32 $0x70, s22;
	[tilespmem:s0+$0x3480] =	vst v4  }
0xee: {  	s23 =	simm.s32 $0x3B0;
	s1 =	sor.u32 s17, s1;
	v4 =	vld.idx.msk [tilespmem:v5+s2+$0x0], $0xffff  }
0xef: {  	v2 =	vld [tilespmem:s23+$0x0];
	[tilespmem:s1+$0x3380] =	vst v7;
	v5 =	vadd.s32 $0x60, v0  }
0xf0: {  	v7 =	vld.idx.msk [tilespmem:v8+s2+$0x0], $0xffff;
	[tilespmem:s16+$0x3600] =	vst v6  }
0xf1: {  	v8 =	vadd.s32 $0x30, v1;
	v6 =	vld.idx.msk [tilespmem:v9+s2+$0x0], $0xffff  }
0xf2: {  	v9 =	vadd.s32 $0xA8, v3  }
0xf3: {  	[tilespmem:s0+$0x3500] =	vst v4  }
0xf4: {  	v4 =	vld.idx.msk [tilespmem:v5+s2+$0x0], $0xffff  }
0xf5: {  	[tilespmem:s1+$0x3400] =	vst v7;
	v5 =	vadd.s32 $0x78, v0  }
0xf6: {  	v7 =	vld.idx.msk [tilespmem:v8+s2+$0x0], $0xffff;
	[tilespmem:s16+$0x3680] =	vst v6  }
0xf7: {  	v8 =	vadd.s32 $0x48, v1;
	v6 =	vld.idx.msk [tilespmem:v9+s2+$0x0], $0xffff  }
0xf8: {  	v9 =	vadd.s32 $0xC0, v3  }
0xf9: {  	v10 =	vld.idx.msk [tilespmem:v2+s2+$0x0], $0xffff;
	[tilespmem:s0+$0x3580] =	vst v4  }
0xfa: {  	v11 =	vadd.s32 $0x18, v2;
	v5 =	vld.idx.msk [tilespmem:v5+s2+$0x0], $0xffff  }
0xfb: {  	s24 =	simm.s32 $0x180;
	s25 =	simm.s32 $0x30;
	[tilespmem:s1+$0x3480] =	vst v7;
	v7 =	vadd.s32 $0x90, v0  }
0xfc: {  	s17 =	sand.u32 $0xC00, s24;
	s20 =	sand.u32 $0x70, s25;
	v8 =	vld.idx.msk [tilespmem:v8+s2+$0x0], $0xffff;
	[tilespmem:s16+$0x3700] =	vst v6  }
0xfd: {  	s26 =	simm.s32 $0x3C0;
	s17 =	sor.u32 s20, s17;
	v6 =	vld.idx.msk [tilespmem:v9+s2+$0x0], $0xffff;
	v9 =	vadd.s32 $0x60, v1  }
0xfe: {  	v4 =	vld [tilespmem:s26+$0x0];
	[tilespmem:s17+$0x3380] =	vst v10;
	v10 =	vadd.s32 $0xD8, v3  }
0xff: {  	v11 =	vld.idx.msk [tilespmem:v11+s2+$0x0], $0xffff;
	[tilespmem:s0+$0x3600] =	vst v5  }
0x100: {  	v5 =	vld.idx.msk [tilespmem:v7+s2+$0x0], $0xffff;
	v7 =	vadd.s32 $0x30, v2  }
0x101: {  	[tilespmem:s1+$0x3500] =	vst v8;
	v8 =	vadd.s32 $0xA8, v0  }
0x102: {  	v9 =	vld.idx.msk [tilespmem:v9+s2+$0x0], $0xffff;
	[tilespmem:s16+$0x4380] =	vst v6  }
0x103: {  	v6 =	vld.idx.msk [tilespmem:v10+s2+$0x0], $0xffff;
	v10 =	vadd.s32 $0x78, v1  }
0x104: {  	[tilespmem:s17+$0x3400] =	vst v11;
	v11 =	vadd.s32 $0xF0, v3  }
0x105: {  	v7 =	vld.idx.msk [tilespmem:v7+s2+$0x0], $0xffff;
	[tilespmem:s0+$0x3680] =	vst v5  }
0x106: {  	v12 =	vadd.s32 $0x48, v2;
	v8 =	vld.idx.msk [tilespmem:v8+s2+$0x0], $0xffff  }
0x107: {  	v13 =	vld.idx.msk [tilespmem:v4+s2+$0x0], $0xffff;
	[tilespmem:s1+$0x3580] =	vst v9;
	v9 =	vadd.s32 $0xC0, v0  }
0x108: {  	v10 =	vld.idx.msk [tilespmem:v10+s2+$0x0], $0xffff;
	[tilespmem:s16+$0x4400] =	vst v6;
	v6 =	vadd.s32 $0x18, v4  }
0x109: {  	s28 =	simm.s32 $0x200;
	s22 =	simm.s32 $0x3D0;
	s23 =	simm.s32 $0x40;
	v11 =	vld.idx.msk [tilespmem:v11+s2+$0x0], $0xffff  }
0x10a: {  	s20 =	sand.u32 $0xC00, s28;
	v14 =	vadd.s32 $0x90, v1;
	s24 =	sand.u32 $0x70, s23;
	v5 =	vld [tilespmem:s22+$0x0];
	[tilespmem:s17+$0x3480] =	vst v7  }
0x10b: {  	s20 =	sor.u32 s24, s20;
	v7 =	vadd.s32 $0x108, v3;
	v12 =	vld.idx.msk [tilespmem:v12+s2+$0x0], $0xffff;
	[tilespmem:s0+$0x3700] =	vst v8  }
0x10c: {  	[tilespmem:s20+$0x3380] =	vst v13;
	v8 =	vld.idx.msk [tilespmem:v9+s2+$0x0], $0xffff;
	v9 =	vadd.s32 $0x60, v2  }
0x10d: {  	v13 =	vld.idx.msk [tilespmem:v6+s2+$0x0], $0xffff;
	[tilespmem:s1+$0x3600] =	vst v10;
	v10 =	vadd.s32 $0xD8, v0  }
0x10e: {  	[tilespmem:s16+$0x4480] =	vst v11;
	v11 =	vadd.s32 $0x30, v4  }
0x10f: {  	v14 =	vld.idx.msk [tilespmem:v14+s2+$0x0], $0xffff  }
0x110: {  	v15 =	vadd.s32 $0xA8, v1;
	[tilespmem:s17+$0x3500] =	vst v12;
	v7 =	vld.idx.msk [tilespmem:v7+s2+$0x0], $0xffff  }
0x111: {  	v12 =	vadd.s32 $0x120, v3;
	v9 =	vld.idx.msk [tilespmem:v9+s2+$0x0], $0xffff;
	[tilespmem:s0+$0x4380] =	vst v8  }
0x112: {  	v8 =	vld.idx.msk [tilespmem:v10+s2+$0x0], $0xffff;
	[tilespmem:s20+$0x3400] =	vst v13;
	v10 =	vadd.s32 $0x78, v2  }
0x113: {  	v11 =	vld.idx.msk [tilespmem:v11+s2+$0x0], $0xffff  }
0x114: {  	v17 =	vld.idx.msk [tilespmem:v5+s2+$0x0], $0xffff;
	v13 =	vadd.s32 $0xF0, v0;
	[tilespmem:s1+$0x3680] =	vst v14  }
0x115: {  	v15 =	vld.idx.msk [tilespmem:v15+s2+$0x0], $0xffff;
	[tilespmem:s16+$0x4500] =	vst v7;
	v7 =	vadd.s32 $0x48, v4  }
0x116: {  	v16 =	vadd.s32 $0xC0, v1;
	v12 =	vld.idx.msk [tilespmem:v12+s2+$0x0], $0xffff;
	[tilespmem:s17+$0x3580] =	vst v9  }
0x117: {  	s25 =	simm.s32 $0x3E0;
	v9 =	vadd.s32 $0x138, v3;
	v18 =	vld.idx.msk [tilespmem:v10+s2+$0x0], $0xffff;
	[tilespmem:s0+$0x4400] =	vst v8  }
0x118: {  	v6 =	vld [tilespmem:s25+$0x0];
	[tilespmem:s20+$0x3480] =	vst v11;
	v11 =	vadd.s32 $0x90, v2  }
0x119: {  	v19 =	vadd.s32 $0x18, v5;
	v13 =	vld.idx.msk [tilespmem:v13+s2+$0x0], $0xffff  }
0x11a: {  	v20 =	vadd.s32 $0x108, v0;
	s26 =	simm.s32 $0x280;
	s22 =	simm.s32 $0x50;
	v14 =	vld.idx.msk [tilespmem:v7+s2+$0x0], $0xffff;
	[tilespmem:s1+$0x3700] =	vst v15  }
0x11b: {  	s21 =	sand.u32 $0xC00, s26;
	s28 =	sand.u32 $0x70, s22;
	v10 =	vld.idx.msk [tilespmem:v16+s2+$0x0], $0xffff;
	[tilespmem:s16+$0x4580] =	vst v12  }
0x11c: {  	s21 =	sor.u32 s28, s21;
	v15 =	vadd.s32 $0x60, v4;
	v8 =	vld.idx.msk [tilespmem:v9+s2+$0x0], $0xffff;
	[tilespmem:s17+$0x3600] =	vst v18  }
0x11d: {  	[tilespmem:s21+$0x3380] =	vst v17;
	v12 =	vld.idx.msk [tilespmem:v11+s2+$0x0], $0xffff;
	v11 =	vadd.s32 $0xD8, v1  }
0x11e: {  	v7 =	vadd.s32 $0x150, v3;
	v16 =	vld.idx.msk [tilespmem:v19+s2+$0x0], $0xffff;
	[tilespmem:s0+$0x4480] =	vst v13  }
0x11f: {  	s23 =	simm.s32 $0x300;
	s24 =	simm.s32 $0x3F0;
	s25 =	simm.s32 $0x380;
	v17 =	vadd.s32 $0x30, v5;
	v13 =	vmov v6;
	v9 =	vld.idx.msk [tilespmem:v20+s2+$0x0], $0xffff  }
.LBB2_4:
0x120: {  	v18 =	vld [tilespmem:s24+$0x0];
	p0 =	sne.s32 s25, $0xF80;
	[tilespmem:s20+$0x3500] =	vst v14;
	v14 =	vadd.s32 $0xA8, v2;
	s26 =	smov.u32 s0;
	s0 =	smov.u32 s1  }
0x121: {  	s1 =	smov.u32 s17;
	s17 =	smov.u32 s20;
	s20 =	smov.u32 s21;
	v15 =	vld.idx.msk [tilespmem:v15+s2+$0x0], $0xffff;
	[tilespmem:s0+$0x4380] =	vst v10;
	v10 =	vadd.s32 $0x120, v0  }
0x122: {  	v11 =	vld.idx.msk [tilespmem:v11+s2+$0x0], $0xffff;
	[tilespmem:s16+$0x4600] =	vst v8  }
0x123: {  	v8 =	vadd.s32 $0x78, v4;
	[tilespmem:s20+$0x3400] =	vst v16;
	v7 =	vld.idx.msk [tilespmem:v7+s2+$0x0], $0xffff  }
0x124: {  	v16 =	vld.idx.msk [tilespmem:v17+s2+$0x0], $0xffff;
	[tilespmem:s1+$0x3680] =	vst v12;
	v12 =	vadd.s32 $0xF0, v1  }
0x125: {  	v17 =	vld.idx.msk [tilespmem:v14+s2+$0x0], $0xffff;
	[tilespmem:s26+$0x4500] =	vst v9;
	v9 =	vadd.s32 $0x168, v3;
	v3 =	vmovc v0;
	v0 =	vmovc v1;
	v1 =	vmov v2;
	v2 =	vmov v4  }
0x126: {  	v14 =	vadd.s32 $0x48, v5;
	v4 =	vmovc v5;
	v5 =	vmov v6;
	v6 =	vmov v18;
	v19 =	vld.idx.msk [tilespmem:v10+s2+$0x0], $0xffff  }
0x127: {  	v10 =	vadd.s32 $0xC0, v1;
	v20 =	vld.idx.msk [tilespmem:v13+s2+$0x0], $0xffff;
	[tilespmem:s17+$0x3580] =	vst v15;
	v13 =	vmov v18  }
0x128: {  	v18 =	vld.idx.msk [tilespmem:v8+s2+$0x0], $0xffff;
	[tilespmem:s0+$0x4400] =	vst v11;
	v8 =	vadd.s32 $0x138, v3  }
0x129: {  	v11 =	vadd.s32 $0x18, v5;
	v21 =	vld.idx.msk [tilespmem:v12+s2+$0x0], $0xffff;
	[tilespmem:s16+$0x4680] =	vst v7  }
0x12a: {  	s22 =	sadd.s32 $0x10, s22;
	v7 =	vadd.s32 $0x90, v2;
	[tilespmem:s20+$0x3480] =	vst v16;
	v22 =	vld.idx.msk [tilespmem:v9+s2+$0x0], $0xffff  }
0x12b: {  	s28 =	sand.u32 $0xC00, s23;
	s23 =	smov.u32 s25;
	s21 =	sand.u32 $0x70, s22;
	v9 =	vadd.s32 $0x108, v0;
	v14 =	vld.idx.msk [tilespmem:v14+s2+$0x0], $0xffff;
	[tilespmem:s1+$0x3700] =	vst v17  }
.Ltmp1:
0x12c: {  	s21 =	sor.u32 s21, s28;
	v10 =	vld.idx.msk [tilespmem:v10+s2+$0x0], $0xffff;
	[tilespmem:s26+$0x4580] =	vst v19;
	(pc) =	sbr.rel @p0 .LBB2_4-.Ltmp1, $4  }
0x12d: {  	v15 =	vadd.s32 $0x60, v4;
	[tilespmem:s21+$0x3380] =	vst v20;
	v8 =	vld.idx.msk [tilespmem:v8+s2+$0x0], $0xffff  }
0x12e: {  	v16 =	vld.idx.msk [tilespmem:v11+s2+$0x0], $0xffff;
	[tilespmem:s17+$0x3600] =	vst v18;
	v11 =	vadd.s32 $0xD8, v1  }
0x12f: {  	v12 =	vld.idx.msk [tilespmem:v7+s2+$0x0], $0xffff;
	[tilespmem:s0+$0x4480] =	vst v21;
	v7 =	vadd.s32 $0x150, v3  }
0x130: {  	s24 =	sadd.s32 $0x10, s24;
	s25 =	sadd.s32 $0x80, s25;
	v17 =	vadd.s32 $0x30, v5;
	v9 =	vld.idx.msk [tilespmem:v9+s2+$0x0], $0xffff;
	[tilespmem:s16+$0x4700] =	vst v22;
	s16 =	smov.u32 s26  }
0x131: {  	_ =	sdelay $0x3  }
0x132: {  	v13 =	vld.idx.msk [tilespmem:v13+s2+$0x0], $0xffff  }
0x133: {  	v18 =	vadd.s32 $0x18, v6  }
0x134: {  	s22 =	sadd.s32 $0x10, s22  }
0x135: {  	s23 =	sand.u32 $0xC00, s23;
	s22 =	sand.u32 $0x70, s22  }
0x136: {  	s22 =	sor.u32 s22, s23  }
0x137: {  	[tilespmem:s22+$0x3380] =	vst v13  }
0x138: {  	v13 =	vld.idx.msk [tilespmem:v18+s2+$0x0], $0xffff  }
0x139: {  	v18 =	vadd.s32 $0x30, v6;
	_ =	sdelay $0x2  }
0x13a: {  	[tilespmem:s21+$0x3400] =	vst v16  }
0x13b: {  	v16 =	vld.idx.msk [tilespmem:v17+s2+$0x0], $0xffff;
	[tilespmem:s22+$0x3400] =	vst v13  }
0x13c: {  	v13 =	vadd.s32 $0x48, v5;
	v17 =	vld.idx.msk [tilespmem:v18+s2+$0x0], $0xffff  }
0x13d: {  	v18 =	vadd.s32 $0x48, v6;
	_ =	sdelay $0x2  }
0x13e: {  	[tilespmem:s21+$0x3480] =	vst v16  }
0x13f: {  	v13 =	vld.idx.msk [tilespmem:v13+s2+$0x0], $0xffff;
	[tilespmem:s22+$0x3480] =	vst v17  }
0x140: {  	v16 =	vadd.s32 $0x60, v5;
	v17 =	vld.idx.msk [tilespmem:v18+s2+$0x0], $0xffff  }
0x141: {  	v18 =	vadd.s32 $0x60, v6;
	_ =	sdelay $0x1  }
0x142: {  	[tilespmem:s20+$0x3500] =	vst v14  }
0x143: {  	v14 =	vld.idx.msk [tilespmem:v15+s2+$0x0], $0xffff;
	[tilespmem:s21+$0x3500] =	vst v13  }
0x144: {  	v13 =	vadd.s32 $0x78, v4;
	v15 =	vld.idx.msk [tilespmem:v16+s2+$0x0], $0xffff;
	[tilespmem:s22+$0x3500] =	vst v17  }
0x145: {  	v16 =	vadd.s32 $0x78, v5;
	v17 =	vld.idx.msk [tilespmem:v18+s2+$0x0], $0xffff  }
0x146: {  	v18 =	vadd.s32 $0x78, v6;
	_ =	sdelay $0x1  }
0x147: {  	[tilespmem:s20+$0x3580] =	vst v14  }
0x148: {  	v13 =	vld.idx.msk [tilespmem:v13+s2+$0x0], $0xffff;
	[tilespmem:s21+$0x3580] =	vst v15  }
0x149: {  	v14 =	vadd.s32 $0x90, v4;
	v15 =	vld.idx.msk [tilespmem:v16+s2+$0x0], $0xffff;
	[tilespmem:s22+$0x3580] =	vst v17  }
0x14a: {  	v16 =	vadd.s32 $0x90, v5;
	v17 =	vld.idx.msk [tilespmem:v18+s2+$0x0], $0xffff  }
0x14b: {  	v18 =	vadd.s32 $0x90, v6;
	_ =	sdelay $0x1  }
0x14c: {  	[tilespmem:s20+$0x3600] =	vst v13  }
0x14d: {  	v13 =	vadd.s32 $0xA8, v2;
	v14 =	vld.idx.msk [tilespmem:v14+s2+$0x0], $0xffff;
	[tilespmem:s21+$0x3600] =	vst v15  }
0x14e: {  	v15 =	vadd.s32 $0xA8, v4;
	v16 =	vld.idx.msk [tilespmem:v16+s2+$0x0], $0xffff;
	[tilespmem:s22+$0x3600] =	vst v17  }
0x14f: {  	v17 =	vadd.s32 $0xA8, v5;
	v18 =	vld.idx.msk [tilespmem:v18+s2+$0x0], $0xffff  }
0x150: {  	v19 =	vadd.s32 $0xA8, v6  }
0x151: {  	[tilespmem:s17+$0x3680] =	vst v12  }
0x152: {  	v12 =	vld.idx.msk [tilespmem:v13+s2+$0x0], $0xffff;
	[tilespmem:s20+$0x3680] =	vst v14  }
0x153: {  	v13 =	vadd.s32 $0xC0, v2;
	v14 =	vld.idx.msk [tilespmem:v15+s2+$0x0], $0xffff;
	[tilespmem:s21+$0x3680] =	vst v16  }
0x154: {  	v15 =	vadd.s32 $0xC0, v4;
	v16 =	vld.idx.msk [tilespmem:v17+s2+$0x0], $0xffff;
	[tilespmem:s22+$0x3680] =	vst v18  }
0x155: {  	v17 =	vadd.s32 $0xC0, v5;
	v18 =	vld.idx.msk [tilespmem:v19+s2+$0x0], $0xffff  }
0x156: {  	v19 =	vadd.s32 $0xC0, v6  }
0x157: {  	[tilespmem:s17+$0x3700] =	vst v12  }
0x158: {  	v12 =	vld.idx.msk [tilespmem:v13+s2+$0x0], $0xffff;
	[tilespmem:s20+$0x3700] =	vst v14  }
0x159: {  	v13 =	vadd.s32 $0xD8, v2;
	v14 =	vld.idx.msk [tilespmem:v15+s2+$0x0], $0xffff;
	[tilespmem:s21+$0x3700] =	vst v16  }
0x15a: {  	v15 =	vadd.s32 $0xD8, v4;
	v16 =	vld.idx.msk [tilespmem:v17+s2+$0x0], $0xffff;
	[tilespmem:s22+$0x3700] =	vst v18  }
0x15b: {  	[tilespmem:s1+$0x4380] =	vst v10;
	v10 =	vadd.s32 $0xD8, v5;
	v17 =	vld.idx.msk [tilespmem:v19+s2+$0x0], $0xffff  }
0x15c: {  	[tilespmem:s16+$0x4600] =	vst v8;
	v8 =	vadd.s32 $0xD8, v6  }
0x15d: {  	v11 =	vld.idx.msk [tilespmem:v11+s2+$0x0], $0xffff;
	[tilespmem:s17+$0x4380] =	vst v12  }
0x15e: {  	v12 =	vadd.s32 $0xF0, v1;
	v13 =	vld.idx.msk [tilespmem:v13+s2+$0x0], $0xffff;
	[tilespmem:s20+$0x4380] =	vst v14  }
0x15f: {  	v14 =	vadd.s32 $0xF0, v2;
	v15 =	vld.idx.msk [tilespmem:v15+s2+$0x0], $0xffff;
	[tilespmem:s21+$0x4380] =	vst v16  }
0x160: {  	v16 =	vadd.s32 $0xF0, v4;
	v10 =	vld.idx.msk [tilespmem:v10+s2+$0x0], $0xffff;
	[tilespmem:s22+$0x4380] =	vst v17  }
0x161: {  	[tilespmem:s0+$0x4500] =	vst v9;
	v9 =	vadd.s32 $0xF0, v5;
	v8 =	vld.idx.msk [tilespmem:v8+s2+$0x0], $0xffff  }
0x162: {  	v7 =	vld.idx.msk [tilespmem:v7+s2+$0x0], $0xffff;
	[tilespmem:s1+$0x4400] =	vst v11;
	v11 =	vadd.s32 $0xF0, v6  }
0x163: {  	v12 =	vld.idx.msk [tilespmem:v12+s2+$0x0], $0xffff;
	v17 =	vadd.s32 $0x120, v0;
	[tilespmem:s17+$0x4400] =	vst v13  }
0x164: {  	v13 =	vadd.s32 $0x108, v1;
	v14 =	vld.idx.msk [tilespmem:v14+s2+$0x0], $0xffff;
	[tilespmem:s20+$0x4400] =	vst v15  }
0x165: {  	v15 =	vadd.s32 $0x108, v2;
	v16 =	vld.idx.msk [tilespmem:v16+s2+$0x0], $0xffff;
	[tilespmem:s21+$0x4400] =	vst v10  }
0x166: {  	v10 =	vadd.s32 $0x108, v4;
	v9 =	vld.idx.msk [tilespmem:v9+s2+$0x0], $0xffff;
	[tilespmem:s22+$0x4400] =	vst v8  }
0x167: {  	[tilespmem:s16+$0x4680] =	vst v7;
	v7 =	vadd.s32 $0x108, v5;
	v8 =	vld.idx.msk [tilespmem:v11+s2+$0x0], $0xffff  }
0x168: {  	[tilespmem:s1+$0x4480] =	vst v12;
	v12 =	vadd.s32 $0x108, v6;
	v11 =	vld.idx.msk [tilespmem:v17+s2+$0x0], $0xffff  }
0x169: {  	v3 =	vadd.s32 $0x168, v3;
	v13 =	vld.idx.msk [tilespmem:v13+s2+$0x0], $0xffff;
	[tilespmem:s17+$0x4480] =	vst v14  }
0x16a: {  	v14 =	vadd.s32 $0x120, v1;
	v15 =	vld.idx.msk [tilespmem:v15+s2+$0x0], $0xffff;
	[tilespmem:s20+$0x4480] =	vst v16  }
0x16b: {  	v16 =	vadd.s32 $0x120, v2;
	v10 =	vld.idx.msk [tilespmem:v10+s2+$0x0], $0xffff;
	[tilespmem:s21+$0x4480] =	vst v9  }
0x16c: {  	v9 =	vadd.s32 $0x120, v4;
	v7 =	vld.idx.msk [tilespmem:v7+s2+$0x0], $0xffff;
	[tilespmem:s22+$0x4480] =	vst v8  }
0x16d: {  	[tilespmem:s0+$0x4580] =	vst v11;
	v8 =	vadd.s32 $0x120, v5;
	v11 =	vld.idx.msk [tilespmem:v12+s2+$0x0], $0xffff  }
0x16e: {  	v3 =	vld.idx.msk [tilespmem:v3+s2+$0x0], $0xffff;
	[tilespmem:s1+$0x4500] =	vst v13;
	v12 =	vadd.s32 $0x120, v6  }
0x16f: {  	v13 =	vadd.s32 $0x138, v0;
	v14 =	vld.idx.msk [tilespmem:v14+s2+$0x0], $0xffff;
	[tilespmem:s17+$0x4500] =	vst v15  }
0x170: {  	v15 =	vadd.s32 $0x138, v1;
	v16 =	vld.idx.msk [tilespmem:v16+s2+$0x0], $0xffff;
	[tilespmem:s20+$0x4500] =	vst v10  }
0x171: {  	v10 =	vadd.s32 $0x138, v2;
	v9 =	vld.idx.msk [tilespmem:v9+s2+$0x0], $0xffff;
	[tilespmem:s21+$0x4500] =	vst v7  }
0x172: {  	v7 =	vadd.s32 $0x138, v4;
	v8 =	vld.idx.msk [tilespmem:v8+s2+$0x0], $0xffff;
	[tilespmem:s22+$0x4500] =	vst v11  }
0x173: {  	[tilespmem:s16+$0x4700] =	vst v3;
	v3 =	vadd.s32 $0x138, v5;
	v11 =	vld.idx.msk [tilespmem:v12+s2+$0x0], $0xffff  }
0x174: {  	[tilespmem:s1+$0x4580] =	vst v14;
	v12 =	vld.idx.msk [tilespmem:v13+s2+$0x0], $0xffff;
	v13 =	vadd.s32 $0x138, v6  }
0x175: {  	v14 =	vadd.s32 $0x150, v0;
	v15 =	vld.idx.msk [tilespmem:v15+s2+$0x0], $0xffff;
	[tilespmem:s17+$0x4580] =	vst v16  }
0x176: {  	v16 =	vadd.s32 $0x150, v1;
	v10 =	vld.idx.msk [tilespmem:v10+s2+$0x0], $0xffff;
	[tilespmem:s20+$0x4580] =	vst v9  }
0x177: {  	v9 =	vadd.s32 $0x150, v2;
	v7 =	vld.idx.msk [tilespmem:v7+s2+$0x0], $0xffff;
	[tilespmem:s21+$0x4580] =	vst v8  }
0x178: {  	v8 =	vadd.s32 $0x150, v4;
	v3 =	vld.idx.msk [tilespmem:v3+s2+$0x0], $0xffff;
	[tilespmem:s22+$0x4580] =	vst v11  }
0x179: {  	[tilespmem:s0+$0x4600] =	vst v12;
	v11 =	vadd.s32 $0x150, v5;
	v12 =	vld.idx.msk [tilespmem:v13+s2+$0x0], $0xffff  }
0x17a: {  	[tilespmem:s1+$0x4600] =	vst v15;
	v13 =	vld.idx.msk [tilespmem:v14+s2+$0x0], $0xffff;
	v14 =	vadd.s32 $0x150, v6  }
0x17b: {  	v0 =	vadd.s32 $0x168, v0;
	v15 =	vld.idx.msk [tilespmem:v16+s2+$0x0], $0xffff;
	[tilespmem:s17+$0x4600] =	vst v10  }
0x17c: {  	v1 =	vadd.s32 $0x168, v1;
	v9 =	vld.idx.msk [tilespmem:v9+s2+$0x0], $0xffff;
	[tilespmem:s20+$0x4600] =	vst v7  }
0x17d: {  	v2 =	vadd.s32 $0x168, v2;
	v7 =	vld.idx.msk [tilespmem:v8+s2+$0x0], $0xffff;
	[tilespmem:s21+$0x4600] =	vst v3  }
0x17e: {  	v3 =	vadd.s32 $0x168, v4;
	v4 =	vld.idx.msk [tilespmem:v11+s2+$0x0], $0xffff;
	[tilespmem:s22+$0x4600] =	vst v12  }
0x17f: {  	v5 =	vadd.s32 $0x168, v5;
	[tilespmem:s0+$0x4680] =	vst v13;
	v8 =	vld.idx.msk [tilespmem:v14+s2+$0x0], $0xffff  }
0x180: {  	v6 =	vadd.s32 $0x168, v6;
	[tilespmem:s1+$0x4680] =	vst v15;
	v0 =	vld.idx.msk [tilespmem:v0+s2+$0x0], $0xffff  }
0x181: {  	v1 =	vld.idx.msk [tilespmem:v1+s2+$0x0], $0xffff;
	[tilespmem:s17+$0x4680] =	vst v9  }
0x182: {  	v2 =	vld.idx.msk [tilespmem:v2+s2+$0x0], $0xffff;
	[tilespmem:s20+$0x4680] =	vst v7  }
0x183: {  	v3 =	vld.idx.msk [tilespmem:v3+s2+$0x0], $0xffff;
	[tilespmem:s21+$0x4680] =	vst v4  }
0x184: {  	v4 =	vld.idx.msk [tilespmem:v5+s2+$0x0], $0xffff;
	[tilespmem:s22+$0x4680] =	vst v8  }
0x185: {  	[tilespmem:s0+$0x4700] =	vst v0;
	v0 =	vld.idx.msk [tilespmem:v6+s2+$0x0], $0xffff  }
0x186: {  	[tilespmem:s1+$0x4700] =	vst v1  }
0x187: {  	[tilespmem:s17+$0x4700] =	vst v2  }
0x188: {  	[tilespmem:s20+$0x4700] =	vst v3  }
0x189: {  	[tilespmem:s21+$0x4700] =	vst v4  }
0x18a: {  	s23 =	simm.s32 $0x580;
	[tilespmem:s22+$0x4700] =	vst v0;
	s22 =	simm.s32 $0x3380  }
0x18b: {  	[hbm4b:s6+s18] =	stream.strided.scatter [tilespmem:s22], [sflag:$0x1], $0x2000, s19, s18, $0x38;
	[tilespmem:$0x13380] =	vst v63  }
0x18c: {  	v3 =	vld [tilespmem:s23+$0x0];
	_ =	sdelay $0x7  }
0x18d: {  	v0 =	vld.idx.msk [tilespmem:v3+s2+$0x0], $0xffff  }
0x18e: {  	v1 =	vadd.s32 $0x18, v3  }
0x18f: {  	s24 =	simm.s32 $0x0  }
0x190: {  	s25 =	sand.u32 $0x70, s24;
	s0 =	sand.u32 $0xC00, s24  }
0x191: {  	s16 =	sor.u32 s25, s0  }
0x192: {  	[tilespmem:s16+$0x5380] =	vst v0  }
0x193: {  	s26 =	simm.s32 $0x590;
	v1 =	vld.idx.msk [tilespmem:v1+s2+$0x0], $0xffff  }
0x194: {  	v2 =	vadd.s32 $0x30, v3;
	v0 =	vld [tilespmem:s26+$0x0];
	_ =	sdelay $0x3  }
0x195: {  	[tilespmem:s16+$0x5400] =	vst v1  }
0x196: {  	v1 =	vld.idx.msk [tilespmem:v2+s2+$0x0], $0xffff  }
0x197: {  	v2 =	vadd.s32 $0x48, v3;
	_ =	sdelay $0x1  }
0x198: {  	v4 =	vld.idx.msk [tilespmem:v0+s2+$0x0], $0xffff  }
0x199: {  	v5 =	vadd.s32 $0x18, v0  }
0x19a: {  	s28 =	simm.s32 $0x80;
	s17 =	simm.s32 $0x10;
	[tilespmem:s16+$0x5480] =	vst v1  }
0x19b: {  	s1 =	sand.u32 $0x70, s17;
	s0 =	sand.u32 $0xC00, s28;
	v2 =	vld.idx.msk [tilespmem:v2+s2+$0x0], $0xffff  }
0x19c: {  	s20 =	simm.s32 $0x5A0;
	s0 =	sor.u32 s1, s0;
	v6 =	vadd.s32 $0x60, v3  }
0x19d: {  	v1 =	vld [tilespmem:s20+$0x0];
	[tilespmem:s0+$0x5380] =	vst v4  }
0x19e: {  	v4 =	vld.idx.msk [tilespmem:v5+s2+$0x0], $0xffff  }
0x19f: {  	v5 =	vadd.s32 $0x30, v0  }
0x1a0: {  	[tilespmem:s16+$0x5500] =	vst v2  }
0x1a1: {  	v2 =	vld.idx.msk [tilespmem:v6+s2+$0x0], $0xffff  }
0x1a2: {  	v6 =	vadd.s32 $0x78, v3  }
0x1a3: {  	[tilespmem:s0+$0x5400] =	vst v4  }
0x1a4: {  	v4 =	vld.idx.msk [tilespmem:v5+s2+$0x0], $0xffff  }
0x1a5: {  	v5 =	vadd.s32 $0x48, v0  }
0x1a6: {  	v7 =	vld.idx.msk [tilespmem:v1+s2+$0x0], $0xffff;
	[tilespmem:s16+$0x5580] =	vst v2  }
0x1a7: {  	v8 =	vadd.s32 $0x18, v1;
	v6 =	vld.idx.msk [tilespmem:v6+s2+$0x0], $0xffff  }
0x1a8: {  	s21 =	simm.s32 $0x100;
	s22 =	simm.s32 $0x20;
	v9 =	vadd.s32 $0x90, v3  }
0x1a9: {  	s1 =	sand.u32 $0xC00, s21;
	s17 =	sand.u32 $0x70, s22;
	[tilespmem:s0+$0x5480] =	vst v4  }
0x1aa: {  	s23 =	simm.s32 $0x5B0;
	s1 =	sor.u32 s17, s1;
	v4 =	vld.idx.msk [tilespmem:v5+s2+$0x0], $0xffff  }
0x1ab: {  	v2 =	vld [tilespmem:s23+$0x0];
	[tilespmem:s1+$0x5380] =	vst v7;
	v5 =	vadd.s32 $0x60, v0  }
0x1ac: {  	v7 =	vld.idx.msk [tilespmem:v8+s2+$0x0], $0xffff;
	[tilespmem:s16+$0x5600] =	vst v6  }
0x1ad: {  	v8 =	vadd.s32 $0x30, v1;
	v6 =	vld.idx.msk [tilespmem:v9+s2+$0x0], $0xffff  }
0x1ae: {  	v9 =	vadd.s32 $0xA8, v3  }
0x1af: {  	[tilespmem:s0+$0x5500] =	vst v4  }
0x1b0: {  	v4 =	vld.idx.msk [tilespmem:v5+s2+$0x0], $0xffff  }
0x1b1: {  	[tilespmem:s1+$0x5400] =	vst v7;
	v5 =	vadd.s32 $0x78, v0  }
0x1b2: {  	v7 =	vld.idx.msk [tilespmem:v8+s2+$0x0], $0xffff;
	[tilespmem:s16+$0x5680] =	vst v6  }
0x1b3: {  	v8 =	vadd.s32 $0x48, v1;
	v6 =	vld.idx.msk [tilespmem:v9+s2+$0x0], $0xffff  }
0x1b4: {  	v9 =	vadd.s32 $0xC0, v3  }
0x1b5: {  	v10 =	vld.idx.msk [tilespmem:v2+s2+$0x0], $0xffff;
	[tilespmem:s0+$0x5580] =	vst v4  }
0x1b6: {  	v11 =	vadd.s32 $0x18, v2;
	v5 =	vld.idx.msk [tilespmem:v5+s2+$0x0], $0xffff  }
0x1b7: {  	s24 =	simm.s32 $0x180;
	s25 =	simm.s32 $0x30;
	[tilespmem:s1+$0x5480] =	vst v7;
	v7 =	vadd.s32 $0x90, v0  }
0x1b8: {  	s17 =	sand.u32 $0xC00, s24;
	s20 =	sand.u32 $0x70, s25;
	v8 =	vld.idx.msk [tilespmem:v8+s2+$0x0], $0xffff;
	[tilespmem:s16+$0x5700] =	vst v6  }
0x1b9: {  	s26 =	simm.s32 $0x5C0;
	s17 =	sor.u32 s20, s17;
	v6 =	vld.idx.msk [tilespmem:v9+s2+$0x0], $0xffff;
	v9 =	vadd.s32 $0x60, v1  }
0x1ba: {  	v4 =	vld [tilespmem:s26+$0x0];
	[tilespmem:s17+$0x5380] =	vst v10;
	v10 =	vadd.s32 $0xD8, v3  }
0x1bb: {  	v11 =	vld.idx.msk [tilespmem:v11+s2+$0x0], $0xffff;
	[tilespmem:s0+$0x5600] =	vst v5  }
0x1bc: {  	v5 =	vld.idx.msk [tilespmem:v7+s2+$0x0], $0xffff;
	v7 =	vadd.s32 $0x30, v2  }
0x1bd: {  	[tilespmem:s1+$0x5500] =	vst v8;
	v8 =	vadd.s32 $0xA8, v0  }
0x1be: {  	v9 =	vld.idx.msk [tilespmem:v9+s2+$0x0], $0xffff;
	[tilespmem:s16+$0x6380] =	vst v6  }
0x1bf: {  	v6 =	vld.idx.msk [tilespmem:v10+s2+$0x0], $0xffff;
	v10 =	vadd.s32 $0x78, v1  }
0x1c0: {  	[tilespmem:s17+$0x5400] =	vst v11;
	v11 =	vadd.s32 $0xF0, v3  }
0x1c1: {  	v7 =	vld.idx.msk [tilespmem:v7+s2+$0x0], $0xffff;
	[tilespmem:s0+$0x5680] =	vst v5  }
0x1c2: {  	v12 =	vadd.s32 $0x48, v2;
	v8 =	vld.idx.msk [tilespmem:v8+s2+$0x0], $0xffff  }
0x1c3: {  	v13 =	vld.idx.msk [tilespmem:v4+s2+$0x0], $0xffff;
	[tilespmem:s1+$0x5580] =	vst v9;
	v9 =	vadd.s32 $0xC0, v0  }
0x1c4: {  	v10 =	vld.idx.msk [tilespmem:v10+s2+$0x0], $0xffff;
	[tilespmem:s16+$0x6400] =	vst v6;
	v6 =	vadd.s32 $0x18, v4  }
0x1c5: {  	s28 =	simm.s32 $0x200;
	s22 =	simm.s32 $0x5D0;
	s23 =	simm.s32 $0x40;
	v11 =	vld.idx.msk [tilespmem:v11+s2+$0x0], $0xffff  }
0x1c6: {  	s20 =	sand.u32 $0xC00, s28;
	v14 =	vadd.s32 $0x90, v1;
	s24 =	sand.u32 $0x70, s23;
	v5 =	vld [tilespmem:s22+$0x0];
	[tilespmem:s17+$0x5480] =	vst v7  }
0x1c7: {  	s20 =	sor.u32 s24, s20;
	v7 =	vadd.s32 $0x108, v3;
	v12 =	vld.idx.msk [tilespmem:v12+s2+$0x0], $0xffff;
	[tilespmem:s0+$0x5700] =	vst v8  }
0x1c8: {  	[tilespmem:s20+$0x5380] =	vst v13;
	v8 =	vld.idx.msk [tilespmem:v9+s2+$0x0], $0xffff;
	v9 =	vadd.s32 $0x60, v2  }
0x1c9: {  	v13 =	vld.idx.msk [tilespmem:v6+s2+$0x0], $0xffff;
	[tilespmem:s1+$0x5600] =	vst v10;
	v10 =	vadd.s32 $0xD8, v0  }
0x1ca: {  	[tilespmem:s16+$0x6480] =	vst v11;
	v11 =	vadd.s32 $0x30, v4  }
0x1cb: {  	v14 =	vld.idx.msk [tilespmem:v14+s2+$0x0], $0xffff  }
0x1cc: {  	v15 =	vadd.s32 $0xA8, v1;
	[tilespmem:s17+$0x5500] =	vst v12;
	v7 =	vld.idx.msk [tilespmem:v7+s2+$0x0], $0xffff  }
0x1cd: {  	v12 =	vadd.s32 $0x120, v3;
	v9 =	vld.idx.msk [tilespmem:v9+s2+$0x0], $0xffff;
	[tilespmem:s0+$0x6380] =	vst v8  }
0x1ce: {  	v8 =	vld.idx.msk [tilespmem:v10+s2+$0x0], $0xffff;
	[tilespmem:s20+$0x5400] =	vst v13;
	v10 =	vadd.s32 $0x78, v2  }
0x1cf: {  	v11 =	vld.idx.msk [tilespmem:v11+s2+$0x0], $0xffff  }
0x1d0: {  	v17 =	vld.idx.msk [tilespmem:v5+s2+$0x0], $0xffff;
	v13 =	vadd.s32 $0xF0, v0;
	[tilespmem:s1+$0x5680] =	vst v14  }
0x1d1: {  	v15 =	vld.idx.msk [tilespmem:v15+s2+$0x0], $0xffff;
	[tilespmem:s16+$0x6500] =	vst v7;
	v7 =	vadd.s32 $0x48, v4  }
0x1d2: {  	v16 =	vadd.s32 $0xC0, v1;
	v12 =	vld.idx.msk [tilespmem:v12+s2+$0x0], $0xffff;
	[tilespmem:s17+$0x5580] =	vst v9  }
0x1d3: {  	s25 =	simm.s32 $0x5E0;
	v9 =	vadd.s32 $0x138, v3;
	v18 =	vld.idx.msk [tilespmem:v10+s2+$0x0], $0xffff;
	[tilespmem:s0+$0x6400] =	vst v8  }
0x1d4: {  	v6 =	vld [tilespmem:s25+$0x0];
	[tilespmem:s20+$0x5480] =	vst v11;
	v11 =	vadd.s32 $0x90, v2  }
0x1d5: {  	v19 =	vadd.s32 $0x18, v5;
	v13 =	vld.idx.msk [tilespmem:v13+s2+$0x0], $0xffff  }
0x1d6: {  	v20 =	vadd.s32 $0x108, v0;
	s26 =	simm.s32 $0x280;
	s22 =	simm.s32 $0x50;
	v14 =	vld.idx.msk [tilespmem:v7+s2+$0x0], $0xffff;
	[tilespmem:s1+$0x5700] =	vst v15  }
0x1d7: {  	s21 =	sand.u32 $0xC00, s26;
	s28 =	sand.u32 $0x70, s22;
	v10 =	vld.idx.msk [tilespmem:v16+s2+$0x0], $0xffff;
	[tilespmem:s16+$0x6580] =	vst v12  }
0x1d8: {  	s21 =	sor.u32 s28, s21;
	v15 =	vadd.s32 $0x60, v4;
	v8 =	vld.idx.msk [tilespmem:v9+s2+$0x0], $0xffff;
	[tilespmem:s17+$0x5600] =	vst v18  }
0x1d9: {  	[tilespmem:s21+$0x5380] =	vst v17;
	v12 =	vld.idx.msk [tilespmem:v11+s2+$0x0], $0xffff;
	v11 =	vadd.s32 $0xD8, v1  }
0x1da: {  	v7 =	vadd.s32 $0x150, v3;
	v16 =	vld.idx.msk [tilespmem:v19+s2+$0x0], $0xffff;
	[tilespmem:s0+$0x6480] =	vst v13  }
0x1db: {  	s23 =	simm.s32 $0x300;
	s24 =	simm.s32 $0x5F0;
	s25 =	simm.s32 $0x380;
	v17 =	vadd.s32 $0x30, v5;
	v13 =	vmov v6;
	v9 =	vld.idx.msk [tilespmem:v20+s2+$0x0], $0xffff  }
.LBB2_6:
0x1dc: {  	v18 =	vld [tilespmem:s24+$0x0];
	p0 =	sne.s32 s25, $0xF80;
	[tilespmem:s20+$0x5500] =	vst v14;
	v14 =	vadd.s32 $0xA8, v2;
	s26 =	smov.u32 s0;
	s0 =	smov.u32 s1  }
0x1dd: {  	s1 =	smov.u32 s17;
	s17 =	smov.u32 s20;
	s20 =	smov.u32 s21;
	v15 =	vld.idx.msk [tilespmem:v15+s2+$0x0], $0xffff;
	[tilespmem:s0+$0x6380] =	vst v10;
	v10 =	vadd.s32 $0x120, v0  }
0x1de: {  	v11 =	vld.idx.msk [tilespmem:v11+s2+$0x0], $0xffff;
	[tilespmem:s16+$0x6600] =	vst v8  }
0x1df: {  	v8 =	vadd.s32 $0x78, v4;
	[tilespmem:s20+$0x5400] =	vst v16;
	v7 =	vld.idx.msk [tilespmem:v7+s2+$0x0], $0xffff  }
0x1e0: {  	v16 =	vld.idx.msk [tilespmem:v17+s2+$0x0], $0xffff;
	[tilespmem:s1+$0x5680] =	vst v12;
	v12 =	vadd.s32 $0xF0, v1  }
0x1e1: {  	v17 =	vld.idx.msk [tilespmem:v14+s2+$0x0], $0xffff;
	[tilespmem:s26+$0x6500] =	vst v9;
	v9 =	vadd.s32 $0x168, v3;
	v3 =	vmovc v0;
	v0 =	vmovc v1;
	v1 =	vmov v2;
	v2 =	vmov v4  }
0x1e2: {  	v14 =	vadd.s32 $0x48, v5;
	v4 =	vmovc v5;
	v5 =	vmov v6;
	v6 =	vmov v18;
	v19 =	vld.idx.msk [tilespmem:v10+s2+$0x0], $0xffff  }
0x1e3: {  	v10 =	vadd.s32 $0xC0, v1;
	v20 =	vld.idx.msk [tilespmem:v13+s2+$0x0], $0xffff;
	[tilespmem:s17+$0x5580] =	vst v15;
	v13 =	vmov v18  }
0x1e4: {  	v18 =	vld.idx.msk [tilespmem:v8+s2+$0x0], $0xffff;
	[tilespmem:s0+$0x6400] =	vst v11;
	v8 =	vadd.s32 $0x138, v3  }
0x1e5: {  	v11 =	vadd.s32 $0x18, v5;
	v21 =	vld.idx.msk [tilespmem:v12+s2+$0x0], $0xffff;
	[tilespmem:s16+$0x6680] =	vst v7  }
0x1e6: {  	s22 =	sadd.s32 $0x10, s22;
	v7 =	vadd.s32 $0x90, v2;
	[tilespmem:s20+$0x5480] =	vst v16;
	v22 =	vld.idx.msk [tilespmem:v9+s2+$0x0], $0xffff  }
0x1e7: {  	s28 =	sand.u32 $0xC00, s23;
	s23 =	smov.u32 s25;
	s21 =	sand.u32 $0x70, s22;
	v9 =	vadd.s32 $0x108, v0;
	v14 =	vld.idx.msk [tilespmem:v14+s2+$0x0], $0xffff;
	[tilespmem:s1+$0x5700] =	vst v17  }
.Ltmp2:
0x1e8: {  	s21 =	sor.u32 s21, s28;
	v10 =	vld.idx.msk [tilespmem:v10+s2+$0x0], $0xffff;
	[tilespmem:s26+$0x6580] =	vst v19;
	(pc) =	sbr.rel @p0 .LBB2_6-.Ltmp2, $4  }
0x1e9: {  	v15 =	vadd.s32 $0x60, v4;
	[tilespmem:s21+$0x5380] =	vst v20;
	v8 =	vld.idx.msk [tilespmem:v8+s2+$0x0], $0xffff  }
0x1ea: {  	v16 =	vld.idx.msk [tilespmem:v11+s2+$0x0], $0xffff;
	[tilespmem:s17+$0x5600] =	vst v18;
	v11 =	vadd.s32 $0xD8, v1  }
0x1eb: {  	v12 =	vld.idx.msk [tilespmem:v7+s2+$0x0], $0xffff;
	[tilespmem:s0+$0x6480] =	vst v21;
	v7 =	vadd.s32 $0x150, v3  }
0x1ec: {  	s24 =	sadd.s32 $0x10, s24;
	s25 =	sadd.s32 $0x80, s25;
	v17 =	vadd.s32 $0x30, v5;
	v9 =	vld.idx.msk [tilespmem:v9+s2+$0x0], $0xffff;
	[tilespmem:s16+$0x6700] =	vst v22;
	s16 =	smov.u32 s26  }
0x1ed: {  	_ =	sdelay $0x3  }
0x1ee: {  	v13 =	vld.idx.msk [tilespmem:v13+s2+$0x0], $0xffff  }
0x1ef: {  	v18 =	vadd.s32 $0x18, v6  }
0x1f0: {  	s22 =	sadd.s32 $0x10, s22  }
0x1f1: {  	s23 =	sand.u32 $0xC00, s23;
	s22 =	sand.u32 $0x70, s22  }
0x1f2: {  	s22 =	sor.u32 s22, s23  }
0x1f3: {  	[tilespmem:s22+$0x5380] =	vst v13  }
0x1f4: {  	v13 =	vld.idx.msk [tilespmem:v18+s2+$0x0], $0xffff  }
0x1f5: {  	v18 =	vadd.s32 $0x30, v6;
	_ =	sdelay $0x2  }
0x1f6: {  	[tilespmem:s21+$0x5400] =	vst v16  }
0x1f7: {  	v16 =	vld.idx.msk [tilespmem:v17+s2+$0x0], $0xffff;
	[tilespmem:s22+$0x5400] =	vst v13  }
0x1f8: {  	v13 =	vadd.s32 $0x48, v5;
	v17 =	vld.idx.msk [tilespmem:v18+s2+$0x0], $0xffff  }
0x1f9: {  	v18 =	vadd.s32 $0x48, v6;
	_ =	sdelay $0x2  }
0x1fa: {  	[tilespmem:s21+$0x5480] =	vst v16  }
0x1fb: {  	v13 =	vld.idx.msk [tilespmem:v13+s2+$0x0], $0xffff;
	[tilespmem:s22+$0x5480] =	vst v17  }
0x1fc: {  	v16 =	vadd.s32 $0x60, v5;
	v17 =	vld.idx.msk [tilespmem:v18+s2+$0x0], $0xffff  }
0x1fd: {  	v18 =	vadd.s32 $0x60, v6;
	_ =	sdelay $0x1  }
0x1fe: {  	[tilespmem:s20+$0x5500] =	vst v14  }
0x1ff: {  	v14 =	vld.idx.msk [tilespmem:v15+s2+$0x0], $0xffff;
	[tilespmem:s21+$0x5500] =	vst v13  }
0x200: {  	v13 =	vadd.s32 $0x78, v4;
	v15 =	vld.idx.msk [tilespmem:v16+s2+$0x0], $0xffff;
	[tilespmem:s22+$0x5500] =	vst v17  }
0x201: {  	v16 =	vadd.s32 $0x78, v5;
	v17 =	vld.idx.msk [tilespmem:v18+s2+$0x0], $0xffff  }
0x202: {  	v18 =	vadd.s32 $0x78, v6;
	_ =	sdelay $0x1  }
0x203: {  	[tilespmem:s20+$0x5580] =	vst v14  }
0x204: {  	v13 =	vld.idx.msk [tilespmem:v13+s2+$0x0], $0xffff;
	[tilespmem:s21+$0x5580] =	vst v15  }
0x205: {  	v14 =	vadd.s32 $0x90, v4;
	v15 =	vld.idx.msk [tilespmem:v16+s2+$0x0], $0xffff;
	[tilespmem:s22+$0x5580] =	vst v17  }
0x206: {  	v16 =	vadd.s32 $0x90, v5;
	v17 =	vld.idx.msk [tilespmem:v18+s2+$0x0], $0xffff  }
0x207: {  	v18 =	vadd.s32 $0x90, v6;
	_ =	sdelay $0x1  }
0x208: {  	[tilespmem:s20+$0x5600] =	vst v13  }
0x209: {  	v13 =	vadd.s32 $0xA8, v2;
	v14 =	vld.idx.msk [tilespmem:v14+s2+$0x0], $0xffff;
	[tilespmem:s21+$0x5600] =	vst v15  }
0x20a: {  	v15 =	vadd.s32 $0xA8, v4;
	v16 =	vld.idx.msk [tilespmem:v16+s2+$0x0], $0xffff;
	[tilespmem:s22+$0x5600] =	vst v17  }
0x20b: {  	v17 =	vadd.s32 $0xA8, v5;
	v18 =	vld.idx.msk [tilespmem:v18+s2+$0x0], $0xffff  }
0x20c: {  	v19 =	vadd.s32 $0xA8, v6  }
0x20d: {  	[tilespmem:s17+$0x5680] =	vst v12  }
0x20e: {  	v12 =	vld.idx.msk [tilespmem:v13+s2+$0x0], $0xffff;
	[tilespmem:s20+$0x5680] =	vst v14  }
0x20f: {  	v13 =	vadd.s32 $0xC0, v2;
	v14 =	vld.idx.msk [tilespmem:v15+s2+$0x0], $0xffff;
	[tilespmem:s21+$0x5680] =	vst v16  }
0x210: {  	v15 =	vadd.s32 $0xC0, v4;
	v16 =	vld.idx.msk [tilespmem:v17+s2+$0x0], $0xffff;
	[tilespmem:s22+$0x5680] =	vst v18  }
0x211: {  	v17 =	vadd.s32 $0xC0, v5;
	v18 =	vld.idx.msk [tilespmem:v19+s2+$0x0], $0xffff  }
0x212: {  	v19 =	vadd.s32 $0xC0, v6  }
0x213: {  	[tilespmem:s17+$0x5700] =	vst v12  }
0x214: {  	v12 =	vld.idx.msk [tilespmem:v13+s2+$0x0], $0xffff;
	[tilespmem:s20+$0x5700] =	vst v14  }
0x215: {  	v13 =	vadd.s32 $0xD8, v2;
	v14 =	vld.idx.msk [tilespmem:v15+s2+$0x0], $0xffff;
	[tilespmem:s21+$0x5700] =	vst v16  }
0x216: {  	v15 =	vadd.s32 $0xD8, v4;
	v16 =	vld.idx.msk [tilespmem:v17+s2+$0x0], $0xffff;
	[tilespmem:s22+$0x5700] =	vst v18  }
0x217: {  	[tilespmem:s1+$0x6380] =	vst v10;
	v10 =	vadd.s32 $0xD8, v5;
	v17 =	vld.idx.msk [tilespmem:v19+s2+$0x0], $0xffff  }
0x218: {  	[tilespmem:s16+$0x6600] =	vst v8;
	v8 =	vadd.s32 $0xD8, v6  }
0x219: {  	v11 =	vld.idx.msk [tilespmem:v11+s2+$0x0], $0xffff;
	[tilespmem:s17+$0x6380] =	vst v12  }
0x21a: {  	v12 =	vadd.s32 $0xF0, v1;
	v13 =	vld.idx.msk [tilespmem:v13+s2+$0x0], $0xffff;
	[tilespmem:s20+$0x6380] =	vst v14  }
0x21b: {  	v14 =	vadd.s32 $0xF0, v2;
	v15 =	vld.idx.msk [tilespmem:v15+s2+$0x0], $0xffff;
	[tilespmem:s21+$0x6380] =	vst v16  }
0x21c: {  	v16 =	vadd.s32 $0xF0, v4;
	v10 =	vld.idx.msk [tilespmem:v10+s2+$0x0], $0xffff;
	[tilespmem:s22+$0x6380] =	vst v17  }
0x21d: {  	[tilespmem:s0+$0x6500] =	vst v9;
	v9 =	vadd.s32 $0xF0, v5;
	v8 =	vld.idx.msk [tilespmem:v8+s2+$0x0], $0xffff  }
0x21e: {  	v7 =	vld.idx.msk [tilespmem:v7+s2+$0x0], $0xffff;
	[tilespmem:s1+$0x6400] =	vst v11;
	v11 =	vadd.s32 $0xF0, v6  }
0x21f: {  	v12 =	vld.idx.msk [tilespmem:v12+s2+$0x0], $0xffff;
	v17 =	vadd.s32 $0x120, v0;
	[tilespmem:s17+$0x6400] =	vst v13  }
0x220: {  	v13 =	vadd.s32 $0x108, v1;
	v14 =	vld.idx.msk [tilespmem:v14+s2+$0x0], $0xffff;
	[tilespmem:s20+$0x6400] =	vst v15  }
0x221: {  	v15 =	vadd.s32 $0x108, v2;
	v16 =	vld.idx.msk [tilespmem:v16+s2+$0x0], $0xffff;
	[tilespmem:s21+$0x6400] =	vst v10  }
0x222: {  	v10 =	vadd.s32 $0x108, v4;
	v9 =	vld.idx.msk [tilespmem:v9+s2+$0x0], $0xffff;
	[tilespmem:s22+$0x6400] =	vst v8  }
0x223: {  	[tilespmem:s16+$0x6680] =	vst v7;
	v7 =	vadd.s32 $0x108, v5;
	v8 =	vld.idx.msk [tilespmem:v11+s2+$0x0], $0xffff  }
0x224: {  	[tilespmem:s1+$0x6480] =	vst v12;
	v12 =	vadd.s32 $0x108, v6;
	v11 =	vld.idx.msk [tilespmem:v17+s2+$0x0], $0xffff  }
0x225: {  	v3 =	vadd.s32 $0x168, v3;
	v13 =	vld.idx.msk [tilespmem:v13+s2+$0x0], $0xffff;
	[tilespmem:s17+$0x6480] =	vst v14  }
0x226: {  	v14 =	vadd.s32 $0x120, v1;
	v15 =	vld.idx.msk [tilespmem:v15+s2+$0x0], $0xffff;
	[tilespmem:s20+$0x6480] =	vst v16  }
0x227: {  	v16 =	vadd.s32 $0x120, v2;
	v10 =	vld.idx.msk [tilespmem:v10+s2+$0x0], $0xffff;
	[tilespmem:s21+$0x6480] =	vst v9  }
0x228: {  	v9 =	vadd.s32 $0x120, v4;
	v7 =	vld.idx.msk [tilespmem:v7+s2+$0x0], $0xffff;
	[tilespmem:s22+$0x6480] =	vst v8  }
0x229: {  	[tilespmem:s0+$0x6580] =	vst v11;
	v8 =	vadd.s32 $0x120, v5;
	v11 =	vld.idx.msk [tilespmem:v12+s2+$0x0], $0xffff  }
0x22a: {  	v3 =	vld.idx.msk [tilespmem:v3+s2+$0x0], $0xffff;
	[tilespmem:s1+$0x6500] =	vst v13;
	v12 =	vadd.s32 $0x120, v6  }
0x22b: {  	v13 =	vadd.s32 $0x138, v0;
	v14 =	vld.idx.msk [tilespmem:v14+s2+$0x0], $0xffff;
	[tilespmem:s17+$0x6500] =	vst v15  }
0x22c: {  	v15 =	vadd.s32 $0x138, v1;
	v16 =	vld.idx.msk [tilespmem:v16+s2+$0x0], $0xffff;
	[tilespmem:s20+$0x6500] =	vst v10  }
0x22d: {  	v10 =	vadd.s32 $0x138, v2;
	v9 =	vld.idx.msk [tilespmem:v9+s2+$0x0], $0xffff;
	[tilespmem:s21+$0x6500] =	vst v7  }
0x22e: {  	v7 =	vadd.s32 $0x138, v4;
	v8 =	vld.idx.msk [tilespmem:v8+s2+$0x0], $0xffff;
	[tilespmem:s22+$0x6500] =	vst v11  }
0x22f: {  	[tilespmem:s16+$0x6700] =	vst v3;
	v3 =	vadd.s32 $0x138, v5;
	v11 =	vld.idx.msk [tilespmem:v12+s2+$0x0], $0xffff  }
0x230: {  	[tilespmem:s1+$0x6580] =	vst v14;
	v12 =	vld.idx.msk [tilespmem:v13+s2+$0x0], $0xffff;
	v13 =	vadd.s32 $0x138, v6  }
0x231: {  	v14 =	vadd.s32 $0x150, v0;
	v15 =	vld.idx.msk [tilespmem:v15+s2+$0x0], $0xffff;
	[tilespmem:s17+$0x6580] =	vst v16  }
0x232: {  	v16 =	vadd.s32 $0x150, v1;
	v10 =	vld.idx.msk [tilespmem:v10+s2+$0x0], $0xffff;
	[tilespmem:s20+$0x6580] =	vst v9  }
0x233: {  	v9 =	vadd.s32 $0x150, v2;
	v7 =	vld.idx.msk [tilespmem:v7+s2+$0x0], $0xffff;
	[tilespmem:s21+$0x6580] =	vst v8  }
0x234: {  	v8 =	vadd.s32 $0x150, v4;
	v3 =	vld.idx.msk [tilespmem:v3+s2+$0x0], $0xffff;
	[tilespmem:s22+$0x6580] =	vst v11  }
0x235: {  	[tilespmem:s0+$0x6600] =	vst v12;
	v11 =	vadd.s32 $0x150, v5;
	v12 =	vld.idx.msk [tilespmem:v13+s2+$0x0], $0xffff  }
0x236: {  	[tilespmem:s1+$0x6600] =	vst v15;
	v13 =	vld.idx.msk [tilespmem:v14+s2+$0x0], $0xffff;
	v14 =	vadd.s32 $0x150, v6  }
0x237: {  	v0 =	vadd.s32 $0x168, v0;
	v15 =	vld.idx.msk [tilespmem:v16+s2+$0x0], $0xffff;
	[tilespmem:s17+$0x6600] =	vst v10  }
0x238: {  	v1 =	vadd.s32 $0x168, v1;
	v9 =	vld.idx.msk [tilespmem:v9+s2+$0x0], $0xffff;
	[tilespmem:s20+$0x6600] =	vst v7  }
0x239: {  	v2 =	vadd.s32 $0x168, v2;
	v7 =	vld.idx.msk [tilespmem:v8+s2+$0x0], $0xffff;
	[tilespmem:s21+$0x6600] =	vst v3  }
0x23a: {  	v3 =	vadd.s32 $0x168, v4;
	v4 =	vld.idx.msk [tilespmem:v11+s2+$0x0], $0xffff;
	[tilespmem:s22+$0x6600] =	vst v12  }
0x23b: {  	v5 =	vadd.s32 $0x168, v5;
	[tilespmem:s0+$0x6680] =	vst v13;
	v8 =	vld.idx.msk [tilespmem:v14+s2+$0x0], $0xffff  }
0x23c: {  	v6 =	vadd.s32 $0x168, v6;
	[tilespmem:s1+$0x6680] =	vst v15;
	v0 =	vld.idx.msk [tilespmem:v0+s2+$0x0], $0xffff  }
0x23d: {  	v1 =	vld.idx.msk [tilespmem:v1+s2+$0x0], $0xffff;
	[tilespmem:s17+$0x6680] =	vst v9  }
0x23e: {  	v2 =	vld.idx.msk [tilespmem:v2+s2+$0x0], $0xffff;
	[tilespmem:s20+$0x6680] =	vst v7  }
0x23f: {  	v3 =	vld.idx.msk [tilespmem:v3+s2+$0x0], $0xffff;
	[tilespmem:s21+$0x6680] =	vst v4  }
0x240: {  	v4 =	vld.idx.msk [tilespmem:v5+s2+$0x0], $0xffff;
	[tilespmem:s22+$0x6680] =	vst v8  }
0x241: {  	[tilespmem:s0+$0x6700] =	vst v0;
	v0 =	vld.idx.msk [tilespmem:v6+s2+$0x0], $0xffff  }
0x242: {  	[tilespmem:s1+$0x6700] =	vst v1  }
0x243: {  	[tilespmem:s17+$0x6700] =	vst v2  }
0x244: {  	[tilespmem:s20+$0x6700] =	vst v3  }
0x245: {  	[tilespmem:s21+$0x6700] =	vst v4  }
0x246: {  	s23 =	simm.s32 $0x780;
	[tilespmem:s22+$0x6700] =	vst v0;
	s22 =	simm.s32 $0x5380  }
0x247: {  	[hbm4b:s7+s18] =	stream.strided.scatter [tilespmem:s22], [sflag:$0x1], $0x2000, s19, s18, $0x38;
	[tilespmem:$0x13380] =	vst v63  }
0x248: {  	v3 =	vld [tilespmem:s23+$0x0];
	_ =	sdelay $0x7  }
0x249: {  	v0 =	vld.idx.msk [tilespmem:v3+s2+$0x0], $0xffff  }
0x24a: {  	v1 =	vadd.s32 $0x18, v3  }
0x24b: {  	s24 =	simm.s32 $0x0  }
0x24c: {  	s25 =	sand.u32 $0x70, s24;
	s0 =	sand.u32 $0xC00, s24  }
0x24d: {  	s16 =	sor.u32 s25, s0  }
0x24e: {  	[tilespmem:s16+$0x7380] =	vst v0  }
0x24f: {  	s26 =	simm.s32 $0x790;
	v1 =	vld.idx.msk [tilespmem:v1+s2+$0x0], $0xffff  }
0x250: {  	v2 =	vadd.s32 $0x30, v3;
	v0 =	vld [tilespmem:s26+$0x0];
	_ =	sdelay $0x3  }
0x251: {  	[tilespmem:s16+$0x7400] =	vst v1  }
0x252: {  	v1 =	vld.idx.msk [tilespmem:v2+s2+$0x0], $0xffff  }
0x253: {  	v2 =	vadd.s32 $0x48, v3;
	_ =	sdelay $0x1  }
0x254: {  	v4 =	vld.idx.msk [tilespmem:v0+s2+$0x0], $0xffff  }
0x255: {  	v5 =	vadd.s32 $0x18, v0  }
0x256: {  	s28 =	simm.s32 $0x80;
	s17 =	simm.s32 $0x10;
	[tilespmem:s16+$0x7480] =	vst v1  }
0x257: {  	s1 =	sand.u32 $0x70, s17;
	s0 =	sand.u32 $0xC00, s28;
	v2 =	vld.idx.msk [tilespmem:v2+s2+$0x0], $0xffff  }
0x258: {  	s20 =	simm.s32 $0x7A0;
	s0 =	sor.u32 s1, s0;
	v6 =	vadd.s32 $0x60, v3  }
0x259: {  	v1 =	vld [tilespmem:s20+$0x0];
	[tilespmem:s0+$0x7380] =	vst v4  }
0x25a: {  	v4 =	vld.idx.msk [tilespmem:v5+s2+$0x0], $0xffff  }
0x25b: {  	v5 =	vadd.s32 $0x30, v0  }
0x25c: {  	[tilespmem:s16+$0x7500] =	vst v2  }
0x25d: {  	v2 =	vld.idx.msk [tilespmem:v6+s2+$0x0], $0xffff  }
0x25e: {  	v6 =	vadd.s32 $0x78, v3  }
0x25f: {  	[tilespmem:s0+$0x7400] =	vst v4  }
0x260: {  	v4 =	vld.idx.msk [tilespmem:v5+s2+$0x0], $0xffff  }
0x261: {  	v5 =	vadd.s32 $0x48, v0  }
0x262: {  	v7 =	vld.idx.msk [tilespmem:v1+s2+$0x0], $0xffff;
	[tilespmem:s16+$0x7580] =	vst v2  }
0x263: {  	v8 =	vadd.s32 $0x18, v1;
	v6 =	vld.idx.msk [tilespmem:v6+s2+$0x0], $0xffff  }
0x264: {  	s21 =	simm.s32 $0x100;
	s22 =	simm.s32 $0x20;
	v9 =	vadd.s32 $0x90, v3  }
0x265: {  	s1 =	sand.u32 $0xC00, s21;
	s17 =	sand.u32 $0x70, s22;
	[tilespmem:s0+$0x7480] =	vst v4  }
0x266: {  	s23 =	simm.s32 $0x7B0;
	s1 =	sor.u32 s17, s1;
	v4 =	vld.idx.msk [tilespmem:v5+s2+$0x0], $0xffff  }
0x267: {  	v2 =	vld [tilespmem:s23+$0x0];
	[tilespmem:s1+$0x7380] =	vst v7;
	v5 =	vadd.s32 $0x60, v0  }
0x268: {  	v7 =	vld.idx.msk [tilespmem:v8+s2+$0x0], $0xffff;
	[tilespmem:s16+$0x7600] =	vst v6  }
0x269: {  	v8 =	vadd.s32 $0x30, v1;
	v6 =	vld.idx.msk [tilespmem:v9+s2+$0x0], $0xffff  }
0x26a: {  	v9 =	vadd.s32 $0xA8, v3  }
0x26b: {  	[tilespmem:s0+$0x7500] =	vst v4  }
0x26c: {  	v4 =	vld.idx.msk [tilespmem:v5+s2+$0x0], $0xffff  }
0x26d: {  	[tilespmem:s1+$0x7400] =	vst v7;
	v5 =	vadd.s32 $0x78, v0  }
0x26e: {  	v7 =	vld.idx.msk [tilespmem:v8+s2+$0x0], $0xffff;
	[tilespmem:s16+$0x7680] =	vst v6  }
0x26f: {  	v8 =	vadd.s32 $0x48, v1;
	v6 =	vld.idx.msk [tilespmem:v9+s2+$0x0], $0xffff  }
0x270: {  	v9 =	vadd.s32 $0xC0, v3  }
0x271: {  	v10 =	vld.idx.msk [tilespmem:v2+s2+$0x0], $0xffff;
	[tilespmem:s0+$0x7580] =	vst v4  }
0x272: {  	v11 =	vadd.s32 $0x18, v2;
	v5 =	vld.idx.msk [tilespmem:v5+s2+$0x0], $0xffff  }
0x273: {  	s24 =	simm.s32 $0x180;
	s25 =	simm.s32 $0x30;
	[tilespmem:s1+$0x7480] =	vst v7;
	v7 =	vadd.s32 $0x90, v0  }
0x274: {  	s17 =	sand.u32 $0xC00, s24;
	s20 =	sand.u32 $0x70, s25;
	v8 =	vld.idx.msk [tilespmem:v8+s2+$0x0], $0xffff;
	[tilespmem:s16+$0x7700] =	vst v6  }
0x275: {  	s26 =	simm.s32 $0x7C0;
	s17 =	sor.u32 s20, s17;
	v6 =	vld.idx.msk [tilespmem:v9+s2+$0x0], $0xffff;
	v9 =	vadd.s32 $0x60, v1  }
0x276: {  	v4 =	vld [tilespmem:s26+$0x0];
	[tilespmem:s17+$0x7380] =	vst v10;
	v10 =	vadd.s32 $0xD8, v3  }
0x277: {  	v11 =	vld.idx.msk [tilespmem:v11+s2+$0x0], $0xffff;
	[tilespmem:s0+$0x7600] =	vst v5  }
0x278: {  	v5 =	vld.idx.msk [tilespmem:v7+s2+$0x0], $0xffff;
	v7 =	vadd.s32 $0x30, v2  }
0x279: {  	[tilespmem:s1+$0x7500] =	vst v8;
	v8 =	vadd.s32 $0xA8, v0  }
0x27a: {  	v9 =	vld.idx.msk [tilespmem:v9+s2+$0x0], $0xffff;
	[tilespmem:s16+$0x8380] =	vst v6  }
0x27b: {  	v6 =	vld.idx.msk [tilespmem:v10+s2+$0x0], $0xffff;
	v10 =	vadd.s32 $0x78, v1  }
0x27c: {  	[tilespmem:s17+$0x7400] =	vst v11;
	v11 =	vadd.s32 $0xF0, v3  }
0x27d: {  	v7 =	vld.idx.msk [tilespmem:v7+s2+$0x0], $0xffff;
	[tilespmem:s0+$0x7680] =	vst v5  }
0x27e: {  	v12 =	vadd.s32 $0x48, v2;
	v8 =	vld.idx.msk [tilespmem:v8+s2+$0x0], $0xffff  }
0x27f: {  	v13 =	vld.idx.msk [tilespmem:v4+s2+$0x0], $0xffff;
	[tilespmem:s1+$0x7580] =	vst v9;
	v9 =	vadd.s32 $0xC0, v0  }
0x280: {  	v10 =	vld.idx.msk [tilespmem:v10+s2+$0x0], $0xffff;
	[tilespmem:s16+$0x8400] =	vst v6;
	v6 =	vadd.s32 $0x18, v4  }
0x281: {  	s28 =	simm.s32 $0x200;
	s22 =	simm.s32 $0x7D0;
	s23 =	simm.s32 $0x40;
	v11 =	vld.idx.msk [tilespmem:v11+s2+$0x0], $0xffff  }
0x282: {  	s20 =	sand.u32 $0xC00, s28;
	v14 =	vadd.s32 $0x90, v1;
	s24 =	sand.u32 $0x70, s23;
	v5 =	vld [tilespmem:s22+$0x0];
	[tilespmem:s17+$0x7480] =	vst v7  }
0x283: {  	s20 =	sor.u32 s24, s20;
	v7 =	vadd.s32 $0x108, v3;
	v12 =	vld.idx.msk [tilespmem:v12+s2+$0x0], $0xffff;
	[tilespmem:s0+$0x7700] =	vst v8  }
0x284: {  	[tilespmem:s20+$0x7380] =	vst v13;
	v8 =	vld.idx.msk [tilespmem:v9+s2+$0x0], $0xffff;
	v9 =	vadd.s32 $0x60, v2  }
0x285: {  	v13 =	vld.idx.msk [tilespmem:v6+s2+$0x0], $0xffff;
	[tilespmem:s1+$0x7600] =	vst v10;
	v10 =	vadd.s32 $0xD8, v0  }
0x286: {  	[tilespmem:s16+$0x8480] =	vst v11;
	v11 =	vadd.s32 $0x30, v4  }
0x287: {  	v14 =	vld.idx.msk [tilespmem:v14+s2+$0x0], $0xffff  }
0x288: {  	v15 =	vadd.s32 $0xA8, v1;
	[tilespmem:s17+$0x7500] =	vst v12;
	v7 =	vld.idx.msk [tilespmem:v7+s2+$0x0], $0xffff  }
0x289: {  	v12 =	vadd.s32 $0x120, v3;
	v9 =	vld.idx.msk [tilespmem:v9+s2+$0x0], $0xffff;
	[tilespmem:s0+$0x8380] =	vst v8  }
0x28a: {  	v8 =	vld.idx.msk [tilespmem:v10+s2+$0x0], $0xffff;
	[tilespmem:s20+$0x7400] =	vst v13;
	v10 =	vadd.s32 $0x78, v2  }
0x28b: {  	v11 =	vld.idx.msk [tilespmem:v11+s2+$0x0], $0xffff  }
0x28c: {  	v17 =	vld.idx.msk [tilespmem:v5+s2+$0x0], $0xffff;
	v13 =	vadd.s32 $0xF0, v0;
	[tilespmem:s1+$0x7680] =	vst v14  }
0x28d: {  	v15 =	vld.idx.msk [tilespmem:v15+s2+$0x0], $0xffff;
	[tilespmem:s16+$0x8500] =	vst v7;
	v7 =	vadd.s32 $0x48, v4  }
0x28e: {  	v16 =	vadd.s32 $0xC0, v1;
	v12 =	vld.idx.msk [tilespmem:v12+s2+$0x0], $0xffff;
	[tilespmem:s17+$0x7580] =	vst v9  }
0x28f: {  	s25 =	simm.s32 $0x7E0;
	v9 =	vadd.s32 $0x138, v3;
	v18 =	vld.idx.msk [tilespmem:v10+s2+$0x0], $0xffff;
	[tilespmem:s0+$0x8400] =	vst v8  }
0x290: {  	v6 =	vld [tilespmem:s25+$0x0];
	[tilespmem:s20+$0x7480] =	vst v11;
	v11 =	vadd.s32 $0x90, v2  }
0x291: {  	v19 =	vadd.s32 $0x18, v5;
	v13 =	vld.idx.msk [tilespmem:v13+s2+$0x0], $0xffff  }
0x292: {  	v20 =	vadd.s32 $0x108, v0;
	s26 =	simm.s32 $0x280;
	s22 =	simm.s32 $0x50;
	v14 =	vld.idx.msk [tilespmem:v7+s2+$0x0], $0xffff;
	[tilespmem:s1+$0x7700] =	vst v15  }
0x293: {  	s21 =	sand.u32 $0xC00, s26;
	s28 =	sand.u32 $0x70, s22;
	v10 =	vld.idx.msk [tilespmem:v16+s2+$0x0], $0xffff;
	[tilespmem:s16+$0x8580] =	vst v12  }
0x294: {  	s21 =	sor.u32 s28, s21;
	v15 =	vadd.s32 $0x60, v4;
	v8 =	vld.idx.msk [tilespmem:v9+s2+$0x0], $0xffff;
	[tilespmem:s17+$0x7600] =	vst v18  }
0x295: {  	[tilespmem:s21+$0x7380] =	vst v17;
	v12 =	vld.idx.msk [tilespmem:v11+s2+$0x0], $0xffff;
	v11 =	vadd.s32 $0xD8, v1  }
0x296: {  	v7 =	vadd.s32 $0x150, v3;
	v16 =	vld.idx.msk [tilespmem:v19+s2+$0x0], $0xffff;
	[tilespmem:s0+$0x8480] =	vst v13  }
0x297: {  	s23 =	simm.s32 $0x300;
	s24 =	simm.s32 $0x7F0;
	s25 =	simm.s32 $0x380;
	v17 =	vadd.s32 $0x30, v5;
	v13 =	vmov v6;
	v9 =	vld.idx.msk [tilespmem:v20+s2+$0x0], $0xffff  }
.LBB2_8:
0x298: {  	v18 =	vld [tilespmem:s24+$0x0];
	p0 =	sne.s32 s25, $0xF80;
	[tilespmem:s20+$0x7500] =	vst v14;
	v14 =	vadd.s32 $0xA8, v2;
	s26 =	smov.u32 s0;
	s0 =	smov.u32 s1  }
0x299: {  	s1 =	smov.u32 s17;
	s17 =	smov.u32 s20;
	s20 =	smov.u32 s21;
	v15 =	vld.idx.msk [tilespmem:v15+s2+$0x0], $0xffff;
	[tilespmem:s0+$0x8380] =	vst v10;
	v10 =	vadd.s32 $0x120, v0  }
0x29a: {  	v11 =	vld.idx.msk [tilespmem:v11+s2+$0x0], $0xffff;
	[tilespmem:s16+$0x8600] =	vst v8  }
0x29b: {  	v8 =	vadd.s32 $0x78, v4;
	[tilespmem:s20+$0x7400] =	vst v16;
	v7 =	vld.idx.msk [tilespmem:v7+s2+$0x0], $0xffff  }
0x29c: {  	v16 =	vld.idx.msk [tilespmem:v17+s2+$0x0], $0xffff;
	[tilespmem:s1+$0x7680] =	vst v12;
	v12 =	vadd.s32 $0xF0, v1  }
0x29d: {  	v17 =	vld.idx.msk [tilespmem:v14+s2+$0x0], $0xffff;
	[tilespmem:s26+$0x8500] =	vst v9;
	v9 =	vadd.s32 $0x168, v3;
	v3 =	vmovc v0;
	v0 =	vmovc v1;
	v1 =	vmov v2;
	v2 =	vmov v4  }
0x29e: {  	v14 =	vadd.s32 $0x48, v5;
	v4 =	vmovc v5;
	v5 =	vmov v6;
	v6 =	vmov v18;
	v19 =	vld.idx.msk [tilespmem:v10+s2+$0x0], $0xffff  }
0x29f: {  	v10 =	vadd.s32 $0xC0, v1;
	v20 =	vld.idx.msk [tilespmem:v13+s2+$0x0], $0xffff;
	[tilespmem:s17+$0x7580] =	vst v15;
	v13 =	vmov v18  }
0x2a0: {  	v18 =	vld.idx.msk [tilespmem:v8+s2+$0x0], $0xffff;
	[tilespmem:s0+$0x8400] =	vst v11;
	v8 =	vadd.s32 $0x138, v3  }
0x2a1: {  	v11 =	vadd.s32 $0x18, v5;
	v21 =	vld.idx.msk [tilespmem:v12+s2+$0x0], $0xffff;
	[tilespmem:s16+$0x8680] =	vst v7  }
0x2a2: {  	s22 =	sadd.s32 $0x10, s22;
	v7 =	vadd.s32 $0x90, v2;
	[tilespmem:s20+$0x7480] =	vst v16;
	v22 =	vld.idx.msk [tilespmem:v9+s2+$0x0], $0xffff  }
0x2a3: {  	s28 =	sand.u32 $0xC00, s23;
	s23 =	smov.u32 s25;
	s21 =	sand.u32 $0x70, s22;
	v9 =	vadd.s32 $0x108, v0;
	v14 =	vld.idx.msk [tilespmem:v14+s2+$0x0], $0xffff;
	[tilespmem:s1+$0x7700] =	vst v17  }
.Ltmp3:
0x2a4: {  	s21 =	sor.u32 s21, s28;
	v10 =	vld.idx.msk [tilespmem:v10+s2+$0x0], $0xffff;
	[tilespmem:s26+$0x8580] =	vst v19;
	(pc) =	sbr.rel @p0 .LBB2_8-.Ltmp3, $4  }
0x2a5: {  	v15 =	vadd.s32 $0x60, v4;
	[tilespmem:s21+$0x7380] =	vst v20;
	v8 =	vld.idx.msk [tilespmem:v8+s2+$0x0], $0xffff  }
0x2a6: {  	v16 =	vld.idx.msk [tilespmem:v11+s2+$0x0], $0xffff;
	[tilespmem:s17+$0x7600] =	vst v18;
	v11 =	vadd.s32 $0xD8, v1  }
0x2a7: {  	v12 =	vld.idx.msk [tilespmem:v7+s2+$0x0], $0xffff;
	[tilespmem:s0+$0x8480] =	vst v21;
	v7 =	vadd.s32 $0x150, v3  }
0x2a8: {  	s24 =	sadd.s32 $0x10, s24;
	s25 =	sadd.s32 $0x80, s25;
	v17 =	vadd.s32 $0x30, v5;
	v9 =	vld.idx.msk [tilespmem:v9+s2+$0x0], $0xffff;
	[tilespmem:s16+$0x8700] =	vst v22;
	s16 =	smov.u32 s26  }
0x2a9: {  	_ =	sdelay $0x3  }
0x2aa: {  	v13 =	vld.idx.msk [tilespmem:v13+s2+$0x0], $0xffff  }
0x2ab: {  	v18 =	vadd.s32 $0x18, v6  }
0x2ac: {  	s22 =	sadd.s32 $0x10, s22  }
0x2ad: {  	s23 =	sand.u32 $0xC00, s23;
	s22 =	sand.u32 $0x70, s22  }
0x2ae: {  	s22 =	sor.u32 s22, s23  }
0x2af: {  	[tilespmem:s22+$0x7380] =	vst v13  }
0x2b0: {  	v13 =	vld.idx.msk [tilespmem:v18+s2+$0x0], $0xffff  }
0x2b1: {  	v18 =	vadd.s32 $0x30, v6;
	_ =	sdelay $0x2  }
0x2b2: {  	[tilespmem:s21+$0x7400] =	vst v16  }
0x2b3: {  	v16 =	vld.idx.msk [tilespmem:v17+s2+$0x0], $0xffff;
	[tilespmem:s22+$0x7400] =	vst v13  }
0x2b4: {  	v13 =	vadd.s32 $0x48, v5;
	v17 =	vld.idx.msk [tilespmem:v18+s2+$0x0], $0xffff  }
0x2b5: {  	v18 =	vadd.s32 $0x48, v6;
	_ =	sdelay $0x2  }
0x2b6: {  	[tilespmem:s21+$0x7480] =	vst v16  }
0x2b7: {  	v13 =	vld.idx.msk [tilespmem:v13+s2+$0x0], $0xffff;
	[tilespmem:s22+$0x7480] =	vst v17  }
0x2b8: {  	v16 =	vadd.s32 $0x60, v5;
	v17 =	vld.idx.msk [tilespmem:v18+s2+$0x0], $0xffff  }
0x2b9: {  	v18 =	vadd.s32 $0x60, v6;
	_ =	sdelay $0x1  }
0x2ba: {  	[tilespmem:s20+$0x7500] =	vst v14  }
0x2bb: {  	v14 =	vld.idx.msk [tilespmem:v15+s2+$0x0], $0xffff;
	[tilespmem:s21+$0x7500] =	vst v13  }
0x2bc: {  	v13 =	vadd.s32 $0x78, v4;
	v15 =	vld.idx.msk [tilespmem:v16+s2+$0x0], $0xffff;
	[tilespmem:s22+$0x7500] =	vst v17  }
0x2bd: {  	v16 =	vadd.s32 $0x78, v5;
	v17 =	vld.idx.msk [tilespmem:v18+s2+$0x0], $0xffff  }
0x2be: {  	v18 =	vadd.s32 $0x78, v6;
	_ =	sdelay $0x1  }
0x2bf: {  	[tilespmem:s20+$0x7580] =	vst v14  }
0x2c0: {  	v13 =	vld.idx.msk [tilespmem:v13+s2+$0x0], $0xffff;
	[tilespmem:s21+$0x7580] =	vst v15  }
0x2c1: {  	v14 =	vadd.s32 $0x90, v4;
	v15 =	vld.idx.msk [tilespmem:v16+s2+$0x0], $0xffff;
	[tilespmem:s22+$0x7580] =	vst v17  }
0x2c2: {  	v16 =	vadd.s32 $0x90, v5;
	v17 =	vld.idx.msk [tilespmem:v18+s2+$0x0], $0xffff  }
0x2c3: {  	v18 =	vadd.s32 $0x90, v6;
	_ =	sdelay $0x1  }
0x2c4: {  	[tilespmem:s20+$0x7600] =	vst v13  }
0x2c5: {  	v13 =	vadd.s32 $0xA8, v2;
	v14 =	vld.idx.msk [tilespmem:v14+s2+$0x0], $0xffff;
	[tilespmem:s21+$0x7600] =	vst v15  }
0x2c6: {  	v15 =	vadd.s32 $0xA8, v4;
	v16 =	vld.idx.msk [tilespmem:v16+s2+$0x0], $0xffff;
	[tilespmem:s22+$0x7600] =	vst v17  }
0x2c7: {  	v17 =	vadd.s32 $0xA8, v5;
	v18 =	vld.idx.msk [tilespmem:v18+s2+$0x0], $0xffff  }
0x2c8: {  	v19 =	vadd.s32 $0xA8, v6  }
0x2c9: {  	[tilespmem:s17+$0x7680] =	vst v12  }
0x2ca: {  	v12 =	vld.idx.msk [tilespmem:v13+s2+$0x0], $0xffff;
	[tilespmem:s20+$0x7680] =	vst v14  }
0x2cb: {  	v13 =	vadd.s32 $0xC0, v2;
	v14 =	vld.idx.msk [tilespmem:v15+s2+$0x0], $0xffff;
	[tilespmem:s21+$0x7680] =	vst v16  }
0x2cc: {  	v15 =	vadd.s32 $0xC0, v4;
	v16 =	vld.idx.msk [tilespmem:v17+s2+$0x0], $0xffff;
	[tilespmem:s22+$0x7680] =	vst v18  }
0x2cd: {  	v17 =	vadd.s32 $0xC0, v5;
	v18 =	vld.idx.msk [tilespmem:v19+s2+$0x0], $0xffff  }
0x2ce: {  	v19 =	vadd.s32 $0xC0, v6  }
0x2cf: {  	[tilespmem:s17+$0x7700] =	vst v12  }
0x2d0: {  	v12 =	vld.idx.msk [tilespmem:v13+s2+$0x0], $0xffff;
	[tilespmem:s20+$0x7700] =	vst v14  }
0x2d1: {  	v13 =	vadd.s32 $0xD8, v2;
	v14 =	vld.idx.msk [tilespmem:v15+s2+$0x0], $0xffff;
	[tilespmem:s21+$0x7700] =	vst v16  }
0x2d2: {  	v15 =	vadd.s32 $0xD8, v4;
	v16 =	vld.idx.msk [tilespmem:v17+s2+$0x0], $0xffff;
	[tilespmem:s22+$0x7700] =	vst v18  }
0x2d3: {  	[tilespmem:s1+$0x8380] =	vst v10;
	v10 =	vadd.s32 $0xD8, v5;
	v17 =	vld.idx.msk [tilespmem:v19+s2+$0x0], $0xffff  }
0x2d4: {  	[tilespmem:s16+$0x8600] =	vst v8;
	v8 =	vadd.s32 $0xD8, v6  }
0x2d5: {  	v11 =	vld.idx.msk [tilespmem:v11+s2+$0x0], $0xffff;
	[tilespmem:s17+$0x8380] =	vst v12  }
0x2d6: {  	v12 =	vadd.s32 $0xF0, v1;
	v13 =	vld.idx.msk [tilespmem:v13+s2+$0x0], $0xffff;
	[tilespmem:s20+$0x8380] =	vst v14  }
0x2d7: {  	v14 =	vadd.s32 $0xF0, v2;
	v15 =	vld.idx.msk [tilespmem:v15+s2+$0x0], $0xffff;
	[tilespmem:s21+$0x8380] =	vst v16  }
0x2d8: {  	v16 =	vadd.s32 $0xF0, v4;
	v10 =	vld.idx.msk [tilespmem:v10+s2+$0x0], $0xffff;
	[tilespmem:s22+$0x8380] =	vst v17  }
0x2d9: {  	[tilespmem:s0+$0x8500] =	vst v9;
	v9 =	vadd.s32 $0xF0, v5;
	v8 =	vld.idx.msk [tilespmem:v8+s2+$0x0], $0xffff  }
0x2da: {  	v7 =	vld.idx.msk [tilespmem:v7+s2+$0x0], $0xffff;
	[tilespmem:s1+$0x8400] =	vst v11;
	v11 =	vadd.s32 $0xF0, v6  }
0x2db: {  	v12 =	vld.idx.msk [tilespmem:v12+s2+$0x0], $0xffff;
	v17 =	vadd.s32 $0x120, v0;
	[tilespmem:s17+$0x8400] =	vst v13  }
0x2dc: {  	v13 =	vadd.s32 $0x108, v1;
	v14 =	vld.idx.msk [tilespmem:v14+s2+$0x0], $0xffff;
	[tilespmem:s20+$0x8400] =	vst v15  }
0x2dd: {  	v15 =	vadd.s32 $0x108, v2;
	v16 =	vld.idx.msk [tilespmem:v16+s2+$0x0], $0xffff;
	[tilespmem:s21+$0x8400] =	vst v10  }
0x2de: {  	v10 =	vadd.s32 $0x108, v4;
	v9 =	vld.idx.msk [tilespmem:v9+s2+$0x0], $0xffff;
	[tilespmem:s22+$0x8400] =	vst v8  }
0x2df: {  	[tilespmem:s16+$0x8680] =	vst v7;
	v7 =	vadd.s32 $0x108, v5;
	v8 =	vld.idx.msk [tilespmem:v11+s2+$0x0], $0xffff  }
0x2e0: {  	[tilespmem:s1+$0x8480] =	vst v12;
	v12 =	vadd.s32 $0x108, v6;
	v11 =	vld.idx.msk [tilespmem:v17+s2+$0x0], $0xffff  }
0x2e1: {  	v3 =	vadd.s32 $0x168, v3;
	v13 =	vld.idx.msk [tilespmem:v13+s2+$0x0], $0xffff;
	[tilespmem:s17+$0x8480] =	vst v14  }
0x2e2: {  	v14 =	vadd.s32 $0x120, v1;
	v15 =	vld.idx.msk [tilespmem:v15+s2+$0x0], $0xffff;
	[tilespmem:s20+$0x8480] =	vst v16  }
0x2e3: {  	v16 =	vadd.s32 $0x120, v2;
	v10 =	vld.idx.msk [tilespmem:v10+s2+$0x0], $0xffff;
	[tilespmem:s21+$0x8480] =	vst v9  }
0x2e4: {  	v9 =	vadd.s32 $0x120, v4;
	v7 =	vld.idx.msk [tilespmem:v7+s2+$0x0], $0xffff;
	[tilespmem:s22+$0x8480] =	vst v8  }
0x2e5: {  	[tilespmem:s0+$0x8580] =	vst v11;
	v8 =	vadd.s32 $0x120, v5;
	v11 =	vld.idx.msk [tilespmem:v12+s2+$0x0], $0xffff  }
0x2e6: {  	v3 =	vld.idx.msk [tilespmem:v3+s2+$0x0], $0xffff;
	[tilespmem:s1+$0x8500] =	vst v13;
	v12 =	vadd.s32 $0x120, v6  }
0x2e7: {  	v13 =	vadd.s32 $0x138, v0;
	v14 =	vld.idx.msk [tilespmem:v14+s2+$0x0], $0xffff;
	[tilespmem:s17+$0x8500] =	vst v15  }
0x2e8: {  	v15 =	vadd.s32 $0x138, v1;
	v16 =	vld.idx.msk [tilespmem:v16+s2+$0x0], $0xffff;
	[tilespmem:s20+$0x8500] =	vst v10  }
0x2e9: {  	v10 =	vadd.s32 $0x138, v2;
	v9 =	vld.idx.msk [tilespmem:v9+s2+$0x0], $0xffff;
	[tilespmem:s21+$0x8500] =	vst v7  }
0x2ea: {  	v7 =	vadd.s32 $0x138, v4;
	v8 =	vld.idx.msk [tilespmem:v8+s2+$0x0], $0xffff;
	[tilespmem:s22+$0x8500] =	vst v11  }
0x2eb: {  	[tilespmem:s16+$0x8700] =	vst v3;
	v3 =	vadd.s32 $0x138, v5;
	v11 =	vld.idx.msk [tilespmem:v12+s2+$0x0], $0xffff  }
0x2ec: {  	[tilespmem:s1+$0x8580] =	vst v14;
	v12 =	vld.idx.msk [tilespmem:v13+s2+$0x0], $0xffff;
	v13 =	vadd.s32 $0x138, v6  }
0x2ed: {  	v14 =	vadd.s32 $0x150, v0;
	v15 =	vld.idx.msk [tilespmem:v15+s2+$0x0], $0xffff;
	[tilespmem:s17+$0x8580] =	vst v16  }
0x2ee: {  	v16 =	vadd.s32 $0x150, v1;
	v10 =	vld.idx.msk [tilespmem:v10+s2+$0x0], $0xffff;
	[tilespmem:s20+$0x8580] =	vst v9  }
0x2ef: {  	v9 =	vadd.s32 $0x150, v2;
	v7 =	vld.idx.msk [tilespmem:v7+s2+$0x0], $0xffff;
	[tilespmem:s21+$0x8580] =	vst v8  }
0x2f0: {  	v8 =	vadd.s32 $0x150, v4;
	v3 =	vld.idx.msk [tilespmem:v3+s2+$0x0], $0xffff;
	[tilespmem:s22+$0x8580] =	vst v11  }
0x2f1: {  	[tilespmem:s0+$0x8600] =	vst v12;
	v11 =	vadd.s32 $0x150, v5;
	v12 =	vld.idx.msk [tilespmem:v13+s2+$0x0], $0xffff  }
0x2f2: {  	[tilespmem:s1+$0x8600] =	vst v15;
	v13 =	vld.idx.msk [tilespmem:v14+s2+$0x0], $0xffff;
	v14 =	vadd.s32 $0x150, v6  }
0x2f3: {  	v0 =	vadd.s32 $0x168, v0;
	v15 =	vld.idx.msk [tilespmem:v16+s2+$0x0], $0xffff;
	[tilespmem:s17+$0x8600] =	vst v10  }
0x2f4: {  	v1 =	vadd.s32 $0x168, v1;
	v9 =	vld.idx.msk [tilespmem:v9+s2+$0x0], $0xffff;
	[tilespmem:s20+$0x8600] =	vst v7  }
0x2f5: {  	v2 =	vadd.s32 $0x168, v2;
	v7 =	vld.idx.msk [tilespmem:v8+s2+$0x0], $0xffff;
	[tilespmem:s21+$0x8600] =	vst v3  }
0x2f6: {  	v3 =	vadd.s32 $0x168, v4;
	v4 =	vld.idx.msk [tilespmem:v11+s2+$0x0], $0xffff;
	[tilespmem:s22+$0x8600] =	vst v12  }
0x2f7: {  	v5 =	vadd.s32 $0x168, v5;
	[tilespmem:s0+$0x8680] =	vst v13;
	v8 =	vld.idx.msk [tilespmem:v14+s2+$0x0], $0xffff  }
0x2f8: {  	v6 =	vadd.s32 $0x168, v6;
	[tilespmem:s1+$0x8680] =	vst v15;
	v0 =	vld.idx.msk [tilespmem:v0+s2+$0x0], $0xffff  }
0x2f9: {  	v1 =	vld.idx.msk [tilespmem:v1+s2+$0x0], $0xffff;
	[tilespmem:s17+$0x8680] =	vst v9  }
0x2fa: {  	v2 =	vld.idx.msk [tilespmem:v2+s2+$0x0], $0xffff;
	[tilespmem:s20+$0x8680] =	vst v7  }
0x2fb: {  	v3 =	vld.idx.msk [tilespmem:v3+s2+$0x0], $0xffff;
	[tilespmem:s21+$0x8680] =	vst v4  }
0x2fc: {  	v4 =	vld.idx.msk [tilespmem:v5+s2+$0x0], $0xffff;
	[tilespmem:s22+$0x8680] =	vst v8  }
0x2fd: {  	[tilespmem:s0+$0x8700] =	vst v0;
	v0 =	vld.idx.msk [tilespmem:v6+s2+$0x0], $0xffff  }
0x2fe: {  	[tilespmem:s1+$0x8700] =	vst v1  }
0x2ff: {  	[tilespmem:s17+$0x8700] =	vst v2  }
0x300: {  	[tilespmem:s20+$0x8700] =	vst v3  }
0x301: {  	[tilespmem:s21+$0x8700] =	vst v4  }
0x302: {  	s23 =	simm.s32 $0x980;
	[tilespmem:s22+$0x8700] =	vst v0;
	s22 =	simm.s32 $0x7380  }
0x303: {  	[hbm4b:s8+s18] =	stream.strided.scatter [tilespmem:s22], [sflag:$0x1], $0x2000, s19, s18, $0x38;
	[tilespmem:$0x13380] =	vst v63  }
0x304: {  	v3 =	vld [tilespmem:s23+$0x0];
	_ =	sdelay $0x7  }
0x305: {  	v0 =	vld.idx.msk [tilespmem:v3+s2+$0x0], $0xffff  }
0x306: {  	v1 =	vadd.s32 $0x18, v3  }
0x307: {  	s24 =	simm.s32 $0x0  }
0x308: {  	s25 =	sand.u32 $0x70, s24;
	s0 =	sand.u32 $0xC00, s24  }
0x309: {  	s16 =	sor.u32 s25, s0  }
0x30a: {  	[tilespmem:s16+$0x9380] =	vst v0  }
0x30b: {  	s26 =	simm.s32 $0x990;
	v1 =	vld.idx.msk [tilespmem:v1+s2+$0x0], $0xffff  }
0x30c: {  	v2 =	vadd.s32 $0x30, v3;
	v0 =	vld [tilespmem:s26+$0x0];
	_ =	sdelay $0x3  }
0x30d: {  	[tilespmem:s16+$0x9400] =	vst v1  }
0x30e: {  	v1 =	vld.idx.msk [tilespmem:v2+s2+$0x0], $0xffff  }
0x30f: {  	v2 =	vadd.s32 $0x48, v3;
	_ =	sdelay $0x1  }
0x310: {  	v4 =	vld.idx.msk [tilespmem:v0+s2+$0x0], $0xffff  }
0x311: {  	v5 =	vadd.s32 $0x18, v0  }
0x312: {  	s28 =	simm.s32 $0x80;
	s17 =	simm.s32 $0x10;
	[tilespmem:s16+$0x9480] =	vst v1  }
0x313: {  	s1 =	sand.u32 $0x70, s17;
	s0 =	sand.u32 $0xC00, s28;
	v2 =	vld.idx.msk [tilespmem:v2+s2+$0x0], $0xffff  }
0x314: {  	s20 =	simm.s32 $0x9A0;
	s0 =	sor.u32 s1, s0;
	v6 =	vadd.s32 $0x60, v3  }
0x315: {  	v1 =	vld [tilespmem:s20+$0x0];
	[tilespmem:s0+$0x9380] =	vst v4  }
0x316: {  	v4 =	vld.idx.msk [tilespmem:v5+s2+$0x0], $0xffff  }
0x317: {  	v5 =	vadd.s32 $0x30, v0  }
0x318: {  	[tilespmem:s16+$0x9500] =	vst v2  }
0x319: {  	v2 =	vld.idx.msk [tilespmem:v6+s2+$0x0], $0xffff  }
0x31a: {  	v6 =	vadd.s32 $0x78, v3  }
0x31b: {  	[tilespmem:s0+$0x9400] =	vst v4  }
0x31c: {  	v4 =	vld.idx.msk [tilespmem:v5+s2+$0x0], $0xffff  }
0x31d: {  	v5 =	vadd.s32 $0x48, v0  }
0x31e: {  	v7 =	vld.idx.msk [tilespmem:v1+s2+$0x0], $0xffff;
	[tilespmem:s16+$0x9580] =	vst v2  }
0x31f: {  	v8 =	vadd.s32 $0x18, v1;
	v6 =	vld.idx.msk [tilespmem:v6+s2+$0x0], $0xffff  }
0x320: {  	s21 =	simm.s32 $0x100;
	s22 =	simm.s32 $0x20;
	v9 =	vadd.s32 $0x90, v3  }
0x321: {  	s1 =	sand.u32 $0xC00, s21;
	s17 =	sand.u32 $0x70, s22;
	[tilespmem:s0+$0x9480] =	vst v4  }
0x322: {  	s23 =	simm.s32 $0x9B0;
	s1 =	sor.u32 s17, s1;
	v4 =	vld.idx.msk [tilespmem:v5+s2+$0x0], $0xffff  }
0x323: {  	v2 =	vld [tilespmem:s23+$0x0];
	[tilespmem:s1+$0x9380] =	vst v7;
	v5 =	vadd.s32 $0x60, v0  }
0x324: {  	v7 =	vld.idx.msk [tilespmem:v8+s2+$0x0], $0xffff;
	[tilespmem:s16+$0x9600] =	vst v6  }
0x325: {  	v8 =	vadd.s32 $0x30, v1;
	v6 =	vld.idx.msk [tilespmem:v9+s2+$0x0], $0xffff  }
0x326: {  	v9 =	vadd.s32 $0xA8, v3  }
0x327: {  	[tilespmem:s0+$0x9500] =	vst v4  }
0x328: {  	v4 =	vld.idx.msk [tilespmem:v5+s2+$0x0], $0xffff  }
0x329: {  	[tilespmem:s1+$0x9400] =	vst v7;
	v5 =	vadd.s32 $0x78, v0  }
0x32a: {  	v7 =	vld.idx.msk [tilespmem:v8+s2+$0x0], $0xffff;
	[tilespmem:s16+$0x9680] =	vst v6  }
0x32b: {  	v8 =	vadd.s32 $0x48, v1;
	v6 =	vld.idx.msk [tilespmem:v9+s2+$0x0], $0xffff  }
0x32c: {  	v9 =	vadd.s32 $0xC0, v3  }
0x32d: {  	v10 =	vld.idx.msk [tilespmem:v2+s2+$0x0], $0xffff;
	[tilespmem:s0+$0x9580] =	vst v4  }
0x32e: {  	v11 =	vadd.s32 $0x18, v2;
	v5 =	vld.idx.msk [tilespmem:v5+s2+$0x0], $0xffff  }
0x32f: {  	s24 =	simm.s32 $0x180;
	s25 =	simm.s32 $0x30;
	[tilespmem:s1+$0x9480] =	vst v7;
	v7 =	vadd.s32 $0x90, v0  }
0x330: {  	s17 =	sand.u32 $0xC00, s24;
	s20 =	sand.u32 $0x70, s25;
	v8 =	vld.idx.msk [tilespmem:v8+s2+$0x0], $0xffff;
	[tilespmem:s16+$0x9700] =	vst v6  }
0x331: {  	s26 =	simm.s32 $0x9C0;
	s17 =	sor.u32 s20, s17;
	v6 =	vld.idx.msk [tilespmem:v9+s2+$0x0], $0xffff;
	v9 =	vadd.s32 $0x60, v1  }
0x332: {  	v4 =	vld [tilespmem:s26+$0x0];
	[tilespmem:s17+$0x9380] =	vst v10;
	v10 =	vadd.s32 $0xD8, v3  }
0x333: {  	v11 =	vld.idx.msk [tilespmem:v11+s2+$0x0], $0xffff;
	[tilespmem:s0+$0x9600] =	vst v5  }
0x334: {  	v5 =	vld.idx.msk [tilespmem:v7+s2+$0x0], $0xffff;
	v7 =	vadd.s32 $0x30, v2  }
0x335: {  	[tilespmem:s1+$0x9500] =	vst v8;
	v8 =	vadd.s32 $0xA8, v0  }
0x336: {  	v9 =	vld.idx.msk [tilespmem:v9+s2+$0x0], $0xffff;
	[tilespmem:s16+$0xA380] =	vst v6  }
0x337: {  	v6 =	vld.idx.msk [tilespmem:v10+s2+$0x0], $0xffff;
	v10 =	vadd.s32 $0x78, v1  }
0x338: {  	[tilespmem:s17+$0x9400] =	vst v11;
	v11 =	vadd.s32 $0xF0, v3  }
0x339: {  	v7 =	vld.idx.msk [tilespmem:v7+s2+$0x0], $0xffff;
	[tilespmem:s0+$0x9680] =	vst v5  }
0x33a: {  	v12 =	vadd.s32 $0x48, v2;
	v8 =	vld.idx.msk [tilespmem:v8+s2+$0x0], $0xffff  }
0x33b: {  	v13 =	vld.idx.msk [tilespmem:v4+s2+$0x0], $0xffff;
	[tilespmem:s1+$0x9580] =	vst v9;
	v9 =	vadd.s32 $0xC0, v0  }
0x33c: {  	v10 =	vld.idx.msk [tilespmem:v10+s2+$0x0], $0xffff;
	[tilespmem:s16+$0xA400] =	vst v6;
	v6 =	vadd.s32 $0x18, v4  }
0x33d: {  	s28 =	simm.s32 $0x200;
	s22 =	simm.s32 $0x9D0;
	s23 =	simm.s32 $0x40;
	v11 =	vld.idx.msk [tilespmem:v11+s2+$0x0], $0xffff  }
0x33e: {  	s20 =	sand.u32 $0xC00, s28;
	v14 =	vadd.s32 $0x90, v1;
	s24 =	sand.u32 $0x70, s23;
	v5 =	vld [tilespmem:s22+$0x0];
	[tilespmem:s17+$0x9480] =	vst v7  }
0x33f: {  	s20 =	sor.u32 s24, s20;
	v7 =	vadd.s32 $0x108, v3;
	v12 =	vld.idx.msk [tilespmem:v12+s2+$0x0], $0xffff;
	[tilespmem:s0+$0x9700] =	vst v8  }
0x340: {  	[tilespmem:s20+$0x9380] =	vst v13;
	v8 =	vld.idx.msk [tilespmem:v9+s2+$0x0], $0xffff;
	v9 =	vadd.s32 $0x60, v2  }
0x341: {  	v13 =	vld.idx.msk [tilespmem:v6+s2+$0x0], $0xffff;
	[tilespmem:s1+$0x9600] =	vst v10;
	v10 =	vadd.s32 $0xD8, v0  }
0x342: {  	[tilespmem:s16+$0xA480] =	vst v11;
	v11 =	vadd.s32 $0x30, v4  }
0x343: {  	v14 =	vld.idx.msk [tilespmem:v14+s2+$0x0], $0xffff  }
0x344: {  	v15 =	vadd.s32 $0xA8, v1;
	[tilespmem:s17+$0x9500] =	vst v12;
	v7 =	vld.idx.msk [tilespmem:v7+s2+$0x0], $0xffff  }
0x345: {  	v12 =	vadd.s32 $0x120, v3;
	v9 =	vld.idx.msk [tilespmem:v9+s2+$0x0], $0xffff;
	[tilespmem:s0+$0xA380] =	vst v8  }
0x346: {  	v8 =	vld.idx.msk [tilespmem:v10+s2+$0x0], $0xffff;
	[tilespmem:s20+$0x9400] =	vst v13;
	v10 =	vadd.s32 $0x78, v2  }
0x347: {  	v11 =	vld.idx.msk [tilespmem:v11+s2+$0x0], $0xffff  }
0x348: {  	v17 =	vld.idx.msk [tilespmem:v5+s2+$0x0], $0xffff;
	v13 =	vadd.s32 $0xF0, v0;
	[tilespmem:s1+$0x9680] =	vst v14  }
0x349: {  	v15 =	vld.idx.msk [tilespmem:v15+s2+$0x0], $0xffff;
	[tilespmem:s16+$0xA500] =	vst v7;
	v7 =	vadd.s32 $0x48, v4  }
0x34a: {  	v16 =	vadd.s32 $0xC0, v1;
	v12 =	vld.idx.msk [tilespmem:v12+s2+$0x0], $0xffff;
	[tilespmem:s17+$0x9580] =	vst v9  }
0x34b: {  	s25 =	simm.s32 $0x9E0;
	v9 =	vadd.s32 $0x138, v3;
	v18 =	vld.idx.msk [tilespmem:v10+s2+$0x0], $0xffff;
	[tilespmem:s0+$0xA400] =	vst v8  }
0x34c: {  	v6 =	vld [tilespmem:s25+$0x0];
	[tilespmem:s20+$0x9480] =	vst v11;
	v11 =	vadd.s32 $0x90, v2  }
0x34d: {  	v19 =	vadd.s32 $0x18, v5;
	v13 =	vld.idx.msk [tilespmem:v13+s2+$0x0], $0xffff  }
0x34e: {  	v20 =	vadd.s32 $0x108, v0;
	s26 =	simm.s32 $0x280;
	s22 =	simm.s32 $0x50;
	v14 =	vld.idx.msk [tilespmem:v7+s2+$0x0], $0xffff;
	[tilespmem:s1+$0x9700] =	vst v15  }
0x34f: {  	s21 =	sand.u32 $0xC00, s26;
	s28 =	sand.u32 $0x70, s22;
	v10 =	vld.idx.msk [tilespmem:v16+s2+$0x0], $0xffff;
	[tilespmem:s16+$0xA580] =	vst v12  }
0x350: {  	s21 =	sor.u32 s28, s21;
	v15 =	vadd.s32 $0x60, v4;
	v8 =	vld.idx.msk [tilespmem:v9+s2+$0x0], $0xffff;
	[tilespmem:s17+$0x9600] =	vst v18  }
0x351: {  	[tilespmem:s21+$0x9380] =	vst v17;
	v12 =	vld.idx.msk [tilespmem:v11+s2+$0x0], $0xffff;
	v11 =	vadd.s32 $0xD8, v1  }
0x352: {  	v7 =	vadd.s32 $0x150, v3;
	v16 =	vld.idx.msk [tilespmem:v19+s2+$0x0], $0xffff;
	[tilespmem:s0+$0xA480] =	vst v13  }
0x353: {  	s23 =	simm.s32 $0x300;
	s24 =	simm.s32 $0x9F0;
	s25 =	simm.s32 $0x380;
	v17 =	vadd.s32 $0x30, v5;
	v13 =	vmov v6;
	v9 =	vld.idx.msk [tilespmem:v20+s2+$0x0], $0xffff  }
.LBB2_10:
0x354: {  	v18 =	vld [tilespmem:s24+$0x0];
	p0 =	sne.s32 s25, $0xF80;
	[tilespmem:s20+$0x9500] =	vst v14;
	v14 =	vadd.s32 $0xA8, v2;
	s26 =	smov.u32 s0;
	s0 =	smov.u32 s1  }
0x355: {  	s1 =	smov.u32 s17;
	s17 =	smov.u32 s20;
	s20 =	smov.u32 s21;
	v15 =	vld.idx.msk [tilespmem:v15+s2+$0x0], $0xffff;
	[tilespmem:s0+$0xA380] =	vst v10;
	v10 =	vadd.s32 $0x120, v0  }
0x356: {  	v11 =	vld.idx.msk [tilespmem:v11+s2+$0x0], $0xffff;
	[tilespmem:s16+$0xA600] =	vst v8  }
0x357: {  	v8 =	vadd.s32 $0x78, v4;
	[tilespmem:s20+$0x9400] =	vst v16;
	v7 =	vld.idx.msk [tilespmem:v7+s2+$0x0], $0xffff  }
0x358: {  	v16 =	vld.idx.msk [tilespmem:v17+s2+$0x0], $0xffff;
	[tilespmem:s1+$0x9680] =	vst v12;
	v12 =	vadd.s32 $0xF0, v1  }
0x359: {  	v17 =	vld.idx.msk [tilespmem:v14+s2+$0x0], $0xffff;
	[tilespmem:s26+$0xA500] =	vst v9;
	v9 =	vadd.s32 $0x168, v3;
	v3 =	vmovc v0;
	v0 =	vmovc v1;
	v1 =	vmov v2;
	v2 =	vmov v4  }
0x35a: {  	v14 =	vadd.s32 $0x48, v5;
	v4 =	vmovc v5;
	v5 =	vmov v6;
	v6 =	vmov v18;
	v19 =	vld.idx.msk [tilespmem:v10+s2+$0x0], $0xffff  }
0x35b: {  	v10 =	vadd.s32 $0xC0, v1;
	v20 =	vld.idx.msk [tilespmem:v13+s2+$0x0], $0xffff;
	[tilespmem:s17+$0x9580] =	vst v15;
	v13 =	vmov v18  }
0x35c: {  	v18 =	vld.idx.msk [tilespmem:v8+s2+$0x0], $0xffff;
	[tilespmem:s0+$0xA400] =	vst v11;
	v8 =	vadd.s32 $0x138, v3  }
0x35d: {  	v11 =	vadd.s32 $0x18, v5;
	v21 =	vld.idx.msk [tilespmem:v12+s2+$0x0], $0xffff;
	[tilespmem:s16+$0xA680] =	vst v7  }
0x35e: {  	s22 =	sadd.s32 $0x10, s22;
	v7 =	vadd.s32 $0x90, v2;
	[tilespmem:s20+$0x9480] =	vst v16;
	v22 =	vld.idx.msk [tilespmem:v9+s2+$0x0], $0xffff  }
0x35f: {  	s28 =	sand.u32 $0xC00, s23;
	s23 =	smov.u32 s25;
	s21 =	sand.u32 $0x70, s22;
	v9 =	vadd.s32 $0x108, v0;
	v14 =	vld.idx.msk [tilespmem:v14+s2+$0x0], $0xffff;
	[tilespmem:s1+$0x9700] =	vst v17  }
.Ltmp4:
0x360: {  	s21 =	sor.u32 s21, s28;
	v10 =	vld.idx.msk [tilespmem:v10+s2+$0x0], $0xffff;
	[tilespmem:s26+$0xA580] =	vst v19;
	(pc) =	sbr.rel @p0 .LBB2_10-.Ltmp4, $4  }
0x361: {  	v15 =	vadd.s32 $0x60, v4;
	[tilespmem:s21+$0x9380] =	vst v20;
	v8 =	vld.idx.msk [tilespmem:v8+s2+$0x0], $0xffff  }
0x362: {  	v16 =	vld.idx.msk [tilespmem:v11+s2+$0x0], $0xffff;
	[tilespmem:s17+$0x9600] =	vst v18;
	v11 =	vadd.s32 $0xD8, v1  }
0x363: {  	v12 =	vld.idx.msk [tilespmem:v7+s2+$0x0], $0xffff;
	[tilespmem:s0+$0xA480] =	vst v21;
	v7 =	vadd.s32 $0x150, v3  }
0x364: {  	s24 =	sadd.s32 $0x10, s24;
	s25 =	sadd.s32 $0x80, s25;
	v17 =	vadd.s32 $0x30, v5;
	v9 =	vld.idx.msk [tilespmem:v9+s2+$0x0], $0xffff;
	[tilespmem:s16+$0xA700] =	vst v22;
	s16 =	smov.u32 s26  }
0x365: {  	_ =	sdelay $0x3  }
0x366: {  	v13 =	vld.idx.msk [tilespmem:v13+s2+$0x0], $0xffff  }
0x367: {  	v18 =	vadd.s32 $0x18, v6  }
0x368: {  	s22 =	sadd.s32 $0x10, s22  }
0x369: {  	s23 =	sand.u32 $0xC00, s23;
	s22 =	sand.u32 $0x70, s22  }
0x36a: {  	s22 =	sor.u32 s22, s23  }
0x36b: {  	[tilespmem:s22+$0x9380] =	vst v13  }
0x36c: {  	v13 =	vld.idx.msk [tilespmem:v18+s2+$0x0], $0xffff  }
0x36d: {  	v18 =	vadd.s32 $0x30, v6;
	_ =	sdelay $0x2  }
0x36e: {  	[tilespmem:s21+$0x9400] =	vst v16  }
0x36f: {  	v16 =	vld.idx.msk [tilespmem:v17+s2+$0x0], $0xffff;
	[tilespmem:s22+$0x9400] =	vst v13  }
0x370: {  	v13 =	vadd.s32 $0x48, v5;
	v17 =	vld.idx.msk [tilespmem:v18+s2+$0x0], $0xffff  }
0x371: {  	v18 =	vadd.s32 $0x48, v6;
	_ =	sdelay $0x2  }
0x372: {  	[tilespmem:s21+$0x9480] =	vst v16  }
0x373: {  	v13 =	vld.idx.msk [tilespmem:v13+s2+$0x0], $0xffff;
	[tilespmem:s22+$0x9480] =	vst v17  }
0x374: {  	v16 =	vadd.s32 $0x60, v5;
	v17 =	vld.idx.msk [tilespmem:v18+s2+$0x0], $0xffff  }
0x375: {  	v18 =	vadd.s32 $0x60, v6;
	_ =	sdelay $0x1  }
0x376: {  	[tilespmem:s20+$0x9500] =	vst v14  }
0x377: {  	v14 =	vld.idx.msk [tilespmem:v15+s2+$0x0], $0xffff;
	[tilespmem:s21+$0x9500] =	vst v13  }
0x378: {  	v13 =	vadd.s32 $0x78, v4;
	v15 =	vld.idx.msk [tilespmem:v16+s2+$0x0], $0xffff;
	[tilespmem:s22+$0x9500] =	vst v17  }
0x379: {  	v16 =	vadd.s32 $0x78, v5;
	v17 =	vld.idx.msk [tilespmem:v18+s2+$0x0], $0xffff  }
0x37a: {  	v18 =	vadd.s32 $0x78, v6;
	_ =	sdelay $0x1  }
0x37b: {  	[tilespmem:s20+$0x9580] =	vst v14  }
0x37c: {  	v13 =	vld.idx.msk [tilespmem:v13+s2+$0x0], $0xffff;
	[tilespmem:s21+$0x9580] =	vst v15  }
0x37d: {  	v14 =	vadd.s32 $0x90, v4;
	v15 =	vld.idx.msk [tilespmem:v16+s2+$0x0], $0xffff;
	[tilespmem:s22+$0x9580] =	vst v17  }
0x37e: {  	v16 =	vadd.s32 $0x90, v5;
	v17 =	vld.idx.msk [tilespmem:v18+s2+$0x0], $0xffff  }
0x37f: {  	v18 =	vadd.s32 $0x90, v6;
	_ =	sdelay $0x1  }
0x380: {  	[tilespmem:s20+$0x9600] =	vst v13  }
0x381: {  	v13 =	vadd.s32 $0xA8, v2;
	v14 =	vld.idx.msk [tilespmem:v14+s2+$0x0], $0xffff;
	[tilespmem:s21+$0x9600] =	vst v15  }
0x382: {  	v15 =	vadd.s32 $0xA8, v4;
	v16 =	vld.idx.msk [tilespmem:v16+s2+$0x0], $0xffff;
	[tilespmem:s22+$0x9600] =	vst v17  }
0x383: {  	v17 =	vadd.s32 $0xA8, v5;
	v18 =	vld.idx.msk [tilespmem:v18+s2+$0x0], $0xffff  }
0x384: {  	v19 =	vadd.s32 $0xA8, v6  }
0x385: {  	[tilespmem:s17+$0x9680] =	vst v12  }
0x386: {  	v12 =	vld.idx.msk [tilespmem:v13+s2+$0x0], $0xffff;
	[tilespmem:s20+$0x9680] =	vst v14  }
0x387: {  	v13 =	vadd.s32 $0xC0, v2;
	v14 =	vld.idx.msk [tilespmem:v15+s2+$0x0], $0xffff;
	[tilespmem:s21+$0x9680] =	vst v16  }
0x388: {  	v15 =	vadd.s32 $0xC0, v4;
	v16 =	vld.idx.msk [tilespmem:v17+s2+$0x0], $0xffff;
	[tilespmem:s22+$0x9680] =	vst v18  }
0x389: {  	v17 =	vadd.s32 $0xC0, v5;
	v18 =	vld.idx.msk [tilespmem:v19+s2+$0x0], $0xffff  }
0x38a: {  	v19 =	vadd.s32 $0xC0, v6  }
0x38b: {  	[tilespmem:s17+$0x9700] =	vst v12  }
0x38c: {  	v12 =	vld.idx.msk [tilespmem:v13+s2+$0x0], $0xffff;
	[tilespmem:s20+$0x9700] =	vst v14  }
0x38d: {  	v13 =	vadd.s32 $0xD8, v2;
	v14 =	vld.idx.msk [tilespmem:v15+s2+$0x0], $0xffff;
	[tilespmem:s21+$0x9700] =	vst v16  }
0x38e: {  	v15 =	vadd.s32 $0xD8, v4;
	v16 =	vld.idx.msk [tilespmem:v17+s2+$0x0], $0xffff;
	[tilespmem:s22+$0x9700] =	vst v18  }
0x38f: {  	[tilespmem:s1+$0xA380] =	vst v10;
	v10 =	vadd.s32 $0xD8, v5;
	v17 =	vld.idx.msk [tilespmem:v19+s2+$0x0], $0xffff  }
0x390: {  	[tilespmem:s16+$0xA600] =	vst v8;
	v8 =	vadd.s32 $0xD8, v6  }
0x391: {  	v11 =	vld.idx.msk [tilespmem:v11+s2+$0x0], $0xffff;
	[tilespmem:s17+$0xA380] =	vst v12  }
0x392: {  	v12 =	vadd.s32 $0xF0, v1;
	v13 =	vld.idx.msk [tilespmem:v13+s2+$0x0], $0xffff;
	[tilespmem:s20+$0xA380] =	vst v14  }
0x393: {  	v14 =	vadd.s32 $0xF0, v2;
	v15 =	vld.idx.msk [tilespmem:v15+s2+$0x0], $0xffff;
	[tilespmem:s21+$0xA380] =	vst v16  }
0x394: {  	v16 =	vadd.s32 $0xF0, v4;
	v10 =	vld.idx.msk [tilespmem:v10+s2+$0x0], $0xffff;
	[tilespmem:s22+$0xA380] =	vst v17  }
0x395: {  	[tilespmem:s0+$0xA500] =	vst v9;
	v9 =	vadd.s32 $0xF0, v5;
	v8 =	vld.idx.msk [tilespmem:v8+s2+$0x0], $0xffff  }
0x396: {  	v7 =	vld.idx.msk [tilespmem:v7+s2+$0x0], $0xffff;
	[tilespmem:s1+$0xA400] =	vst v11;
	v11 =	vadd.s32 $0xF0, v6  }
0x397: {  	v12 =	vld.idx.msk [tilespmem:v12+s2+$0x0], $0xffff;
	v17 =	vadd.s32 $0x120, v0;
	[tilespmem:s17+$0xA400] =	vst v13  }
0x398: {  	v13 =	vadd.s32 $0x108, v1;
	v14 =	vld.idx.msk [tilespmem:v14+s2+$0x0], $0xffff;
	[tilespmem:s20+$0xA400] =	vst v15  }
0x399: {  	v15 =	vadd.s32 $0x108, v2;
	v16 =	vld.idx.msk [tilespmem:v16+s2+$0x0], $0xffff;
	[tilespmem:s21+$0xA400] =	vst v10  }
0x39a: {  	v10 =	vadd.s32 $0x108, v4;
	v9 =	vld.idx.msk [tilespmem:v9+s2+$0x0], $0xffff;
	[tilespmem:s22+$0xA400] =	vst v8  }
0x39b: {  	[tilespmem:s16+$0xA680] =	vst v7;
	v7 =	vadd.s32 $0x108, v5;
	v8 =	vld.idx.msk [tilespmem:v11+s2+$0x0], $0xffff  }
0x39c: {  	[tilespmem:s1+$0xA480] =	vst v12;
	v12 =	vadd.s32 $0x108, v6;
	v11 =	vld.idx.msk [tilespmem:v17+s2+$0x0], $0xffff  }
0x39d: {  	v3 =	vadd.s32 $0x168, v3;
	v13 =	vld.idx.msk [tilespmem:v13+s2+$0x0], $0xffff;
	[tilespmem:s17+$0xA480] =	vst v14  }
0x39e: {  	v14 =	vadd.s32 $0x120, v1;
	v15 =	vld.idx.msk [tilespmem:v15+s2+$0x0], $0xffff;
	[tilespmem:s20+$0xA480] =	vst v16  }
0x39f: {  	v16 =	vadd.s32 $0x120, v2;
	v10 =	vld.idx.msk [tilespmem:v10+s2+$0x0], $0xffff;
	[tilespmem:s21+$0xA480] =	vst v9  }
0x3a0: {  	v9 =	vadd.s32 $0x120, v4;
	v7 =	vld.idx.msk [tilespmem:v7+s2+$0x0], $0xffff;
	[tilespmem:s22+$0xA480] =	vst v8  }
0x3a1: {  	[tilespmem:s0+$0xA580] =	vst v11;
	v8 =	vadd.s32 $0x120, v5;
	v11 =	vld.idx.msk [tilespmem:v12+s2+$0x0], $0xffff  }
0x3a2: {  	v3 =	vld.idx.msk [tilespmem:v3+s2+$0x0], $0xffff;
	[tilespmem:s1+$0xA500] =	vst v13;
	v12 =	vadd.s32 $0x120, v6  }
0x3a3: {  	v13 =	vadd.s32 $0x138, v0;
	v14 =	vld.idx.msk [tilespmem:v14+s2+$0x0], $0xffff;
	[tilespmem:s17+$0xA500] =	vst v15  }
0x3a4: {  	v15 =	vadd.s32 $0x138, v1;
	v16 =	vld.idx.msk [tilespmem:v16+s2+$0x0], $0xffff;
	[tilespmem:s20+$0xA500] =	vst v10  }
0x3a5: {  	v10 =	vadd.s32 $0x138, v2;
	v9 =	vld.idx.msk [tilespmem:v9+s2+$0x0], $0xffff;
	[tilespmem:s21+$0xA500] =	vst v7  }
0x3a6: {  	v7 =	vadd.s32 $0x138, v4;
	v8 =	vld.idx.msk [tilespmem:v8+s2+$0x0], $0xffff;
	[tilespmem:s22+$0xA500] =	vst v11  }
0x3a7: {  	[tilespmem:s16+$0xA700] =	vst v3;
	v3 =	vadd.s32 $0x138, v5;
	v11 =	vld.idx.msk [tilespmem:v12+s2+$0x0], $0xffff  }
0x3a8: {  	[tilespmem:s1+$0xA580] =	vst v14;
	v12 =	vld.idx.msk [tilespmem:v13+s2+$0x0], $0xffff;
	v13 =	vadd.s32 $0x138, v6  }
0x3a9: {  	v14 =	vadd.s32 $0x150, v0;
	v15 =	vld.idx.msk [tilespmem:v15+s2+$0x0], $0xffff;
	[tilespmem:s17+$0xA580] =	vst v16  }
0x3aa: {  	v16 =	vadd.s32 $0x150, v1;
	v10 =	vld.idx.msk [tilespmem:v10+s2+$0x0], $0xffff;
	[tilespmem:s20+$0xA580] =	vst v9  }
0x3ab: {  	v9 =	vadd.s32 $0x150, v2;
	v7 =	vld.idx.msk [tilespmem:v7+s2+$0x0], $0xffff;
	[tilespmem:s21+$0xA580] =	vst v8  }
0x3ac: {  	v8 =	vadd.s32 $0x150, v4;
	v3 =	vld.idx.msk [tilespmem:v3+s2+$0x0], $0xffff;
	[tilespmem:s22+$0xA580] =	vst v11  }
0x3ad: {  	[tilespmem:s0+$0xA600] =	vst v12;
	v11 =	vadd.s32 $0x150, v5;
	v12 =	vld.idx.msk [tilespmem:v13+s2+$0x0], $0xffff  }
0x3ae: {  	[tilespmem:s1+$0xA600] =	vst v15;
	v13 =	vld.idx.msk [tilespmem:v14+s2+$0x0], $0xffff;
	v14 =	vadd.s32 $0x150, v6  }
0x3af: {  	v0 =	vadd.s32 $0x168, v0;
	v15 =	vld.idx.msk [tilespmem:v16+s2+$0x0], $0xffff;
	[tilespmem:s17+$0xA600] =	vst v10  }
0x3b0: {  	v1 =	vadd.s32 $0x168, v1;
	v9 =	vld.idx.msk [tilespmem:v9+s2+$0x0], $0xffff;
	[tilespmem:s20+$0xA600] =	vst v7  }
0x3b1: {  	v2 =	vadd.s32 $0x168, v2;
	v7 =	vld.idx.msk [tilespmem:v8+s2+$0x0], $0xffff;
	[tilespmem:s21+$0xA600] =	vst v3  }
0x3b2: {  	v3 =	vadd.s32 $0x168, v4;
	v4 =	vld.idx.msk [tilespmem:v11+s2+$0x0], $0xffff;
	[tilespmem:s22+$0xA600] =	vst v12  }
0x3b3: {  	v5 =	vadd.s32 $0x168, v5;
	[tilespmem:s0+$0xA680] =	vst v13;
	v8 =	vld.idx.msk [tilespmem:v14+s2+$0x0], $0xffff  }
0x3b4: {  	v6 =	vadd.s32 $0x168, v6;
	[tilespmem:s1+$0xA680] =	vst v15;
	v0 =	vld.idx.msk [tilespmem:v0+s2+$0x0], $0xffff  }
0x3b5: {  	v1 =	vld.idx.msk [tilespmem:v1+s2+$0x0], $0xffff;
	[tilespmem:s17+$0xA680] =	vst v9  }
0x3b6: {  	v2 =	vld.idx.msk [tilespmem:v2+s2+$0x0], $0xffff;
	[tilespmem:s20+$0xA680] =	vst v7  }
0x3b7: {  	v3 =	vld.idx.msk [tilespmem:v3+s2+$0x0], $0xffff;
	[tilespmem:s21+$0xA680] =	vst v4  }
0x3b8: {  	v4 =	vld.idx.msk [tilespmem:v5+s2+$0x0], $0xffff;
	[tilespmem:s22+$0xA680] =	vst v8  }
0x3b9: {  	[tilespmem:s0+$0xA700] =	vst v0;
	v0 =	vld.idx.msk [tilespmem:v6+s2+$0x0], $0xffff  }
0x3ba: {  	[tilespmem:s1+$0xA700] =	vst v1  }
0x3bb: {  	[tilespmem:s17+$0xA700] =	vst v2  }
0x3bc: {  	[tilespmem:s20+$0xA700] =	vst v3  }
0x3bd: {  	[tilespmem:s21+$0xA700] =	vst v4  }
0x3be: {  	s23 =	simm.s32 $0xB80;
	[tilespmem:s22+$0xA700] =	vst v0;
	s22 =	simm.s32 $0x9380  }
0x3bf: {  	[hbm4b:s9+s18] =	stream.strided.scatter [tilespmem:s22], [sflag:$0x1], $0x2000, s19, s18, $0x38;
	[tilespmem:$0x13380] =	vst v63  }
0x3c0: {  	v3 =	vld [tilespmem:s23+$0x0];
	_ =	sdelay $0x7  }
0x3c1: {  	v0 =	vld.idx.msk [tilespmem:v3+s2+$0x0], $0xffff  }
0x3c2: {  	v1 =	vadd.s32 $0x18, v3  }
0x3c3: {  	s24 =	simm.s32 $0x0  }
0x3c4: {  	s25 =	sand.u32 $0x70, s24;
	s0 =	sand.u32 $0xC00, s24  }
0x3c5: {  	s16 =	sor.u32 s25, s0  }
0x3c6: {  	[tilespmem:s16+$0xB380] =	vst v0  }
0x3c7: {  	s26 =	simm.s32 $0xB90;
	v1 =	vld.idx.msk [tilespmem:v1+s2+$0x0], $0xffff  }
0x3c8: {  	v2 =	vadd.s32 $0x30, v3;
	v0 =	vld [tilespmem:s26+$0x0];
	_ =	sdelay $0x3  }
0x3c9: {  	[tilespmem:s16+$0xB400] =	vst v1  }
0x3ca: {  	v1 =	vld.idx.msk [tilespmem:v2+s2+$0x0], $0xffff  }
0x3cb: {  	v2 =	vadd.s32 $0x48, v3;
	_ =	sdelay $0x1  }
0x3cc: {  	v4 =	vld.idx.msk [tilespmem:v0+s2+$0x0], $0xffff  }
0x3cd: {  	v5 =	vadd.s32 $0x18, v0  }
0x3ce: {  	s28 =	simm.s32 $0x80;
	s17 =	simm.s32 $0x10;
	[tilespmem:s16+$0xB480] =	vst v1  }
0x3cf: {  	s1 =	sand.u32 $0x70, s17;
	s0 =	sand.u32 $0xC00, s28;
	v2 =	vld.idx.msk [tilespmem:v2+s2+$0x0], $0xffff  }
0x3d0: {  	s20 =	simm.s32 $0xBA0;
	s0 =	sor.u32 s1, s0;
	v6 =	vadd.s32 $0x60, v3  }
0x3d1: {  	v1 =	vld [tilespmem:s20+$0x0];
	[tilespmem:s0+$0xB380] =	vst v4  }
0x3d2: {  	v4 =	vld.idx.msk [tilespmem:v5+s2+$0x0], $0xffff  }
0x3d3: {  	v5 =	vadd.s32 $0x30, v0  }
0x3d4: {  	[tilespmem:s16+$0xB500] =	vst v2  }
0x3d5: {  	v2 =	vld.idx.msk [tilespmem:v6+s2+$0x0], $0xffff  }
0x3d6: {  	v6 =	vadd.s32 $0x78, v3  }
0x3d7: {  	[tilespmem:s0+$0xB400] =	vst v4  }
0x3d8: {  	v4 =	vld.idx.msk [tilespmem:v5+s2+$0x0], $0xffff  }
0x3d9: {  	v5 =	vadd.s32 $0x48, v0  }
0x3da: {  	v7 =	vld.idx.msk [tilespmem:v1+s2+$0x0], $0xffff;
	[tilespmem:s16+$0xB580] =	vst v2  }
0x3db: {  	v8 =	vadd.s32 $0x18, v1;
	v6 =	vld.idx.msk [tilespmem:v6+s2+$0x0], $0xffff  }
0x3dc: {  	s21 =	simm.s32 $0x100;
	s22 =	simm.s32 $0x20;
	v9 =	vadd.s32 $0x90, v3  }
0x3dd: {  	s1 =	sand.u32 $0xC00, s21;
	s17 =	sand.u32 $0x70, s22;
	[tilespmem:s0+$0xB480] =	vst v4  }
0x3de: {  	s23 =	simm.s32 $0xBB0;
	s1 =	sor.u32 s17, s1;
	v4 =	vld.idx.msk [tilespmem:v5+s2+$0x0], $0xffff  }
0x3df: {  	v2 =	vld [tilespmem:s23+$0x0];
	[tilespmem:s1+$0xB380] =	vst v7;
	v5 =	vadd.s32 $0x60, v0  }
0x3e0: {  	v7 =	vld.idx.msk [tilespmem:v8+s2+$0x0], $0xffff;
	[tilespmem:s16+$0xB600] =	vst v6  }
0x3e1: {  	v8 =	vadd.s32 $0x30, v1;
	v6 =	vld.idx.msk [tilespmem:v9+s2+$0x0], $0xffff  }
0x3e2: {  	v9 =	vadd.s32 $0xA8, v3  }
0x3e3: {  	[tilespmem:s0+$0xB500] =	vst v4  }
0x3e4: {  	v4 =	vld.idx.msk [tilespmem:v5+s2+$0x0], $0xffff  }
0x3e5: {  	[tilespmem:s1+$0xB400] =	vst v7;
	v5 =	vadd.s32 $0x78, v0  }
0x3e6: {  	v7 =	vld.idx.msk [tilespmem:v8+s2+$0x0], $0xffff;
	[tilespmem:s16+$0xB680] =	vst v6  }
0x3e7: {  	v8 =	vadd.s32 $0x48, v1;
	v6 =	vld.idx.msk [tilespmem:v9+s2+$0x0], $0xffff  }
0x3e8: {  	v9 =	vadd.s32 $0xC0, v3  }
0x3e9: {  	v10 =	vld.idx.msk [tilespmem:v2+s2+$0x0], $0xffff;
	[tilespmem:s0+$0xB580] =	vst v4  }
0x3ea: {  	v11 =	vadd.s32 $0x18, v2;
	v5 =	vld.idx.msk [tilespmem:v5+s2+$0x0], $0xffff  }
0x3eb: {  	s24 =	simm.s32 $0x180;
	s25 =	simm.s32 $0x30;
	[tilespmem:s1+$0xB480] =	vst v7;
	v7 =	vadd.s32 $0x90, v0  }
0x3ec: {  	s17 =	sand.u32 $0xC00, s24;
	s20 =	sand.u32 $0x70, s25;
	v8 =	vld.idx.msk [tilespmem:v8+s2+$0x0], $0xffff;
	[tilespmem:s16+$0xB700] =	vst v6  }
0x3ed: {  	s26 =	simm.s32 $0xBC0;
	s17 =	sor.u32 s20, s17;
	v6 =	vld.idx.msk [tilespmem:v9+s2+$0x0], $0xffff;
	v9 =	vadd.s32 $0x60, v1  }
0x3ee: {  	v4 =	vld [tilespmem:s26+$0x0];
	[tilespmem:s17+$0xB380] =	vst v10;
	v10 =	vadd.s32 $0xD8, v3  }
0x3ef: {  	v11 =	vld.idx.msk [tilespmem:v11+s2+$0x0], $0xffff;
	[tilespmem:s0+$0xB600] =	vst v5  }
0x3f0: {  	v5 =	vld.idx.msk [tilespmem:v7+s2+$0x0], $0xffff;
	v7 =	vadd.s32 $0x30, v2  }
0x3f1: {  	[tilespmem:s1+$0xB500] =	vst v8;
	v8 =	vadd.s32 $0xA8, v0  }
0x3f2: {  	v9 =	vld.idx.msk [tilespmem:v9+s2+$0x0], $0xffff;
	[tilespmem:s16+$0xC380] =	vst v6  }
0x3f3: {  	v6 =	vld.idx.msk [tilespmem:v10+s2+$0x0], $0xffff;
	v10 =	vadd.s32 $0x78, v1  }
0x3f4: {  	[tilespmem:s17+$0xB400] =	vst v11;
	v11 =	vadd.s32 $0xF0, v3  }
0x3f5: {  	v7 =	vld.idx.msk [tilespmem:v7+s2+$0x0], $0xffff;
	[tilespmem:s0+$0xB680] =	vst v5  }
0x3f6: {  	v12 =	vadd.s32 $0x48, v2;
	v8 =	vld.idx.msk [tilespmem:v8+s2+$0x0], $0xffff  }
0x3f7: {  	v13 =	vld.idx.msk [tilespmem:v4+s2+$0x0], $0xffff;
	[tilespmem:s1+$0xB580] =	vst v9;
	v9 =	vadd.s32 $0xC0, v0  }
0x3f8: {  	v10 =	vld.idx.msk [tilespmem:v10+s2+$0x0], $0xffff;
	[tilespmem:s16+$0xC400] =	vst v6;
	v6 =	vadd.s32 $0x18, v4  }
0x3f9: {  	s28 =	simm.s32 $0x200;
	s22 =	simm.s32 $0xBD0;
	s23 =	simm.s32 $0x40;
	v11 =	vld.idx.msk [tilespmem:v11+s2+$0x0], $0xffff  }
0x3fa: {  	s20 =	sand.u32 $0xC00, s28;
	v14 =	vadd.s32 $0x90, v1;
	s24 =	sand.u32 $0x70, s23;
	v5 =	vld [tilespmem:s22+$0x0];
	[tilespmem:s17+$0xB480] =	vst v7  }
0x3fb: {  	s20 =	sor.u32 s24, s20;
	v7 =	vadd.s32 $0x108, v3;
	v12 =	vld.idx.msk [tilespmem:v12+s2+$0x0], $0xffff;
	[tilespmem:s0+$0xB700] =	vst v8  }
0x3fc: {  	[tilespmem:s20+$0xB380] =	vst v13;
	v8 =	vld.idx.msk [tilespmem:v9+s2+$0x0], $0xffff;
	v9 =	vadd.s32 $0x60, v2  }
0x3fd: {  	v13 =	vld.idx.msk [tilespmem:v6+s2+$0x0], $0xffff;
	[tilespmem:s1+$0xB600] =	vst v10;
	v10 =	vadd.s32 $0xD8, v0  }
0x3fe: {  	[tilespmem:s16+$0xC480] =	vst v11;
	v11 =	vadd.s32 $0x30, v4  }
0x3ff: {  	v14 =	vld.idx.msk [tilespmem:v14+s2+$0x0], $0xffff  }
0x400: {  	v15 =	vadd.s32 $0xA8, v1;
	[tilespmem:s17+$0xB500] =	vst v12;
	v7 =	vld.idx.msk [tilespmem:v7+s2+$0x0], $0xffff  }
0x401: {  	v12 =	vadd.s32 $0x120, v3;
	v9 =	vld.idx.msk [tilespmem:v9+s2+$0x0], $0xffff;
	[tilespmem:s0+$0xC380] =	vst v8  }
0x402: {  	v8 =	vld.idx.msk [tilespmem:v10+s2+$0x0], $0xffff;
	[tilespmem:s20+$0xB400] =	vst v13;
	v10 =	vadd.s32 $0x78, v2  }
0x403: {  	v11 =	vld.idx.msk [tilespmem:v11+s2+$0x0], $0xffff  }
0x404: {  	v17 =	vld.idx.msk [tilespmem:v5+s2+$0x0], $0xffff;
	v13 =	vadd.s32 $0xF0, v0;
	[tilespmem:s1+$0xB680] =	vst v14  }
0x405: {  	v15 =	vld.idx.msk [tilespmem:v15+s2+$0x0], $0xffff;
	[tilespmem:s16+$0xC500] =	vst v7;
	v7 =	vadd.s32 $0x48, v4  }
0x406: {  	v16 =	vadd.s32 $0xC0, v1;
	v12 =	vld.idx.msk [tilespmem:v12+s2+$0x0], $0xffff;
	[tilespmem:s17+$0xB580] =	vst v9  }
0x407: {  	s25 =	simm.s32 $0xBE0;
	v9 =	vadd.s32 $0x138, v3;
	v18 =	vld.idx.msk [tilespmem:v10+s2+$0x0], $0xffff;
	[tilespmem:s0+$0xC400] =	vst v8  }
0x408: {  	v6 =	vld [tilespmem:s25+$0x0];
	[tilespmem:s20+$0xB480] =	vst v11;
	v11 =	vadd.s32 $0x90, v2  }
0x409: {  	v19 =	vadd.s32 $0x18, v5;
	v13 =	vld.idx.msk [tilespmem:v13+s2+$0x0], $0xffff  }
0x40a: {  	v20 =	vadd.s32 $0x108, v0;
	s26 =	simm.s32 $0x280;
	s22 =	simm.s32 $0x50;
	v14 =	vld.idx.msk [tilespmem:v7+s2+$0x0], $0xffff;
	[tilespmem:s1+$0xB700] =	vst v15  }
0x40b: {  	s21 =	sand.u32 $0xC00, s26;
	s28 =	sand.u32 $0x70, s22;
	v10 =	vld.idx.msk [tilespmem:v16+s2+$0x0], $0xffff;
	[tilespmem:s16+$0xC580] =	vst v12  }
0x40c: {  	s21 =	sor.u32 s28, s21;
	v15 =	vadd.s32 $0x60, v4;
	v8 =	vld.idx.msk [tilespmem:v9+s2+$0x0], $0xffff;
	[tilespmem:s17+$0xB600] =	vst v18  }
0x40d: {  	[tilespmem:s21+$0xB380] =	vst v17;
	v12 =	vld.idx.msk [tilespmem:v11+s2+$0x0], $0xffff;
	v11 =	vadd.s32 $0xD8, v1  }
0x40e: {  	v7 =	vadd.s32 $0x150, v3;
	v16 =	vld.idx.msk [tilespmem:v19+s2+$0x0], $0xffff;
	[tilespmem:s0+$0xC480] =	vst v13  }
0x40f: {  	s23 =	simm.s32 $0x300;
	s24 =	simm.s32 $0xBF0;
	s25 =	simm.s32 $0x380;
	v17 =	vadd.s32 $0x30, v5;
	v13 =	vmov v6;
	v9 =	vld.idx.msk [tilespmem:v20+s2+$0x0], $0xffff  }
.LBB2_12:
0x410: {  	v18 =	vld [tilespmem:s24+$0x0];
	p0 =	sne.s32 s25, $0xF80;
	[tilespmem:s20+$0xB500] =	vst v14;
	v14 =	vadd.s32 $0xA8, v2;
	s26 =	smov.u32 s0;
	s0 =	smov.u32 s1  }
0x411: {  	s1 =	smov.u32 s17;
	s17 =	smov.u32 s20;
	s20 =	smov.u32 s21;
	v15 =	vld.idx.msk [tilespmem:v15+s2+$0x0], $0xffff;
	[tilespmem:s0+$0xC380] =	vst v10;
	v10 =	vadd.s32 $0x120, v0  }
0x412: {  	v11 =	vld.idx.msk [tilespmem:v11+s2+$0x0], $0xffff;
	[tilespmem:s16+$0xC600] =	vst v8  }
0x413: {  	v8 =	vadd.s32 $0x78, v4;
	[tilespmem:s20+$0xB400] =	vst v16;
	v7 =	vld.idx.msk [tilespmem:v7+s2+$0x0], $0xffff  }
0x414: {  	v16 =	vld.idx.msk [tilespmem:v17+s2+$0x0], $0xffff;
	[tilespmem:s1+$0xB680] =	vst v12;
	v12 =	vadd.s32 $0xF0, v1  }
0x415: {  	v17 =	vld.idx.msk [tilespmem:v14+s2+$0x0], $0xffff;
	[tilespmem:s26+$0xC500] =	vst v9;
	v9 =	vadd.s32 $0x168, v3;
	v3 =	vmovc v0;
	v0 =	vmovc v1;
	v1 =	vmov v2;
	v2 =	vmov v4  }
0x416: {  	v14 =	vadd.s32 $0x48, v5;
	v4 =	vmovc v5;
	v5 =	vmov v6;
	v6 =	vmov v18;
	v19 =	vld.idx.msk [tilespmem:v10+s2+$0x0], $0xffff  }
0x417: {  	v10 =	vadd.s32 $0xC0, v1;
	v20 =	vld.idx.msk [tilespmem:v13+s2+$0x0], $0xffff;
	[tilespmem:s17+$0xB580] =	vst v15;
	v13 =	vmov v18  }
0x418: {  	v18 =	vld.idx.msk [tilespmem:v8+s2+$0x0], $0xffff;
	[tilespmem:s0+$0xC400] =	vst v11;
	v8 =	vadd.s32 $0x138, v3  }
0x419: {  	v11 =	vadd.s32 $0x18, v5;
	v21 =	vld.idx.msk [tilespmem:v12+s2+$0x0], $0xffff;
	[tilespmem:s16+$0xC680] =	vst v7  }
0x41a: {  	s22 =	sadd.s32 $0x10, s22;
	v7 =	vadd.s32 $0x90, v2;
	[tilespmem:s20+$0xB480] =	vst v16;
	v22 =	vld.idx.msk [tilespmem:v9+s2+$0x0], $0xffff  }
0x41b: {  	s28 =	sand.u32 $0xC00, s23;
	s23 =	smov.u32 s25;
	s21 =	sand.u32 $0x70, s22;
	v9 =	vadd.s32 $0x108, v0;
	v14 =	vld.idx.msk [tilespmem:v14+s2+$0x0], $0xffff;
	[tilespmem:s1+$0xB700] =	vst v17  }
.Ltmp5:
0x41c: {  	s21 =	sor.u32 s21, s28;
	v10 =	vld.idx.msk [tilespmem:v10+s2+$0x0], $0xffff;
	[tilespmem:s26+$0xC580] =	vst v19;
	(pc) =	sbr.rel @p0 .LBB2_12-.Ltmp5, $4  }
0x41d: {  	v15 =	vadd.s32 $0x60, v4;
	[tilespmem:s21+$0xB380] =	vst v20;
	v8 =	vld.idx.msk [tilespmem:v8+s2+$0x0], $0xffff  }
0x41e: {  	v16 =	vld.idx.msk [tilespmem:v11+s2+$0x0], $0xffff;
	[tilespmem:s17+$0xB600] =	vst v18;
	v11 =	vadd.s32 $0xD8, v1  }
0x41f: {  	v12 =	vld.idx.msk [tilespmem:v7+s2+$0x0], $0xffff;
	[tilespmem:s0+$0xC480] =	vst v21;
	v7 =	vadd.s32 $0x150, v3  }
0x420: {  	s24 =	sadd.s32 $0x10, s24;
	s25 =	sadd.s32 $0x80, s25;
	v17 =	vadd.s32 $0x30, v5;
	v9 =	vld.idx.msk [tilespmem:v9+s2+$0x0], $0xffff;
	[tilespmem:s16+$0xC700] =	vst v22;
	s16 =	smov.u32 s26  }
0x421: {  	_ =	sdelay $0x3  }
0x422: {  	v13 =	vld.idx.msk [tilespmem:v13+s2+$0x0], $0xffff  }
0x423: {  	v18 =	vadd.s32 $0x18, v6  }
0x424: {  	s22 =	sadd.s32 $0x10, s22  }
0x425: {  	s23 =	sand.u32 $0xC00, s23;
	s22 =	sand.u32 $0x70, s22  }
0x426: {  	s22 =	sor.u32 s22, s23  }
0x427: {  	[tilespmem:s22+$0xB380] =	vst v13  }
0x428: {  	v13 =	vld.idx.msk [tilespmem:v18+s2+$0x0], $0xffff  }
0x429: {  	v18 =	vadd.s32 $0x30, v6;
	_ =	sdelay $0x2  }
0x42a: {  	[tilespmem:s21+$0xB400] =	vst v16  }
0x42b: {  	v16 =	vld.idx.msk [tilespmem:v17+s2+$0x0], $0xffff;
	[tilespmem:s22+$0xB400] =	vst v13  }
0x42c: {  	v13 =	vadd.s32 $0x48, v5;
	v17 =	vld.idx.msk [tilespmem:v18+s2+$0x0], $0xffff  }
0x42d: {  	v18 =	vadd.s32 $0x48, v6;
	_ =	sdelay $0x2  }
0x42e: {  	[tilespmem:s21+$0xB480] =	vst v16  }
0x42f: {  	v13 =	vld.idx.msk [tilespmem:v13+s2+$0x0], $0xffff;
	[tilespmem:s22+$0xB480] =	vst v17  }
0x430: {  	v16 =	vadd.s32 $0x60, v5;
	v17 =	vld.idx.msk [tilespmem:v18+s2+$0x0], $0xffff  }
0x431: {  	v18 =	vadd.s32 $0x60, v6;
	_ =	sdelay $0x1  }
0x432: {  	[tilespmem:s20+$0xB500] =	vst v14  }
0x433: {  	v14 =	vld.idx.msk [tilespmem:v15+s2+$0x0], $0xffff;
	[tilespmem:s21+$0xB500] =	vst v13  }
0x434: {  	v13 =	vadd.s32 $0x78, v4;
	v15 =	vld.idx.msk [tilespmem:v16+s2+$0x0], $0xffff;
	[tilespmem:s22+$0xB500] =	vst v17  }
0x435: {  	v16 =	vadd.s32 $0x78, v5;
	v17 =	vld.idx.msk [tilespmem:v18+s2+$0x0], $0xffff  }
0x436: {  	v18 =	vadd.s32 $0x78, v6;
	_ =	sdelay $0x1  }
0x437: {  	[tilespmem:s20+$0xB580] =	vst v14  }
0x438: {  	v13 =	vld.idx.msk [tilespmem:v13+s2+$0x0], $0xffff;
	[tilespmem:s21+$0xB580] =	vst v15  }
0x439: {  	v14 =	vadd.s32 $0x90, v4;
	v15 =	vld.idx.msk [tilespmem:v16+s2+$0x0], $0xffff;
	[tilespmem:s22+$0xB580] =	vst v17  }
0x43a: {  	v16 =	vadd.s32 $0x90, v5;
	v17 =	vld.idx.msk [tilespmem:v18+s2+$0x0], $0xffff  }
0x43b: {  	v18 =	vadd.s32 $0x90, v6;
	_ =	sdelay $0x1  }
0x43c: {  	[tilespmem:s20+$0xB600] =	vst v13  }
0x43d: {  	v13 =	vadd.s32 $0xA8, v2;
	v14 =	vld.idx.msk [tilespmem:v14+s2+$0x0], $0xffff;
	[tilespmem:s21+$0xB600] =	vst v15  }
0x43e: {  	v15 =	vadd.s32 $0xA8, v4;
	v16 =	vld.idx.msk [tilespmem:v16+s2+$0x0], $0xffff;
	[tilespmem:s22+$0xB600] =	vst v17  }
0x43f: {  	v17 =	vadd.s32 $0xA8, v5;
	v18 =	vld.idx.msk [tilespmem:v18+s2+$0x0], $0xffff  }
0x440: {  	v19 =	vadd.s32 $0xA8, v6  }
0x441: {  	[tilespmem:s17+$0xB680] =	vst v12  }
0x442: {  	v12 =	vld.idx.msk [tilespmem:v13+s2+$0x0], $0xffff;
	[tilespmem:s20+$0xB680] =	vst v14  }
0x443: {  	v13 =	vadd.s32 $0xC0, v2;
	v14 =	vld.idx.msk [tilespmem:v15+s2+$0x0], $0xffff;
	[tilespmem:s21+$0xB680] =	vst v16  }
0x444: {  	v15 =	vadd.s32 $0xC0, v4;
	v16 =	vld.idx.msk [tilespmem:v17+s2+$0x0], $0xffff;
	[tilespmem:s22+$0xB680] =	vst v18  }
0x445: {  	v17 =	vadd.s32 $0xC0, v5;
	v18 =	vld.idx.msk [tilespmem:v19+s2+$0x0], $0xffff  }
0x446: {  	v19 =	vadd.s32 $0xC0, v6  }
0x447: {  	[tilespmem:s17+$0xB700] =	vst v12  }
0x448: {  	v12 =	vld.idx.msk [tilespmem:v13+s2+$0x0], $0xffff;
	[tilespmem:s20+$0xB700] =	vst v14  }
0x449: {  	v13 =	vadd.s32 $0xD8, v2;
	v14 =	vld.idx.msk [tilespmem:v15+s2+$0x0], $0xffff;
	[tilespmem:s21+$0xB700] =	vst v16  }
0x44a: {  	v15 =	vadd.s32 $0xD8, v4;
	v16 =	vld.idx.msk [tilespmem:v17+s2+$0x0], $0xffff;
	[tilespmem:s22+$0xB700] =	vst v18  }
0x44b: {  	[tilespmem:s1+$0xC380] =	vst v10;
	v10 =	vadd.s32 $0xD8, v5;
	v17 =	vld.idx.msk [tilespmem:v19+s2+$0x0], $0xffff  }
0x44c: {  	[tilespmem:s16+$0xC600] =	vst v8;
	v8 =	vadd.s32 $0xD8, v6  }
0x44d: {  	v11 =	vld.idx.msk [tilespmem:v11+s2+$0x0], $0xffff;
	[tilespmem:s17+$0xC380] =	vst v12  }
0x44e: {  	v12 =	vadd.s32 $0xF0, v1;
	v13 =	vld.idx.msk [tilespmem:v13+s2+$0x0], $0xffff;
	[tilespmem:s20+$0xC380] =	vst v14  }
0x44f: {  	v14 =	vadd.s32 $0xF0, v2;
	v15 =	vld.idx.msk [tilespmem:v15+s2+$0x0], $0xffff;
	[tilespmem:s21+$0xC380] =	vst v16  }
0x450: {  	v16 =	vadd.s32 $0xF0, v4;
	v10 =	vld.idx.msk [tilespmem:v10+s2+$0x0], $0xffff;
	[tilespmem:s22+$0xC380] =	vst v17  }
0x451: {  	[tilespmem:s0+$0xC500] =	vst v9;
	v9 =	vadd.s32 $0xF0, v5;
	v8 =	vld.idx.msk [tilespmem:v8+s2+$0x0], $0xffff  }
0x452: {  	v7 =	vld.idx.msk [tilespmem:v7+s2+$0x0], $0xffff;
	[tilespmem:s1+$0xC400] =	vst v11;
	v11 =	vadd.s32 $0xF0, v6  }
0x453: {  	v12 =	vld.idx.msk [tilespmem:v12+s2+$0x0], $0xffff;
	v17 =	vadd.s32 $0x120, v0;
	[tilespmem:s17+$0xC400] =	vst v13  }
0x454: {  	v13 =	vadd.s32 $0x108, v1;
	v14 =	vld.idx.msk [tilespmem:v14+s2+$0x0], $0xffff;
	[tilespmem:s20+$0xC400] =	vst v15  }
0x455: {  	v15 =	vadd.s32 $0x108, v2;
	v16 =	vld.idx.msk [tilespmem:v16+s2+$0x0], $0xffff;
	[tilespmem:s21+$0xC400] =	vst v10  }
0x456: {  	v10 =	vadd.s32 $0x108, v4;
	v9 =	vld.idx.msk [tilespmem:v9+s2+$0x0], $0xffff;
	[tilespmem:s22+$0xC400] =	vst v8  }
0x457: {  	[tilespmem:s16+$0xC680] =	vst v7;
	v7 =	vadd.s32 $0x108, v5;
	v8 =	vld.idx.msk [tilespmem:v11+s2+$0x0], $0xffff  }
0x458: {  	[tilespmem:s1+$0xC480] =	vst v12;
	v12 =	vadd.s32 $0x108, v6;
	v11 =	vld.idx.msk [tilespmem:v17+s2+$0x0], $0xffff  }
0x459: {  	v3 =	vadd.s32 $0x168, v3;
	v13 =	vld.idx.msk [tilespmem:v13+s2+$0x0], $0xffff;
	[tilespmem:s17+$0xC480] =	vst v14  }
0x45a: {  	v14 =	vadd.s32 $0x120, v1;
	v15 =	vld.idx.msk [tilespmem:v15+s2+$0x0], $0xffff;
	[tilespmem:s20+$0xC480] =	vst v16  }
0x45b: {  	v16 =	vadd.s32 $0x120, v2;
	v10 =	vld.idx.msk [tilespmem:v10+s2+$0x0], $0xffff;
	[tilespmem:s21+$0xC480] =	vst v9  }
0x45c: {  	v9 =	vadd.s32 $0x120, v4;
	v7 =	vld.idx.msk [tilespmem:v7+s2+$0x0], $0xffff;
	[tilespmem:s22+$0xC480] =	vst v8  }
0x45d: {  	[tilespmem:s0+$0xC580] =	vst v11;
	v8 =	vadd.s32 $0x120, v5;
	v11 =	vld.idx.msk [tilespmem:v12+s2+$0x0], $0xffff  }
0x45e: {  	v3 =	vld.idx.msk [tilespmem:v3+s2+$0x0], $0xffff;
	[tilespmem:s1+$0xC500] =	vst v13;
	v12 =	vadd.s32 $0x120, v6  }
0x45f: {  	v13 =	vadd.s32 $0x138, v0;
	v14 =	vld.idx.msk [tilespmem:v14+s2+$0x0], $0xffff;
	[tilespmem:s17+$0xC500] =	vst v15  }
0x460: {  	v15 =	vadd.s32 $0x138, v1;
	v16 =	vld.idx.msk [tilespmem:v16+s2+$0x0], $0xffff;
	[tilespmem:s20+$0xC500] =	vst v10  }
0x461: {  	v10 =	vadd.s32 $0x138, v2;
	v9 =	vld.idx.msk [tilespmem:v9+s2+$0x0], $0xffff;
	[tilespmem:s21+$0xC500] =	vst v7  }
0x462: {  	v7 =	vadd.s32 $0x138, v4;
	v8 =	vld.idx.msk [tilespmem:v8+s2+$0x0], $0xffff;
	[tilespmem:s22+$0xC500] =	vst v11  }
0x463: {  	[tilespmem:s16+$0xC700] =	vst v3;
	v3 =	vadd.s32 $0x138, v5;
	v11 =	vld.idx.msk [tilespmem:v12+s2+$0x0], $0xffff  }
0x464: {  	[tilespmem:s1+$0xC580] =	vst v14;
	v12 =	vld.idx.msk [tilespmem:v13+s2+$0x0], $0xffff;
	v13 =	vadd.s32 $0x138, v6  }
0x465: {  	v14 =	vadd.s32 $0x150, v0;
	v15 =	vld.idx.msk [tilespmem:v15+s2+$0x0], $0xffff;
	[tilespmem:s17+$0xC580] =	vst v16  }
0x466: {  	v16 =	vadd.s32 $0x150, v1;
	v10 =	vld.idx.msk [tilespmem:v10+s2+$0x0], $0xffff;
	[tilespmem:s20+$0xC580] =	vst v9  }
0x467: {  	v9 =	vadd.s32 $0x150, v2;
	v7 =	vld.idx.msk [tilespmem:v7+s2+$0x0], $0xffff;
	[tilespmem:s21+$0xC580] =	vst v8  }
0x468: {  	v8 =	vadd.s32 $0x150, v4;
	v3 =	vld.idx.msk [tilespmem:v3+s2+$0x0], $0xffff;
	[tilespmem:s22+$0xC580] =	vst v11  }
0x469: {  	[tilespmem:s0+$0xC600] =	vst v12;
	v11 =	vadd.s32 $0x150, v5;
	v12 =	vld.idx.msk [tilespmem:v13+s2+$0x0], $0xffff  }
0x46a: {  	[tilespmem:s1+$0xC600] =	vst v15;
	v13 =	vld.idx.msk [tilespmem:v14+s2+$0x0], $0xffff;
	v14 =	vadd.s32 $0x150, v6  }
0x46b: {  	v0 =	vadd.s32 $0x168, v0;
	v15 =	vld.idx.msk [tilespmem:v16+s2+$0x0], $0xffff;
	[tilespmem:s17+$0xC600] =	vst v10  }
0x46c: {  	v1 =	vadd.s32 $0x168, v1;
	v9 =	vld.idx.msk [tilespmem:v9+s2+$0x0], $0xffff;
	[tilespmem:s20+$0xC600] =	vst v7  }
0x46d: {  	v2 =	vadd.s32 $0x168, v2;
	v7 =	vld.idx.msk [tilespmem:v8+s2+$0x0], $0xffff;
	[tilespmem:s21+$0xC600] =	vst v3  }
0x46e: {  	v3 =	vadd.s32 $0x168, v4;
	v4 =	vld.idx.msk [tilespmem:v11+s2+$0x0], $0xffff;
	[tilespmem:s22+$0xC600] =	vst v12  }
0x46f: {  	v5 =	vadd.s32 $0x168, v5;
	[tilespmem:s0+$0xC680] =	vst v13;
	v8 =	vld.idx.msk [tilespmem:v14+s2+$0x0], $0xffff  }
0x470: {  	v6 =	vadd.s32 $0x168, v6;
	[tilespmem:s1+$0xC680] =	vst v15;
	v0 =	vld.idx.msk [tilespmem:v0+s2+$0x0], $0xffff  }
0x471: {  	v1 =	vld.idx.msk [tilespmem:v1+s2+$0x0], $0xffff;
	[tilespmem:s17+$0xC680] =	vst v9  }
0x472: {  	v2 =	vld.idx.msk [tilespmem:v2+s2+$0x0], $0xffff;
	[tilespmem:s20+$0xC680] =	vst v7  }
0x473: {  	v3 =	vld.idx.msk [tilespmem:v3+s2+$0x0], $0xffff;
	[tilespmem:s21+$0xC680] =	vst v4  }
0x474: {  	v4 =	vld.idx.msk [tilespmem:v5+s2+$0x0], $0xffff;
	[tilespmem:s22+$0xC680] =	vst v8  }
0x475: {  	[tilespmem:s0+$0xC700] =	vst v0;
	v0 =	vld.idx.msk [tilespmem:v6+s2+$0x0], $0xffff  }
0x476: {  	[tilespmem:s1+$0xC700] =	vst v1  }
0x477: {  	[tilespmem:s17+$0xC700] =	vst v2  }
0x478: {  	[tilespmem:s20+$0xC700] =	vst v3  }
0x479: {  	[tilespmem:s21+$0xC700] =	vst v4  }
0x47a: {  	s23 =	simm.s32 $0xD80;
	[tilespmem:s22+$0xC700] =	vst v0;
	s22 =	simm.s32 $0xB380  }
0x47b: {  	[hbm4b:s10+s18] =	stream.strided.scatter [tilespmem:s22], [sflag:$0x1], $0x2000, s19, s18, $0x38;
	[tilespmem:$0x13380] =	vst v63  }
0x47c: {  	v3 =	vld [tilespmem:s23+$0x0];
	_ =	sdelay $0x7  }
0x47d: {  	v0 =	vld.idx.msk [tilespmem:v3+s2+$0x0], $0xffff  }
0x47e: {  	v1 =	vadd.s32 $0x18, v3  }
0x47f: {  	s24 =	simm.s32 $0x0  }
0x480: {  	s25 =	sand.u32 $0x70, s24;
	s0 =	sand.u32 $0xC00, s24  }
0x481: {  	s16 =	sor.u32 s25, s0  }
0x482: {  	[tilespmem:s16+$0xD380] =	vst v0  }
0x483: {  	s26 =	simm.s32 $0xD90;
	v1 =	vld.idx.msk [tilespmem:v1+s2+$0x0], $0xffff  }
0x484: {  	v2 =	vadd.s32 $0x30, v3;
	v0 =	vld [tilespmem:s26+$0x0];
	_ =	sdelay $0x3  }
0x485: {  	[tilespmem:s16+$0xD400] =	vst v1  }
0x486: {  	v1 =	vld.idx.msk [tilespmem:v2+s2+$0x0], $0xffff  }
0x487: {  	v2 =	vadd.s32 $0x48, v3;
	_ =	sdelay $0x1  }
0x488: {  	v4 =	vld.idx.msk [tilespmem:v0+s2+$0x0], $0xffff  }
0x489: {  	v5 =	vadd.s32 $0x18, v0  }
0x48a: {  	s28 =	simm.s32 $0x80;
	s17 =	simm.s32 $0x10;
	[tilespmem:s16+$0xD480] =	vst v1  }
0x48b: {  	s1 =	sand.u32 $0x70, s17;
	s0 =	sand.u32 $0xC00, s28;
	v2 =	vld.idx.msk [tilespmem:v2+s2+$0x0], $0xffff  }
0x48c: {  	s20 =	simm.s32 $0xDA0;
	s0 =	sor.u32 s1, s0;
	v6 =	vadd.s32 $0x60, v3  }
0x48d: {  	v1 =	vld [tilespmem:s20+$0x0];
	[tilespmem:s0+$0xD380] =	vst v4  }
0x48e: {  	v4 =	vld.idx.msk [tilespmem:v5+s2+$0x0], $0xffff  }
0x48f: {  	v5 =	vadd.s32 $0x30, v0  }
0x490: {  	[tilespmem:s16+$0xD500] =	vst v2  }
0x491: {  	v2 =	vld.idx.msk [tilespmem:v6+s2+$0x0], $0xffff  }
0x492: {  	v6 =	vadd.s32 $0x78, v3  }
0x493: {  	[tilespmem:s0+$0xD400] =	vst v4  }
0x494: {  	v4 =	vld.idx.msk [tilespmem:v5+s2+$0x0], $0xffff  }
0x495: {  	v5 =	vadd.s32 $0x48, v0  }
0x496: {  	v7 =	vld.idx.msk [tilespmem:v1+s2+$0x0], $0xffff;
	[tilespmem:s16+$0xD580] =	vst v2  }
0x497: {  	v8 =	vadd.s32 $0x18, v1;
	v6 =	vld.idx.msk [tilespmem:v6+s2+$0x0], $0xffff  }
0x498: {  	s21 =	simm.s32 $0x100;
	s22 =	simm.s32 $0x20;
	v9 =	vadd.s32 $0x90, v3  }
0x499: {  	s1 =	sand.u32 $0xC00, s21;
	s17 =	sand.u32 $0x70, s22;
	[tilespmem:s0+$0xD480] =	vst v4  }
0x49a: {  	s23 =	simm.s32 $0xDB0;
	s1 =	sor.u32 s17, s1;
	v4 =	vld.idx.msk [tilespmem:v5+s2+$0x0], $0xffff  }
0x49b: {  	v2 =	vld [tilespmem:s23+$0x0];
	[tilespmem:s1+$0xD380] =	vst v7;
	v5 =	vadd.s32 $0x60, v0  }
0x49c: {  	v7 =	vld.idx.msk [tilespmem:v8+s2+$0x0], $0xffff;
	[tilespmem:s16+$0xD600] =	vst v6  }
0x49d: {  	v8 =	vadd.s32 $0x30, v1;
	v6 =	vld.idx.msk [tilespmem:v9+s2+$0x0], $0xffff  }
0x49e: {  	v9 =	vadd.s32 $0xA8, v3  }
0x49f: {  	[tilespmem:s0+$0xD500] =	vst v4  }
0x4a0: {  	v4 =	vld.idx.msk [tilespmem:v5+s2+$0x0], $0xffff  }
0x4a1: {  	[tilespmem:s1+$0xD400] =	vst v7;
	v5 =	vadd.s32 $0x78, v0  }
0x4a2: {  	v7 =	vld.idx.msk [tilespmem:v8+s2+$0x0], $0xffff;
	[tilespmem:s16+$0xD680] =	vst v6  }
0x4a3: {  	v8 =	vadd.s32 $0x48, v1;
	v6 =	vld.idx.msk [tilespmem:v9+s2+$0x0], $0xffff  }
0x4a4: {  	v9 =	vadd.s32 $0xC0, v3  }
0x4a5: {  	v10 =	vld.idx.msk [tilespmem:v2+s2+$0x0], $0xffff;
	[tilespmem:s0+$0xD580] =	vst v4  }
0x4a6: {  	v11 =	vadd.s32 $0x18, v2;
	v5 =	vld.idx.msk [tilespmem:v5+s2+$0x0], $0xffff  }
0x4a7: {  	s24 =	simm.s32 $0x180;
	s25 =	simm.s32 $0x30;
	[tilespmem:s1+$0xD480] =	vst v7;
	v7 =	vadd.s32 $0x90, v0  }
0x4a8: {  	s17 =	sand.u32 $0xC00, s24;
	s20 =	sand.u32 $0x70, s25;
	v8 =	vld.idx.msk [tilespmem:v8+s2+$0x0], $0xffff;
	[tilespmem:s16+$0xD700] =	vst v6  }
0x4a9: {  	s26 =	simm.s32 $0xDC0;
	s17 =	sor.u32 s20, s17;
	v6 =	vld.idx.msk [tilespmem:v9+s2+$0x0], $0xffff;
	v9 =	vadd.s32 $0x60, v1  }
0x4aa: {  	v4 =	vld [tilespmem:s26+$0x0];
	[tilespmem:s17+$0xD380] =	vst v10;
	v10 =	vadd.s32 $0xD8, v3  }
0x4ab: {  	v11 =	vld.idx.msk [tilespmem:v11+s2+$0x0], $0xffff;
	[tilespmem:s0+$0xD600] =	vst v5  }
0x4ac: {  	v5 =	vld.idx.msk [tilespmem:v7+s2+$0x0], $0xffff;
	v7 =	vadd.s32 $0x30, v2  }
0x4ad: {  	[tilespmem:s1+$0xD500] =	vst v8;
	v8 =	vadd.s32 $0xA8, v0  }
0x4ae: {  	v9 =	vld.idx.msk [tilespmem:v9+s2+$0x0], $0xffff;
	[tilespmem:s16+$0xE380] =	vst v6  }
0x4af: {  	v6 =	vld.idx.msk [tilespmem:v10+s2+$0x0], $0xffff;
	v10 =	vadd.s32 $0x78, v1  }
0x4b0: {  	[tilespmem:s17+$0xD400] =	vst v11;
	v11 =	vadd.s32 $0xF0, v3  }
0x4b1: {  	v7 =	vld.idx.msk [tilespmem:v7+s2+$0x0], $0xffff;
	[tilespmem:s0+$0xD680] =	vst v5  }
0x4b2: {  	v12 =	vadd.s32 $0x48, v2;
	v8 =	vld.idx.msk [tilespmem:v8+s2+$0x0], $0xffff  }
0x4b3: {  	v13 =	vld.idx.msk [tilespmem:v4+s2+$0x0], $0xffff;
	[tilespmem:s1+$0xD580] =	vst v9;
	v9 =	vadd.s32 $0xC0, v0  }
0x4b4: {  	v10 =	vld.idx.msk [tilespmem:v10+s2+$0x0], $0xffff;
	[tilespmem:s16+$0xE400] =	vst v6;
	v6 =	vadd.s32 $0x18, v4  }
0x4b5: {  	s28 =	simm.s32 $0x200;
	s22 =	simm.s32 $0xDD0;
	s23 =	simm.s32 $0x40;
	v11 =	vld.idx.msk [tilespmem:v11+s2+$0x0], $0xffff  }
0x4b6: {  	s20 =	sand.u32 $0xC00, s28;
	v14 =	vadd.s32 $0x90, v1;
	s24 =	sand.u32 $0x70, s23;
	v5 =	vld [tilespmem:s22+$0x0];
	[tilespmem:s17+$0xD480] =	vst v7  }
0x4b7: {  	s20 =	sor.u32 s24, s20;
	v7 =	vadd.s32 $0x108, v3;
	v12 =	vld.idx.msk [tilespmem:v12+s2+$0x0], $0xffff;
	[tilespmem:s0+$0xD700] =	vst v8  }
0x4b8: {  	[tilespmem:s20+$0xD380] =	vst v13;
	v8 =	vld.idx.msk [tilespmem:v9+s2+$0x0], $0xffff;
	v9 =	vadd.s32 $0x60, v2  }
0x4b9: {  	v13 =	vld.idx.msk [tilespmem:v6+s2+$0x0], $0xffff;
	[tilespmem:s1+$0xD600] =	vst v10;
	v10 =	vadd.s32 $0xD8, v0  }
0x4ba: {  	[tilespmem:s16+$0xE480] =	vst v11;
	v11 =	vadd.s32 $0x30, v4  }
0x4bb: {  	v14 =	vld.idx.msk [tilespmem:v14+s2+$0x0], $0xffff  }
0x4bc: {  	v15 =	vadd.s32 $0xA8, v1;
	[tilespmem:s17+$0xD500] =	vst v12;
	v7 =	vld.idx.msk [tilespmem:v7+s2+$0x0], $0xffff  }
0x4bd: {  	v12 =	vadd.s32 $0x120, v3;
	v9 =	vld.idx.msk [tilespmem:v9+s2+$0x0], $0xffff;
	[tilespmem:s0+$0xE380] =	vst v8  }
0x4be: {  	v8 =	vld.idx.msk [tilespmem:v10+s2+$0x0], $0xffff;
	[tilespmem:s20+$0xD400] =	vst v13;
	v10 =	vadd.s32 $0x78, v2  }
0x4bf: {  	v11 =	vld.idx.msk [tilespmem:v11+s2+$0x0], $0xffff  }
0x4c0: {  	v17 =	vld.idx.msk [tilespmem:v5+s2+$0x0], $0xffff;
	v13 =	vadd.s32 $0xF0, v0;
	[tilespmem:s1+$0xD680] =	vst v14  }
0x4c1: {  	v15 =	vld.idx.msk [tilespmem:v15+s2+$0x0], $0xffff;
	[tilespmem:s16+$0xE500] =	vst v7;
	v7 =	vadd.s32 $0x48, v4  }
0x4c2: {  	v16 =	vadd.s32 $0xC0, v1;
	v12 =	vld.idx.msk [tilespmem:v12+s2+$0x0], $0xffff;
	[tilespmem:s17+$0xD580] =	vst v9  }
0x4c3: {  	s25 =	simm.s32 $0xDE0;
	v9 =	vadd.s32 $0x138, v3;
	v18 =	vld.idx.msk [tilespmem:v10+s2+$0x0], $0xffff;
	[tilespmem:s0+$0xE400] =	vst v8  }
0x4c4: {  	v6 =	vld [tilespmem:s25+$0x0];
	[tilespmem:s20+$0xD480] =	vst v11;
	v11 =	vadd.s32 $0x90, v2  }
0x4c5: {  	v19 =	vadd.s32 $0x18, v5;
	v13 =	vld.idx.msk [tilespmem:v13+s2+$0x0], $0xffff  }
0x4c6: {  	v20 =	vadd.s32 $0x108, v0;
	s26 =	simm.s32 $0x280;
	s22 =	simm.s32 $0x50;
	v14 =	vld.idx.msk [tilespmem:v7+s2+$0x0], $0xffff;
	[tilespmem:s1+$0xD700] =	vst v15  }
0x4c7: {  	s21 =	sand.u32 $0xC00, s26;
	s28 =	sand.u32 $0x70, s22;
	v10 =	vld.idx.msk [tilespmem:v16+s2+$0x0], $0xffff;
	[tilespmem:s16+$0xE580] =	vst v12  }
0x4c8: {  	s21 =	sor.u32 s28, s21;
	v15 =	vadd.s32 $0x60, v4;
	v8 =	vld.idx.msk [tilespmem:v9+s2+$0x0], $0xffff;
	[tilespmem:s17+$0xD600] =	vst v18  }
0x4c9: {  	[tilespmem:s21+$0xD380] =	vst v17;
	v12 =	vld.idx.msk [tilespmem:v11+s2+$0x0], $0xffff;
	v11 =	vadd.s32 $0xD8, v1  }
0x4ca: {  	v7 =	vadd.s32 $0x150, v3;
	v16 =	vld.idx.msk [tilespmem:v19+s2+$0x0], $0xffff;
	[tilespmem:s0+$0xE480] =	vst v13  }
0x4cb: {  	s23 =	simm.s32 $0x300;
	s24 =	simm.s32 $0xDF0;
	s25 =	simm.s32 $0x380;
	v17 =	vadd.s32 $0x30, v5;
	v13 =	vmov v6;
	v9 =	vld.idx.msk [tilespmem:v20+s2+$0x0], $0xffff  }
.LBB2_14:
0x4cc: {  	v18 =	vld [tilespmem:s24+$0x0];
	p0 =	sne.s32 s25, $0xF80;
	[tilespmem:s20+$0xD500] =	vst v14;
	v14 =	vadd.s32 $0xA8, v2;
	s26 =	smov.u32 s0;
	s0 =	smov.u32 s1  }
0x4cd: {  	s1 =	smov.u32 s17;
	s17 =	smov.u32 s20;
	s20 =	smov.u32 s21;
	v15 =	vld.idx.msk [tilespmem:v15+s2+$0x0], $0xffff;
	[tilespmem:s0+$0xE380] =	vst v10;
	v10 =	vadd.s32 $0x120, v0  }
0x4ce: {  	v11 =	vld.idx.msk [tilespmem:v11+s2+$0x0], $0xffff;
	[tilespmem:s16+$0xE600] =	vst v8  }
0x4cf: {  	v8 =	vadd.s32 $0x78, v4;
	[tilespmem:s20+$0xD400] =	vst v16;
	v7 =	vld.idx.msk [tilespmem:v7+s2+$0x0], $0xffff  }
0x4d0: {  	v16 =	vld.idx.msk [tilespmem:v17+s2+$0x0], $0xffff;
	[tilespmem:s1+$0xD680] =	vst v12;
	v12 =	vadd.s32 $0xF0, v1  }
0x4d1: {  	v17 =	vld.idx.msk [tilespmem:v14+s2+$0x0], $0xffff;
	[tilespmem:s26+$0xE500] =	vst v9;
	v9 =	vadd.s32 $0x168, v3;
	v3 =	vmovc v0;
	v0 =	vmovc v1;
	v1 =	vmov v2;
	v2 =	vmov v4  }
0x4d2: {  	v14 =	vadd.s32 $0x48, v5;
	v4 =	vmovc v5;
	v5 =	vmov v6;
	v6 =	vmov v18;
	v19 =	vld.idx.msk [tilespmem:v10+s2+$0x0], $0xffff  }
0x4d3: {  	v10 =	vadd.s32 $0xC0, v1;
	v20 =	vld.idx.msk [tilespmem:v13+s2+$0x0], $0xffff;
	[tilespmem:s17+$0xD580] =	vst v15;
	v13 =	vmov v18  }
0x4d4: {  	v18 =	vld.idx.msk [tilespmem:v8+s2+$0x0], $0xffff;
	[tilespmem:s0+$0xE400] =	vst v11;
	v8 =	vadd.s32 $0x138, v3  }
0x4d5: {  	v11 =	vadd.s32 $0x18, v5;
	v21 =	vld.idx.msk [tilespmem:v12+s2+$0x0], $0xffff;
	[tilespmem:s16+$0xE680] =	vst v7  }
0x4d6: {  	s22 =	sadd.s32 $0x10, s22;
	v7 =	vadd.s32 $0x90, v2;
	[tilespmem:s20+$0xD480] =	vst v16;
	v22 =	vld.idx.msk [tilespmem:v9+s2+$0x0], $0xffff  }
0x4d7: {  	s28 =	sand.u32 $0xC00, s23;
	s23 =	smov.u32 s25;
	s21 =	sand.u32 $0x70, s22;
	v9 =	vadd.s32 $0x108, v0;
	v14 =	vld.idx.msk [tilespmem:v14+s2+$0x0], $0xffff;
	[tilespmem:s1+$0xD700] =	vst v17  }
.Ltmp6:
0x4d8: {  	s21 =	sor.u32 s21, s28;
	v10 =	vld.idx.msk [tilespmem:v10+s2+$0x0], $0xffff;
	[tilespmem:s26+$0xE580] =	vst v19;
	(pc) =	sbr.rel @p0 .LBB2_14-.Ltmp6, $4  }
0x4d9: {  	v15 =	vadd.s32 $0x60, v4;
	[tilespmem:s21+$0xD380] =	vst v20;
	v8 =	vld.idx.msk [tilespmem:v8+s2+$0x0], $0xffff  }
0x4da: {  	v16 =	vld.idx.msk [tilespmem:v11+s2+$0x0], $0xffff;
	[tilespmem:s17+$0xD600] =	vst v18;
	v11 =	vadd.s32 $0xD8, v1  }
0x4db: {  	v12 =	vld.idx.msk [tilespmem:v7+s2+$0x0], $0xffff;
	[tilespmem:s0+$0xE480] =	vst v21;
	v7 =	vadd.s32 $0x150, v3  }
0x4dc: {  	s24 =	sadd.s32 $0x10, s24;
	s25 =	sadd.s32 $0x80, s25;
	v17 =	vadd.s32 $0x30, v5;
	v9 =	vld.idx.msk [tilespmem:v9+s2+$0x0], $0xffff;
	[tilespmem:s16+$0xE700] =	vst v22;
	s16 =	smov.u32 s26  }
0x4dd: {  	_ =	sdelay $0x3  }
0x4de: {  	v13 =	vld.idx.msk [tilespmem:v13+s2+$0x0], $0xffff  }
0x4df: {  	v18 =	vadd.s32 $0x18, v6  }
0x4e0: {  	s22 =	sadd.s32 $0x10, s22  }
0x4e1: {  	s23 =	sand.u32 $0xC00, s23;
	s22 =	sand.u32 $0x70, s22  }
0x4e2: {  	s22 =	sor.u32 s22, s23  }
0x4e3: {  	[tilespmem:s22+$0xD380] =	vst v13  }
0x4e4: {  	v13 =	vld.idx.msk [tilespmem:v18+s2+$0x0], $0xffff  }
0x4e5: {  	v18 =	vadd.s32 $0x30, v6;
	_ =	sdelay $0x2  }
0x4e6: {  	[tilespmem:s21+$0xD400] =	vst v16  }
0x4e7: {  	v16 =	vld.idx.msk [tilespmem:v17+s2+$0x0], $0xffff;
	[tilespmem:s22+$0xD400] =	vst v13  }
0x4e8: {  	v13 =	vadd.s32 $0x48, v5;
	v17 =	vld.idx.msk [tilespmem:v18+s2+$0x0], $0xffff  }
0x4e9: {  	v18 =	vadd.s32 $0x48, v6;
	_ =	sdelay $0x2  }
0x4ea: {  	[tilespmem:s21+$0xD480] =	vst v16  }
0x4eb: {  	v13 =	vld.idx.msk [tilespmem:v13+s2+$0x0], $0xffff;
	[tilespmem:s22+$0xD480] =	vst v17  }
0x4ec: {  	v16 =	vadd.s32 $0x60, v5;
	v17 =	vld.idx.msk [tilespmem:v18+s2+$0x0], $0xffff  }
0x4ed: {  	v18 =	vadd.s32 $0x60, v6;
	_ =	sdelay $0x1  }
0x4ee: {  	[tilespmem:s20+$0xD500] =	vst v14  }
0x4ef: {  	v14 =	vld.idx.msk [tilespmem:v15+s2+$0x0], $0xffff;
	[tilespmem:s21+$0xD500] =	vst v13  }
0x4f0: {  	v13 =	vadd.s32 $0x78, v4;
	v15 =	vld.idx.msk [tilespmem:v16+s2+$0x0], $0xffff;
	[tilespmem:s22+$0xD500] =	vst v17  }
0x4f1: {  	v16 =	vadd.s32 $0x78, v5;
	v17 =	vld.idx.msk [tilespmem:v18+s2+$0x0], $0xffff  }
0x4f2: {  	v18 =	vadd.s32 $0x78, v6;
	_ =	sdelay $0x1  }
0x4f3: {  	[tilespmem:s20+$0xD580] =	vst v14  }
0x4f4: {  	v13 =	vld.idx.msk [tilespmem:v13+s2+$0x0], $0xffff;
	[tilespmem:s21+$0xD580] =	vst v15  }
0x4f5: {  	v14 =	vadd.s32 $0x90, v4;
	v15 =	vld.idx.msk [tilespmem:v16+s2+$0x0], $0xffff;
	[tilespmem:s22+$0xD580] =	vst v17  }
0x4f6: {  	v16 =	vadd.s32 $0x90, v5;
	v17 =	vld.idx.msk [tilespmem:v18+s2+$0x0], $0xffff  }
0x4f7: {  	v18 =	vadd.s32 $0x90, v6;
	_ =	sdelay $0x1  }
0x4f8: {  	[tilespmem:s20+$0xD600] =	vst v13  }
0x4f9: {  	v13 =	vadd.s32 $0xA8, v2;
	v14 =	vld.idx.msk [tilespmem:v14+s2+$0x0], $0xffff;
	[tilespmem:s21+$0xD600] =	vst v15  }
0x4fa: {  	v15 =	vadd.s32 $0xA8, v4;
	v16 =	vld.idx.msk [tilespmem:v16+s2+$0x0], $0xffff;
	[tilespmem:s22+$0xD600] =	vst v17  }
0x4fb: {  	v17 =	vadd.s32 $0xA8, v5;
	v18 =	vld.idx.msk [tilespmem:v18+s2+$0x0], $0xffff  }
0x4fc: {  	v19 =	vadd.s32 $0xA8, v6  }
0x4fd: {  	[tilespmem:s17+$0xD680] =	vst v12  }
0x4fe: {  	v12 =	vld.idx.msk [tilespmem:v13+s2+$0x0], $0xffff;
	[tilespmem:s20+$0xD680] =	vst v14  }
0x4ff: {  	v13 =	vadd.s32 $0xC0, v2;
	v14 =	vld.idx.msk [tilespmem:v15+s2+$0x0], $0xffff;
	[tilespmem:s21+$0xD680] =	vst v16  }
0x500: {  	v15 =	vadd.s32 $0xC0, v4;
	v16 =	vld.idx.msk [tilespmem:v17+s2+$0x0], $0xffff;
	[tilespmem:s22+$0xD680] =	vst v18  }
0x501: {  	v17 =	vadd.s32 $0xC0, v5;
	v18 =	vld.idx.msk [tilespmem:v19+s2+$0x0], $0xffff  }
0x502: {  	v19 =	vadd.s32 $0xC0, v6  }
0x503: {  	[tilespmem:s17+$0xD700] =	vst v12  }
0x504: {  	v12 =	vld.idx.msk [tilespmem:v13+s2+$0x0], $0xffff;
	[tilespmem:s20+$0xD700] =	vst v14  }
0x505: {  	v13 =	vadd.s32 $0xD8, v2;
	v14 =	vld.idx.msk [tilespmem:v15+s2+$0x0], $0xffff;
	[tilespmem:s21+$0xD700] =	vst v16  }
0x506: {  	v15 =	vadd.s32 $0xD8, v4;
	v16 =	vld.idx.msk [tilespmem:v17+s2+$0x0], $0xffff;
	[tilespmem:s22+$0xD700] =	vst v18  }
0x507: {  	[tilespmem:s1+$0xE380] =	vst v10;
	v10 =	vadd.s32 $0xD8, v5;
	v17 =	vld.idx.msk [tilespmem:v19+s2+$0x0], $0xffff  }
0x508: {  	[tilespmem:s16+$0xE600] =	vst v8;
	v8 =	vadd.s32 $0xD8, v6  }
0x509: {  	v11 =	vld.idx.msk [tilespmem:v11+s2+$0x0], $0xffff;
	[tilespmem:s17+$0xE380] =	vst v12  }
0x50a: {  	v12 =	vadd.s32 $0xF0, v1;
	v13 =	vld.idx.msk [tilespmem:v13+s2+$0x0], $0xffff;
	[tilespmem:s20+$0xE380] =	vst v14  }
0x50b: {  	v14 =	vadd.s32 $0xF0, v2;
	v15 =	vld.idx.msk [tilespmem:v15+s2+$0x0], $0xffff;
	[tilespmem:s21+$0xE380] =	vst v16  }
0x50c: {  	v16 =	vadd.s32 $0xF0, v4;
	v10 =	vld.idx.msk [tilespmem:v10+s2+$0x0], $0xffff;
	[tilespmem:s22+$0xE380] =	vst v17  }
0x50d: {  	[tilespmem:s0+$0xE500] =	vst v9;
	v9 =	vadd.s32 $0xF0, v5;
	v8 =	vld.idx.msk [tilespmem:v8+s2+$0x0], $0xffff  }
0x50e: {  	v7 =	vld.idx.msk [tilespmem:v7+s2+$0x0], $0xffff;
	[tilespmem:s1+$0xE400] =	vst v11;
	v11 =	vadd.s32 $0xF0, v6  }
0x50f: {  	v12 =	vld.idx.msk [tilespmem:v12+s2+$0x0], $0xffff;
	v17 =	vadd.s32 $0x120, v0;
	[tilespmem:s17+$0xE400] =	vst v13  }
0x510: {  	v13 =	vadd.s32 $0x108, v1;
	v14 =	vld.idx.msk [tilespmem:v14+s2+$0x0], $0xffff;
	[tilespmem:s20+$0xE400] =	vst v15  }
0x511: {  	v15 =	vadd.s32 $0x108, v2;
	v16 =	vld.idx.msk [tilespmem:v16+s2+$0x0], $0xffff;
	[tilespmem:s21+$0xE400] =	vst v10  }
0x512: {  	v10 =	vadd.s32 $0x108, v4;
	v9 =	vld.idx.msk [tilespmem:v9+s2+$0x0], $0xffff;
	[tilespmem:s22+$0xE400] =	vst v8  }
0x513: {  	[tilespmem:s16+$0xE680] =	vst v7;
	v7 =	vadd.s32 $0x108, v5;
	v8 =	vld.idx.msk [tilespmem:v11+s2+$0x0], $0xffff  }
0x514: {  	[tilespmem:s1+$0xE480] =	vst v12;
	v12 =	vadd.s32 $0x108, v6;
	v11 =	vld.idx.msk [tilespmem:v17+s2+$0x0], $0xffff  }
0x515: {  	v3 =	vadd.s32 $0x168, v3;
	v13 =	vld.idx.msk [tilespmem:v13+s2+$0x0], $0xffff;
	[tilespmem:s17+$0xE480] =	vst v14  }
0x516: {  	v14 =	vadd.s32 $0x120, v1;
	v15 =	vld.idx.msk [tilespmem:v15+s2+$0x0], $0xffff;
	[tilespmem:s20+$0xE480] =	vst v16  }
0x517: {  	v16 =	vadd.s32 $0x120, v2;
	v10 =	vld.idx.msk [tilespmem:v10+s2+$0x0], $0xffff;
	[tilespmem:s21+$0xE480] =	vst v9  }
0x518: {  	v9 =	vadd.s32 $0x120, v4;
	v7 =	vld.idx.msk [tilespmem:v7+s2+$0x0], $0xffff;
	[tilespmem:s22+$0xE480] =	vst v8  }
0x519: {  	[tilespmem:s0+$0xE580] =	vst v11;
	v8 =	vadd.s32 $0x120, v5;
	v11 =	vld.idx.msk [tilespmem:v12+s2+$0x0], $0xffff  }
0x51a: {  	v3 =	vld.idx.msk [tilespmem:v3+s2+$0x0], $0xffff;
	[tilespmem:s1+$0xE500] =	vst v13;
	v12 =	vadd.s32 $0x120, v6  }
0x51b: {  	v13 =	vadd.s32 $0x138, v0;
	v14 =	vld.idx.msk [tilespmem:v14+s2+$0x0], $0xffff;
	[tilespmem:s17+$0xE500] =	vst v15  }
0x51c: {  	v15 =	vadd.s32 $0x138, v1;
	v16 =	vld.idx.msk [tilespmem:v16+s2+$0x0], $0xffff;
	[tilespmem:s20+$0xE500] =	vst v10  }
0x51d: {  	v10 =	vadd.s32 $0x138, v2;
	v9 =	vld.idx.msk [tilespmem:v9+s2+$0x0], $0xffff;
	[tilespmem:s21+$0xE500] =	vst v7  }
0x51e: {  	v7 =	vadd.s32 $0x138, v4;
	v8 =	vld.idx.msk [tilespmem:v8+s2+$0x0], $0xffff;
	[tilespmem:s22+$0xE500] =	vst v11  }
0x51f: {  	[tilespmem:s16+$0xE700] =	vst v3;
	v3 =	vadd.s32 $0x138, v5;
	v11 =	vld.idx.msk [tilespmem:v12+s2+$0x0], $0xffff  }
0x520: {  	[tilespmem:s1+$0xE580] =	vst v14;
	v12 =	vld.idx.msk [tilespmem:v13+s2+$0x0], $0xffff;
	v13 =	vadd.s32 $0x138, v6  }
0x521: {  	v14 =	vadd.s32 $0x150, v0;
	v15 =	vld.idx.msk [tilespmem:v15+s2+$0x0], $0xffff;
	[tilespmem:s17+$0xE580] =	vst v16  }
0x522: {  	v16 =	vadd.s32 $0x150, v1;
	v10 =	vld.idx.msk [tilespmem:v10+s2+$0x0], $0xffff;
	[tilespmem:s20+$0xE580] =	vst v9  }
0x523: {  	v9 =	vadd.s32 $0x150, v2;
	v7 =	vld.idx.msk [tilespmem:v7+s2+$0x0], $0xffff;
	[tilespmem:s21+$0xE580] =	vst v8  }
0x524: {  	v8 =	vadd.s32 $0x150, v4;
	v3 =	vld.idx.msk [tilespmem:v3+s2+$0x0], $0xffff;
	[tilespmem:s22+$0xE580] =	vst v11  }
0x525: {  	[tilespmem:s0+$0xE600] =	vst v12;
	v11 =	vadd.s32 $0x150, v5;
	v12 =	vld.idx.msk [tilespmem:v13+s2+$0x0], $0xffff  }
0x526: {  	[tilespmem:s1+$0xE600] =	vst v15;
	v13 =	vld.idx.msk [tilespmem:v14+s2+$0x0], $0xffff;
	v14 =	vadd.s32 $0x150, v6  }
0x527: {  	v0 =	vadd.s32 $0x168, v0;
	v15 =	vld.idx.msk [tilespmem:v16+s2+$0x0], $0xffff;
	[tilespmem:s17+$0xE600] =	vst v10  }
0x528: {  	v1 =	vadd.s32 $0x168, v1;
	v9 =	vld.idx.msk [tilespmem:v9+s2+$0x0], $0xffff;
	[tilespmem:s20+$0xE600] =	vst v7  }
0x529: {  	v2 =	vadd.s32 $0x168, v2;
	v7 =	vld.idx.msk [tilespmem:v8+s2+$0x0], $0xffff;
	[tilespmem:s21+$0xE600] =	vst v3  }
0x52a: {  	v3 =	vadd.s32 $0x168, v4;
	v4 =	vld.idx.msk [tilespmem:v11+s2+$0x0], $0xffff;
	[tilespmem:s22+$0xE600] =	vst v12  }
0x52b: {  	v5 =	vadd.s32 $0x168, v5;
	[tilespmem:s0+$0xE680] =	vst v13;
	v8 =	vld.idx.msk [tilespmem:v14+s2+$0x0], $0xffff  }
0x52c: {  	v6 =	vadd.s32 $0x168, v6;
	[tilespmem:s1+$0xE680] =	vst v15;
	v0 =	vld.idx.msk [tilespmem:v0+s2+$0x0], $0xffff  }
0x52d: {  	v1 =	vld.idx.msk [tilespmem:v1+s2+$0x0], $0xffff;
	[tilespmem:s17+$0xE680] =	vst v9  }
0x52e: {  	v2 =	vld.idx.msk [tilespmem:v2+s2+$0x0], $0xffff;
	[tilespmem:s20+$0xE680] =	vst v7  }
0x52f: {  	v3 =	vld.idx.msk [tilespmem:v3+s2+$0x0], $0xffff;
	[tilespmem:s21+$0xE680] =	vst v4  }
0x530: {  	v4 =	vld.idx.msk [tilespmem:v5+s2+$0x0], $0xffff;
	[tilespmem:s22+$0xE680] =	vst v8  }
0x531: {  	[tilespmem:s0+$0xE700] =	vst v0;
	v0 =	vld.idx.msk [tilespmem:v6+s2+$0x0], $0xffff  }
0x532: {  	[tilespmem:s1+$0xE700] =	vst v1  }
0x533: {  	[tilespmem:s17+$0xE700] =	vst v2  }
0x534: {  	[tilespmem:s20+$0xE700] =	vst v3  }
0x535: {  	[tilespmem:s21+$0xE700] =	vst v4  }
0x536: {  	s23 =	simm.s32 $0xF80;
	[tilespmem:s22+$0xE700] =	vst v0;
	s22 =	simm.s32 $0xD380  }
0x537: {  	[hbm4b:s11+s18] =	stream.strided.scatter [tilespmem:s22], [sflag:$0x1], $0x2000, s19, s18, $0x38;
	[tilespmem:$0x13380] =	vst v63  }
0x538: {  	v3 =	vld [tilespmem:s23+$0x0];
	_ =	sdelay $0x7  }
0x539: {  	v0 =	vld.idx.msk [tilespmem:v3+s2+$0x0], $0xffff  }
0x53a: {  	v1 =	vadd.s32 $0x18, v3  }
0x53b: {  	s24 =	simm.s32 $0x0  }
0x53c: {  	s25 =	sand.u32 $0x70, s24;
	s0 =	sand.u32 $0xC00, s24  }
0x53d: {  	s16 =	sor.u32 s25, s0  }
0x53e: {  	[tilespmem:s16+$0xF380] =	vst v0  }
0x53f: {  	s26 =	simm.s32 $0xF90;
	v1 =	vld.idx.msk [tilespmem:v1+s2+$0x0], $0xffff  }
0x540: {  	v2 =	vadd.s32 $0x30, v3;
	v0 =	vld [tilespmem:s26+$0x0];
	_ =	sdelay $0x3  }
0x541: {  	[tilespmem:s16+$0xF400] =	vst v1  }
0x542: {  	v1 =	vld.idx.msk [tilespmem:v2+s2+$0x0], $0xffff  }
0x543: {  	v2 =	vadd.s32 $0x48, v3;
	_ =	sdelay $0x1  }
0x544: {  	v4 =	vld.idx.msk [tilespmem:v0+s2+$0x0], $0xffff  }
0x545: {  	v5 =	vadd.s32 $0x18, v0  }
0x546: {  	s28 =	simm.s32 $0x80;
	s17 =	simm.s32 $0x10;
	[tilespmem:s16+$0xF480] =	vst v1  }
0x547: {  	s1 =	sand.u32 $0x70, s17;
	s0 =	sand.u32 $0xC00, s28;
	v2 =	vld.idx.msk [tilespmem:v2+s2+$0x0], $0xffff  }
0x548: {  	s20 =	simm.s32 $0xFA0;
	s0 =	sor.u32 s1, s0;
	v6 =	vadd.s32 $0x60, v3  }
0x549: {  	v1 =	vld [tilespmem:s20+$0x0];
	[tilespmem:s0+$0xF380] =	vst v4  }
0x54a: {  	v4 =	vld.idx.msk [tilespmem:v5+s2+$0x0], $0xffff  }
0x54b: {  	v5 =	vadd.s32 $0x30, v0  }
0x54c: {  	[tilespmem:s16+$0xF500] =	vst v2  }
0x54d: {  	v2 =	vld.idx.msk [tilespmem:v6+s2+$0x0], $0xffff  }
0x54e: {  	v6 =	vadd.s32 $0x78, v3  }
0x54f: {  	[tilespmem:s0+$0xF400] =	vst v4  }
0x550: {  	v4 =	vld.idx.msk [tilespmem:v5+s2+$0x0], $0xffff  }
0x551: {  	v5 =	vadd.s32 $0x48, v0  }
0x552: {  	v7 =	vld.idx.msk [tilespmem:v1+s2+$0x0], $0xffff;
	[tilespmem:s16+$0xF580] =	vst v2  }
0x553: {  	v8 =	vadd.s32 $0x18, v1;
	v6 =	vld.idx.msk [tilespmem:v6+s2+$0x0], $0xffff  }
0x554: {  	s21 =	simm.s32 $0x100;
	s22 =	simm.s32 $0x20;
	v9 =	vadd.s32 $0x90, v3  }
0x555: {  	s1 =	sand.u32 $0xC00, s21;
	s17 =	sand.u32 $0x70, s22;
	[tilespmem:s0+$0xF480] =	vst v4  }
0x556: {  	s23 =	simm.s32 $0xFB0;
	s1 =	sor.u32 s17, s1;
	v4 =	vld.idx.msk [tilespmem:v5+s2+$0x0], $0xffff  }
0x557: {  	v2 =	vld [tilespmem:s23+$0x0];
	[tilespmem:s1+$0xF380] =	vst v7;
	v5 =	vadd.s32 $0x60, v0  }
0x558: {  	v7 =	vld.idx.msk [tilespmem:v8+s2+$0x0], $0xffff;
	[tilespmem:s16+$0xF600] =	vst v6  }
0x559: {  	v8 =	vadd.s32 $0x30, v1;
	v6 =	vld.idx.msk [tilespmem:v9+s2+$0x0], $0xffff  }
0x55a: {  	v9 =	vadd.s32 $0xA8, v3  }
0x55b: {  	[tilespmem:s0+$0xF500] =	vst v4  }
0x55c: {  	v4 =	vld.idx.msk [tilespmem:v5+s2+$0x0], $0xffff  }
0x55d: {  	[tilespmem:s1+$0xF400] =	vst v7;
	v5 =	vadd.s32 $0x78, v0  }
0x55e: {  	v7 =	vld.idx.msk [tilespmem:v8+s2+$0x0], $0xffff;
	[tilespmem:s16+$0xF680] =	vst v6  }
0x55f: {  	v8 =	vadd.s32 $0x48, v1;
	v6 =	vld.idx.msk [tilespmem:v9+s2+$0x0], $0xffff  }
0x560: {  	v9 =	vadd.s32 $0xC0, v3  }
0x561: {  	v10 =	vld.idx.msk [tilespmem:v2+s2+$0x0], $0xffff;
	[tilespmem:s0+$0xF580] =	vst v4  }
0x562: {  	v11 =	vadd.s32 $0x18, v2;
	v5 =	vld.idx.msk [tilespmem:v5+s2+$0x0], $0xffff  }
0x563: {  	s24 =	simm.s32 $0x180;
	s25 =	simm.s32 $0x30;
	[tilespmem:s1+$0xF480] =	vst v7;
	v7 =	vadd.s32 $0x90, v0  }
0x564: {  	s17 =	sand.u32 $0xC00, s24;
	s20 =	sand.u32 $0x70, s25;
	v8 =	vld.idx.msk [tilespmem:v8+s2+$0x0], $0xffff;
	[tilespmem:s16+$0xF700] =	vst v6  }
0x565: {  	s26 =	simm.s32 $0xFC0;
	s17 =	sor.u32 s20, s17;
	v6 =	vld.idx.msk [tilespmem:v9+s2+$0x0], $0xffff;
	v9 =	vadd.s32 $0x60, v1  }
0x566: {  	v4 =	vld [tilespmem:s26+$0x0];
	[tilespmem:s17+$0xF380] =	vst v10;
	v10 =	vadd.s32 $0xD8, v3  }
0x567: {  	v11 =	vld.idx.msk [tilespmem:v11+s2+$0x0], $0xffff;
	[tilespmem:s0+$0xF600] =	vst v5  }
0x568: {  	v5 =	vld.idx.msk [tilespmem:v7+s2+$0x0], $0xffff;
	v7 =	vadd.s32 $0x30, v2  }
0x569: {  	[tilespmem:s1+$0xF500] =	vst v8;
	v8 =	vadd.s32 $0xA8, v0  }
0x56a: {  	v9 =	vld.idx.msk [tilespmem:v9+s2+$0x0], $0xffff;
	[tilespmem:s16+$0x10380] =	vst v6  }
0x56b: {  	v6 =	vld.idx.msk [tilespmem:v10+s2+$0x0], $0xffff;
	v10 =	vadd.s32 $0x78, v1  }
0x56c: {  	[tilespmem:s17+$0xF400] =	vst v11;
	v11 =	vadd.s32 $0xF0, v3  }
0x56d: {  	v7 =	vld.idx.msk [tilespmem:v7+s2+$0x0], $0xffff;
	[tilespmem:s0+$0xF680] =	vst v5  }
0x56e: {  	v12 =	vadd.s32 $0x48, v2;
	v8 =	vld.idx.msk [tilespmem:v8+s2+$0x0], $0xffff  }
0x56f: {  	v13 =	vld.idx.msk [tilespmem:v4+s2+$0x0], $0xffff;
	[tilespmem:s1+$0xF580] =	vst v9;
	v9 =	vadd.s32 $0xC0, v0  }
0x570: {  	v10 =	vld.idx.msk [tilespmem:v10+s2+$0x0], $0xffff;
	[tilespmem:s16+$0x10400] =	vst v6;
	v6 =	vadd.s32 $0x18, v4  }
0x571: {  	s28 =	simm.s32 $0x200;
	s22 =	simm.s32 $0xFD0;
	s23 =	simm.s32 $0x40;
	v11 =	vld.idx.msk [tilespmem:v11+s2+$0x0], $0xffff  }
0x572: {  	s20 =	sand.u32 $0xC00, s28;
	v14 =	vadd.s32 $0x90, v1;
	s24 =	sand.u32 $0x70, s23;
	v5 =	vld [tilespmem:s22+$0x0];
	[tilespmem:s17+$0xF480] =	vst v7  }
0x573: {  	s20 =	sor.u32 s24, s20;
	v7 =	vadd.s32 $0x108, v3;
	v12 =	vld.idx.msk [tilespmem:v12+s2+$0x0], $0xffff;
	[tilespmem:s0+$0xF700] =	vst v8  }
0x574: {  	[tilespmem:s20+$0xF380] =	vst v13;
	v8 =	vld.idx.msk [tilespmem:v9+s2+$0x0], $0xffff;
	v9 =	vadd.s32 $0x60, v2  }
0x575: {  	v13 =	vld.idx.msk [tilespmem:v6+s2+$0x0], $0xffff;
	[tilespmem:s1+$0xF600] =	vst v10;
	v10 =	vadd.s32 $0xD8, v0  }
0x576: {  	[tilespmem:s16+$0x10480] =	vst v11;
	v11 =	vadd.s32 $0x30, v4  }
0x577: {  	v14 =	vld.idx.msk [tilespmem:v14+s2+$0x0], $0xffff  }
0x578: {  	v15 =	vadd.s32 $0xA8, v1;
	[tilespmem:s17+$0xF500] =	vst v12;
	v7 =	vld.idx.msk [tilespmem:v7+s2+$0x0], $0xffff  }
0x579: {  	v12 =	vadd.s32 $0x120, v3;
	v9 =	vld.idx.msk [tilespmem:v9+s2+$0x0], $0xffff;
	[tilespmem:s0+$0x10380] =	vst v8  }
0x57a: {  	v8 =	vld.idx.msk [tilespmem:v10+s2+$0x0], $0xffff;
	[tilespmem:s20+$0xF400] =	vst v13;
	v10 =	vadd.s32 $0x78, v2  }
0x57b: {  	v11 =	vld.idx.msk [tilespmem:v11+s2+$0x0], $0xffff  }
0x57c: {  	v17 =	vld.idx.msk [tilespmem:v5+s2+$0x0], $0xffff;
	v13 =	vadd.s32 $0xF0, v0;
	[tilespmem:s1+$0xF680] =	vst v14  }
0x57d: {  	v15 =	vld.idx.msk [tilespmem:v15+s2+$0x0], $0xffff;
	[tilespmem:s16+$0x10500] =	vst v7;
	v7 =	vadd.s32 $0x48, v4  }
0x57e: {  	v16 =	vadd.s32 $0xC0, v1;
	v12 =	vld.idx.msk [tilespmem:v12+s2+$0x0], $0xffff;
	[tilespmem:s17+$0xF580] =	vst v9  }
0x57f: {  	s25 =	simm.s32 $0xFE0;
	v9 =	vadd.s32 $0x138, v3;
	v18 =	vld.idx.msk [tilespmem:v10+s2+$0x0], $0xffff;
	[tilespmem:s0+$0x10400] =	vst v8  }
0x580: {  	v6 =	vld [tilespmem:s25+$0x0];
	[tilespmem:s20+$0xF480] =	vst v11;
	v11 =	vadd.s32 $0x90, v2  }
0x581: {  	v19 =	vadd.s32 $0x18, v5;
	v13 =	vld.idx.msk [tilespmem:v13+s2+$0x0], $0xffff  }
0x582: {  	v20 =	vadd.s32 $0x108, v0;
	s26 =	simm.s32 $0x280;
	s22 =	simm.s32 $0x50;
	v14 =	vld.idx.msk [tilespmem:v7+s2+$0x0], $0xffff;
	[tilespmem:s1+$0xF700] =	vst v15  }
0x583: {  	s21 =	sand.u32 $0xC00, s26;
	s28 =	sand.u32 $0x70, s22;
	v10 =	vld.idx.msk [tilespmem:v16+s2+$0x0], $0xffff;
	[tilespmem:s16+$0x10580] =	vst v12  }
0x584: {  	s21 =	sor.u32 s28, s21;
	v15 =	vadd.s32 $0x60, v4;
	v8 =	vld.idx.msk [tilespmem:v9+s2+$0x0], $0xffff;
	[tilespmem:s17+$0xF600] =	vst v18  }
0x585: {  	[tilespmem:s21+$0xF380] =	vst v17;
	v12 =	vld.idx.msk [tilespmem:v11+s2+$0x0], $0xffff;
	v11 =	vadd.s32 $0xD8, v1  }
0x586: {  	v7 =	vadd.s32 $0x150, v3;
	v16 =	vld.idx.msk [tilespmem:v19+s2+$0x0], $0xffff;
	[tilespmem:s0+$0x10480] =	vst v13  }
0x587: {  	s23 =	simm.s32 $0x300;
	s24 =	simm.s32 $0xFF0;
	s25 =	simm.s32 $0x380;
	v17 =	vadd.s32 $0x30, v5;
	v13 =	vmov v6;
	v9 =	vld.idx.msk [tilespmem:v20+s2+$0x0], $0xffff  }
.LBB2_16:
0x588: {  	v18 =	vld [tilespmem:s24+$0x0];
	p0 =	sne.s32 s25, $0xF80;
	[tilespmem:s20+$0xF500] =	vst v14;
	v14 =	vadd.s32 $0xA8, v2;
	s26 =	smov.u32 s0;
	s0 =	smov.u32 s1  }
0x589: {  	s1 =	smov.u32 s17;
	s17 =	smov.u32 s20;
	s20 =	smov.u32 s21;
	v15 =	vld.idx.msk [tilespmem:v15+s2+$0x0], $0xffff;
	[tilespmem:s0+$0x10380] =	vst v10;
	v10 =	vadd.s32 $0x120, v0  }
0x58a: {  	v11 =	vld.idx.msk [tilespmem:v11+s2+$0x0], $0xffff;
	[tilespmem:s16+$0x10600] =	vst v8  }
0x58b: {  	v8 =	vadd.s32 $0x78, v4;
	[tilespmem:s20+$0xF400] =	vst v16;
	v7 =	vld.idx.msk [tilespmem:v7+s2+$0x0], $0xffff  }
0x58c: {  	v16 =	vld.idx.msk [tilespmem:v17+s2+$0x0], $0xffff;
	[tilespmem:s1+$0xF680] =	vst v12;
	v12 =	vadd.s32 $0xF0, v1  }
0x58d: {  	v17 =	vld.idx.msk [tilespmem:v14+s2+$0x0], $0xffff;
	[tilespmem:s26+$0x10500] =	vst v9;
	v9 =	vadd.s32 $0x168, v3;
	v3 =	vmovc v0;
	v0 =	vmovc v1;
	v1 =	vmov v2;
	v2 =	vmov v4  }
0x58e: {  	v14 =	vadd.s32 $0x48, v5;
	v4 =	vmovc v5;
	v5 =	vmov v6;
	v6 =	vmov v18;
	v19 =	vld.idx.msk [tilespmem:v10+s2+$0x0], $0xffff  }
0x58f: {  	v10 =	vadd.s32 $0xC0, v1;
	v20 =	vld.idx.msk [tilespmem:v13+s2+$0x0], $0xffff;
	[tilespmem:s17+$0xF580] =	vst v15;
	v13 =	vmov v18  }
0x590: {  	v18 =	vld.idx.msk [tilespmem:v8+s2+$0x0], $0xffff;
	[tilespmem:s0+$0x10400] =	vst v11;
	v8 =	vadd.s32 $0x138, v3  }
0x591: {  	v11 =	vadd.s32 $0x18, v5;
	v21 =	vld.idx.msk [tilespmem:v12+s2+$0x0], $0xffff;
	[tilespmem:s16+$0x10680] =	vst v7  }
0x592: {  	s22 =	sadd.s32 $0x10, s22;
	v7 =	vadd.s32 $0x90, v2;
	[tilespmem:s20+$0xF480] =	vst v16;
	v22 =	vld.idx.msk [tilespmem:v9+s2+$0x0], $0xffff  }
0x593: {  	s28 =	sand.u32 $0xC00, s23;
	s23 =	smov.u32 s25;
	s21 =	sand.u32 $0x70, s22;
	v9 =	vadd.s32 $0x108, v0;
	v14 =	vld.idx.msk [tilespmem:v14+s2+$0x0], $0xffff;
	[tilespmem:s1+$0xF700] =	vst v17  }
.Ltmp7:
0x594: {  	s21 =	sor.u32 s21, s28;
	v10 =	vld.idx.msk [tilespmem:v10+s2+$0x0], $0xffff;
	[tilespmem:s26+$0x10580] =	vst v19;
	(pc) =	sbr.rel @p0 .LBB2_16-.Ltmp7, $4  }
0x595: {  	v15 =	vadd.s32 $0x60, v4;
	[tilespmem:s21+$0xF380] =	vst v20;
	v8 =	vld.idx.msk [tilespmem:v8+s2+$0x0], $0xffff  }
0x596: {  	v16 =	vld.idx.msk [tilespmem:v11+s2+$0x0], $0xffff;
	[tilespmem:s17+$0xF600] =	vst v18;
	v11 =	vadd.s32 $0xD8, v1  }
0x597: {  	v12 =	vld.idx.msk [tilespmem:v7+s2+$0x0], $0xffff;
	[tilespmem:s0+$0x10480] =	vst v21;
	v7 =	vadd.s32 $0x150, v3  }
0x598: {  	s24 =	sadd.s32 $0x10, s24;
	s25 =	sadd.s32 $0x80, s25;
	v17 =	vadd.s32 $0x30, v5;
	v9 =	vld.idx.msk [tilespmem:v9+s2+$0x0], $0xffff;
	[tilespmem:s16+$0x10700] =	vst v22;
	s16 =	smov.u32 s26  }
0x599: {  	_ =	sdelay $0x3  }
0x59a: {  	v13 =	vld.idx.msk [tilespmem:v13+s2+$0x0], $0xffff  }
0x59b: {  	v18 =	vadd.s32 $0x18, v6  }
0x59c: {  	s22 =	sadd.s32 $0x10, s22  }
0x59d: {  	s23 =	sand.u32 $0xC00, s23;
	s22 =	sand.u32 $0x70, s22  }
0x59e: {  	s22 =	sor.u32 s22, s23  }
0x59f: {  	[tilespmem:s22+$0xF380] =	vst v13  }
0x5a0: {  	v13 =	vld.idx.msk [tilespmem:v18+s2+$0x0], $0xffff  }
0x5a1: {  	v18 =	vadd.s32 $0x30, v6;
	_ =	sdelay $0x2  }
0x5a2: {  	[tilespmem:s21+$0xF400] =	vst v16  }
0x5a3: {  	v16 =	vld.idx.msk [tilespmem:v17+s2+$0x0], $0xffff;
	[tilespmem:s22+$0xF400] =	vst v13  }
0x5a4: {  	v13 =	vadd.s32 $0x48, v5;
	v17 =	vld.idx.msk [tilespmem:v18+s2+$0x0], $0xffff  }
0x5a5: {  	v18 =	vadd.s32 $0x48, v6;
	_ =	sdelay $0x2  }
0x5a6: {  	[tilespmem:s21+$0xF480] =	vst v16  }
0x5a7: {  	v13 =	vld.idx.msk [tilespmem:v13+s2+$0x0], $0xffff;
	[tilespmem:s22+$0xF480] =	vst v17  }
0x5a8: {  	v16 =	vadd.s32 $0x60, v5;
	v17 =	vld.idx.msk [tilespmem:v18+s2+$0x0], $0xffff  }
0x5a9: {  	v18 =	vadd.s32 $0x60, v6;
	_ =	sdelay $0x1  }
0x5aa: {  	[tilespmem:s20+$0xF500] =	vst v14  }
0x5ab: {  	v14 =	vld.idx.msk [tilespmem:v15+s2+$0x0], $0xffff;
	[tilespmem:s21+$0xF500] =	vst v13  }
0x5ac: {  	v13 =	vadd.s32 $0x78, v4;
	v15 =	vld.idx.msk [tilespmem:v16+s2+$0x0], $0xffff;
	[tilespmem:s22+$0xF500] =	vst v17  }
0x5ad: {  	v16 =	vadd.s32 $0x78, v5;
	v17 =	vld.idx.msk [tilespmem:v18+s2+$0x0], $0xffff  }
0x5ae: {  	v18 =	vadd.s32 $0x78, v6;
	_ =	sdelay $0x1  }
0x5af: {  	[tilespmem:s20+$0xF580] =	vst v14  }
0x5b0: {  	v13 =	vld.idx.msk [tilespmem:v13+s2+$0x0], $0xffff;
	[tilespmem:s21+$0xF580] =	vst v15  }
0x5b1: {  	v14 =	vadd.s32 $0x90, v4;
	v15 =	vld.idx.msk [tilespmem:v16+s2+$0x0], $0xffff;
	[tilespmem:s22+$0xF580] =	vst v17  }
0x5b2: {  	v16 =	vadd.s32 $0x90, v5;
	v17 =	vld.idx.msk [tilespmem:v18+s2+$0x0], $0xffff  }
0x5b3: {  	v18 =	vadd.s32 $0x90, v6;
	_ =	sdelay $0x1  }
0x5b4: {  	[tilespmem:s20+$0xF600] =	vst v13  }
0x5b5: {  	v13 =	vadd.s32 $0xA8, v2;
	v14 =	vld.idx.msk [tilespmem:v14+s2+$0x0], $0xffff;
	[tilespmem:s21+$0xF600] =	vst v15  }
0x5b6: {  	v15 =	vadd.s32 $0xA8, v4;
	v16 =	vld.idx.msk [tilespmem:v16+s2+$0x0], $0xffff;
	[tilespmem:s22+$0xF600] =	vst v17  }
0x5b7: {  	v17 =	vadd.s32 $0xA8, v5;
	v18 =	vld.idx.msk [tilespmem:v18+s2+$0x0], $0xffff  }
0x5b8: {  	v19 =	vadd.s32 $0xA8, v6  }
0x5b9: {  	[tilespmem:s17+$0xF680] =	vst v12  }
0x5ba: {  	v12 =	vld.idx.msk [tilespmem:v13+s2+$0x0], $0xffff;
	[tilespmem:s20+$0xF680] =	vst v14  }
0x5bb: {  	v13 =	vadd.s32 $0xC0, v2;
	v14 =	vld.idx.msk [tilespmem:v15+s2+$0x0], $0xffff;
	[tilespmem:s21+$0xF680] =	vst v16  }
0x5bc: {  	v15 =	vadd.s32 $0xC0, v4;
	v16 =	vld.idx.msk [tilespmem:v17+s2+$0x0], $0xffff;
	[tilespmem:s22+$0xF680] =	vst v18  }
0x5bd: {  	v17 =	vadd.s32 $0xC0, v5;
	v18 =	vld.idx.msk [tilespmem:v19+s2+$0x0], $0xffff  }
0x5be: {  	v19 =	vadd.s32 $0xC0, v6  }
0x5bf: {  	[tilespmem:s17+$0xF700] =	vst v12  }
0x5c0: {  	v12 =	vld.idx.msk [tilespmem:v13+s2+$0x0], $0xffff;
	[tilespmem:s20+$0xF700] =	vst v14  }
0x5c1: {  	v13 =	vadd.s32 $0xD8, v2;
	v14 =	vld.idx.msk [tilespmem:v15+s2+$0x0], $0xffff;
	[tilespmem:s21+$0xF700] =	vst v16  }
0x5c2: {  	v15 =	vadd.s32 $0xD8, v4;
	v16 =	vld.idx.msk [tilespmem:v17+s2+$0x0], $0xffff;
	[tilespmem:s22+$0xF700] =	vst v18  }
0x5c3: {  	[tilespmem:s1+$0x10380] =	vst v10;
	v10 =	vadd.s32 $0xD8, v5;
	v17 =	vld.idx.msk [tilespmem:v19+s2+$0x0], $0xffff  }
0x5c4: {  	[tilespmem:s16+$0x10600] =	vst v8;
	v8 =	vadd.s32 $0xD8, v6  }
0x5c5: {  	v11 =	vld.idx.msk [tilespmem:v11+s2+$0x0], $0xffff;
	[tilespmem:s17+$0x10380] =	vst v12  }
0x5c6: {  	v12 =	vadd.s32 $0xF0, v1;
	v13 =	vld.idx.msk [tilespmem:v13+s2+$0x0], $0xffff;
	[tilespmem:s20+$0x10380] =	vst v14  }
0x5c7: {  	v14 =	vadd.s32 $0xF0, v2;
	v15 =	vld.idx.msk [tilespmem:v15+s2+$0x0], $0xffff;
	[tilespmem:s21+$0x10380] =	vst v16  }
0x5c8: {  	v16 =	vadd.s32 $0xF0, v4;
	v10 =	vld.idx.msk [tilespmem:v10+s2+$0x0], $0xffff;
	[tilespmem:s22+$0x10380] =	vst v17  }
0x5c9: {  	[tilespmem:s0+$0x10500] =	vst v9;
	v9 =	vadd.s32 $0xF0, v5;
	v8 =	vld.idx.msk [tilespmem:v8+s2+$0x0], $0xffff  }
0x5ca: {  	v7 =	vld.idx.msk [tilespmem:v7+s2+$0x0], $0xffff;
	[tilespmem:s1+$0x10400] =	vst v11;
	v11 =	vadd.s32 $0xF0, v6  }
0x5cb: {  	v12 =	vld.idx.msk [tilespmem:v12+s2+$0x0], $0xffff;
	v17 =	vadd.s32 $0x120, v0;
	[tilespmem:s17+$0x10400] =	vst v13  }
0x5cc: {  	v13 =	vadd.s32 $0x108, v1;
	v14 =	vld.idx.msk [tilespmem:v14+s2+$0x0], $0xffff;
	[tilespmem:s20+$0x10400] =	vst v15  }
0x5cd: {  	v15 =	vadd.s32 $0x108, v2;
	v16 =	vld.idx.msk [tilespmem:v16+s2+$0x0], $0xffff;
	[tilespmem:s21+$0x10400] =	vst v10  }
0x5ce: {  	v10 =	vadd.s32 $0x108, v4;
	v9 =	vld.idx.msk [tilespmem:v9+s2+$0x0], $0xffff;
	[tilespmem:s22+$0x10400] =	vst v8  }
0x5cf: {  	[tilespmem:s16+$0x10680] =	vst v7;
	v7 =	vadd.s32 $0x108, v5;
	v8 =	vld.idx.msk [tilespmem:v11+s2+$0x0], $0xffff  }
0x5d0: {  	[tilespmem:s1+$0x10480] =	vst v12;
	v12 =	vadd.s32 $0x108, v6;
	v11 =	vld.idx.msk [tilespmem:v17+s2+$0x0], $0xffff  }
0x5d1: {  	v3 =	vadd.s32 $0x168, v3;
	v13 =	vld.idx.msk [tilespmem:v13+s2+$0x0], $0xffff;
	[tilespmem:s17+$0x10480] =	vst v14  }
0x5d2: {  	v14 =	vadd.s32 $0x120, v1;
	v15 =	vld.idx.msk [tilespmem:v15+s2+$0x0], $0xffff;
	[tilespmem:s20+$0x10480] =	vst v16  }
0x5d3: {  	v16 =	vadd.s32 $0x120, v2;
	v10 =	vld.idx.msk [tilespmem:v10+s2+$0x0], $0xffff;
	[tilespmem:s21+$0x10480] =	vst v9  }
0x5d4: {  	v9 =	vadd.s32 $0x120, v4;
	v7 =	vld.idx.msk [tilespmem:v7+s2+$0x0], $0xffff;
	[tilespmem:s22+$0x10480] =	vst v8  }
0x5d5: {  	[tilespmem:s0+$0x10580] =	vst v11;
	v8 =	vadd.s32 $0x120, v5;
	v11 =	vld.idx.msk [tilespmem:v12+s2+$0x0], $0xffff  }
0x5d6: {  	v3 =	vld.idx.msk [tilespmem:v3+s2+$0x0], $0xffff;
	[tilespmem:s1+$0x10500] =	vst v13;
	v12 =	vadd.s32 $0x120, v6  }
0x5d7: {  	v13 =	vadd.s32 $0x138, v0;
	v14 =	vld.idx.msk [tilespmem:v14+s2+$0x0], $0xffff;
	[tilespmem:s17+$0x10500] =	vst v15  }
0x5d8: {  	v15 =	vadd.s32 $0x138, v1;
	v16 =	vld.idx.msk [tilespmem:v16+s2+$0x0], $0xffff;
	[tilespmem:s20+$0x10500] =	vst v10  }
0x5d9: {  	v10 =	vadd.s32 $0x138, v2;
	v9 =	vld.idx.msk [tilespmem:v9+s2+$0x0], $0xffff;
	[tilespmem:s21+$0x10500] =	vst v7  }
0x5da: {  	v7 =	vadd.s32 $0x138, v4;
	v8 =	vld.idx.msk [tilespmem:v8+s2+$0x0], $0xffff;
	[tilespmem:s22+$0x10500] =	vst v11  }
0x5db: {  	[tilespmem:s16+$0x10700] =	vst v3;
	v3 =	vadd.s32 $0x138, v5;
	v11 =	vld.idx.msk [tilespmem:v12+s2+$0x0], $0xffff  }
0x5dc: {  	[tilespmem:s1+$0x10580] =	vst v14;
	v12 =	vld.idx.msk [tilespmem:v13+s2+$0x0], $0xffff;
	v13 =	vadd.s32 $0x138, v6  }
0x5dd: {  	v14 =	vadd.s32 $0x150, v0;
	v15 =	vld.idx.msk [tilespmem:v15+s2+$0x0], $0xffff;
	[tilespmem:s17+$0x10580] =	vst v16  }
0x5de: {  	v16 =	vadd.s32 $0x150, v1;
	v10 =	vld.idx.msk [tilespmem:v10+s2+$0x0], $0xffff;
	[tilespmem:s20+$0x10580] =	vst v9  }
0x5df: {  	v9 =	vadd.s32 $0x150, v2;
	v7 =	vld.idx.msk [tilespmem:v7+s2+$0x0], $0xffff;
	[tilespmem:s21+$0x10580] =	vst v8  }
0x5e0: {  	v8 =	vadd.s32 $0x150, v4;
	v3 =	vld.idx.msk [tilespmem:v3+s2+$0x0], $0xffff;
	[tilespmem:s22+$0x10580] =	vst v11  }
0x5e1: {  	[tilespmem:s0+$0x10600] =	vst v12;
	v11 =	vadd.s32 $0x150, v5;
	v12 =	vld.idx.msk [tilespmem:v13+s2+$0x0], $0xffff  }
0x5e2: {  	[tilespmem:s1+$0x10600] =	vst v15;
	v13 =	vld.idx.msk [tilespmem:v14+s2+$0x0], $0xffff;
	v14 =	vadd.s32 $0x150, v6  }
0x5e3: {  	v0 =	vadd.s32 $0x168, v0;
	v15 =	vld.idx.msk [tilespmem:v16+s2+$0x0], $0xffff;
	[tilespmem:s17+$0x10600] =	vst v10  }
0x5e4: {  	v1 =	vadd.s32 $0x168, v1;
	v9 =	vld.idx.msk [tilespmem:v9+s2+$0x0], $0xffff;
	[tilespmem:s20+$0x10600] =	vst v7  }
0x5e5: {  	v2 =	vadd.s32 $0x168, v2;
	v7 =	vld.idx.msk [tilespmem:v8+s2+$0x0], $0xffff;
	[tilespmem:s21+$0x10600] =	vst v3  }
0x5e6: {  	v3 =	vadd.s32 $0x168, v4;
	v4 =	vld.idx.msk [tilespmem:v11+s2+$0x0], $0xffff;
	[tilespmem:s22+$0x10600] =	vst v12  }
0x5e7: {  	v5 =	vadd.s32 $0x168, v5;
	[tilespmem:s0+$0x10680] =	vst v13;
	v8 =	vld.idx.msk [tilespmem:v14+s2+$0x0], $0xffff  }
0x5e8: {  	v6 =	vadd.s32 $0x168, v6;
	[tilespmem:s1+$0x10680] =	vst v15;
	v0 =	vld.idx.msk [tilespmem:v0+s2+$0x0], $0xffff  }
0x5e9: {  	v1 =	vld.idx.msk [tilespmem:v1+s2+$0x0], $0xffff;
	[tilespmem:s17+$0x10680] =	vst v9  }
0x5ea: {  	v2 =	vld.idx.msk [tilespmem:v2+s2+$0x0], $0xffff;
	[tilespmem:s20+$0x10680] =	vst v7  }
0x5eb: {  	v3 =	vld.idx.msk [tilespmem:v3+s2+$0x0], $0xffff;
	[tilespmem:s21+$0x10680] =	vst v4  }
0x5ec: {  	v4 =	vld.idx.msk [tilespmem:v5+s2+$0x0], $0xffff;
	[tilespmem:s22+$0x10680] =	vst v8  }
0x5ed: {  	[tilespmem:s0+$0x10700] =	vst v0;
	v0 =	vld.idx.msk [tilespmem:v6+s2+$0x0], $0xffff  }
0x5ee: {  	[tilespmem:s1+$0x10700] =	vst v1  }
0x5ef: {  	[tilespmem:s17+$0x10700] =	vst v2  }
0x5f0: {  	[tilespmem:s20+$0x10700] =	vst v3  }
0x5f1: {  	[tilespmem:s21+$0x10700] =	vst v4  }
0x5f2: {  	s23 =	simm.s32 $0x1180;
	[tilespmem:s22+$0x10700] =	vst v0;
	s22 =	simm.s32 $0xF380  }
0x5f3: {  	[hbm4b:s12+s18] =	stream.strided.scatter [tilespmem:s22], [sflag:$0x1], $0x2000, s19, s18, $0x38;
	[tilespmem:$0x13380] =	vst v63  }
0x5f4: {  	v3 =	vld [tilespmem:s23+$0x0];
	_ =	sdelay $0x7  }
0x5f5: {  	v0 =	vld.idx.msk [tilespmem:v3+s2+$0x0], $0xffff  }
0x5f6: {  	v1 =	vadd.s32 $0x18, v3  }
0x5f7: {  	s24 =	simm.s32 $0x0  }
0x5f8: {  	s25 =	sand.u32 $0x70, s24;
	s0 =	sand.u32 $0xC00, s24  }
0x5f9: {  	s16 =	sor.u32 s25, s0  }
0x5fa: {  	[tilespmem:s16+$0x11380] =	vst v0  }
0x5fb: {  	s26 =	simm.s32 $0x1190;
	v1 =	vld.idx.msk [tilespmem:v1+s2+$0x0], $0xffff  }
0x5fc: {  	v2 =	vadd.s32 $0x30, v3;
	v0 =	vld [tilespmem:s26+$0x0];
	_ =	sdelay $0x3  }
0x5fd: {  	[tilespmem:s16+$0x11400] =	vst v1  }
0x5fe: {  	v1 =	vld.idx.msk [tilespmem:v2+s2+$0x0], $0xffff  }
0x5ff: {  	v2 =	vadd.s32 $0x48, v3;
	_ =	sdelay $0x1  }
0x600: {  	v4 =	vld.idx.msk [tilespmem:v0+s2+$0x0], $0xffff  }
0x601: {  	v5 =	vadd.s32 $0x18, v0  }
0x602: {  	s28 =	simm.s32 $0x80;
	s17 =	simm.s32 $0x10;
	[tilespmem:s16+$0x11480] =	vst v1  }
0x603: {  	s1 =	sand.u32 $0x70, s17;
	s0 =	sand.u32 $0xC00, s28;
	v2 =	vld.idx.msk [tilespmem:v2+s2+$0x0], $0xffff  }
0x604: {  	s20 =	simm.s32 $0x11A0;
	s0 =	sor.u32 s1, s0;
	v6 =	vadd.s32 $0x60, v3  }
0x605: {  	v1 =	vld [tilespmem:s20+$0x0];
	[tilespmem:s0+$0x11380] =	vst v4  }
0x606: {  	v4 =	vld.idx.msk [tilespmem:v5+s2+$0x0], $0xffff  }
0x607: {  	v5 =	vadd.s32 $0x30, v0  }
0x608: {  	[tilespmem:s16+$0x11500] =	vst v2  }
0x609: {  	v2 =	vld.idx.msk [tilespmem:v6+s2+$0x0], $0xffff  }
0x60a: {  	v6 =	vadd.s32 $0x78, v3  }
0x60b: {  	[tilespmem:s0+$0x11400] =	vst v4  }
0x60c: {  	v4 =	vld.idx.msk [tilespmem:v5+s2+$0x0], $0xffff  }
0x60d: {  	v5 =	vadd.s32 $0x48, v0  }
0x60e: {  	v7 =	vld.idx.msk [tilespmem:v1+s2+$0x0], $0xffff;
	[tilespmem:s16+$0x11580] =	vst v2  }
0x60f: {  	v8 =	vadd.s32 $0x18, v1;
	v6 =	vld.idx.msk [tilespmem:v6+s2+$0x0], $0xffff  }
0x610: {  	s21 =	simm.s32 $0x100;
	s22 =	simm.s32 $0x20;
	v9 =	vadd.s32 $0x90, v3  }
0x611: {  	s1 =	sand.u32 $0xC00, s21;
	s17 =	sand.u32 $0x70, s22;
	[tilespmem:s0+$0x11480] =	vst v4  }
0x612: {  	s23 =	simm.s32 $0x11B0;
	s1 =	sor.u32 s17, s1;
	v4 =	vld.idx.msk [tilespmem:v5+s2+$0x0], $0xffff  }
0x613: {  	v2 =	vld [tilespmem:s23+$0x0];
	[tilespmem:s1+$0x11380] =	vst v7;
	v5 =	vadd.s32 $0x60, v0  }
0x614: {  	v7 =	vld.idx.msk [tilespmem:v8+s2+$0x0], $0xffff;
	[tilespmem:s16+$0x11600] =	vst v6  }
0x615: {  	v8 =	vadd.s32 $0x30, v1;
	v6 =	vld.idx.msk [tilespmem:v9+s2+$0x0], $0xffff  }
0x616: {  	v9 =	vadd.s32 $0xA8, v3  }
0x617: {  	[tilespmem:s0+$0x11500] =	vst v4  }
0x618: {  	v4 =	vld.idx.msk [tilespmem:v5+s2+$0x0], $0xffff  }
0x619: {  	[tilespmem:s1+$0x11400] =	vst v7;
	v5 =	vadd.s32 $0x78, v0  }
0x61a: {  	v7 =	vld.idx.msk [tilespmem:v8+s2+$0x0], $0xffff;
	[tilespmem:s16+$0x11680] =	vst v6  }
0x61b: {  	v8 =	vadd.s32 $0x48, v1;
	v6 =	vld.idx.msk [tilespmem:v9+s2+$0x0], $0xffff  }
0x61c: {  	v9 =	vadd.s32 $0xC0, v3  }
0x61d: {  	v10 =	vld.idx.msk [tilespmem:v2+s2+$0x0], $0xffff;
	[tilespmem:s0+$0x11580] =	vst v4  }
0x61e: {  	v11 =	vadd.s32 $0x18, v2;
	v5 =	vld.idx.msk [tilespmem:v5+s2+$0x0], $0xffff  }
0x61f: {  	s24 =	simm.s32 $0x180;
	s25 =	simm.s32 $0x30;
	[tilespmem:s1+$0x11480] =	vst v7;
	v7 =	vadd.s32 $0x90, v0  }
0x620: {  	s17 =	sand.u32 $0xC00, s24;
	s20 =	sand.u32 $0x70, s25;
	v8 =	vld.idx.msk [tilespmem:v8+s2+$0x0], $0xffff;
	[tilespmem:s16+$0x11700] =	vst v6  }
0x621: {  	s26 =	simm.s32 $0x11C0;
	s17 =	sor.u32 s20, s17;
	v6 =	vld.idx.msk [tilespmem:v9+s2+$0x0], $0xffff;
	v9 =	vadd.s32 $0x60, v1  }
0x622: {  	v4 =	vld [tilespmem:s26+$0x0];
	[tilespmem:s17+$0x11380] =	vst v10;
	v10 =	vadd.s32 $0xD8, v3  }
0x623: {  	v11 =	vld.idx.msk [tilespmem:v11+s2+$0x0], $0xffff;
	[tilespmem:s0+$0x11600] =	vst v5  }
0x624: {  	v5 =	vld.idx.msk [tilespmem:v7+s2+$0x0], $0xffff;
	v7 =	vadd.s32 $0x30, v2  }
0x625: {  	[tilespmem:s1+$0x11500] =	vst v8;
	v8 =	vadd.s32 $0xA8, v0  }
0x626: {  	v9 =	vld.idx.msk [tilespmem:v9+s2+$0x0], $0xffff;
	[tilespmem:s16+$0x12380] =	vst v6  }
0x627: {  	v6 =	vld.idx.msk [tilespmem:v10+s2+$0x0], $0xffff;
	v10 =	vadd.s32 $0x78, v1  }
0x628: {  	[tilespmem:s17+$0x11400] =	vst v11;
	v11 =	vadd.s32 $0xF0, v3  }
0x629: {  	v7 =	vld.idx.msk [tilespmem:v7+s2+$0x0], $0xffff;
	[tilespmem:s0+$0x11680] =	vst v5  }
0x62a: {  	v12 =	vadd.s32 $0x48, v2;
	v8 =	vld.idx.msk [tilespmem:v8+s2+$0x0], $0xffff  }
0x62b: {  	v13 =	vld.idx.msk [tilespmem:v4+s2+$0x0], $0xffff;
	[tilespmem:s1+$0x11580] =	vst v9;
	v9 =	vadd.s32 $0xC0, v0  }
0x62c: {  	v10 =	vld.idx.msk [tilespmem:v10+s2+$0x0], $0xffff;
	[tilespmem:s16+$0x12400] =	vst v6;
	v6 =	vadd.s32 $0x18, v4  }
0x62d: {  	s28 =	simm.s32 $0x200;
	s22 =	simm.s32 $0x11D0;
	s23 =	simm.s32 $0x40;
	v11 =	vld.idx.msk [tilespmem:v11+s2+$0x0], $0xffff  }
0x62e: {  	s20 =	sand.u32 $0xC00, s28;
	v14 =	vadd.s32 $0x90, v1;
	s24 =	sand.u32 $0x70, s23;
	v5 =	vld [tilespmem:s22+$0x0];
	[tilespmem:s17+$0x11480] =	vst v7  }
0x62f: {  	s20 =	sor.u32 s24, s20;
	v7 =	vadd.s32 $0x108, v3;
	v12 =	vld.idx.msk [tilespmem:v12+s2+$0x0], $0xffff;
	[tilespmem:s0+$0x11700] =	vst v8  }
0x630: {  	[tilespmem:s20+$0x11380] =	vst v13;
	v8 =	vld.idx.msk [tilespmem:v9+s2+$0x0], $0xffff;
	v9 =	vadd.s32 $0x60, v2  }
0x631: {  	v13 =	vld.idx.msk [tilespmem:v6+s2+$0x0], $0xffff;
	[tilespmem:s1+$0x11600] =	vst v10;
	v10 =	vadd.s32 $0xD8, v0  }
0x632: {  	[tilespmem:s16+$0x12480] =	vst v11;
	v11 =	vadd.s32 $0x30, v4  }
0x633: {  	v14 =	vld.idx.msk [tilespmem:v14+s2+$0x0], $0xffff  }
0x634: {  	v15 =	vadd.s32 $0xA8, v1;
	[tilespmem:s17+$0x11500] =	vst v12;
	v7 =	vld.idx.msk [tilespmem:v7+s2+$0x0], $0xffff  }
0x635: {  	v12 =	vadd.s32 $0x120, v3;
	v9 =	vld.idx.msk [tilespmem:v9+s2+$0x0], $0xffff;
	[tilespmem:s0+$0x12380] =	vst v8  }
0x636: {  	v8 =	vld.idx.msk [tilespmem:v10+s2+$0x0], $0xffff;
	[tilespmem:s20+$0x11400] =	vst v13;
	v10 =	vadd.s32 $0x78, v2  }
0x637: {  	v11 =	vld.idx.msk [tilespmem:v11+s2+$0x0], $0xffff  }
0x638: {  	v17 =	vld.idx.msk [tilespmem:v5+s2+$0x0], $0xffff;
	v13 =	vadd.s32 $0xF0, v0;
	[tilespmem:s1+$0x11680] =	vst v14  }
0x639: {  	v15 =	vld.idx.msk [tilespmem:v15+s2+$0x0], $0xffff;
	[tilespmem:s16+$0x12500] =	vst v7;
	v7 =	vadd.s32 $0x48, v4  }
0x63a: {  	v16 =	vadd.s32 $0xC0, v1;
	v12 =	vld.idx.msk [tilespmem:v12+s2+$0x0], $0xffff;
	[tilespmem:s17+$0x11580] =	vst v9  }
0x63b: {  	s25 =	simm.s32 $0x11E0;
	v9 =	vadd.s32 $0x138, v3;
	v18 =	vld.idx.msk [tilespmem:v10+s2+$0x0], $0xffff;
	[tilespmem:s0+$0x12400] =	vst v8  }
0x63c: {  	v6 =	vld [tilespmem:s25+$0x0];
	[tilespmem:s20+$0x11480] =	vst v11;
	v11 =	vadd.s32 $0x90, v2  }
0x63d: {  	v19 =	vadd.s32 $0x18, v5;
	v13 =	vld.idx.msk [tilespmem:v13+s2+$0x0], $0xffff  }
0x63e: {  	v20 =	vadd.s32 $0x108, v0;
	s26 =	simm.s32 $0x280;
	s22 =	simm.s32 $0x50;
	v14 =	vld.idx.msk [tilespmem:v7+s2+$0x0], $0xffff;
	[tilespmem:s1+$0x11700] =	vst v15  }
0x63f: {  	s21 =	sand.u32 $0xC00, s26;
	s28 =	sand.u32 $0x70, s22;
	v10 =	vld.idx.msk [tilespmem:v16+s2+$0x0], $0xffff;
	[tilespmem:s16+$0x12580] =	vst v12  }
0x640: {  	s21 =	sor.u32 s28, s21;
	v15 =	vadd.s32 $0x60, v4;
	v8 =	vld.idx.msk [tilespmem:v9+s2+$0x0], $0xffff;
	[tilespmem:s17+$0x11600] =	vst v18  }
0x641: {  	[tilespmem:s21+$0x11380] =	vst v17;
	v12 =	vld.idx.msk [tilespmem:v11+s2+$0x0], $0xffff;
	v11 =	vadd.s32 $0xD8, v1  }
0x642: {  	v7 =	vadd.s32 $0x150, v3;
	v16 =	vld.idx.msk [tilespmem:v19+s2+$0x0], $0xffff;
	[tilespmem:s0+$0x12480] =	vst v13  }
0x643: {  	s23 =	simm.s32 $0x300;
	s24 =	simm.s32 $0x11F0;
	s25 =	simm.s32 $0x380;
	v17 =	vadd.s32 $0x30, v5;
	v13 =	vmov v6;
	v9 =	vld.idx.msk [tilespmem:v20+s2+$0x0], $0xffff  }
.LBB2_18:
0x644: {  	v18 =	vld [tilespmem:s24+$0x0];
	p0 =	sne.s32 s25, $0xF80;
	[tilespmem:s20+$0x11500] =	vst v14;
	v14 =	vadd.s32 $0xA8, v2;
	s26 =	smov.u32 s0;
	s0 =	smov.u32 s1  }
0x645: {  	s1 =	smov.u32 s17;
	s17 =	smov.u32 s20;
	s20 =	smov.u32 s21;
	v15 =	vld.idx.msk [tilespmem:v15+s2+$0x0], $0xffff;
	[tilespmem:s0+$0x12380] =	vst v10;
	v10 =	vadd.s32 $0x120, v0  }
0x646: {  	v11 =	vld.idx.msk [tilespmem:v11+s2+$0x0], $0xffff;
	[tilespmem:s16+$0x12600] =	vst v8  }
0x647: {  	v8 =	vadd.s32 $0x78, v4;
	[tilespmem:s20+$0x11400] =	vst v16;
	v7 =	vld.idx.msk [tilespmem:v7+s2+$0x0], $0xffff  }
0x648: {  	v16 =	vld.idx.msk [tilespmem:v17+s2+$0x0], $0xffff;
	[tilespmem:s1+$0x11680] =	vst v12;
	v12 =	vadd.s32 $0xF0, v1  }
0x649: {  	v17 =	vld.idx.msk [tilespmem:v14+s2+$0x0], $0xffff;
	[tilespmem:s26+$0x12500] =	vst v9;
	v9 =	vadd.s32 $0x168, v3;
	v3 =	vmovc v0;
	v0 =	vmovc v1;
	v1 =	vmov v2;
	v2 =	vmov v4  }
0x64a: {  	v14 =	vadd.s32 $0x48, v5;
	v4 =	vmovc v5;
	v5 =	vmov v6;
	v6 =	vmov v18;
	v19 =	vld.idx.msk [tilespmem:v10+s2+$0x0], $0xffff  }
0x64b: {  	v10 =	vadd.s32 $0xC0, v1;
	v20 =	vld.idx.msk [tilespmem:v13+s2+$0x0], $0xffff;
	[tilespmem:s17+$0x11580] =	vst v15;
	v13 =	vmov v18  }
0x64c: {  	v18 =	vld.idx.msk [tilespmem:v8+s2+$0x0], $0xffff;
	[tilespmem:s0+$0x12400] =	vst v11;
	v8 =	vadd.s32 $0x138, v3  }
0x64d: {  	v11 =	vadd.s32 $0x18, v5;
	v21 =	vld.idx.msk [tilespmem:v12+s2+$0x0], $0xffff;
	[tilespmem:s16+$0x12680] =	vst v7  }
0x64e: {  	s22 =	sadd.s32 $0x10, s22;
	v7 =	vadd.s32 $0x90, v2;
	[tilespmem:s20+$0x11480] =	vst v16;
	v22 =	vld.idx.msk [tilespmem:v9+s2+$0x0], $0xffff  }
0x64f: {  	s28 =	sand.u32 $0xC00, s23;
	s23 =	smov.u32 s25;
	s21 =	sand.u32 $0x70, s22;
	v9 =	vadd.s32 $0x108, v0;
	v14 =	vld.idx.msk [tilespmem:v14+s2+$0x0], $0xffff;
	[tilespmem:s1+$0x11700] =	vst v17  }
.Ltmp8:
0x650: {  	s21 =	sor.u32 s21, s28;
	v10 =	vld.idx.msk [tilespmem:v10+s2+$0x0], $0xffff;
	[tilespmem:s26+$0x12580] =	vst v19;
	(pc) =	sbr.rel @p0 .LBB2_18-.Ltmp8, $4  }
0x651: {  	v15 =	vadd.s32 $0x60, v4;
	[tilespmem:s21+$0x11380] =	vst v20;
	v8 =	vld.idx.msk [tilespmem:v8+s2+$0x0], $0xffff  }
0x652: {  	v16 =	vld.idx.msk [tilespmem:v11+s2+$0x0], $0xffff;
	[tilespmem:s17+$0x11600] =	vst v18;
	v11 =	vadd.s32 $0xD8, v1  }
0x653: {  	v12 =	vld.idx.msk [tilespmem:v7+s2+$0x0], $0xffff;
	[tilespmem:s0+$0x12480] =	vst v21;
	v7 =	vadd.s32 $0x150, v3  }
0x654: {  	s24 =	sadd.s32 $0x10, s24;
	s25 =	sadd.s32 $0x80, s25;
	v17 =	vadd.s32 $0x30, v5;
	v9 =	vld.idx.msk [tilespmem:v9+s2+$0x0], $0xffff;
	[tilespmem:s16+$0x12700] =	vst v22;
	s16 =	smov.u32 s26  }
0x655: {  	_ =	sdelay $0x3  }
0x656: {  	v13 =	vld.idx.msk [tilespmem:v13+s2+$0x0], $0xffff  }
0x657: {  	v18 =	vadd.s32 $0x18, v6  }
0x658: {  	s22 =	sadd.s32 $0x10, s22  }
0x659: {  	s23 =	sand.u32 $0xC00, s23;
	s22 =	sand.u32 $0x70, s22  }
0x65a: {  	s22 =	sor.u32 s22, s23  }
0x65b: {  	[tilespmem:s22+$0x11380] =	vst v13  }
0x65c: {  	v13 =	vld.idx.msk [tilespmem:v18+s2+$0x0], $0xffff  }
0x65d: {  	v41 =	vadd.s32 $0x30, v6;
	_ =	sdelay $0x2  }
0x65e: {  	[tilespmem:s21+$0x11400] =	vst v16  }
0x65f: {  	v16 =	vld.idx.msk [tilespmem:v17+s2+$0x0], $0xffff;
	[tilespmem:s22+$0x11400] =	vst v13  }
0x660: {  	v42 =	vadd.s32 $0x48, v5;
	v43 =	vld.idx.msk [tilespmem:v41+s2+$0x0], $0xffff  }
0x661: {  	v44 =	vadd.s32 $0x48, v6;
	_ =	sdelay $0x2  }
0x662: {  	[tilespmem:s21+$0x11480] =	vst v16  }
0x663: {  	v13 =	vld.idx.msk [tilespmem:v42+s2+$0x0], $0xffff;
	[tilespmem:s22+$0x11480] =	vst v43  }
0x664: {  	v45 =	vadd.s32 $0x60, v5;
	v17 =	vld.idx.msk [tilespmem:v44+s2+$0x0], $0xffff  }
0x665: {  	v46 =	vadd.s32 $0x60, v6;
	_ =	sdelay $0x1  }
0x666: {  	[tilespmem:s20+$0x11500] =	vst v14  }
0x667: {  	v14 =	vld.idx.msk [tilespmem:v15+s2+$0x0], $0xffff;
	[tilespmem:s21+$0x11500] =	vst v13  }
0x668: {  	v47 =	vadd.s32 $0x78, v4;
	v48 =	vld.idx.msk [tilespmem:v45+s2+$0x0], $0xffff;
	[tilespmem:s22+$0x11500] =	vst v17  }
0x669: {  	v49 =	vadd.s32 $0x78, v5;
	v17 =	vld.idx.msk [tilespmem:v46+s2+$0x0], $0xffff  }
0x66a: {  	v50 =	vadd.s32 $0x78, v6;
	_ =	sdelay $0x1  }
0x66b: {  	[tilespmem:s20+$0x11580] =	vst v14  }
0x66c: {  	v13 =	vld.idx.msk [tilespmem:v47+s2+$0x0], $0xffff;
	[tilespmem:s21+$0x11580] =	vst v48  }
0x66d: {  	v51 =	vadd.s32 $0x90, v4;
	v15 =	vld.idx.msk [tilespmem:v49+s2+$0x0], $0xffff;
	[tilespmem:s22+$0x11580] =	vst v17  }
0x66e: {  	v52 =	vadd.s32 $0x90, v5;
	v17 =	vld.idx.msk [tilespmem:v50+s2+$0x0], $0xffff  }
0x66f: {  	v53 =	vadd.s32 $0x90, v6;
	_ =	sdelay $0x1  }
0x670: {  	[tilespmem:s20+$0x11600] =	vst v13  }
0x671: {  	v54 =	vadd.s32 $0xA8, v2;
	v14 =	vld.idx.msk [tilespmem:v51+s2+$0x0], $0xffff;
	[tilespmem:s21+$0x11600] =	vst v15  }
0x672: {  	v55 =	vadd.s32 $0xA8, v4;
	v16 =	vld.idx.msk [tilespmem:v52+s2+$0x0], $0xffff;
	[tilespmem:s22+$0x11600] =	vst v17  }
0x673: {  	v56 =	vadd.s32 $0xA8, v5;
	v18 =	vld.idx.msk [tilespmem:v53+s2+$0x0], $0xffff  }
0x674: {  	v19 =	vadd.s32 $0xA8, v6  }
0x675: {  	[tilespmem:s17+$0x11680] =	vst v12  }
0x676: {  	v12 =	vld.idx.msk [tilespmem:v54+s2+$0x0], $0xffff;
	[tilespmem:s20+$0x11680] =	vst v14  }
0x677: {  	v57 =	vadd.s32 $0xC0, v2;
	v14 =	vld.idx.msk [tilespmem:v55+s2+$0x0], $0xffff;
	[tilespmem:s21+$0x11680] =	vst v16  }
0x678: {  	v58 =	vadd.s32 $0xC0, v4;
	v16 =	vld.idx.msk [tilespmem:v56+s2+$0x0], $0xffff;
	[tilespmem:s22+$0x11680] =	vst v18  }
0x679: {  	v59 =	vadd.s32 $0xC0, v5;
	v18 =	vld.idx.msk [tilespmem:v19+s2+$0x0], $0xffff  }
0x67a: {  	v60 =	vadd.s32 $0xC0, v6  }
0x67b: {  	[tilespmem:s17+$0x11700] =	vst v12  }
0x67c: {  	v12 =	vld.idx.msk [tilespmem:v57+s2+$0x0], $0xffff;
	[tilespmem:s20+$0x11700] =	vst v14  }
0x67d: {  	v61 =	vadd.s32 $0xD8, v2;
	v14 =	vld.idx.msk [tilespmem:v58+s2+$0x0], $0xffff;
	[tilespmem:s21+$0x11700] =	vst v16  }
0x67e: {  	v62 =	vadd.s32 $0xD8, v4;
	v16 =	vld.idx.msk [tilespmem:v59+s2+$0x0], $0xffff;
	[tilespmem:s22+$0x11700] =	vst v18  }
0x67f: {  	[tilespmem:s1+$0x12380] =	vst v10;
	v63 =	vadd.s32 $0xD8, v5;
	v20 =	vld.idx.msk [tilespmem:v60+s2+$0x0], $0xffff  }
0x680: {  	v21 =	vadd.s32 $0xD8, v6;
	[tilespmem:s16+$0x12600] =	vst v8  }
0x681: {  	v11 =	vld.idx.msk [tilespmem:v11+s2+$0x0], $0xffff;
	[tilespmem:s17+$0x12380] =	vst v12  }
0x682: {  	v22 =	vadd.s32 $0xF0, v1;
	v13 =	vld.idx.msk [tilespmem:v61+s2+$0x0], $0xffff;
	[tilespmem:s20+$0x12380] =	vst v14  }
0x683: {  	v23 =	vadd.s32 $0xF0, v2;
	v15 =	vld.idx.msk [tilespmem:v62+s2+$0x0], $0xffff;
	[tilespmem:s21+$0x12380] =	vst v16  }
0x684: {  	v24 =	vadd.s32 $0xF0, v4;
	v10 =	vld.idx.msk [tilespmem:v63+s2+$0x0], $0xffff;
	[tilespmem:s22+$0x12380] =	vst v20  }
0x685: {  	v25 =	vadd.s32 $0xF0, v5;
	[tilespmem:s0+$0x12500] =	vst v9;
	v8 =	vld.idx.msk [tilespmem:v21+s2+$0x0], $0xffff  }
0x686: {  	v26 =	vadd.s32 $0xF0, v6;
	v7 =	vld.idx.msk [tilespmem:v7+s2+$0x0], $0xffff;
	[tilespmem:s1+$0x12400] =	vst v11  }
0x687: {  	v27 =	vadd.s32 $0x120, v0;
	v12 =	vld.idx.msk [tilespmem:v22+s2+$0x0], $0xffff;
	[tilespmem:s17+$0x12400] =	vst v13  }
0x688: {  	v28 =	vadd.s32 $0x108, v1;
	v14 =	vld.idx.msk [tilespmem:v23+s2+$0x0], $0xffff;
	[tilespmem:s20+$0x12400] =	vst v15  }
0x689: {  	v29 =	vadd.s32 $0x108, v2;
	v16 =	vld.idx.msk [tilespmem:v24+s2+$0x0], $0xffff;
	[tilespmem:s21+$0x12400] =	vst v10  }
0x68a: {  	v30 =	vadd.s32 $0x108, v4;
	v9 =	vld.idx.msk [tilespmem:v25+s2+$0x0], $0xffff;
	[tilespmem:s22+$0x12400] =	vst v8  }
0x68b: {  	v31 =	vadd.s32 $0x108, v5;
	[tilespmem:s16+$0x12680] =	vst v7;
	v8 =	vld.idx.msk [tilespmem:v26+s2+$0x0], $0xffff  }
0x68c: {  	v33 =	vadd.s32 $0x108, v6;
	v32 =	vld.idx.msk [tilespmem:v27+s2+$0x0], $0xffff;
	[tilespmem:s1+$0x12480] =	vst v12  }
0x68d: {  	v3 =	vadd.s32 $0x168, v3;
	v13 =	vld.idx.msk [tilespmem:v28+s2+$0x0], $0xffff;
	[tilespmem:s17+$0x12480] =	vst v14  }
0x68e: {  	v34 =	vadd.s32 $0x120, v1;
	v15 =	vld.idx.msk [tilespmem:v29+s2+$0x0], $0xffff;
	[tilespmem:s20+$0x12480] =	vst v16  }
0x68f: {  	v35 =	vadd.s32 $0x120, v2;
	v10 =	vld.idx.msk [tilespmem:v30+s2+$0x0], $0xffff;
	[tilespmem:s21+$0x12480] =	vst v9  }
0x690: {  	v36 =	vadd.s32 $0x120, v4;
	v7 =	vld.idx.msk [tilespmem:v31+s2+$0x0], $0xffff;
	[tilespmem:s22+$0x12480] =	vst v8  }
0x691: {  	v37 =	vadd.s32 $0x120, v5;
	[tilespmem:s0+$0x12580] =	vst v32;
	v38 =	vld.idx.msk [tilespmem:v33+s2+$0x0], $0xffff  }
0x692: {  	v39 =	vadd.s32 $0x120, v6;
	v3 =	vld.idx.msk [tilespmem:v3+s2+$0x0], $0xffff;
	[tilespmem:s1+$0x12500] =	vst v13  }
0x693: {  	v40 =	vadd.s32 $0x138, v0;
	v14 =	vld.idx.msk [tilespmem:v34+s2+$0x0], $0xffff;
	[tilespmem:s17+$0x12500] =	vst v15  }
0x694: {  	v41 =	vadd.s32 $0x138, v1;
	v16 =	vld.idx.msk [tilespmem:v35+s2+$0x0], $0xffff;
	[tilespmem:s20+$0x12500] =	vst v10  }
0x695: {  	v42 =	vadd.s32 $0x138, v2;
	v9 =	vld.idx.msk [tilespmem:v36+s2+$0x0], $0xffff;
	[tilespmem:s21+$0x12500] =	vst v7  }
0x696: {  	v43 =	vadd.s32 $0x138, v4;
	v8 =	vld.idx.msk [tilespmem:v37+s2+$0x0], $0xffff;
	[tilespmem:s22+$0x12500] =	vst v38  }
0x697: {  	[tilespmem:s16+$0x12700] =	vst v3;
	v44 =	vadd.s32 $0x138, v5;
	v11 =	vld.idx.msk [tilespmem:v39+s2+$0x0], $0xffff  }
0x698: {  	v45 =	vld.idx.msk [tilespmem:v40+s2+$0x0], $0xffff;
	v46 =	vadd.s32 $0x138, v6;
	[tilespmem:s1+$0x12580] =	vst v14  }
0x699: {  	v47 =	vadd.s32 $0x150, v0;
	v15 =	vld.idx.msk [tilespmem:v41+s2+$0x0], $0xffff;
	[tilespmem:s17+$0x12580] =	vst v16  }
0x69a: {  	v48 =	vadd.s32 $0x150, v1;
	v10 =	vld.idx.msk [tilespmem:v42+s2+$0x0], $0xffff;
	[tilespmem:s20+$0x12580] =	vst v9  }
0x69b: {  	v49 =	vadd.s32 $0x150, v2;
	v7 =	vld.idx.msk [tilespmem:v43+s2+$0x0], $0xffff;
	[tilespmem:s21+$0x12580] =	vst v8  }
0x69c: {  	v50 =	vadd.s32 $0x150, v4;
	v3 =	vld.idx.msk [tilespmem:v44+s2+$0x0], $0xffff;
	[tilespmem:s22+$0x12580] =	vst v11  }
0x69d: {  	[tilespmem:s0+$0x12600] =	vst v45;
	v51 =	vadd.s32 $0x150, v5;
	v52 =	vld.idx.msk [tilespmem:v46+s2+$0x0], $0xffff  }
0x69e: {  	v54 =	vadd.s32 $0x150, v6;
	v53 =	vld.idx.msk [tilespmem:v47+s2+$0x0], $0xffff;
	[tilespmem:s1+$0x12600] =	vst v15  }
0x69f: {  	v55 =	vadd.s32 $0x168, v0;
	v15 =	vld.idx.msk [tilespmem:v48+s2+$0x0], $0xffff;
	[tilespmem:s17+$0x12600] =	vst v10  }
0x6a0: {  	v56 =	vadd.s32 $0x168, v1;
	v9 =	vld.idx.msk [tilespmem:v49+s2+$0x0], $0xffff;
	[tilespmem:s20+$0x12600] =	vst v7  }
0x6a1: {  	v57 =	vadd.s32 $0x168, v2;
	v7 =	vld.idx.msk [tilespmem:v50+s2+$0x0], $0xffff;
	[tilespmem:s21+$0x12600] =	vst v3  }
0x6a2: {  	v58 =	vadd.s32 $0x168, v4;
	v59 =	vld.idx.msk [tilespmem:v51+s2+$0x0], $0xffff;
	[tilespmem:s22+$0x12600] =	vst v52  }
0x6a3: {  	[tilespmem:s0+$0x12680] =	vst v53;
	v60 =	vadd.s32 $0x168, v5;
	v61 =	vld.idx.msk [tilespmem:v54+s2+$0x0], $0xffff  }
0x6a4: {  	v62 =	vadd.s32 $0x168, v6;
	v0 =	vld.idx.msk [tilespmem:v55+s2+$0x0], $0xffff;
	[tilespmem:s1+$0x12680] =	vst v15  }
0x6a5: {  	v1 =	vld.idx.msk [tilespmem:v56+s2+$0x0], $0xffff;
	[tilespmem:s17+$0x12680] =	vst v9  }
0x6a6: {  	v2 =	vld.idx.msk [tilespmem:v57+s2+$0x0], $0xffff;
	[tilespmem:s20+$0x12680] =	vst v7  }
0x6a7: {  	v3 =	vld.idx.msk [tilespmem:v58+s2+$0x0], $0xffff;
	[tilespmem:s21+$0x12680] =	vst v59  }
0x6a8: {  	v4 =	vld.idx.msk [tilespmem:v60+s2+$0x0], $0xffff;
	[tilespmem:s22+$0x12680] =	vst v61  }
0x6a9: {  	[tilespmem:s0+$0x12700] =	vst v0;
	v63 =	vld.idx.msk [tilespmem:v62+s2+$0x0], $0xffff  }
0x6aa: {  	[tilespmem:s1+$0x12700] =	vst v1  }
0x6ab: {  	[tilespmem:s17+$0x12700] =	vst v2  }
0x6ac: {  	[tilespmem:s20+$0x12700] =	vst v3  }
0x6ad: {  	[tilespmem:s21+$0x12700] =	vst v4  }
0x6ae: {  	[tilespmem:s22+$0x12700] =	vst v63  }
0x6af: {  	[hbm4b:s13+s18] =	stream.strided.scatter [tilespmem:s29], [sflag:$0x1], $0x2000, s19, s18, $0x38;
	[tilespmem:$0x13380] =	vst v63  }
0x6b0: {  	_ =	swait.ge [sflag:s30], $0x2000  }
0x6b1: {  	[sflag:s30] =	ssyncset.done $0x0  }
0x6b2: {  	[sflag:s30] =	ssyncadd.s32 $0xFFFFE000  }
0x6b3: {  	_ =	swait.ge [sflag:s30], $0x2000  }
0x6b4: {  	[sflag:s30] =	ssyncset.done $0x0  }
0x6b5: {  	[sflag:s30] =	ssyncadd.s32 $0xFFFFE000  }
0x6b6: {  	_ =	swait.ge [sflag:s30], $0x2000  }
0x6b7: {  	[sflag:s30] =	ssyncset.done $0x0  }
0x6b8: {  	[sflag:s30] =	ssyncadd.s32 $0xFFFFE000  }
0x6b9: {  	_ =	swait.ge [sflag:s30], $0x2000  }
0x6ba: {  	[sflag:s30] =	ssyncset.done $0x0  }
0x6bb: {  	[sflag:s30] =	ssyncadd.s32 $0xFFFFE000  }
0x6bc: {  	_ =	swait.ge [sflag:s30], $0x2000  }
0x6bd: {  	[sflag:s30] =	ssyncset.done $0x0  }
0x6be: {  	[sflag:s30] =	ssyncadd.s32 $0xFFFFE000  }
0x6bf: {  	_ =	swait.ge [sflag:s30], $0x2000  }
0x6c0: {  	[sflag:s30] =	ssyncset.done $0x0  }
0x6c1: {  	[sflag:s30] =	ssyncadd.s32 $0xFFFFE000  }
0x6c2: {  	_ =	swait.ge [sflag:s30], $0x2000  }
0x6c3: {  	[sflag:s30] =	ssyncset.done $0x0  }
0x6c4: {  	s31 =	sadd.s32 $0x1, s31;
	[sflag:s30] =	ssyncadd.s32 $0xFFFFE000  }
0x6c5: {  	p0 =	sne.s32 s31, s14;
	_ =	swait.ge [sflag:s30], $0x2000  }
.Ltmp9:
0x6c6: {  	[sflag:s30] =	ssyncset.done $0x0;
	(pc) =	sbr.rel @p0 .LBB2_1-.Ltmp9, $4  }
0x6c7: {  	[sflag:s30] =	ssyncadd.s32 $0xFFFFE000  }
0x6c8: {  	_ =	swait.ge [sflag:s30], $0x2000  }
0x6c9: {  	[sflag:s30] =	ssyncset.done $0x0  }
0x6ca: {  	[sflag:s30] =	ssyncadd.s32 $0xFFFFE000  }
0x6cb: {  	_ =	sfence.sel $0x180000  }
0x6cc: {  	[bflag:$0x0] =	sbarrier.arrive $0xFFFF  }
0x6cd: {  	_ =	strace $0x90000047  }
0x6ce: {  	s0 =	stileid.u32;
	[bflag:$0x2] =	sbarrier.arrive $0xFFFF  }
0x6cf: {  	p0 =	sne.s32 s0, $0x0;
	s0 =	rddreg [dreg:$0x2]  }
0x6d0: {  	s0 =	sadd.s32 @!p0 $0x100000, s0  }
0x6d1: {  	[sflag:s0] =	ssyncadd.tile.s32 @!p0 $0x1;
	_ =	shalt  }
.Lfunc_end2:
_tile_overlayer_lowered:
.L_overlay_start_2:
0x6d2: {  	(tag) =	ssettag $0x2  }
0x6d3: {  	s0 =	rddreg [dreg:$0x0];
	s2 =	stileid.u32  }
0x6d4: {  	s1 =	rddreg [dreg:$0x1];
	p0 =	sne.s32 s2, $0x0  }
0x6d5: {  	s3 =	rddreg [dreg:$0x2];
	[bflag:$0x3] =	sbarrier.arrive $0xFFFF;
	s2 =	simm.s32 @!p0 $0x1C02  }
0x6d6: {  	[timem:s3], [sflag:s2] =	dma.local @!p0 [hbm:s0], s1  }
0x6d7: {  	s0 =	simm.s32 @!p0 $0x2  }
0x6d8: {  	_ =	swait.ge @!p0 [sflag:s0], s1  }
0x6d9: {  	s1 =	ssub.s32 @!p0 $0x0, s1;
	[sflag:s0] =	ssyncset.done @!p0 $0x0  }
0x6da: {  	[sflag:s0] =	ssyncadd.s32 @!p0 s1  }
0x6db: {  	[bflag:$0x3] =	sbarrier.arrive $0xFFFF  }
0x6dc: {  	_ =	shalt  }

</sc_bundles>
